<compile_context>
chip_gen: v7x
topology: tpu7x:2x2x1
jax: 0.10.2.dev20260603
libtpu: 0.0.44.dev20260713+nightly
codegen_flags: <defaults>
</compile_context>

<pallas_src>
import functools

import jax
import jax.numpy as jnp
from jax import lax
from jax.experimental import pallas as pl
from jax.experimental.pallas import tpu as pltpu
from jax.experimental.pallas import tpu_sc as plsc

KP_EXTENT = 1.2


def _mm(a, b):
    return lax.dot_general(a, b, (((1,), (0,)), ((), ())),
                           preferred_element_type=jnp.float32)


def _sigmoid(z):
    return 1.0 / (1.0 + jnp.exp(-z))


_CH = 80


def _sc_mesh():
    return plsc.VectorSubcoreMesh(core_axis_name="c", subcore_axis_name="s")


def _make_gather_a(n_rows, d):
    info = plsc.get_sparse_core_info()
    nc = info.num_cores
    per_w = n_rows // (nc * info.num_subcores)
    steps = per_w // _CH
    assert steps * _CH == per_w

    @functools.partial(
        pl.kernel, mesh=_sc_mesh(),
        out_type=(jax.ShapeDtypeStruct((n_rows, d), jnp.float32),
                  jax.ShapeDtypeStruct((n_rows, 128), jnp.float32)),
        scratch_types=[pltpu.VMEM((_CH,), jnp.int32),
                       pltpu.VMEM((_CH, d), jnp.float32),
                       pltpu.VMEM((_CH, 128), jnp.float32),
                       pltpu.SemaphoreType.DMA,
                       pltpu.SemaphoreType.DMA],
    )
    def gather_kernel(t1, t2, idx, o1, o2, idx_v, r1, r2, s1, s2):
        wid = lax.axis_index("s") * nc + lax.axis_index("c")
        w0 = wid * per_w

        def body(j, carry):
            base = pl.multiple_of(w0 + j * _CH, 8)
            pltpu.sync_copy(idx.at[pl.ds(base, _CH)], idx_v)
            c1 = pltpu.async_copy(t1.at[idx_v], r1, s1)
            c2 = pltpu.async_copy(t2.at[idx_v], r2, s2)
            c1.wait()
            c2.wait()
            pltpu.sync_copy(r1, o1.at[pl.ds(base, _CH)])
            pltpu.sync_copy(r2, o2.at[pl.ds(base, _CH)])
            return carry

        lax.fori_loop(0, steps, body, 0)

    return gather_kernel


def _make_gather_c(n_rows, d):
    info = plsc.get_sparse_core_info()
    nc = info.num_cores
    per_w = n_rows // (nc * info.num_subcores)
    steps = per_w // _CH
    assert steps * _CH == per_w

    @functools.partial(
        pl.kernel, mesh=_sc_mesh(),
        out_type=jax.ShapeDtypeStruct((n_rows, d), jnp.float32),
        scratch_types=[pltpu.VMEM((_CH,), jnp.int32),
                       pltpu.VMEM((_CH, d), jnp.float32),
                       pltpu.SemaphoreType.DMA],
    )
    def gather_kernel(t1, idx, o1, idx_v, r1, s1):
        wid = lax.axis_index("s") * nc + lax.axis_index("c")
        w0 = wid * per_w

        def body(j, carry):
            base = pl.multiple_of(w0 + j * _CH, 8)
            pltpu.sync_copy(idx.at[pl.ds(base, _CH)], idx_v)
            pltpu.async_copy(t1.at[idx_v], r1, s1).wait()
            pltpu.sync_copy(r1, o1.at[pl.ds(base, _CH)])
            return carry

        lax.fori_loop(0, steps, body, 0)

    return gather_kernel


def _kpconv_body(nf, npt, pts, kpT, kpn2, Wkpf, We1, We2, Wq,
                 x_o, q_o, e_o, *, H, K, NB, BN, NTOT):
    i = pl.program_id(0)
    p = pts[...]
    kt = kpT[...]
    kn = kpn2[...]
    inflT_l = []
    for h in range(H):
        dh = npt[h] - p
        t = _mm(dh, kt)
        d2 = jnp.sum(dh * dh, axis=1, keepdims=True) - 2.0 * t + kn
        d2 = jnp.maximum(d2, 0.0)
        infl = jnp.maximum(0.0, 1.0 - jnp.sqrt(d2 + 1e-12) / KP_EXTENT)
        inflT_l.append(jnp.transpose(infl))
    nfT_l = [jnp.transpose(nf[h]) for h in range(H)]
    xaccT = None
    for k in range(K):
        accT = None
        for h in range(H):
            termT = inflT_l[h][k:k + 1, :] * nfT_l[h]
            accT = termT if accT is None else accT + termT
        contrib = lax.dot_general(Wkpf[k], accT, (((0,), (0,)), ((), ())),
                                  preferred_element_type=jnp.float32)
        xaccT = contrib if xaccT is None else xaccT + contrib
    xT = jnp.maximum(xaccT, 0.0)
    eleT = jnp.transpose(p[:, 2:3])
    g1T = jnp.maximum(We1[...] * eleT, 0.0)
    gateT = _sigmoid(lax.dot_general(We2[...], g1T, (((0,), (0,)), ((), ())),
                                     preferred_element_type=jnp.float32))
    xT = xT * gateT
    x = jnp.transpose(xT)
    x_o[...] = x
    q_o[...] = _mm(x, Wq[...])

    @pl.when(i == 0)
    def _init():
        e_o[...] = jnp.zeros_like(e_o)

    maskT = (lax.broadcasted_iota(jnp.int32, (1, BN), 1) + i * BN) < NTOT
    xTm = jnp.where(maskT, xT, 0.0)
    e_o[...] += lax.dot_general(xTm, xTm, (((1,), (1,)), ((), ())),
                                preferred_element_type=jnp.float32)

    @pl.when(i == NB - 1)
    def _fin():
        e_o[...] = e_o[...] / float(NTOT)


def _att_body(x_r, q_r, e_r, nx, Wk, Wpoi, Whead, Wdec,
              out_o, cam_o, cla_o, *, H, NB, NTOT, BN):
    del BN
    i = pl.program_id(0)
    x = x_r[...]
    q = q_r[...]
    energy = e_r[...]
    m = jnp.max(energy, axis=1, keepdims=True)
    ee = jnp.exp(energy - m)
    es = ee / jnp.sum(ee, axis=1, keepdims=True)
    cha = _mm(x, es) + x
    cols = []
    for h in range(H):
        nkh = _mm(nx[h], Wk[...])
        cols.append(jnp.sum(q * nkh, axis=1, keepdims=True))
    scores = jnp.concatenate(cols, axis=1) / jnp.sqrt(32.0)
    sm = jnp.max(scores, axis=1, keepdims=True)
    se = jnp.exp(scores - sm)
    a = se / jnp.sum(se, axis=1, keepdims=True)
    spa = None
    for h in range(H):
        term = a[:, h:h + 1] * nx[h]
        spa = term if spa is None else spa + term
    spa = spa + x
    poi = x * _sigmoid(_mm(x, Wpoi[...]))

    @pl.when(i == 0)
    def _init():
        cla_o[...] = jnp.zeros_like(cla_o)

    branches = (x, poi, spa, cha)
    cams = []
    for j, b in enumerate(branches):
        lg = _mm(b, Whead[...])
        cam = jnp.maximum(_mm(lg, Wdec[...]), 0.0)
        cam_o[j] = cam
        cams.append(cam)
        cla_o[j:j + 1, :] += jnp.sum(lg, axis=0, keepdims=True)
    out_o[...] = jnp.maximum(jnp.maximum(cams[0], cams[1]),
                             jnp.maximum(cams[2], cams[3]))

    @pl.when(i == NB - 1)
    def _fin():
        cla_o[...] = cla_o[...] / float(NTOT)


def kernel(features, points, neighbors, kernel_points, W_kp,
           W_ele1, W_ele2, Wq, Wk, W_poi, W_head, W_dec):
    N, D = features.shape
    H = neighbors.shape[1]
    K = kernel_points.shape[0]
    C = W_head.shape[1]
    NP = N
    BN = 200
    NB = NP // BN
    NGP = H * NP

    f32 = jnp.float32
    pts128 = jnp.pad(points, ((0, NP - N), (0, D - 3)))
    kp128 = jnp.pad(kernel_points, ((0, 1), (0, D - 3)))
    kpT = kp128.T
    kpn2 = jnp.sum(kp128 * kp128, axis=1)[None, :]
    idxT = jnp.pad(neighbors.T.astype(jnp.int32), ((0, 0), (0, NP - N)))
    idxT = idxT.reshape(-1)
    Whead = jnp.pad(W_head, ((0, 0), (0, D - C)))
    Wdec = jnp.pad(W_dec, ((0, D - C), (0, D - C)))

    nf_flat, np_flat = _make_gather_a(NGP, D)(features, pts128, idxT)
    nf = nf_flat.reshape(H, NP, D)
    npt = np_flat.reshape(H, NP, 128)

    full = lambda shp: pl.BlockSpec(shp, lambda i: tuple(0 for _ in shp))
    x, q, energy = pl.pallas_call(
        functools.partial(_kpconv_body, H=H, K=K, NB=NB, BN=BN, NTOT=N),
        grid=(NB,),
        in_specs=[
            pl.BlockSpec((H, BN, D), lambda i: (0, i, 0)),
            pl.BlockSpec((H, BN, 128), lambda i: (0, i, 0)),
            pl.BlockSpec((BN, D), lambda i: (i, 0)),
            full((D, 16)),
            full((1, 16)),
            full((K, D, D)),
            full((32, 1)),
            full((32, D)),
            full((D, 32)),
        ],
        out_specs=[
            pl.BlockSpec((BN, D), lambda i: (i, 0)),
            pl.BlockSpec((BN, 32), lambda i: (i, 0)),
            pl.BlockSpec((D, D), lambda i: (0, 0)),
        ],
        out_shape=[
            jax.ShapeDtypeStruct((NP, D), f32),
            jax.ShapeDtypeStruct((NP, 32), f32),
            jax.ShapeDtypeStruct((D, D), f32),
        ],
    )(nf, npt, pts128, kpT, kpn2, W_kp, W_ele1.T, W_ele2, Wq)

    nx_flat = _make_gather_c(NGP, D)(x, idxT)
    nx = nx_flat.reshape(H, NP, D)

    BND = 200
    NBD = N // BND
    out_pad, cam_pad, cla = pl.pallas_call(
        functools.partial(_att_body, H=H, NB=NBD, NTOT=N, BN=BND),
        grid=(NBD,),
        in_specs=[
            pl.BlockSpec((BND, D), lambda i: (i, 0)),
            pl.BlockSpec((BND, 32), lambda i: (i, 0)),
            full((D, D)),
            pl.BlockSpec((H, BND, D), lambda i: (0, i, 0)),
            full((D, 32)),
            full((D, D)),
            full((D, D)),
            full((D, D)),
        ],
        out_specs=[
            pl.BlockSpec((BND, D), lambda i: (i, 0)),
            pl.BlockSpec((4, BND, D), lambda i: (0, i, 0)),
            pl.BlockSpec((4, D), lambda i: (0, 0)),
        ],
        out_shape=[
            jax.ShapeDtypeStruct((N, D), f32),
            jax.ShapeDtypeStruct((4, N, D), f32),
            jax.ShapeDtypeStruct((4, D), f32),
        ],
    )(x, q, energy, nx, Wk, W_poi, Whead, Wdec)

    return out_pad[:, :C], cla[:, :C], cam_pad[:, :, :C]

# --- scband reference (transcript-rebuilt; emitter-appended) ---
"""Pipeline reference for scband-kpfcnn-mprm-13185549598874 (READ-ONLY COPY).

The authoritative reference and input builder live on the scoring server;
editing this copy changes nothing except your own understanding.
"""

import jax, jax.numpy as jnp
import numpy as np

N = 10000   # points in cloud
H = 32      # neighbors per point (avg_degree)
D = 128     # feature dim (in_features_dim == first_features_dim)
K = 15      # num_kernel_points
C = 13      # num_classes
KP_EXTENT = 1.2

def setup_inputs(seed: int = 0):
    key = jax.random.key(seed)
    ks = jax.random.split(key, 12)
    features = jax.random.normal(ks[0], (N, D), dtype=jnp.float32)
    points = jax.random.uniform(ks[1], (N, 3), dtype=jnp.float32)
    neighbors = jax.random.randint(ks[2], (N, H), 0, N)
    kernel_points = 0.3 * jax.random.normal(ks[3], (K, 3), dtype=jnp.float32)
    W_kp = 0.05 * jax.random.normal(ks[4], (K, D, D), dtype=jnp.float32)
    W_ele1 = 0.1 * jax.random.normal(ks[5], (1, 32), dtype=jnp.float32)
    W_ele2 = 0.1 * jax.random.normal(ks[6], (32, D), dtype=jnp.float32)
    Wq = 0.1 * jax.random.normal(ks[7], (D, 32), dtype=jnp.float32)
    Wk = 0.1 * jax.random.normal(ks[8], (D, 32), dtype=jnp.float32)
    W_poi = 0.05 * jax.random.normal(ks[9], (D, D), dtype=jnp.float32)
    W_head = 0.05 * jax.random.normal(ks[10], (D, C), dtype=jnp.float32)
    W_dec = 0.1 * jax.random.normal(ks[11], (C, C), dtype=jnp.float32)
    return {
        'features': features, 'points': points, 'neighbors': neighbors,
        'kernel_points': kernel_points, 'W_kp': W_kp,
        'W_ele1': W_ele1, 'W_ele2': W_ele2, 'Wq': Wq, 'Wk': Wk,
        'W_poi': W_poi, 'W_head': W_head, 'W_dec': W_dec,
    }

def reference(features, points, neighbors, kernel_points, W_kp,
              W_ele1, W_ele2, Wq, Wk, W_poi, W_head, W_dec):
    # --- encoder: KPConv (kernel point convolution, gather-heavy) ---
    neigh_pts = points[neighbors]                       # [N,H,3] gather
    diffs = neigh_pts - points[:, None, :]              # [N,H,3]
    d2 = jnp.sum((diffs[:, :, None, :] - kernel_points[None, None, :, :]) ** 2, axis=-1)  # [N,H,K]
    infl = jnp.maximum(0.0, 1.0 - jnp.sqrt(d2 + 1e-12) / KP_EXTENT)  # linear kernel influence
    neigh_f = features[neighbors]                       # [N,H,D] gather
    weighted = jnp.einsum('nhk,nhd->nkd', infl, neigh_f)  # [N,K,D]
    x = jax.nn.relu(jnp.einsum('nkd,kde->ne', weighted, W_kp))  # [N,D]
    # --- elevation attention head (ele_att) ---
    ele = points[:, 2:3]                                # elevation channel
    gate = jax.nn.sigmoid(jax.nn.relu(ele @ W_ele1) @ W_ele2)
    x = x * gate
    # --- multi-path region mining attention (multi_path_att) ---
    no_att = x
    energy = (x.T @ x) / N                              # channel attention [D,D]
    cha_att = x @ jax.nn.softmax(energy, axis=-1) + x
    q = x @ Wq
    kk = x @ Wk
    scores = jnp.einsum('nd,nhd->nh', q, kk[neighbors]) / jnp.sqrt(32.0)  # spatial att over neighbors
    a = jax.nn.softmax(scores, axis=-1)
    spa_att = jnp.einsum('nh,nhd->nd', a, x[neighbors]) + x
    poi_att = x * jax.nn.sigmoid(x @ W_poi)             # point-wise attention path
    branches = [no_att, poi_att, spa_att, cha_att]
    # --- classification heads + global average per path ---
    logits = [b @ W_head for b in branches]             # 4 x [N,C]
    cla_logits = jnp.stack([jnp.mean(l, axis=0) for l in logits])  # [4,C]
    # --- shared decoder (unary) applied to each path ---
    cam = jnp.stack([jax.nn.relu(l @ W_dec) for l in logits])      # [4,N,C]
    # --- elementwise max fusion across the four paths ---
    out = jnp.max(cam, axis=0)                          # [N,C]
    return (out, cla_logits, cam)

if __name__ == "__main__":
    import jax
    _d = setup_inputs()
    print(jax.jit(kernel)(*tuple(_d.values())))

</pallas_src>

<mosaic_0001>
#map = affine_map<(d0, d1) -> (0, 0)>
#map1 = affine_map<(d0, d1) -> (0)>
module attributes {stable_mosaic.version = 14 : i64} {
  func.func @gather_kernel(%arg0: i32, %arg1: i32, %arg2: memref<10000x128xf32, #tpu.memory_space<hbm>>, %arg3: memref<10000x128xf32, #tpu.memory_space<hbm>>, %arg4: memref<320000xi32, #tpu.memory_space<hbm>>, %arg5: memref<320000x128xf32, #tpu.memory_space<hbm>>, %arg6: memref<320000x128xf32, #tpu.memory_space<hbm>>, %arg7: memref<80xi32, #tpu.memory_space<vmem>>, %arg8: memref<80x128xf32, #tpu.memory_space<vmem>>, %arg9: memref<80x128xf32, #tpu.memory_space<vmem>>, %arg10: memref<!tpu.dma_semaphore, #tpu.memory_space<semaphore_mem>>, %arg11: memref<!tpu.dma_semaphore, #tpu.memory_space<semaphore_mem>>) attributes {dimension_semantics = [#tpu.dimension_semantics<core_parallel>, #tpu.dimension_semantics<subcore_parallel>], iteration_bounds = array<i64: 2, 16>, scalar_prefetch = 0 : i64, scratch_operands = 5 : i64, tpu.core_type = #tpu.core_type<sc_vector_subcore>, window_params = [{transform_indices = #map}, {transform_indices = #map}, {transform_indices = #map1}, {transform_indices = #map}, {transform_indices = #map}]} {
    %mul3A = arith.constant 2 : i32
    %mul3A_0 = arith.muli %arg1, %mul3A : i32
    %add3A = arith.addi %mul3A_0, %arg0 : i32
    %mul3A_1 = arith.constant 10000 : i32
    %mul3A_2 = arith.muli %add3A, %mul3A_1 : i32
    %scan3A = arith.constant 0 : i32
    %scan3A_3 = arith.constant 0 : i32
    %scan3A_4 = arith.constant 125 : i32
    %scan3A_5 = arith.addi %scan3A_3, %scan3A_4 : i32
    %scan3A_6 = arith.constant 1 : i32
    scf.for %scan3A_8 = %scan3A_3 to %scan3A_5 step %scan3A_6  : i32 {
      %mul3A_9 = arith.constant 80 : i32
      %mul3A_10 = arith.muli %scan3A_8, %mul3A_9 : i32
      %add3A_11 = arith.addi %mul3A_2, %mul3A_10 : i32
      %multiple_of3A = tpu.assume_multiple %add3A_11, 8 : i32
      "tpu.region"() ({
        %run_scoped3A = tpu.sem_alloc : memref<!tpu.dma_semaphore, #tpu.memory_space<semaphore_mem>>
        %dma_start3A_22 = tpu.memref_slice %arg4[%multiple_of3A] : memref<320000xi32, #tpu.memory_space<hbm>> -> memref<80xi32, #tpu.memory_space<hbm>>
        %dma_start3A_23 = tpu.memref_slice %arg4[%multiple_of3A] : memref<320000xi32, #tpu.memory_space<hbm>> -> memref<80xi32, #tpu.memory_space<hbm>>
        tpu.enqueue_dma source(%dma_start3A_23 : memref<80xi32, #tpu.memory_space<hbm>>) target(%arg7 : memref<80xi32, #tpu.memory_space<vmem>>) target_semaphore(%run_scoped3A : memref<!tpu.dma_semaphore, #tpu.memory_space<semaphore_mem>>)
        %dma_wait3A_24 = tpu.memref_slice %arg4[%multiple_of3A] : memref<320000xi32, #tpu.memory_space<hbm>> -> memref<80xi32, #tpu.memory_space<hbm>>
        %dma_wait3A_25 = tpu.memref_slice %arg4[%multiple_of3A] : memref<320000xi32, #tpu.memory_space<hbm>> -> memref<80xi32, #tpu.memory_space<hbm>>
        tpu.wait_dma2 semaphore(%run_scoped3A : memref<!tpu.dma_semaphore, #tpu.memory_space<semaphore_mem>>) src(%dma_wait3A_25 : memref<80xi32, #tpu.memory_space<hbm>>) dst(%arg7 : memref<80xi32, #tpu.memory_space<vmem>>)
        tpu.yield
      }) : () -> ()
      %dma_start3A = arith.constant 0 : i32
      %dma_start3A_12 = arith.constant 0 : i32
      %dma_start3A_13 = tpu.memref_slice %arg2[%dma_start3A, %dma_start3A_12] : memref<10000x128xf32, #tpu.memory_space<hbm>> -> memref<10000x128xf32, #tpu.memory_space<hbm>>
      tpu.enqueue_indirect_dma source(%dma_start3A_13 : memref<10000x128xf32, #tpu.memory_space<hbm>>) target(%arg8 : memref<80x128xf32, #tpu.memory_space<vmem>>) offsets(%arg7 : memref<80xi32, #tpu.memory_space<vmem>>) semaphore(%arg10 : memref<!tpu.dma_semaphore, #tpu.memory_space<semaphore_mem>>)
      %dma_start3A_14 = arith.constant 0 : i32
      %dma_start3A_15 = arith.constant 0 : i32
      %dma_start3A_16 = tpu.memref_slice %arg3[%dma_start3A_14, %dma_start3A_15] : memref<10000x128xf32, #tpu.memory_space<hbm>> -> memref<10000x128xf32, #tpu.memory_space<hbm>>
      tpu.enqueue_indirect_dma source(%dma_start3A_16 : memref<10000x128xf32, #tpu.memory_space<hbm>>) target(%arg9 : memref<80x128xf32, #tpu.memory_space<vmem>>) offsets(%arg7 : memref<80xi32, #tpu.memory_space<vmem>>) semaphore(%arg11 : memref<!tpu.dma_semaphore, #tpu.memory_space<semaphore_mem>>)
      %dma_wait3A = arith.constant 0 : i32
      %dma_wait3A_17 = arith.constant 0 : i32
      %dma_wait3A_18 = tpu.memref_slice %arg2[%dma_wait3A, %dma_wait3A_17] : memref<10000x128xf32, #tpu.memory_space<hbm>> -> memref<10000x128xf32, #tpu.memory_space<hbm>>
      tpu.wait_indirect_dma semaphore(%arg10 : memref<!tpu.dma_semaphore, #tpu.memory_space<semaphore_mem>>) src(%dma_wait3A_18 : memref<10000x128xf32, #tpu.memory_space<hbm>>) dst(%arg8 : memref<80x128xf32, #tpu.memory_space<vmem>>)
      %dma_wait3A_19 = arith.constant 0 : i32
      %dma_wait3A_20 = arith.constant 0 : i32
      %dma_wait3A_21 = tpu.memref_slice %arg3[%dma_wait3A_19, %dma_wait3A_20] : memref<10000x128xf32, #tpu.memory_space<hbm>> -> memref<10000x128xf32, #tpu.memory_space<hbm>>
      tpu.wait_indirect_dma semaphore(%arg11 : memref<!tpu.dma_semaphore, #tpu.memory_space<semaphore_mem>>) src(%dma_wait3A_21 : memref<10000x128xf32, #tpu.memory_space<hbm>>) dst(%arg9 : memref<80x128xf32, #tpu.memory_space<vmem>>)
      "tpu.region"() ({
        %run_scoped3A = tpu.sem_alloc : memref<!tpu.dma_semaphore, #tpu.memory_space<semaphore_mem>>
        %dma_start3A_22 = arith.constant 0 : i32
        %dma_start3A_23 = tpu.memref_slice %arg5[%multiple_of3A, %dma_start3A_22] : memref<320000x128xf32, #tpu.memory_space<hbm>> -> memref<80x128xf32, #tpu.memory_space<hbm>>
        %dma_start3A_24 = arith.constant 0 : i32
        %dma_start3A_25 = tpu.memref_slice %arg5[%multiple_of3A, %dma_start3A_24] : memref<320000x128xf32, #tpu.memory_space<hbm>> -> memref<80x128xf32, #tpu.memory_space<hbm>>
        tpu.enqueue_dma source(%arg8 : memref<80x128xf32, #tpu.memory_space<vmem>>) target(%dma_start3A_25 : memref<80x128xf32, #tpu.memory_space<hbm>>) target_semaphore(%run_scoped3A : memref<!tpu.dma_semaphore, #tpu.memory_space<semaphore_mem>>)
        %dma_wait3A_26 = arith.constant 0 : i32
        %dma_wait3A_27 = tpu.memref_slice %arg5[%multiple_of3A, %dma_wait3A_26] : memref<320000x128xf32, #tpu.memory_space<hbm>> -> memref<80x128xf32, #tpu.memory_space<hbm>>
        %dma_wait3A_28 = arith.constant 0 : i32
        %dma_wait3A_29 = tpu.memref_slice %arg5[%multiple_of3A, %dma_wait3A_28] : memref<320000x128xf32, #tpu.memory_space<hbm>> -> memref<80x128xf32, #tpu.memory_space<hbm>>
        tpu.wait_dma2 semaphore(%run_scoped3A : memref<!tpu.dma_semaphore, #tpu.memory_space<semaphore_mem>>) src(%arg8 : memref<80x128xf32, #tpu.memory_space<vmem>>) dst(%dma_wait3A_29 : memref<80x128xf32, #tpu.memory_space<hbm>>)
        tpu.yield
      }) : () -> ()
      "tpu.region"() ({
        %run_scoped3A = tpu.sem_alloc : memref<!tpu.dma_semaphore, #tpu.memory_space<semaphore_mem>>
        %dma_start3A_22 = arith.constant 0 : i32
        %dma_start3A_23 = tpu.memref_slice %arg6[%multiple_of3A, %dma_start3A_22] : memref<320000x128xf32, #tpu.memory_space<hbm>> -> memref<80x128xf32, #tpu.memory_space<hbm>>
        %dma_start3A_24 = arith.constant 0 : i32
        %dma_start3A_25 = tpu.memref_slice %arg6[%multiple_of3A, %dma_start3A_24] : memref<320000x128xf32, #tpu.memory_space<hbm>> -> memref<80x128xf32, #tpu.memory_space<hbm>>
        tpu.enqueue_dma source(%arg9 : memref<80x128xf32, #tpu.memory_space<vmem>>) target(%dma_start3A_25 : memref<80x128xf32, #tpu.memory_space<hbm>>) target_semaphore(%run_scoped3A : memref<!tpu.dma_semaphore, #tpu.memory_space<semaphore_mem>>)
        %dma_wait3A_26 = arith.constant 0 : i32
        %dma_wait3A_27 = tpu.memref_slice %arg6[%multiple_of3A, %dma_wait3A_26] : memref<320000x128xf32, #tpu.memory_space<hbm>> -> memref<80x128xf32, #tpu.memory_space<hbm>>
        %dma_wait3A_28 = arith.constant 0 : i32
        %dma_wait3A_29 = tpu.memref_slice %arg6[%multiple_of3A, %dma_wait3A_28] : memref<320000x128xf32, #tpu.memory_space<hbm>> -> memref<80x128xf32, #tpu.memory_space<hbm>>
        tpu.wait_dma2 semaphore(%run_scoped3A : memref<!tpu.dma_semaphore, #tpu.memory_space<semaphore_mem>>) src(%arg9 : memref<80x128xf32, #tpu.memory_space<vmem>>) dst(%dma_wait3A_29 : memref<80x128xf32, #tpu.memory_space<hbm>>)
        tpu.yield
      }) : () -> ()
    }
    %scan3A_7 = arith.constant 125 : i32
    return
  }
}

#map = affine_map<(d0, d1) -> (0, 0)>
#map1 = affine_map<(d0, d1) -> (0)>
module attributes {stable_mosaic.version = 14 : i64} {
  func.func @gather_kernel(%arg0: i32, %arg1: i32, %arg2: memref<10000x128xf32, #tpu.memory_space<hbm>>, %arg3: memref<320000xi32, #tpu.memory_space<hbm>>, %arg4: memref<320000x128xf32, #tpu.memory_space<hbm>>, %arg5: memref<80xi32, #tpu.memory_space<vmem>>, %arg6: memref<80x128xf32, #tpu.memory_space<vmem>>, %arg7: memref<!tpu.dma_semaphore, #tpu.memory_space<semaphore_mem>>) attributes {dimension_semantics = [#tpu.dimension_semantics<core_parallel>, #tpu.dimension_semantics<subcore_parallel>], iteration_bounds = array<i64: 2, 16>, scalar_prefetch = 0 : i64, scratch_operands = 3 : i64, tpu.core_type = #tpu.core_type<sc_vector_subcore>, window_params = [{transform_indices = #map}, {transform_indices = #map1}, {transform_indices = #map}]} {
    %mul3A = arith.constant 2 : i32
    %mul3A_0 = arith.muli %arg1, %mul3A : i32
    %add3A = arith.addi %mul3A_0, %arg0 : i32
    %mul3A_1 = arith.constant 10000 : i32
    %mul3A_2 = arith.muli %add3A, %mul3A_1 : i32
    %scan3A = arith.constant 0 : i32
    %scan3A_3 = arith.constant 0 : i32
    %scan3A_4 = arith.constant 125 : i32
    %scan3A_5 = arith.addi %scan3A_3, %scan3A_4 : i32
    %scan3A_6 = arith.constant 1 : i32
    scf.for %scan3A_8 = %scan3A_3 to %scan3A_5 step %scan3A_6  : i32 {
      %mul3A_9 = arith.constant 80 : i32
      %mul3A_10 = arith.muli %scan3A_8, %mul3A_9 : i32
      %add3A_11 = arith.addi %mul3A_2, %mul3A_10 : i32
      %multiple_of3A = tpu.assume_multiple %add3A_11, 8 : i32
      "tpu.region"() ({
        %run_scoped3A = tpu.sem_alloc : memref<!tpu.dma_semaphore, #tpu.memory_space<semaphore_mem>>
        %dma_start3A_16 = tpu.memref_slice %arg3[%multiple_of3A] : memref<320000xi32, #tpu.memory_space<hbm>> -> memref<80xi32, #tpu.memory_space<hbm>>
        %dma_start3A_17 = tpu.memref_slice %arg3[%multiple_of3A] : memref<320000xi32, #tpu.memory_space<hbm>> -> memref<80xi32, #tpu.memory_space<hbm>>
        tpu.enqueue_dma source(%dma_start3A_17 : memref<80xi32, #tpu.memory_space<hbm>>) target(%arg5 : memref<80xi32, #tpu.memory_space<vmem>>) target_semaphore(%run_scoped3A : memref<!tpu.dma_semaphore, #tpu.memory_space<semaphore_mem>>)
        %dma_wait3A_18 = tpu.memref_slice %arg3[%multiple_of3A] : memref<320000xi32, #tpu.memory_space<hbm>> -> memref<80xi32, #tpu.memory_space<hbm>>
        %dma_wait3A_19 = tpu.memref_slice %arg3[%multiple_of3A] : memref<320000xi32, #tpu.memory_space<hbm>> -> memref<80xi32, #tpu.memory_space<hbm>>
        tpu.wait_dma2 semaphore(%run_scoped3A : memref<!tpu.dma_semaphore, #tpu.memory_space<semaphore_mem>>) src(%dma_wait3A_19 : memref<80xi32, #tpu.memory_space<hbm>>) dst(%arg5 : memref<80xi32, #tpu.memory_space<vmem>>)
        tpu.yield
      }) : () -> ()
      %dma_start3A = arith.constant 0 : i32
      %dma_start3A_12 = arith.constant 0 : i32
      %dma_start3A_13 = tpu.memref_slice %arg2[%dma_start3A, %dma_start3A_12] : memref<10000x128xf32, #tpu.memory_space<hbm>> -> memref<10000x128xf32, #tpu.memory_space<hbm>>
      tpu.enqueue_indirect_dma source(%dma_start3A_13 : memref<10000x128xf32, #tpu.memory_space<hbm>>) target(%arg6 : memref<80x128xf32, #tpu.memory_space<vmem>>) offsets(%arg5 : memref<80xi32, #tpu.memory_space<vmem>>) semaphore(%arg7 : memref<!tpu.dma_semaphore, #tpu.memory_space<semaphore_mem>>)
      %dma_wait3A = arith.constant 0 : i32
      %dma_wait3A_14 = arith.constant 0 : i32
      %dma_wait3A_15 = tpu.memref_slice %arg2[%dma_wait3A, %dma_wait3A_14] : memref<10000x128xf32, #tpu.memory_space<hbm>> -> memref<10000x128xf32, #tpu.memory_space<hbm>>
      tpu.wait_indirect_dma semaphore(%arg7 : memref<!tpu.dma_semaphore, #tpu.memory_space<semaphore_mem>>) src(%dma_wait3A_15 : memref<10000x128xf32, #tpu.memory_space<hbm>>) dst(%arg6 : memref<80x128xf32, #tpu.memory_space<vmem>>)
      "tpu.region"() ({
        %run_scoped3A = tpu.sem_alloc : memref<!tpu.dma_semaphore, #tpu.memory_space<semaphore_mem>>
        %dma_start3A_16 = arith.constant 0 : i32
        %dma_start3A_17 = tpu.memref_slice %arg4[%multiple_of3A, %dma_start3A_16] : memref<320000x128xf32, #tpu.memory_space<hbm>> -> memref<80x128xf32, #tpu.memory_space<hbm>>
        %dma_start3A_18 = arith.constant 0 : i32
        %dma_start3A_19 = tpu.memref_slice %arg4[%multiple_of3A, %dma_start3A_18] : memref<320000x128xf32, #tpu.memory_space<hbm>> -> memref<80x128xf32, #tpu.memory_space<hbm>>
        tpu.enqueue_dma source(%arg6 : memref<80x128xf32, #tpu.memory_space<vmem>>) target(%dma_start3A_19 : memref<80x128xf32, #tpu.memory_space<hbm>>) target_semaphore(%run_scoped3A : memref<!tpu.dma_semaphore, #tpu.memory_space<semaphore_mem>>)
        %dma_wait3A_20 = arith.constant 0 : i32
        %dma_wait3A_21 = tpu.memref_slice %arg4[%multiple_of3A, %dma_wait3A_20] : memref<320000x128xf32, #tpu.memory_space<hbm>> -> memref<80x128xf32, #tpu.memory_space<hbm>>
        %dma_wait3A_22 = arith.constant 0 : i32
        %dma_wait3A_23 = tpu.memref_slice %arg4[%multiple_of3A, %dma_wait3A_22] : memref<320000x128xf32, #tpu.memory_space<hbm>> -> memref<80x128xf32, #tpu.memory_space<hbm>>
        tpu.wait_dma2 semaphore(%run_scoped3A : memref<!tpu.dma_semaphore, #tpu.memory_space<semaphore_mem>>) src(%arg6 : memref<80x128xf32, #tpu.memory_space<vmem>>) dst(%dma_wait3A_23 : memref<80x128xf32, #tpu.memory_space<hbm>>)
        tpu.yield
      }) : () -> ()
    }
    %scan3A_7 = arith.constant 125 : i32
    return
  }
}

module attributes {stable_mosaic.version = 14 : i64} {
  func.func @_kpconv_body(%arg0: i32, %arg1: memref<32x200x128xf32, #tpu.memory_space<vmem>>, %arg2: memref<32x200x128xf32, #tpu.memory_space<vmem>>, %arg3: memref<200x128xf32, #tpu.memory_space<vmem>>, %arg4: memref<128x16xf32, #tpu.memory_space<vmem>>, %arg5: memref<1x16xf32, #tpu.memory_space<vmem>>, %arg6: memref<15x128x128xf32, #tpu.memory_space<vmem>>, %arg7: memref<32x1xf32, #tpu.memory_space<vmem>>, %arg8: memref<32x128xf32, #tpu.memory_space<vmem>>, %arg9: memref<128x32xf32, #tpu.memory_space<vmem>>, %arg10: memref<200x128xf32, #tpu.memory_space<vmem>>, %arg11: memref<200x32xf32, #tpu.memory_space<vmem>>, %arg12: memref<128x128xf32, #tpu.memory_space<vmem>>) attributes {dimension_semantics = [#tpu.dimension_semantics<arbitrary>], iteration_bounds = array<i64: 50>, scalar_prefetch = 0 : i64, scratch_operands = 0 : i64, tpu.core_type = #tpu.core_type<tc>, window_params = [{transform_indices = @transform_0, window_bounds = array<i64: 32, 200, 128>}, {transform_indices = @transform_1, window_bounds = array<i64: 32, 200, 128>}, {transform_indices = @transform_2, window_bounds = array<i64: 200, 128>}, {pipeline_mode = #tpu.pipeline_mode<synchronous>, transform_indices = @transform_3, window_bounds = array<i64: 128, 16>}, {pipeline_mode = #tpu.pipeline_mode<synchronous>, transform_indices = @transform_4, window_bounds = array<i64: 1, 16>}, {pipeline_mode = #tpu.pipeline_mode<synchronous>, transform_indices = @transform_5, window_bounds = array<i64: 15, 128, 128>}, {pipeline_mode = #tpu.pipeline_mode<synchronous>, transform_indices = @transform_6, window_bounds = array<i64: 32, 1>}, {pipeline_mode = #tpu.pipeline_mode<synchronous>, transform_indices = @transform_7, window_bounds = array<i64: 32, 128>}, {pipeline_mode = #tpu.pipeline_mode<synchronous>, transform_indices = @transform_8, window_bounds = array<i64: 128, 32>}, {transform_indices = @transform_9, window_bounds = array<i64: 200, 128>}, {transform_indices = @transform_10, window_bounds = array<i64: 200, 32>}, {pipeline_mode = #tpu.pipeline_mode<synchronous>, transform_indices = @transform_11, window_bounds = array<i64: 128, 128>}]} {
    %get3A = arith.constant 0 : index
    %get3A_0 = arith.constant 0 : index
    %get3A_1 = vector.load %arg3[%get3A, %get3A_0] : memref<200x128xf32, #tpu.memory_space<vmem>>, vector<200x128xf32>
    %get3A_2 = arith.constant 0 : index
    %get3A_3 = arith.constant 0 : index
    %get3A_4 = vector.load %arg4[%get3A_2, %get3A_3] : memref<128x16xf32, #tpu.memory_space<vmem>>, vector<128x16xf32>
    %get3A_5 = arith.constant 0 : index
    %get3A_6 = arith.constant 0 : index
    %get3A_7 = vector.load %arg5[%get3A_5, %get3A_6] : memref<1x16xf32, #tpu.memory_space<vmem>>, vector<1x16xf32>
    %get3A_8 = arith.constant 0 : index
    %get3A_9 = arith.constant 0 : index
    %get3A_10 = arith.constant 0 : index
    %get3A_11 = vector.load %arg2[%get3A_8, %get3A_9, %get3A_10] : memref<32x200x128xf32, #tpu.memory_space<vmem>>, vector<1x200x128xf32>
    %get3A_12 = vector.shape_cast %get3A_11 : vector<1x200x128xf32> to vector<200x128xf32>
    %sub3A = arith.subf %get3A_12, %get3A_1 : vector<200x128xf32>
    %dot_general3A = arith.constant dense<0.000000e+00> : vector<200x16xf32>
    %dot_general3A_13 = tpu.matmul %sub3A, %get3A_4, %dot_general3A {dimension_numbers = #tpu.dot_dimension_numbers<[1], [0], [0], [1], [0, 0, 1, 1], [], []>, transpose_lhs_hint = false} : vector<200x128xf32>, vector<128x16xf32>, vector<200x16xf32> -> vector<200x16xf32>
    %mul3A = arith.mulf %sub3A, %sub3A : vector<200x128xf32>
    %reduce_sum3A = arith.constant dense<0.000000e+00> : vector<200xf32>
    %reduce_sum3A_14 = vector.multi_reduction <add>, %mul3A, %reduce_sum3A [1] : vector<200x128xf32> to vector<200xf32>
    %broadcast_in_dim3A = vector.shape_cast %reduce_sum3A_14 : vector<200xf32> to vector<200x1xf32>
    %mul3A_15 = arith.constant 2.000000e+00 : f32
    %mul3A_16 = vector.broadcast %mul3A_15 : f32 to vector<200x16xf32>
    %mul3A_17 = arith.mulf %mul3A_16, %dot_general3A_13 : vector<200x16xf32>
    %sub3A_18 = vector.broadcast %broadcast_in_dim3A : vector<200x1xf32> to vector<200x16xf32>
    %sub3A_19 = arith.subf %sub3A_18, %mul3A_17 : vector<200x16xf32>
    %add3A = vector.broadcast %get3A_7 : vector<1x16xf32> to vector<200x16xf32>
    %add3A_20 = arith.addf %sub3A_19, %add3A : vector<200x16xf32>
    %max3A = arith.constant 0.000000e+00 : f32
    %max3A_21 = vector.broadcast %max3A : f32 to vector<200x16xf32>
    %max3A_22 = arith.maximumf %add3A_20, %max3A_21 : vector<200x16xf32>
    %add3A_23 = arith.constant 9.99999996E-13 : f32
    %add3A_24 = vector.broadcast %add3A_23 : f32 to vector<200x16xf32>
    %add3A_25 = arith.addf %max3A_22, %add3A_24 : vector<200x16xf32>
    %sqrt3A = math.sqrt %add3A_25 : vector<200x16xf32>
    %div3A = arith.constant 1.200000e+00 : f32
    %div3A_26 = vector.broadcast %div3A : f32 to vector<200x16xf32>
    %div3A_27 = arith.divf %sqrt3A, %div3A_26 : vector<200x16xf32>
    %sub3A_28 = arith.constant 1.000000e+00 : f32
    %sub3A_29 = vector.broadcast %sub3A_28 : f32 to vector<200x16xf32>
    %sub3A_30 = arith.subf %sub3A_29, %div3A_27 : vector<200x16xf32>
    %max3A_31 = arith.constant 0.000000e+00 : f32
    %max3A_32 = vector.broadcast %max3A_31 : f32 to vector<200x16xf32>
    %max3A_33 = arith.maximumf %max3A_32, %sub3A_30 : vector<200x16xf32>
    %transpose3A = tpu.transpose %max3A_33, [1, 0] : vector<200x16xf32> -> vector<16x200xf32>
    %get3A_34 = arith.constant 1 : index
    %get3A_35 = arith.constant 0 : index
    %get3A_36 = arith.constant 0 : index
    %get3A_37 = vector.load %arg2[%get3A_34, %get3A_35, %get3A_36] : memref<32x200x128xf32, #tpu.memory_space<vmem>>, vector<1x200x128xf32>
    %get3A_38 = vector.shape_cast %get3A_37 : vector<1x200x128xf32> to vector<200x128xf32>
    %sub3A_39 = arith.subf %get3A_38, %get3A_1 : vector<200x128xf32>
    %dot_general3A_40 = arith.constant dense<0.000000e+00> : vector<200x16xf32>
    %dot_general3A_41 = tpu.matmul %sub3A_39, %get3A_4, %dot_general3A_40 {dimension_numbers = #tpu.dot_dimension_numbers<[1], [0], [0], [1], [0, 0, 1, 1], [], []>, transpose_lhs_hint = false} : vector<200x128xf32>, vector<128x16xf32>, vector<200x16xf32> -> vector<200x16xf32>
    %mul3A_42 = arith.mulf %sub3A_39, %sub3A_39 : vector<200x128xf32>
    %reduce_sum3A_43 = arith.constant dense<0.000000e+00> : vector<200xf32>
    %reduce_sum3A_44 = vector.multi_reduction <add>, %mul3A_42, %reduce_sum3A_43 [1] : vector<200x128xf32> to vector<200xf32>
    %broadcast_in_dim3A_45 = vector.shape_cast %reduce_sum3A_44 : vector<200xf32> to vector<200x1xf32>
    %mul3A_46 = arith.constant 2.000000e+00 : f32
    %mul3A_47 = vector.broadcast %mul3A_46 : f32 to vector<200x16xf32>
    %mul3A_48 = arith.mulf %mul3A_47, %dot_general3A_41 : vector<200x16xf32>
    %sub3A_49 = vector.broadcast %broadcast_in_dim3A_45 : vector<200x1xf32> to vector<200x16xf32>
    %sub3A_50 = arith.subf %sub3A_49, %mul3A_48 : vector<200x16xf32>
    %add3A_51 = vector.broadcast %get3A_7 : vector<1x16xf32> to vector<200x16xf32>
    %add3A_52 = arith.addf %sub3A_50, %add3A_51 : vector<200x16xf32>
    %max3A_53 = arith.constant 0.000000e+00 : f32
    %max3A_54 = vector.broadcast %max3A_53 : f32 to vector<200x16xf32>
    %max3A_55 = arith.maximumf %add3A_52, %max3A_54 : vector<200x16xf32>
    %add3A_56 = arith.constant 9.99999996E-13 : f32
    %add3A_57 = vector.broadcast %add3A_56 : f32 to vector<200x16xf32>
    %add3A_58 = arith.addf %max3A_55, %add3A_57 : vector<200x16xf32>
    %sqrt3A_59 = math.sqrt %add3A_58 : vector<200x16xf32>
    %div3A_60 = arith.constant 1.200000e+00 : f32
    %div3A_61 = vector.broadcast %div3A_60 : f32 to vector<200x16xf32>
    %div3A_62 = arith.divf %sqrt3A_59, %div3A_61 : vector<200x16xf32>
    %sub3A_63 = arith.constant 1.000000e+00 : f32
    %sub3A_64 = vector.broadcast %sub3A_63 : f32 to vector<200x16xf32>
    %sub3A_65 = arith.subf %sub3A_64, %div3A_62 : vector<200x16xf32>
    %max3A_66 = arith.constant 0.000000e+00 : f32
    %max3A_67 = vector.broadcast %max3A_66 : f32 to vector<200x16xf32>
    %max3A_68 = arith.maximumf %max3A_67, %sub3A_65 : vector<200x16xf32>
    %transpose3A_69 = tpu.transpose %max3A_68, [1, 0] : vector<200x16xf32> -> vector<16x200xf32>
    %get3A_70 = arith.constant 2 : index
    %get3A_71 = arith.constant 0 : index
    %get3A_72 = arith.constant 0 : index
    %get3A_73 = vector.load %arg2[%get3A_70, %get3A_71, %get3A_72] : memref<32x200x128xf32, #tpu.memory_space<vmem>>, vector<1x200x128xf32>
    %get3A_74 = vector.shape_cast %get3A_73 : vector<1x200x128xf32> to vector<200x128xf32>
    %sub3A_75 = arith.subf %get3A_74, %get3A_1 : vector<200x128xf32>
    %dot_general3A_76 = arith.constant dense<0.000000e+00> : vector<200x16xf32>
    %dot_general3A_77 = tpu.matmul %sub3A_75, %get3A_4, %dot_general3A_76 {dimension_numbers = #tpu.dot_dimension_numbers<[1], [0], [0], [1], [0, 0, 1, 1], [], []>, transpose_lhs_hint = false} : vector<200x128xf32>, vector<128x16xf32>, vector<200x16xf32> -> vector<200x16xf32>
    %mul3A_78 = arith.mulf %sub3A_75, %sub3A_75 : vector<200x128xf32>
    %reduce_sum3A_79 = arith.constant dense<0.000000e+00> : vector<200xf32>
    %reduce_sum3A_80 = vector.multi_reduction <add>, %mul3A_78, %reduce_sum3A_79 [1] : vector<200x128xf32> to vector<200xf32>
    %broadcast_in_dim3A_81 = vector.shape_cast %reduce_sum3A_80 : vector<200xf32> to vector<200x1xf32>
    %mul3A_82 = arith.constant 2.000000e+00 : f32
    %mul3A_83 = vector.broadcast %mul3A_82 : f32 to vector<200x16xf32>
    %mul3A_84 = arith.mulf %mul3A_83, %dot_general3A_77 : vector<200x16xf32>
    %sub3A_85 = vector.broadcast %broadcast_in_dim3A_81 : vector<200x1xf32> to vector<200x16xf32>
    %sub3A_86 = arith.subf %sub3A_85, %mul3A_84 : vector<200x16xf32>
    %add3A_87 = vector.broadcast %get3A_7 : vector<1x16xf32> to vector<200x16xf32>
    %add3A_88 = arith.addf %sub3A_86, %add3A_87 : vector<200x16xf32>
    %max3A_89 = arith.constant 0.000000e+00 : f32
    %max3A_90 = vector.broadcast %max3A_89 : f32 to vector<200x16xf32>
    %max3A_91 = arith.maximumf %add3A_88, %max3A_90 : vector<200x16xf32>
    %add3A_92 = arith.constant 9.99999996E-13 : f32
    %add3A_93 = vector.broadcast %add3A_92 : f32 to vector<200x16xf32>
    %add3A_94 = arith.addf %max3A_91, %add3A_93 : vector<200x16xf32>
    %sqrt3A_95 = math.sqrt %add3A_94 : vector<200x16xf32>
    %div3A_96 = arith.constant 1.200000e+00 : f32
    %div3A_97 = vector.broadcast %div3A_96 : f32 to vector<200x16xf32>
    %div3A_98 = arith.divf %sqrt3A_95, %div3A_97 : vector<200x16xf32>
    %sub3A_99 = arith.constant 1.000000e+00 : f32
    %sub3A_100 = vector.broadcast %sub3A_99 : f32 to vector<200x16xf32>
    %sub3A_101 = arith.subf %sub3A_100, %div3A_98 : vector<200x16xf32>
    %max3A_102 = arith.constant 0.000000e+00 : f32
    %max3A_103 = vector.broadcast %max3A_102 : f32 to vector<200x16xf32>
    %max3A_104 = arith.maximumf %max3A_103, %sub3A_101 : vector<200x16xf32>
    %transpose3A_105 = tpu.transpose %max3A_104, [1, 0] : vector<200x16xf32> -> vector<16x200xf32>
    %get3A_106 = arith.constant 3 : index
    %get3A_107 = arith.constant 0 : index
    %get3A_108 = arith.constant 0 : index
    %get3A_109 = vector.load %arg2[%get3A_106, %get3A_107, %get3A_108] : memref<32x200x128xf32, #tpu.memory_space<vmem>>, vector<1x200x128xf32>
    %get3A_110 = vector.shape_cast %get3A_109 : vector<1x200x128xf32> to vector<200x128xf32>
    %sub3A_111 = arith.subf %get3A_110, %get3A_1 : vector<200x128xf32>
    %dot_general3A_112 = arith.constant dense<0.000000e+00> : vector<200x16xf32>
    %dot_general3A_113 = tpu.matmul %sub3A_111, %get3A_4, %dot_general3A_112 {dimension_numbers = #tpu.dot_dimension_numbers<[1], [0], [0], [1], [0, 0, 1, 1], [], []>, transpose_lhs_hint = false} : vector<200x128xf32>, vector<128x16xf32>, vector<200x16xf32> -> vector<200x16xf32>
    %mul3A_114 = arith.mulf %sub3A_111, %sub3A_111 : vector<200x128xf32>
    %reduce_sum3A_115 = arith.constant dense<0.000000e+00> : vector<200xf32>
    %reduce_sum3A_116 = vector.multi_reduction <add>, %mul3A_114, %reduce_sum3A_115 [1] : vector<200x128xf32> to vector<200xf32>
    %broadcast_in_dim3A_117 = vector.shape_cast %reduce_sum3A_116 : vector<200xf32> to vector<200x1xf32>
    %mul3A_118 = arith.constant 2.000000e+00 : f32
    %mul3A_119 = vector.broadcast %mul3A_118 : f32 to vector<200x16xf32>
    %mul3A_120 = arith.mulf %mul3A_119, %dot_general3A_113 : vector<200x16xf32>
    %sub3A_121 = vector.broadcast %broadcast_in_dim3A_117 : vector<200x1xf32> to vector<200x16xf32>
    %sub3A_122 = arith.subf %sub3A_121, %mul3A_120 : vector<200x16xf32>
    %add3A_123 = vector.broadcast %get3A_7 : vector<1x16xf32> to vector<200x16xf32>
    %add3A_124 = arith.addf %sub3A_122, %add3A_123 : vector<200x16xf32>
    %max3A_125 = arith.constant 0.000000e+00 : f32
    %max3A_126 = vector.broadcast %max3A_125 : f32 to vector<200x16xf32>
    %max3A_127 = arith.maximumf %add3A_124, %max3A_126 : vector<200x16xf32>
    %add3A_128 = arith.constant 9.99999996E-13 : f32
    %add3A_129 = vector.broadcast %add3A_128 : f32 to vector<200x16xf32>
    %add3A_130 = arith.addf %max3A_127, %add3A_129 : vector<200x16xf32>
    %sqrt3A_131 = math.sqrt %add3A_130 : vector<200x16xf32>
    %div3A_132 = arith.constant 1.200000e+00 : f32
    %div3A_133 = vector.broadcast %div3A_132 : f32 to vector<200x16xf32>
    %div3A_134 = arith.divf %sqrt3A_131, %div3A_133 : vector<200x16xf32>
    %sub3A_135 = arith.constant 1.000000e+00 : f32
    %sub3A_136 = vector.broadcast %sub3A_135 : f32 to vector<200x16xf32>
    %sub3A_137 = arith.subf %sub3A_136, %div3A_134 : vector<200x16xf32>
    %max3A_138 = arith.constant 0.000000e+00 : f32
    %max3A_139 = vector.broadcast %max3A_138 : f32 to vector<200x16xf32>
    %max3A_140 = arith.maximumf %max3A_139, %sub3A_137 : vector<200x16xf32>
    %transpose3A_141 = tpu.transpose %max3A_140, [1, 0] : vector<200x16xf32> -> vector<16x200xf32>
    %get3A_142 = arith.constant 4 : index
    %get3A_143 = arith.constant 0 : index
    %get3A_144 = arith.constant 0 : index
    %get3A_145 = vector.load %arg2[%get3A_142, %get3A_143, %get3A_144] : memref<32x200x128xf32, #tpu.memory_space<vmem>>, vector<1x200x128xf32>
    %get3A_146 = vector.shape_cast %get3A_145 : vector<1x200x128xf32> to vector<200x128xf32>
    %sub3A_147 = arith.subf %get3A_146, %get3A_1 : vector<200x128xf32>
    %dot_general3A_148 = arith.constant dense<0.000000e+00> : vector<200x16xf32>
    %dot_general3A_149 = tpu.matmul %sub3A_147, %get3A_4, %dot_general3A_148 {dimension_numbers = #tpu.dot_dimension_numbers<[1], [0], [0], [1], [0, 0, 1, 1], [], []>, transpose_lhs_hint = false} : vector<200x128xf32>, vector<128x16xf32>, vector<200x16xf32> -> vector<200x16xf32>
    %mul3A_150 = arith.mulf %sub3A_147, %sub3A_147 : vector<200x128xf32>
    %reduce_sum3A_151 = arith.constant dense<0.000000e+00> : vector<200xf32>
    %reduce_sum3A_152 = vector.multi_reduction <add>, %mul3A_150, %reduce_sum3A_151 [1] : vector<200x128xf32> to vector<200xf32>
    %broadcast_in_dim3A_153 = vector.shape_cast %reduce_sum3A_152 : vector<200xf32> to vector<200x1xf32>
    %mul3A_154 = arith.constant 2.000000e+00 : f32
    %mul3A_155 = vector.broadcast %mul3A_154 : f32 to vector<200x16xf32>
    %mul3A_156 = arith.mulf %mul3A_155, %dot_general3A_149 : vector<200x16xf32>
    %sub3A_157 = vector.broadcast %broadcast_in_dim3A_153 : vector<200x1xf32> to vector<200x16xf32>
    %sub3A_158 = arith.subf %sub3A_157, %mul3A_156 : vector<200x16xf32>
    %add3A_159 = vector.broadcast %get3A_7 : vector<1x16xf32> to vector<200x16xf32>
    %add3A_160 = arith.addf %sub3A_158, %add3A_159 : vector<200x16xf32>
    %max3A_161 = arith.constant 0.000000e+00 : f32
    %max3A_162 = vector.broadcast %max3A_161 : f32 to vector<200x16xf32>
    %max3A_163 = arith.maximumf %add3A_160, %max3A_162 : vector<200x16xf32>
    %add3A_164 = arith.constant 9.99999996E-13 : f32
    %add3A_165 = vector.broadcast %add3A_164 : f32 to vector<200x16xf32>
    %add3A_166 = arith.addf %max3A_163, %add3A_165 : vector<200x16xf32>
    %sqrt3A_167 = math.sqrt %add3A_166 : vector<200x16xf32>
    %div3A_168 = arith.constant 1.200000e+00 : f32
    %div3A_169 = vector.broadcast %div3A_168 : f32 to vector<200x16xf32>
    %div3A_170 = arith.divf %sqrt3A_167, %div3A_169 : vector<200x16xf32>
    %sub3A_171 = arith.constant 1.000000e+00 : f32
    %sub3A_172 = vector.broadcast %sub3A_171 : f32 to vector<200x16xf32>
    %sub3A_173 = arith.subf %sub3A_172, %div3A_170 : vector<200x16xf32>
    %max3A_174 = arith.constant 0.000000e+00 : f32
    %max3A_175 = vector.broadcast %max3A_174 : f32 to vector<200x16xf32>
    %max3A_176 = arith.maximumf %max3A_175, %sub3A_173 : vector<200x16xf32>
    %transpose3A_177 = tpu.transpose %max3A_176, [1, 0] : vector<200x16xf32> -> vector<16x200xf32>
    %get3A_178 = arith.constant 5 : index
    %get3A_179 = arith.constant 0 : index
    %get3A_180 = arith.constant 0 : index
    %get3A_181 = vector.load %arg2[%get3A_178, %get3A_179, %get3A_180] : memref<32x200x128xf32, #tpu.memory_space<vmem>>, vector<1x200x128xf32>
    %get3A_182 = vector.shape_cast %get3A_181 : vector<1x200x128xf32> to vector<200x128xf32>
    %sub3A_183 = arith.subf %get3A_182, %get3A_1 : vector<200x128xf32>
    %dot_general3A_184 = arith.constant dense<0.000000e+00> : vector<200x16xf32>
    %dot_general3A_185 = tpu.matmul %sub3A_183, %get3A_4, %dot_general3A_184 {dimension_numbers = #tpu.dot_dimension_numbers<[1], [0], [0], [1], [0, 0, 1, 1], [], []>, transpose_lhs_hint = false} : vector<200x128xf32>, vector<128x16xf32>, vector<200x16xf32> -> vector<200x16xf32>
    %mul3A_186 = arith.mulf %sub3A_183, %sub3A_183 : vector<200x128xf32>
    %reduce_sum3A_187 = arith.constant dense<0.000000e+00> : vector<200xf32>
    %reduce_sum3A_188 = vector.multi_reduction <add>, %mul3A_186, %reduce_sum3A_187 [1] : vector<200x128xf32> to vector<200xf32>
    %broadcast_in_dim3A_189 = vector.shape_cast %reduce_sum3A_188 : vector<200xf32> to vector<200x1xf32>
    %mul3A_190 = arith.constant 2.000000e+00 : f32
    %mul3A_191 = vector.broadcast %mul3A_190 : f32 to vector<200x16xf32>
    %mul3A_192 = arith.mulf %mul3A_191, %dot_general3A_185 : vector<200x16xf32>
    %sub3A_193 = vector.broadcast %broadcast_in_dim3A_189 : vector<200x1xf32> to vector<200x16xf32>
    %sub3A_194 = arith.subf %sub3A_193, %mul3A_192 : vector<200x16xf32>
    %add3A_195 = vector.broadcast %get3A_7 : vector<1x16xf32> to vector<200x16xf32>
    %add3A_196 = arith.addf %sub3A_194, %add3A_195 : vector<200x16xf32>
    %max3A_197 = arith.constant 0.000000e+00 : f32
    %max3A_198 = vector.broadcast %max3A_197 : f32 to vector<200x16xf32>
    %max3A_199 = arith.maximumf %add3A_196, %max3A_198 : vector<200x16xf32>
    %add3A_200 = arith.constant 9.99999996E-13 : f32
    %add3A_201 = vector.broadcast %add3A_200 : f32 to vector<200x16xf32>
    %add3A_202 = arith.addf %max3A_199, %add3A_201 : vector<200x16xf32>
    %sqrt3A_203 = math.sqrt %add3A_202 : vector<200x16xf32>
    %div3A_204 = arith.constant 1.200000e+00 : f32
    %div3A_205 = vector.broadcast %div3A_204 : f32 to vector<200x16xf32>
    %div3A_206 = arith.divf %sqrt3A_203, %div3A_205 : vector<200x16xf32>
    %sub3A_207 = arith.constant 1.000000e+00 : f32
    %sub3A_208 = vector.broadcast %sub3A_207 : f32 to vector<200x16xf32>
    %sub3A_209 = arith.subf %sub3A_208, %div3A_206 : vector<200x16xf32>
    %max3A_210 = arith.constant 0.000000e+00 : f32
    %max3A_211 = vector.broadcast %max3A_210 : f32 to vector<200x16xf32>
    %max3A_212 = arith.maximumf %max3A_211, %sub3A_209 : vector<200x16xf32>
    %transpose3A_213 = tpu.transpose %max3A_212, [1, 0] : vector<200x16xf32> -> vector<16x200xf32>
    %get3A_214 = arith.constant 6 : index
    %get3A_215 = arith.constant 0 : index
    %get3A_216 = arith.constant 0 : index
    %get3A_217 = vector.load %arg2[%get3A_214, %get3A_215, %get3A_216] : memref<32x200x128xf32, #tpu.memory_space<vmem>>, vector<1x200x128xf32>
    %get3A_218 = vector.shape_cast %get3A_217 : vector<1x200x128xf32> to vector<200x128xf32>
    %sub3A_219 = arith.subf %get3A_218, %get3A_1 : vector<200x128xf32>
    %dot_general3A_220 = arith.constant dense<0.000000e+00> : vector<200x16xf32>
    %dot_general3A_221 = tpu.matmul %sub3A_219, %get3A_4, %dot_general3A_220 {dimension_numbers = #tpu.dot_dimension_numbers<[1], [0], [0], [1], [0, 0, 1, 1], [], []>, transpose_lhs_hint = false} : vector<200x128xf32>, vector<128x16xf32>, vector<200x16xf32> -> vector<200x16xf32>
    %mul3A_222 = arith.mulf %sub3A_219, %sub3A_219 : vector<200x128xf32>
    %reduce_sum3A_223 = arith.constant dense<0.000000e+00> : vector<200xf32>
    %reduce_sum3A_224 = vector.multi_reduction <add>, %mul3A_222, %reduce_sum3A_223 [1] : vector<200x128xf32> to vector<200xf32>
    %broadcast_in_dim3A_225 = vector.shape_cast %reduce_sum3A_224 : vector<200xf32> to vector<200x1xf32>
    %mul3A_226 = arith.constant 2.000000e+00 : f32
    %mul3A_227 = vector.broadcast %mul3A_226 : f32 to vector<200x16xf32>
    %mul3A_228 = arith.mulf %mul3A_227, %dot_general3A_221 : vector<200x16xf32>
    %sub3A_229 = vector.broadcast %broadcast_in_dim3A_225 : vector<200x1xf32> to vector<200x16xf32>
    %sub3A_230 = arith.subf %sub3A_229, %mul3A_228 : vector<200x16xf32>
    %add3A_231 = vector.broadcast %get3A_7 : vector<1x16xf32> to vector<200x16xf32>
    %add3A_232 = arith.addf %sub3A_230, %add3A_231 : vector<200x16xf32>
    %max3A_233 = arith.constant 0.000000e+00 : f32
    %max3A_234 = vector.broadcast %max3A_233 : f32 to vector<200x16xf32>
    %max3A_235 = arith.maximumf %add3A_232, %max3A_234 : vector<200x16xf32>
    %add3A_236 = arith.constant 9.99999996E-13 : f32
    %add3A_237 = vector.broadcast %add3A_236 : f32 to vector<200x16xf32>
    %add3A_238 = arith.addf %max3A_235, %add3A_237 : vector<200x16xf32>
    %sqrt3A_239 = math.sqrt %add3A_238 : vector<200x16xf32>
    %div3A_240 = arith.constant 1.200000e+00 : f32
    %div3A_241 = vector.broadcast %div3A_240 : f32 to vector<200x16xf32>
    %div3A_242 = arith.divf %sqrt3A_239, %div3A_241 : vector<200x16xf32>
    %sub3A_243 = arith.constant 1.000000e+00 : f32
    %sub3A_244 = vector.broadcast %sub3A_243 : f32 to vector<200x16xf32>
    %sub3A_245 = arith.subf %sub3A_244, %div3A_242 : vector<200x16xf32>
    %max3A_246 = arith.constant 0.000000e+00 : f32
    %max3A_247 = vector.broadcast %max3A_246 : f32 to vector<200x16xf32>
    %max3A_248 = arith.maximumf %max3A_247, %sub3A_245 : vector<200x16xf32>
    %transpose3A_249 = tpu.transpose %max3A_248, [1, 0] : vector<200x16xf32> -> vector<16x200xf32>
    %get3A_250 = arith.constant 7 : index
    %get3A_251 = arith.constant 0 : index
    %get3A_252 = arith.constant 0 : index
    %get3A_253 = vector.load %arg2[%get3A_250, %get3A_251, %get3A_252] : memref<32x200x128xf32, #tpu.memory_space<vmem>>, vector<1x200x128xf32>
    %get3A_254 = vector.shape_cast %get3A_253 : vector<1x200x128xf32> to vector<200x128xf32>
    %sub3A_255 = arith.subf %get3A_254, %get3A_1 : vector<200x128xf32>
    %dot_general3A_256 = arith.constant dense<0.000000e+00> : vector<200x16xf32>
    %dot_general3A_257 = tpu.matmul %sub3A_255, %get3A_4, %dot_general3A_256 {dimension_numbers = #tpu.dot_dimension_numbers<[1], [0], [0], [1], [0, 0, 1, 1], [], []>, transpose_lhs_hint = false} : vector<200x128xf32>, vector<128x16xf32>, vector<200x16xf32> -> vector<200x16xf32>
    %mul3A_258 = arith.mulf %sub3A_255, %sub3A_255 : vector<200x128xf32>
    %reduce_sum3A_259 = arith.constant dense<0.000000e+00> : vector<200xf32>
    %reduce_sum3A_260 = vector.multi_reduction <add>, %mul3A_258, %reduce_sum3A_259 [1] : vector<200x128xf32> to vector<200xf32>
    %broadcast_in_dim3A_261 = vector.shape_cast %reduce_sum3A_260 : vector<200xf32> to vector<200x1xf32>
    %mul3A_262 = arith.constant 2.000000e+00 : f32
    %mul3A_263 = vector.broadcast %mul3A_262 : f32 to vector<200x16xf32>
    %mul3A_264 = arith.mulf %mul3A_263, %dot_general3A_257 : vector<200x16xf32>
    %sub3A_265 = vector.broadcast %broadcast_in_dim3A_261 : vector<200x1xf32> to vector<200x16xf32>
    %sub3A_266 = arith.subf %sub3A_265, %mul3A_264 : vector<200x16xf32>
    %add3A_267 = vector.broadcast %get3A_7 : vector<1x16xf32> to vector<200x16xf32>
    %add3A_268 = arith.addf %sub3A_266, %add3A_267 : vector<200x16xf32>
    %max3A_269 = arith.constant 0.000000e+00 : f32
    %max3A_270 = vector.broadcast %max3A_269 : f32 to vector<200x16xf32>
    %max3A_271 = arith.maximumf %add3A_268, %max3A_270 : vector<200x16xf32>
    %add3A_272 = arith.constant 9.99999996E-13 : f32
    %add3A_273 = vector.broadcast %add3A_272 : f32 to vector<200x16xf32>
    %add3A_274 = arith.addf %max3A_271, %add3A_273 : vector<200x16xf32>
    %sqrt3A_275 = math.sqrt %add3A_274 : vector<200x16xf32>
    %div3A_276 = arith.constant 1.200000e+00 : f32
    %div3A_277 = vector.broadcast %div3A_276 : f32 to vector<200x16xf32>
    %div3A_278 = arith.divf %sqrt3A_275, %div3A_277 : vector<200x16xf32>
    %sub3A_279 = arith.constant 1.000000e+00 : f32
    %sub3A_280 = vector.broadcast %sub3A_279 : f32 to vector<200x16xf32>
    %sub3A_281 = arith.subf %sub3A_280, %div3A_278 : vector<200x16xf32>
    %max3A_282 = arith.constant 0.000000e+00 : f32
    %max3A_283 = vector.broadcast %max3A_282 : f32 to vector<200x16xf32>
    %max3A_284 = arith.maximumf %max3A_283, %sub3A_281 : vector<200x16xf32>
    %transpose3A_285 = tpu.transpose %max3A_284, [1, 0] : vector<200x16xf32> -> vector<16x200xf32>
    %get3A_286 = arith.constant 8 : index
    %get3A_287 = arith.constant 0 : index
    %get3A_288 = arith.constant 0 : index
    %get3A_289 = vector.load %arg2[%get3A_286, %get3A_287, %get3A_288] : memref<32x200x128xf32, #tpu.memory_space<vmem>>, vector<1x200x128xf32>
    %get3A_290 = vector.shape_cast %get3A_289 : vector<1x200x128xf32> to vector<200x128xf32>
    %sub3A_291 = arith.subf %get3A_290, %get3A_1 : vector<200x128xf32>
    %dot_general3A_292 = arith.constant dense<0.000000e+00> : vector<200x16xf32>
    %dot_general3A_293 = tpu.matmul %sub3A_291, %get3A_4, %dot_general3A_292 {dimension_numbers = #tpu.dot_dimension_numbers<[1], [0], [0], [1], [0, 0, 1, 1], [], []>, transpose_lhs_hint = false} : vector<200x128xf32>, vector<128x16xf32>, vector<200x16xf32> -> vector<200x16xf32>
    %mul3A_294 = arith.mulf %sub3A_291, %sub3A_291 : vector<200x128xf32>
    %reduce_sum3A_295 = arith.constant dense<0.000000e+00> : vector<200xf32>
    %reduce_sum3A_296 = vector.multi_reduction <add>, %mul3A_294, %reduce_sum3A_295 [1] : vector<200x128xf32> to vector<200xf32>
    %broadcast_in_dim3A_297 = vector.shape_cast %reduce_sum3A_296 : vector<200xf32> to vector<200x1xf32>
    %mul3A_298 = arith.constant 2.000000e+00 : f32
    %mul3A_299 = vector.broadcast %mul3A_298 : f32 to vector<200x16xf32>
    %mul3A_300 = arith.mulf %mul3A_299, %dot_general3A_293 : vector<200x16xf32>
    %sub3A_301 = vector.broadcast %broadcast_in_dim3A_297 : vector<200x1xf32> to vector<200x16xf32>
    %sub3A_302 = arith.subf %sub3A_301, %mul3A_300 : vector<200x16xf32>
    %add3A_303 = vector.broadcast %get3A_7 : vector<1x16xf32> to vector<200x16xf32>
    %add3A_304 = arith.addf %sub3A_302, %add3A_303 : vector<200x16xf32>
    %max3A_305 = arith.constant 0.000000e+00 : f32
    %max3A_306 = vector.broadcast %max3A_305 : f32 to vector<200x16xf32>
    %max3A_307 = arith.maximumf %add3A_304, %max3A_306 : vector<200x16xf32>
    %add3A_308 = arith.constant 9.99999996E-13 : f32
    %add3A_309 = vector.broadcast %add3A_308 : f32 to vector<200x16xf32>
    %add3A_310 = arith.addf %max3A_307, %add3A_309 : vector<200x16xf32>
    %sqrt3A_311 = math.sqrt %add3A_310 : vector<200x16xf32>
    %div3A_312 = arith.constant 1.200000e+00 : f32
    %div3A_313 = vector.broadcast %div3A_312 : f32 to vector<200x16xf32>
    %div3A_314 = arith.divf %sqrt3A_311, %div3A_313 : vector<200x16xf32>
    %sub3A_315 = arith.constant 1.000000e+00 : f32
    %sub3A_316 = vector.broadcast %sub3A_315 : f32 to vector<200x16xf32>
    %sub3A_317 = arith.subf %sub3A_316, %div3A_314 : vector<200x16xf32>
    %max3A_318 = arith.constant 0.000000e+00 : f32
    %max3A_319 = vector.broadcast %max3A_318 : f32 to vector<200x16xf32>
    %max3A_320 = arith.maximumf %max3A_319, %sub3A_317 : vector<200x16xf32>
    %transpose3A_321 = tpu.transpose %max3A_320, [1, 0] : vector<200x16xf32> -> vector<16x200xf32>
    %get3A_322 = arith.constant 9 : index
    %get3A_323 = arith.constant 0 : index
    %get3A_324 = arith.constant 0 : index
    %get3A_325 = vector.load %arg2[%get3A_322, %get3A_323, %get3A_324] : memref<32x200x128xf32, #tpu.memory_space<vmem>>, vector<1x200x128xf32>
    %get3A_326 = vector.shape_cast %get3A_325 : vector<1x200x128xf32> to vector<200x128xf32>
    %sub3A_327 = arith.subf %get3A_326, %get3A_1 : vector<200x128xf32>
    %dot_general3A_328 = arith.constant dense<0.000000e+00> : vector<200x16xf32>
    %dot_general3A_329 = tpu.matmul %sub3A_327, %get3A_4, %dot_general3A_328 {dimension_numbers = #tpu.dot_dimension_numbers<[1], [0], [0], [1], [0, 0, 1, 1], [], []>, transpose_lhs_hint = false} : vector<200x128xf32>, vector<128x16xf32>, vector<200x16xf32> -> vector<200x16xf32>
    %mul3A_330 = arith.mulf %sub3A_327, %sub3A_327 : vector<200x128xf32>
    %reduce_sum3A_331 = arith.constant dense<0.000000e+00> : vector<200xf32>
    %reduce_sum3A_332 = vector.multi_reduction <add>, %mul3A_330, %reduce_sum3A_331 [1] : vector<200x128xf32> to vector<200xf32>
    %broadcast_in_dim3A_333 = vector.shape_cast %reduce_sum3A_332 : vector<200xf32> to vector<200x1xf32>
    %mul3A_334 = arith.constant 2.000000e+00 : f32
    %mul3A_335 = vector.broadcast %mul3A_334 : f32 to vector<200x16xf32>
    %mul3A_336 = arith.mulf %mul3A_335, %dot_general3A_329 : vector<200x16xf32>
    %sub3A_337 = vector.broadcast %broadcast_in_dim3A_333 : vector<200x1xf32> to vector<200x16xf32>
    %sub3A_338 = arith.subf %sub3A_337, %mul3A_336 : vector<200x16xf32>
    %add3A_339 = vector.broadcast %get3A_7 : vector<1x16xf32> to vector<200x16xf32>
    %add3A_340 = arith.addf %sub3A_338, %add3A_339 : vector<200x16xf32>
    %max3A_341 = arith.constant 0.000000e+00 : f32
    %max3A_342 = vector.broadcast %max3A_341 : f32 to vector<200x16xf32>
    %max3A_343 = arith.maximumf %add3A_340, %max3A_342 : vector<200x16xf32>
    %add3A_344 = arith.constant 9.99999996E-13 : f32
    %add3A_345 = vector.broadcast %add3A_344 : f32 to vector<200x16xf32>
    %add3A_346 = arith.addf %max3A_343, %add3A_345 : vector<200x16xf32>
    %sqrt3A_347 = math.sqrt %add3A_346 : vector<200x16xf32>
    %div3A_348 = arith.constant 1.200000e+00 : f32
    %div3A_349 = vector.broadcast %div3A_348 : f32 to vector<200x16xf32>
    %div3A_350 = arith.divf %sqrt3A_347, %div3A_349 : vector<200x16xf32>
    %sub3A_351 = arith.constant 1.000000e+00 : f32
    %sub3A_352 = vector.broadcast %sub3A_351 : f32 to vector<200x16xf32>
    %sub3A_353 = arith.subf %sub3A_352, %div3A_350 : vector<200x16xf32>
    %max3A_354 = arith.constant 0.000000e+00 : f32
    %max3A_355 = vector.broadcast %max3A_354 : f32 to vector<200x16xf32>
    %max3A_356 = arith.maximumf %max3A_355, %sub3A_353 : vector<200x16xf32>
    %transpose3A_357 = tpu.transpose %max3A_356, [1, 0] : vector<200x16xf32> -> vector<16x200xf32>
    %get3A_358 = arith.constant 10 : index
    %get3A_359 = arith.constant 0 : index
    %get3A_360 = arith.constant 0 : index
    %get3A_361 = vector.load %arg2[%get3A_358, %get3A_359, %get3A_360] : memref<32x200x128xf32, #tpu.memory_space<vmem>>, vector<1x200x128xf32>
    %get3A_362 = vector.shape_cast %get3A_361 : vector<1x200x128xf32> to vector<200x128xf32>
    %sub3A_363 = arith.subf %get3A_362, %get3A_1 : vector<200x128xf32>
    %dot_general3A_364 = arith.constant dense<0.000000e+00> : vector<200x16xf32>
    %dot_general3A_365 = tpu.matmul %sub3A_363, %get3A_4, %dot_general3A_364 {dimension_numbers = #tpu.dot_dimension_numbers<[1], [0], [0], [1], [0, 0, 1, 1], [], []>, transpose_lhs_hint = false} : vector<200x128xf32>, vector<128x16xf32>, vector<200x16xf32> -> vector<200x16xf32>
    %mul3A_366 = arith.mulf %sub3A_363, %sub3A_363 : vector<200x128xf32>
    %reduce_sum3A_367 = arith.constant dense<0.000000e+00> : vector<200xf32>
    %reduce_sum3A_368 = vector.multi_reduction <add>, %mul3A_366, %reduce_sum3A_367 [1] : vector<200x128xf32> to vector<200xf32>
    %broadcast_in_dim3A_369 = vector.shape_cast %reduce_sum3A_368 : vector<200xf32> to vector<200x1xf32>
    %mul3A_370 = arith.constant 2.000000e+00 : f32
    %mul3A_371 = vector.broadcast %mul3A_370 : f32 to vector<200x16xf32>
    %mul3A_372 = arith.mulf %mul3A_371, %dot_general3A_365 : vector<200x16xf32>
    %sub3A_373 = vector.broadcast %broadcast_in_dim3A_369 : vector<200x1xf32> to vector<200x16xf32>
    %sub3A_374 = arith.subf %sub3A_373, %mul3A_372 : vector<200x16xf32>
    %add3A_375 = vector.broadcast %get3A_7 : vector<1x16xf32> to vector<200x16xf32>
    %add3A_376 = arith.addf %sub3A_374, %add3A_375 : vector<200x16xf32>
    %max3A_377 = arith.constant 0.000000e+00 : f32
    %max3A_378 = vector.broadcast %max3A_377 : f32 to vector<200x16xf32>
    %max3A_379 = arith.maximumf %add3A_376, %max3A_378 : vector<200x16xf32>
    %add3A_380 = arith.constant 9.99999996E-13 : f32
    %add3A_381 = vector.broadcast %add3A_380 : f32 to vector<200x16xf32>
    %add3A_382 = arith.addf %max3A_379, %add3A_381 : vector<200x16xf32>
    %sqrt3A_383 = math.sqrt %add3A_382 : vector<200x16xf32>
    %div3A_384 = arith.constant 1.200000e+00 : f32
    %div3A_385 = vector.broadcast %div3A_384 : f32 to vector<200x16xf32>
    %div3A_386 = arith.divf %sqrt3A_383, %div3A_385 : vector<200x16xf32>
    %sub3A_387 = arith.constant 1.000000e+00 : f32
    %sub3A_388 = vector.broadcast %sub3A_387 : f32 to vector<200x16xf32>
    %sub3A_389 = arith.subf %sub3A_388, %div3A_386 : vector<200x16xf32>
    %max3A_390 = arith.constant 0.000000e+00 : f32
    %max3A_391 = vector.broadcast %max3A_390 : f32 to vector<200x16xf32>
    %max3A_392 = arith.maximumf %max3A_391, %sub3A_389 : vector<200x16xf32>
    %transpose3A_393 = tpu.transpose %max3A_392, [1, 0] : vector<200x16xf32> -> vector<16x200xf32>
    %get3A_394 = arith.constant 11 : index
    %get3A_395 = arith.constant 0 : index
    %get3A_396 = arith.constant 0 : index
    %get3A_397 = vector.load %arg2[%get3A_394, %get3A_395, %get3A_396] : memref<32x200x128xf32, #tpu.memory_space<vmem>>, vector<1x200x128xf32>
    %get3A_398 = vector.shape_cast %get3A_397 : vector<1x200x128xf32> to vector<200x128xf32>
    %sub3A_399 = arith.subf %get3A_398, %get3A_1 : vector<200x128xf32>
    %dot_general3A_400 = arith.constant dense<0.000000e+00> : vector<200x16xf32>
    %dot_general3A_401 = tpu.matmul %sub3A_399, %get3A_4, %dot_general3A_400 {dimension_numbers = #tpu.dot_dimension_numbers<[1], [0], [0], [1], [0, 0, 1, 1], [], []>, transpose_lhs_hint = false} : vector<200x128xf32>, vector<128x16xf32>, vector<200x16xf32> -> vector<200x16xf32>
    %mul3A_402 = arith.mulf %sub3A_399, %sub3A_399 : vector<200x128xf32>
    %reduce_sum3A_403 = arith.constant dense<0.000000e+00> : vector<200xf32>
    %reduce_sum3A_404 = vector.multi_reduction <add>, %mul3A_402, %reduce_sum3A_403 [1] : vector<200x128xf32> to vector<200xf32>
    %broadcast_in_dim3A_405 = vector.shape_cast %reduce_sum3A_404 : vector<200xf32> to vector<200x1xf32>
    %mul3A_406 = arith.constant 2.000000e+00 : f32
    %mul3A_407 = vector.broadcast %mul3A_406 : f32 to vector<200x16xf32>
    %mul3A_408 = arith.mulf %mul3A_407, %dot_general3A_401 : vector<200x16xf32>
    %sub3A_409 = vector.broadcast %broadcast_in_dim3A_405 : vector<200x1xf32> to vector<200x16xf32>
    %sub3A_410 = arith.subf %sub3A_409, %mul3A_408 : vector<200x16xf32>
    %add3A_411 = vector.broadcast %get3A_7 : vector<1x16xf32> to vector<200x16xf32>
    %add3A_412 = arith.addf %sub3A_410, %add3A_411 : vector<200x16xf32>
    %max3A_413 = arith.constant 0.000000e+00 : f32
    %max3A_414 = vector.broadcast %max3A_413 : f32 to vector<200x16xf32>
    %max3A_415 = arith.maximumf %add3A_412, %max3A_414 : vector<200x16xf32>
    %add3A_416 = arith.constant 9.99999996E-13 : f32
    %add3A_417 = vector.broadcast %add3A_416 : f32 to vector<200x16xf32>
    %add3A_418 = arith.addf %max3A_415, %add3A_417 : vector<200x16xf32>
    %sqrt3A_419 = math.sqrt %add3A_418 : vector<200x16xf32>
    %div3A_420 = arith.constant 1.200000e+00 : f32
    %div3A_421 = vector.broadcast %div3A_420 : f32 to vector<200x16xf32>
    %div3A_422 = arith.divf %sqrt3A_419, %div3A_421 : vector<200x16xf32>
    %sub3A_423 = arith.constant 1.000000e+00 : f32
    %sub3A_424 = vector.broadcast %sub3A_423 : f32 to vector<200x16xf32>
    %sub3A_425 = arith.subf %sub3A_424, %div3A_422 : vector<200x16xf32>
    %max3A_426 = arith.constant 0.000000e+00 : f32
    %max3A_427 = vector.broadcast %max3A_426 : f32 to vector<200x16xf32>
    %max3A_428 = arith.maximumf %max3A_427, %sub3A_425 : vector<200x16xf32>
    %transpose3A_429 = tpu.transpose %max3A_428, [1, 0] : vector<200x16xf32> -> vector<16x200xf32>
    %get3A_430 = arith.constant 12 : index
    %get3A_431 = arith.constant 0 : index
    %get3A_432 = arith.constant 0 : index
    %get3A_433 = vector.load %arg2[%get3A_430, %get3A_431, %get3A_432] : memref<32x200x128xf32, #tpu.memory_space<vmem>>, vector<1x200x128xf32>
    %get3A_434 = vector.shape_cast %get3A_433 : vector<1x200x128xf32> to vector<200x128xf32>
    %sub3A_435 = arith.subf %get3A_434, %get3A_1 : vector<200x128xf32>
    %dot_general3A_436 = arith.constant dense<0.000000e+00> : vector<200x16xf32>
    %dot_general3A_437 = tpu.matmul %sub3A_435, %get3A_4, %dot_general3A_436 {dimension_numbers = #tpu.dot_dimension_numbers<[1], [0], [0], [1], [0, 0, 1, 1], [], []>, transpose_lhs_hint = false} : vector<200x128xf32>, vector<128x16xf32>, vector<200x16xf32> -> vector<200x16xf32>
    %mul3A_438 = arith.mulf %sub3A_435, %sub3A_435 : vector<200x128xf32>
    %reduce_sum3A_439 = arith.constant dense<0.000000e+00> : vector<200xf32>
    %reduce_sum3A_440 = vector.multi_reduction <add>, %mul3A_438, %reduce_sum3A_439 [1] : vector<200x128xf32> to vector<200xf32>
    %broadcast_in_dim3A_441 = vector.shape_cast %reduce_sum3A_440 : vector<200xf32> to vector<200x1xf32>
    %mul3A_442 = arith.constant 2.000000e+00 : f32
    %mul3A_443 = vector.broadcast %mul3A_442 : f32 to vector<200x16xf32>
    %mul3A_444 = arith.mulf %mul3A_443, %dot_general3A_437 : vector<200x16xf32>
    %sub3A_445 = vector.broadcast %broadcast_in_dim3A_441 : vector<200x1xf32> to vector<200x16xf32>
    %sub3A_446 = arith.subf %sub3A_445, %mul3A_444 : vector<200x16xf32>
    %add3A_447 = vector.broadcast %get3A_7 : vector<1x16xf32> to vector<200x16xf32>
    %add3A_448 = arith.addf %sub3A_446, %add3A_447 : vector<200x16xf32>
    %max3A_449 = arith.constant 0.000000e+00 : f32
    %max3A_450 = vector.broadcast %max3A_449 : f32 to vector<200x16xf32>
    %max3A_451 = arith.maximumf %add3A_448, %max3A_450 : vector<200x16xf32>
    %add3A_452 = arith.constant 9.99999996E-13 : f32
    %add3A_453 = vector.broadcast %add3A_452 : f32 to vector<200x16xf32>
    %add3A_454 = arith.addf %max3A_451, %add3A_453 : vector<200x16xf32>
    %sqrt3A_455 = math.sqrt %add3A_454 : vector<200x16xf32>
    %div3A_456 = arith.constant 1.200000e+00 : f32
    %div3A_457 = vector.broadcast %div3A_456 : f32 to vector<200x16xf32>
    %div3A_458 = arith.divf %sqrt3A_455, %div3A_457 : vector<200x16xf32>
    %sub3A_459 = arith.constant 1.000000e+00 : f32
    %sub3A_460 = vector.broadcast %sub3A_459 : f32 to vector<200x16xf32>
    %sub3A_461 = arith.subf %sub3A_460, %div3A_458 : vector<200x16xf32>
    %max3A_462 = arith.constant 0.000000e+00 : f32
    %max3A_463 = vector.broadcast %max3A_462 : f32 to vector<200x16xf32>
    %max3A_464 = arith.maximumf %max3A_463, %sub3A_461 : vector<200x16xf32>
    %transpose3A_465 = tpu.transpose %max3A_464, [1, 0] : vector<200x16xf32> -> vector<16x200xf32>
    %get3A_466 = arith.constant 13 : index
    %get3A_467 = arith.constant 0 : index
    %get3A_468 = arith.constant 0 : index
    %get3A_469 = vector.load %arg2[%get3A_466, %get3A_467, %get3A_468] : memref<32x200x128xf32, #tpu.memory_space<vmem>>, vector<1x200x128xf32>
    %get3A_470 = vector.shape_cast %get3A_469 : vector<1x200x128xf32> to vector<200x128xf32>
    %sub3A_471 = arith.subf %get3A_470, %get3A_1 : vector<200x128xf32>
    %dot_general3A_472 = arith.constant dense<0.000000e+00> : vector<200x16xf32>
    %dot_general3A_473 = tpu.matmul %sub3A_471, %get3A_4, %dot_general3A_472 {dimension_numbers = #tpu.dot_dimension_numbers<[1], [0], [0], [1], [0, 0, 1, 1], [], []>, transpose_lhs_hint = false} : vector<200x128xf32>, vector<128x16xf32>, vector<200x16xf32> -> vector<200x16xf32>
    %mul3A_474 = arith.mulf %sub3A_471, %sub3A_471 : vector<200x128xf32>
    %reduce_sum3A_475 = arith.constant dense<0.000000e+00> : vector<200xf32>
    %reduce_sum3A_476 = vector.multi_reduction <add>, %mul3A_474, %reduce_sum3A_475 [1] : vector<200x128xf32> to vector<200xf32>
    %broadcast_in_dim3A_477 = vector.shape_cast %reduce_sum3A_476 : vector<200xf32> to vector<200x1xf32>
    %mul3A_478 = arith.constant 2.000000e+00 : f32
    %mul3A_479 = vector.broadcast %mul3A_478 : f32 to vector<200x16xf32>
    %mul3A_480 = arith.mulf %mul3A_479, %dot_general3A_473 : vector<200x16xf32>
    %sub3A_481 = vector.broadcast %broadcast_in_dim3A_477 : vector<200x1xf32> to vector<200x16xf32>
    %sub3A_482 = arith.subf %sub3A_481, %mul3A_480 : vector<200x16xf32>
    %add3A_483 = vector.broadcast %get3A_7 : vector<1x16xf32> to vector<200x16xf32>
    %add3A_484 = arith.addf %sub3A_482, %add3A_483 : vector<200x16xf32>
    %max3A_485 = arith.constant 0.000000e+00 : f32
    %max3A_486 = vector.broadcast %max3A_485 : f32 to vector<200x16xf32>
    %max3A_487 = arith.maximumf %add3A_484, %max3A_486 : vector<200x16xf32>
    %add3A_488 = arith.constant 9.99999996E-13 : f32
    %add3A_489 = vector.broadcast %add3A_488 : f32 to vector<200x16xf32>
    %add3A_490 = arith.addf %max3A_487, %add3A_489 : vector<200x16xf32>
    %sqrt3A_491 = math.sqrt %add3A_490 : vector<200x16xf32>
    %div3A_492 = arith.constant 1.200000e+00 : f32
    %div3A_493 = vector.broadcast %div3A_492 : f32 to vector<200x16xf32>
    %div3A_494 = arith.divf %sqrt3A_491, %div3A_493 : vector<200x16xf32>
    %sub3A_495 = arith.constant 1.000000e+00 : f32
    %sub3A_496 = vector.broadcast %sub3A_495 : f32 to vector<200x16xf32>
    %sub3A_497 = arith.subf %sub3A_496, %div3A_494 : vector<200x16xf32>
    %max3A_498 = arith.constant 0.000000e+00 : f32
    %max3A_499 = vector.broadcast %max3A_498 : f32 to vector<200x16xf32>
    %max3A_500 = arith.maximumf %max3A_499, %sub3A_497 : vector<200x16xf32>
    %transpose3A_501 = tpu.transpose %max3A_500, [1, 0] : vector<200x16xf32> -> vector<16x200xf32>
    %get3A_502 = arith.constant 14 : index
    %get3A_503 = arith.constant 0 : index
    %get3A_504 = arith.constant 0 : index
    %get3A_505 = vector.load %arg2[%get3A_502, %get3A_503, %get3A_504] : memref<32x200x128xf32, #tpu.memory_space<vmem>>, vector<1x200x128xf32>
    %get3A_506 = vector.shape_cast %get3A_505 : vector<1x200x128xf32> to vector<200x128xf32>
    %sub3A_507 = arith.subf %get3A_506, %get3A_1 : vector<200x128xf32>
    %dot_general3A_508 = arith.constant dense<0.000000e+00> : vector<200x16xf32>
    %dot_general3A_509 = tpu.matmul %sub3A_507, %get3A_4, %dot_general3A_508 {dimension_numbers = #tpu.dot_dimension_numbers<[1], [0], [0], [1], [0, 0, 1, 1], [], []>, transpose_lhs_hint = false} : vector<200x128xf32>, vector<128x16xf32>, vector<200x16xf32> -> vector<200x16xf32>
    %mul3A_510 = arith.mulf %sub3A_507, %sub3A_507 : vector<200x128xf32>
    %reduce_sum3A_511 = arith.constant dense<0.000000e+00> : vector<200xf32>
    %reduce_sum3A_512 = vector.multi_reduction <add>, %mul3A_510, %reduce_sum3A_511 [1] : vector<200x128xf32> to vector<200xf32>
    %broadcast_in_dim3A_513 = vector.shape_cast %reduce_sum3A_512 : vector<200xf32> to vector<200x1xf32>
    %mul3A_514 = arith.constant 2.000000e+00 : f32
    %mul3A_515 = vector.broadcast %mul3A_514 : f32 to vector<200x16xf32>
    %mul3A_516 = arith.mulf %mul3A_515, %dot_general3A_509 : vector<200x16xf32>
    %sub3A_517 = vector.broadcast %broadcast_in_dim3A_513 : vector<200x1xf32> to vector<200x16xf32>
    %sub3A_518 = arith.subf %sub3A_517, %mul3A_516 : vector<200x16xf32>
    %add3A_519 = vector.broadcast %get3A_7 : vector<1x16xf32> to vector<200x16xf32>
    %add3A_520 = arith.addf %sub3A_518, %add3A_519 : vector<200x16xf32>
    %max3A_521 = arith.constant 0.000000e+00 : f32
    %max3A_522 = vector.broadcast %max3A_521 : f32 to vector<200x16xf32>
    %max3A_523 = arith.maximumf %add3A_520, %max3A_522 : vector<200x16xf32>
    %add3A_524 = arith.constant 9.99999996E-13 : f32
    %add3A_525 = vector.broadcast %add3A_524 : f32 to vector<200x16xf32>
    %add3A_526 = arith.addf %max3A_523, %add3A_525 : vector<200x16xf32>
    %sqrt3A_527 = math.sqrt %add3A_526 : vector<200x16xf32>
    %div3A_528 = arith.constant 1.200000e+00 : f32
    %div3A_529 = vector.broadcast %div3A_528 : f32 to vector<200x16xf32>
    %div3A_530 = arith.divf %sqrt3A_527, %div3A_529 : vector<200x16xf32>
    %sub3A_531 = arith.constant 1.000000e+00 : f32
    %sub3A_532 = vector.broadcast %sub3A_531 : f32 to vector<200x16xf32>
    %sub3A_533 = arith.subf %sub3A_532, %div3A_530 : vector<200x16xf32>
    %max3A_534 = arith.constant 0.000000e+00 : f32
    %max3A_535 = vector.broadcast %max3A_534 : f32 to vector<200x16xf32>
    %max3A_536 = arith.maximumf %max3A_535, %sub3A_533 : vector<200x16xf32>
    %transpose3A_537 = tpu.transpose %max3A_536, [1, 0] : vector<200x16xf32> -> vector<16x200xf32>
    %get3A_538 = arith.constant 15 : index
    %get3A_539 = arith.constant 0 : index
    %get3A_540 = arith.constant 0 : index
    %get3A_541 = vector.load %arg2[%get3A_538, %get3A_539, %get3A_540] : memref<32x200x128xf32, #tpu.memory_space<vmem>>, vector<1x200x128xf32>
    %get3A_542 = vector.shape_cast %get3A_541 : vector<1x200x128xf32> to vector<200x128xf32>
    %sub3A_543 = arith.subf %get3A_542, %get3A_1 : vector<200x128xf32>
    %dot_general3A_544 = arith.constant dense<0.000000e+00> : vector<200x16xf32>
    %dot_general3A_545 = tpu.matmul %sub3A_543, %get3A_4, %dot_general3A_544 {dimension_numbers = #tpu.dot_dimension_numbers<[1], [0], [0], [1], [0, 0, 1, 1], [], []>, transpose_lhs_hint = false} : vector<200x128xf32>, vector<128x16xf32>, vector<200x16xf32> -> vector<200x16xf32>
    %mul3A_546 = arith.mulf %sub3A_543, %sub3A_543 : vector<200x128xf32>
    %reduce_sum3A_547 = arith.constant dense<0.000000e+00> : vector<200xf32>
    %reduce_sum3A_548 = vector.multi_reduction <add>, %mul3A_546, %reduce_sum3A_547 [1] : vector<200x128xf32> to vector<200xf32>
    %broadcast_in_dim3A_549 = vector.shape_cast %reduce_sum3A_548 : vector<200xf32> to vector<200x1xf32>
    %mul3A_550 = arith.constant 2.000000e+00 : f32
    %mul3A_551 = vector.broadcast %mul3A_550 : f32 to vector<200x16xf32>
    %mul3A_552 = arith.mulf %mul3A_551, %dot_general3A_545 : vector<200x16xf32>
    %sub3A_553 = vector.broadcast %broadcast_in_dim3A_549 : vector<200x1xf32> to vector<200x16xf32>
    %sub3A_554 = arith.subf %sub3A_553, %mul3A_552 : vector<200x16xf32>
    %add3A_555 = vector.broadcast %get3A_7 : vector<1x16xf32> to vector<200x16xf32>
    %add3A_556 = arith.addf %sub3A_554, %add3A_555 : vector<200x16xf32>
    %max3A_557 = arith.constant 0.000000e+00 : f32
    %max3A_558 = vector.broadcast %max3A_557 : f32 to vector<200x16xf32>
    %max3A_559 = arith.maximumf %add3A_556, %max3A_558 : vector<200x16xf32>
    %add3A_560 = arith.constant 9.99999996E-13 : f32
    %add3A_561 = vector.broadcast %add3A_560 : f32 to vector<200x16xf32>
    %add3A_562 = arith.addf %max3A_559, %add3A_561 : vector<200x16xf32>
    %sqrt3A_563 = math.sqrt %add3A_562 : vector<200x16xf32>
    %div3A_564 = arith.constant 1.200000e+00 : f32
    %div3A_565 = vector.broadcast %div3A_564 : f32 to vector<200x16xf32>
    %div3A_566 = arith.divf %sqrt3A_563, %div3A_565 : vector<200x16xf32>
    %sub3A_567 = arith.constant 1.000000e+00 : f32
    %sub3A_568 = vector.broadcast %sub3A_567 : f32 to vector<200x16xf32>
    %sub3A_569 = arith.subf %sub3A_568, %div3A_566 : vector<200x16xf32>
    %max3A_570 = arith.constant 0.000000e+00 : f32
    %max3A_571 = vector.broadcast %max3A_570 : f32 to vector<200x16xf32>
    %max3A_572 = arith.maximumf %max3A_571, %sub3A_569 : vector<200x16xf32>
    %transpose3A_573 = tpu.transpose %max3A_572, [1, 0] : vector<200x16xf32> -> vector<16x200xf32>
    %get3A_574 = arith.constant 16 : index
    %get3A_575 = arith.constant 0 : index
    %get3A_576 = arith.constant 0 : index
    %get3A_577 = vector.load %arg2[%get3A_574, %get3A_575, %get3A_576] : memref<32x200x128xf32, #tpu.memory_space<vmem>>, vector<1x200x128xf32>
    %get3A_578 = vector.shape_cast %get3A_577 : vector<1x200x128xf32> to vector<200x128xf32>
    %sub3A_579 = arith.subf %get3A_578, %get3A_1 : vector<200x128xf32>
    %dot_general3A_580 = arith.constant dense<0.000000e+00> : vector<200x16xf32>
    %dot_general3A_581 = tpu.matmul %sub3A_579, %get3A_4, %dot_general3A_580 {dimension_numbers = #tpu.dot_dimension_numbers<[1], [0], [0], [1], [0, 0, 1, 1], [], []>, transpose_lhs_hint = false} : vector<200x128xf32>, vector<128x16xf32>, vector<200x16xf32> -> vector<200x16xf32>
    %mul3A_582 = arith.mulf %sub3A_579, %sub3A_579 : vector<200x128xf32>
    %reduce_sum3A_583 = arith.constant dense<0.000000e+00> : vector<200xf32>
    %reduce_sum3A_584 = vector.multi_reduction <add>, %mul3A_582, %reduce_sum3A_583 [1] : vector<200x128xf32> to vector<200xf32>
    %broadcast_in_dim3A_585 = vector.shape_cast %reduce_sum3A_584 : vector<200xf32> to vector<200x1xf32>
    %mul3A_586 = arith.constant 2.000000e+00 : f32
    %mul3A_587 = vector.broadcast %mul3A_586 : f32 to vector<200x16xf32>
    %mul3A_588 = arith.mulf %mul3A_587, %dot_general3A_581 : vector<200x16xf32>
    %sub3A_589 = vector.broadcast %broadcast_in_dim3A_585 : vector<200x1xf32> to vector<200x16xf32>
    %sub3A_590 = arith.subf %sub3A_589, %mul3A_588 : vector<200x16xf32>
    %add3A_591 = vector.broadcast %get3A_7 : vector<1x16xf32> to vector<200x16xf32>
    %add3A_592 = arith.addf %sub3A_590, %add3A_591 : vector<200x16xf32>
    %max3A_593 = arith.constant 0.000000e+00 : f32
    %max3A_594 = vector.broadcast %max3A_593 : f32 to vector<200x16xf32>
    %max3A_595 = arith.maximumf %add3A_592, %max3A_594 : vector<200x16xf32>
    %add3A_596 = arith.constant 9.99999996E-13 : f32
    %add3A_597 = vector.broadcast %add3A_596 : f32 to vector<200x16xf32>
    %add3A_598 = arith.addf %max3A_595, %add3A_597 : vector<200x16xf32>
    %sqrt3A_599 = math.sqrt %add3A_598 : vector<200x16xf32>
    %div3A_600 = arith.constant 1.200000e+00 : f32
    %div3A_601 = vector.broadcast %div3A_600 : f32 to vector<200x16xf32>
    %div3A_602 = arith.divf %sqrt3A_599, %div3A_601 : vector<200x16xf32>
    %sub3A_603 = arith.constant 1.000000e+00 : f32
    %sub3A_604 = vector.broadcast %sub3A_603 : f32 to vector<200x16xf32>
    %sub3A_605 = arith.subf %sub3A_604, %div3A_602 : vector<200x16xf32>
    %max3A_606 = arith.constant 0.000000e+00 : f32
    %max3A_607 = vector.broadcast %max3A_606 : f32 to vector<200x16xf32>
    %max3A_608 = arith.maximumf %max3A_607, %sub3A_605 : vector<200x16xf32>
    %transpose3A_609 = tpu.transpose %max3A_608, [1, 0] : vector<200x16xf32> -> vector<16x200xf32>
    %get3A_610 = arith.constant 17 : index
    %get3A_611 = arith.constant 0 : index
    %get3A_612 = arith.constant 0 : index
    %get3A_613 = vector.load %arg2[%get3A_610, %get3A_611, %get3A_612] : memref<32x200x128xf32, #tpu.memory_space<vmem>>, vector<1x200x128xf32>
    %get3A_614 = vector.shape_cast %get3A_613 : vector<1x200x128xf32> to vector<200x128xf32>
    %sub3A_615 = arith.subf %get3A_614, %get3A_1 : vector<200x128xf32>
    %dot_general3A_616 = arith.constant dense<0.000000e+00> : vector<200x16xf32>
    %dot_general3A_617 = tpu.matmul %sub3A_615, %get3A_4, %dot_general3A_616 {dimension_numbers = #tpu.dot_dimension_numbers<[1], [0], [0], [1], [0, 0, 1, 1], [], []>, transpose_lhs_hint = false} : vector<200x128xf32>, vector<128x16xf32>, vector<200x16xf32> -> vector<200x16xf32>
    %mul3A_618 = arith.mulf %sub3A_615, %sub3A_615 : vector<200x128xf32>
    %reduce_sum3A_619 = arith.constant dense<0.000000e+00> : vector<200xf32>
    %reduce_sum3A_620 = vector.multi_reduction <add>, %mul3A_618, %reduce_sum3A_619 [1] : vector<200x128xf32> to vector<200xf32>
    %broadcast_in_dim3A_621 = vector.shape_cast %reduce_sum3A_620 : vector<200xf32> to vector<200x1xf32>
    %mul3A_622 = arith.constant 2.000000e+00 : f32
    %mul3A_623 = vector.broadcast %mul3A_622 : f32 to vector<200x16xf32>
    %mul3A_624 = arith.mulf %mul3A_623, %dot_general3A_617 : vector<200x16xf32>
    %sub3A_625 = vector.broadcast %broadcast_in_dim3A_621 : vector<200x1xf32> to vector<200x16xf32>
    %sub3A_626 = arith.subf %sub3A_625, %mul3A_624 : vector<200x16xf32>
    %add3A_627 = vector.broadcast %get3A_7 : vector<1x16xf32> to vector<200x16xf32>
    %add3A_628 = arith.addf %sub3A_626, %add3A_627 : vector<200x16xf32>
    %max3A_629 = arith.constant 0.000000e+00 : f32
    %max3A_630 = vector.broadcast %max3A_629 : f32 to vector<200x16xf32>
    %max3A_631 = arith.maximumf %add3A_628, %max3A_630 : vector<200x16xf32>
    %add3A_632 = arith.constant 9.99999996E-13 : f32
    %add3A_633 = vector.broadcast %add3A_632 : f32 to vector<200x16xf32>
    %add3A_634 = arith.addf %max3A_631, %add3A_633 : vector<200x16xf32>
    %sqrt3A_635 = math.sqrt %add3A_634 : vector<200x16xf32>
    %div3A_636 = arith.constant 1.200000e+00 : f32
    %div3A_637 = vector.broadcast %div3A_636 : f32 to vector<200x16xf32>
    %div3A_638 = arith.divf %sqrt3A_635, %div3A_637 : vector<200x16xf32>
    %sub3A_639 = arith.constant 1.000000e+00 : f32
    %sub3A_640 = vector.broadcast %sub3A_639 : f32 to vector<200x16xf32>
    %sub3A_641 = arith.subf %sub3A_640, %div3A_638 : vector<200x16xf32>
    %max3A_642 = arith.constant 0.000000e+00 : f32
    %max3A_643 = vector.broadcast %max3A_642 : f32 to vector<200x16xf32>
    %max3A_644 = arith.maximumf %max3A_643, %sub3A_641 : vector<200x16xf32>
    %transpose3A_645 = tpu.transpose %max3A_644, [1, 0] : vector<200x16xf32> -> vector<16x200xf32>
    %get3A_646 = arith.constant 18 : index
    %get3A_647 = arith.constant 0 : index
    %get3A_648 = arith.constant 0 : index
    %get3A_649 = vector.load %arg2[%get3A_646, %get3A_647, %get3A_648] : memref<32x200x128xf32, #tpu.memory_space<vmem>>, vector<1x200x128xf32>
    %get3A_650 = vector.shape_cast %get3A_649 : vector<1x200x128xf32> to vector<200x128xf32>
    %sub3A_651 = arith.subf %get3A_650, %get3A_1 : vector<200x128xf32>
    %dot_general3A_652 = arith.constant dense<0.000000e+00> : vector<200x16xf32>
    %dot_general3A_653 = tpu.matmul %sub3A_651, %get3A_4, %dot_general3A_652 {dimension_numbers = #tpu.dot_dimension_numbers<[1], [0], [0], [1], [0, 0, 1, 1], [], []>, transpose_lhs_hint = false} : vector<200x128xf32>, vector<128x16xf32>, vector<200x16xf32> -> vector<200x16xf32>
    %mul3A_654 = arith.mulf %sub3A_651, %sub3A_651 : vector<200x128xf32>
    %reduce_sum3A_655 = arith.constant dense<0.000000e+00> : vector<200xf32>
    %reduce_sum3A_656 = vector.multi_reduction <add>, %mul3A_654, %reduce_sum3A_655 [1] : vector<200x128xf32> to vector<200xf32>
    %broadcast_in_dim3A_657 = vector.shape_cast %reduce_sum3A_656 : vector<200xf32> to vector<200x1xf32>
    %mul3A_658 = arith.constant 2.000000e+00 : f32
    %mul3A_659 = vector.broadcast %mul3A_658 : f32 to vector<200x16xf32>
    %mul3A_660 = arith.mulf %mul3A_659, %dot_general3A_653 : vector<200x16xf32>
    %sub3A_661 = vector.broadcast %broadcast_in_dim3A_657 : vector<200x1xf32> to vector<200x16xf32>
    %sub3A_662 = arith.subf %sub3A_661, %mul3A_660 : vector<200x16xf32>
    %add3A_663 = vector.broadcast %get3A_7 : vector<1x16xf32> to vector<200x16xf32>
    %add3A_664 = arith.addf %sub3A_662, %add3A_663 : vector<200x16xf32>
    %max3A_665 = arith.constant 0.000000e+00 : f32
    %max3A_666 = vector.broadcast %max3A_665 : f32 to vector<200x16xf32>
    %max3A_667 = arith.maximumf %add3A_664, %max3A_666 : vector<200x16xf32>
    %add3A_668 = arith.constant 9.99999996E-13 : f32
    %add3A_669 = vector.broadcast %add3A_668 : f32 to vector<200x16xf32>
    %add3A_670 = arith.addf %max3A_667, %add3A_669 : vector<200x16xf32>
    %sqrt3A_671 = math.sqrt %add3A_670 : vector<200x16xf32>
    %div3A_672 = arith.constant 1.200000e+00 : f32
    %div3A_673 = vector.broadcast %div3A_672 : f32 to vector<200x16xf32>
    %div3A_674 = arith.divf %sqrt3A_671, %div3A_673 : vector<200x16xf32>
    %sub3A_675 = arith.constant 1.000000e+00 : f32
    %sub3A_676 = vector.broadcast %sub3A_675 : f32 to vector<200x16xf32>
    %sub3A_677 = arith.subf %sub3A_676, %div3A_674 : vector<200x16xf32>
    %max3A_678 = arith.constant 0.000000e+00 : f32
    %max3A_679 = vector.broadcast %max3A_678 : f32 to vector<200x16xf32>
    %max3A_680 = arith.maximumf %max3A_679, %sub3A_677 : vector<200x16xf32>
    %transpose3A_681 = tpu.transpose %max3A_680, [1, 0] : vector<200x16xf32> -> vector<16x200xf32>
    %get3A_682 = arith.constant 19 : index
    %get3A_683 = arith.constant 0 : index
    %get3A_684 = arith.constant 0 : index
    %get3A_685 = vector.load %arg2[%get3A_682, %get3A_683, %get3A_684] : memref<32x200x128xf32, #tpu.memory_space<vmem>>, vector<1x200x128xf32>
    %get3A_686 = vector.shape_cast %get3A_685 : vector<1x200x128xf32> to vector<200x128xf32>
    %sub3A_687 = arith.subf %get3A_686, %get3A_1 : vector<200x128xf32>
    %dot_general3A_688 = arith.constant dense<0.000000e+00> : vector<200x16xf32>
    %dot_general3A_689 = tpu.matmul %sub3A_687, %get3A_4, %dot_general3A_688 {dimension_numbers = #tpu.dot_dimension_numbers<[1], [0], [0], [1], [0, 0, 1, 1], [], []>, transpose_lhs_hint = false} : vector<200x128xf32>, vector<128x16xf32>, vector<200x16xf32> -> vector<200x16xf32>
    %mul3A_690 = arith.mulf %sub3A_687, %sub3A_687 : vector<200x128xf32>
    %reduce_sum3A_691 = arith.constant dense<0.000000e+00> : vector<200xf32>
    %reduce_sum3A_692 = vector.multi_reduction <add>, %mul3A_690, %reduce_sum3A_691 [1] : vector<200x128xf32> to vector<200xf32>
    %broadcast_in_dim3A_693 = vector.shape_cast %reduce_sum3A_692 : vector<200xf32> to vector<200x1xf32>
    %mul3A_694 = arith.constant 2.000000e+00 : f32
    %mul3A_695 = vector.broadcast %mul3A_694 : f32 to vector<200x16xf32>
    %mul3A_696 = arith.mulf %mul3A_695, %dot_general3A_689 : vector<200x16xf32>
    %sub3A_697 = vector.broadcast %broadcast_in_dim3A_693 : vector<200x1xf32> to vector<200x16xf32>
    %sub3A_698 = arith.subf %sub3A_697, %mul3A_696 : vector<200x16xf32>
    %add3A_699 = vector.broadcast %get3A_7 : vector<1x16xf32> to vector<200x16xf32>
    %add3A_700 = arith.addf %sub3A_698, %add3A_699 : vector<200x16xf32>
    %max3A_701 = arith.constant 0.000000e+00 : f32
    %max3A_702 = vector.broadcast %max3A_701 : f32 to vector<200x16xf32>
    %max3A_703 = arith.maximumf %add3A_700, %max3A_702 : vector<200x16xf32>
    %add3A_704 = arith.constant 9.99999996E-13 : f32
    %add3A_705 = vector.broadcast %add3A_704 : f32 to vector<200x16xf32>
    %add3A_706 = arith.addf %max3A_703, %add3A_705 : vector<200x16xf32>
    %sqrt3A_707 = math.sqrt %add3A_706 : vector<200x16xf32>
    %div3A_708 = arith.constant 1.200000e+00 : f32
    %div3A_709 = vector.broadcast %div3A_708 : f32 to vector<200x16xf32>
    %div3A_710 = arith.divf %sqrt3A_707, %div3A_709 : vector<200x16xf32>
    %sub3A_711 = arith.constant 1.000000e+00 : f32
    %sub3A_712 = vector.broadcast %sub3A_711 : f32 to vector<200x16xf32>
    %sub3A_713 = arith.subf %sub3A_712, %div3A_710 : vector<200x16xf32>
    %max3A_714 = arith.constant 0.000000e+00 : f32
    %max3A_715 = vector.broadcast %max3A_714 : f32 to vector<200x16xf32>
    %max3A_716 = arith.maximumf %max3A_715, %sub3A_713 : vector<200x16xf32>
    %transpose3A_717 = tpu.transpose %max3A_716, [1, 0] : vector<200x16xf32> -> vector<16x200xf32>
    %get3A_718 = arith.constant 20 : index
    %get3A_719 = arith.constant 0 : index
    %get3A_720 = arith.constant 0 : index
    %get3A_721 = vector.load %arg2[%get3A_718, %get3A_719, %get3A_720] : memref<32x200x128xf32, #tpu.memory_space<vmem>>, vector<1x200x128xf32>
    %get3A_722 = vector.shape_cast %get3A_721 : vector<1x200x128xf32> to vector<200x128xf32>
    %sub3A_723 = arith.subf %get3A_722, %get3A_1 : vector<200x128xf32>
    %dot_general3A_724 = arith.constant dense<0.000000e+00> : vector<200x16xf32>
    %dot_general3A_725 = tpu.matmul %sub3A_723, %get3A_4, %dot_general3A_724 {dimension_numbers = #tpu.dot_dimension_numbers<[1], [0], [0], [1], [0, 0, 1, 1], [], []>, transpose_lhs_hint = false} : vector<200x128xf32>, vector<128x16xf32>, vector<200x16xf32> -> vector<200x16xf32>
    %mul3A_726 = arith.mulf %sub3A_723, %sub3A_723 : vector<200x128xf32>
    %reduce_sum3A_727 = arith.constant dense<0.000000e+00> : vector<200xf32>
    %reduce_sum3A_728 = vector.multi_reduction <add>, %mul3A_726, %reduce_sum3A_727 [1] : vector<200x128xf32> to vector<200xf32>
    %broadcast_in_dim3A_729 = vector.shape_cast %reduce_sum3A_728 : vector<200xf32> to vector<200x1xf32>
    %mul3A_730 = arith.constant 2.000000e+00 : f32
    %mul3A_731 = vector.broadcast %mul3A_730 : f32 to vector<200x16xf32>
    %mul3A_732 = arith.mulf %mul3A_731, %dot_general3A_725 : vector<200x16xf32>
    %sub3A_733 = vector.broadcast %broadcast_in_dim3A_729 : vector<200x1xf32> to vector<200x16xf32>
    %sub3A_734 = arith.subf %sub3A_733, %mul3A_732 : vector<200x16xf32>
    %add3A_735 = vector.broadcast %get3A_7 : vector<1x16xf32> to vector<200x16xf32>
    %add3A_736 = arith.addf %sub3A_734, %add3A_735 : vector<200x16xf32>
    %max3A_737 = arith.constant 0.000000e+00 : f32
    %max3A_738 = vector.broadcast %max3A_737 : f32 to vector<200x16xf32>
    %max3A_739 = arith.maximumf %add3A_736, %max3A_738 : vector<200x16xf32>
    %add3A_740 = arith.constant 9.99999996E-13 : f32
    %add3A_741 = vector.broadcast %add3A_740 : f32 to vector<200x16xf32>
    %add3A_742 = arith.addf %max3A_739, %add3A_741 : vector<200x16xf32>
    %sqrt3A_743 = math.sqrt %add3A_742 : vector<200x16xf32>
    %div3A_744 = arith.constant 1.200000e+00 : f32
    %div3A_745 = vector.broadcast %div3A_744 : f32 to vector<200x16xf32>
    %div3A_746 = arith.divf %sqrt3A_743, %div3A_745 : vector<200x16xf32>
    %sub3A_747 = arith.constant 1.000000e+00 : f32
    %sub3A_748 = vector.broadcast %sub3A_747 : f32 to vector<200x16xf32>
    %sub3A_749 = arith.subf %sub3A_748, %div3A_746 : vector<200x16xf32>
    %max3A_750 = arith.constant 0.000000e+00 : f32
    %max3A_751 = vector.broadcast %max3A_750 : f32 to vector<200x16xf32>
    %max3A_752 = arith.maximumf %max3A_751, %sub3A_749 : vector<200x16xf32>
    %transpose3A_753 = tpu.transpose %max3A_752, [1, 0] : vector<200x16xf32> -> vector<16x200xf32>
    %get3A_754 = arith.constant 21 : index
    %get3A_755 = arith.constant 0 : index
    %get3A_756 = arith.constant 0 : index
    %get3A_757 = vector.load %arg2[%get3A_754, %get3A_755, %get3A_756] : memref<32x200x128xf32, #tpu.memory_space<vmem>>, vector<1x200x128xf32>
    %get3A_758 = vector.shape_cast %get3A_757 : vector<1x200x128xf32> to vector<200x128xf32>
    %sub3A_759 = arith.subf %get3A_758, %get3A_1 : vector<200x128xf32>
    %dot_general3A_760 = arith.constant dense<0.000000e+00> : vector<200x16xf32>
    %dot_general3A_761 = tpu.matmul %sub3A_759, %get3A_4, %dot_general3A_760 {dimension_numbers = #tpu.dot_dimension_numbers<[1], [0], [0], [1], [0, 0, 1, 1], [], []>, transpose_lhs_hint = false} : vector<200x128xf32>, vector<128x16xf32>, vector<200x16xf32> -> vector<200x16xf32>
    %mul3A_762 = arith.mulf %sub3A_759, %sub3A_759 : vector<200x128xf32>
    %reduce_sum3A_763 = arith.constant dense<0.000000e+00> : vector<200xf32>
    %reduce_sum3A_764 = vector.multi_reduction <add>, %mul3A_762, %reduce_sum3A_763 [1] : vector<200x128xf32> to vector<200xf32>
    %broadcast_in_dim3A_765 = vector.shape_cast %reduce_sum3A_764 : vector<200xf32> to vector<200x1xf32>
    %mul3A_766 = arith.constant 2.000000e+00 : f32
    %mul3A_767 = vector.broadcast %mul3A_766 : f32 to vector<200x16xf32>
    %mul3A_768 = arith.mulf %mul3A_767, %dot_general3A_761 : vector<200x16xf32>
    %sub3A_769 = vector.broadcast %broadcast_in_dim3A_765 : vector<200x1xf32> to vector<200x16xf32>
    %sub3A_770 = arith.subf %sub3A_769, %mul3A_768 : vector<200x16xf32>
    %add3A_771 = vector.broadcast %get3A_7 : vector<1x16xf32> to vector<200x16xf32>
    %add3A_772 = arith.addf %sub3A_770, %add3A_771 : vector<200x16xf32>
    %max3A_773 = arith.constant 0.000000e+00 : f32
    %max3A_774 = vector.broadcast %max3A_773 : f32 to vector<200x16xf32>
    %max3A_775 = arith.maximumf %add3A_772, %max3A_774 : vector<200x16xf32>
    %add3A_776 = arith.constant 9.99999996E-13 : f32
    %add3A_777 = vector.broadcast %add3A_776 : f32 to vector<200x16xf32>
    %add3A_778 = arith.addf %max3A_775, %add3A_777 : vector<200x16xf32>
    %sqrt3A_779 = math.sqrt %add3A_778 : vector<200x16xf32>
    %div3A_780 = arith.constant 1.200000e+00 : f32
    %div3A_781 = vector.broadcast %div3A_780 : f32 to vector<200x16xf32>
    %div3A_782 = arith.divf %sqrt3A_779, %div3A_781 : vector<200x16xf32>
    %sub3A_783 = arith.constant 1.000000e+00 : f32
    %sub3A_784 = vector.broadcast %sub3A_783 : f32 to vector<200x16xf32>
    %sub3A_785 = arith.subf %sub3A_784, %div3A_782 : vector<200x16xf32>
    %max3A_786 = arith.constant 0.000000e+00 : f32
    %max3A_787 = vector.broadcast %max3A_786 : f32 to vector<200x16xf32>
    %max3A_788 = arith.maximumf %max3A_787, %sub3A_785 : vector<200x16xf32>
    %transpose3A_789 = tpu.transpose %max3A_788, [1, 0] : vector<200x16xf32> -> vector<16x200xf32>
    %get3A_790 = arith.constant 22 : index
    %get3A_791 = arith.constant 0 : index
    %get3A_792 = arith.constant 0 : index
    %get3A_793 = vector.load %arg2[%get3A_790, %get3A_791, %get3A_792] : memref<32x200x128xf32, #tpu.memory_space<vmem>>, vector<1x200x128xf32>
    %get3A_794 = vector.shape_cast %get3A_793 : vector<1x200x128xf32> to vector<200x128xf32>
    %sub3A_795 = arith.subf %get3A_794, %get3A_1 : vector<200x128xf32>
    %dot_general3A_796 = arith.constant dense<0.000000e+00> : vector<200x16xf32>
    %dot_general3A_797 = tpu.matmul %sub3A_795, %get3A_4, %dot_general3A_796 {dimension_numbers = #tpu.dot_dimension_numbers<[1], [0], [0], [1], [0, 0, 1, 1], [], []>, transpose_lhs_hint = false} : vector<200x128xf32>, vector<128x16xf32>, vector<200x16xf32> -> vector<200x16xf32>
    %mul3A_798 = arith.mulf %sub3A_795, %sub3A_795 : vector<200x128xf32>
    %reduce_sum3A_799 = arith.constant dense<0.000000e+00> : vector<200xf32>
    %reduce_sum3A_800 = vector.multi_reduction <add>, %mul3A_798, %reduce_sum3A_799 [1] : vector<200x128xf32> to vector<200xf32>
    %broadcast_in_dim3A_801 = vector.shape_cast %reduce_sum3A_800 : vector<200xf32> to vector<200x1xf32>
    %mul3A_802 = arith.constant 2.000000e+00 : f32
    %mul3A_803 = vector.broadcast %mul3A_802 : f32 to vector<200x16xf32>
    %mul3A_804 = arith.mulf %mul3A_803, %dot_general3A_797 : vector<200x16xf32>
    %sub3A_805 = vector.broadcast %broadcast_in_dim3A_801 : vector<200x1xf32> to vector<200x16xf32>
    %sub3A_806 = arith.subf %sub3A_805, %mul3A_804 : vector<200x16xf32>
    %add3A_807 = vector.broadcast %get3A_7 : vector<1x16xf32> to vector<200x16xf32>
    %add3A_808 = arith.addf %sub3A_806, %add3A_807 : vector<200x16xf32>
    %max3A_809 = arith.constant 0.000000e+00 : f32
    %max3A_810 = vector.broadcast %max3A_809 : f32 to vector<200x16xf32>
    %max3A_811 = arith.maximumf %add3A_808, %max3A_810 : vector<200x16xf32>
    %add3A_812 = arith.constant 9.99999996E-13 : f32
    %add3A_813 = vector.broadcast %add3A_812 : f32 to vector<200x16xf32>
    %add3A_814 = arith.addf %max3A_811, %add3A_813 : vector<200x16xf32>
    %sqrt3A_815 = math.sqrt %add3A_814 : vector<200x16xf32>
    %div3A_816 = arith.constant 1.200000e+00 : f32
    %div3A_817 = vector.broadcast %div3A_816 : f32 to vector<200x16xf32>
    %div3A_818 = arith.divf %sqrt3A_815, %div3A_817 : vector<200x16xf32>
    %sub3A_819 = arith.constant 1.000000e+00 : f32
    %sub3A_820 = vector.broadcast %sub3A_819 : f32 to vector<200x16xf32>
    %sub3A_821 = arith.subf %sub3A_820, %div3A_818 : vector<200x16xf32>
    %max3A_822 = arith.constant 0.000000e+00 : f32
    %max3A_823 = vector.broadcast %max3A_822 : f32 to vector<200x16xf32>
    %max3A_824 = arith.maximumf %max3A_823, %sub3A_821 : vector<200x16xf32>
    %transpose3A_825 = tpu.transpose %max3A_824, [1, 0] : vector<200x16xf32> -> vector<16x200xf32>
    %get3A_826 = arith.constant 23 : index
    %get3A_827 = arith.constant 0 : index
    %get3A_828 = arith.constant 0 : index
    %get3A_829 = vector.load %arg2[%get3A_826, %get3A_827, %get3A_828] : memref<32x200x128xf32, #tpu.memory_space<vmem>>, vector<1x200x128xf32>
    %get3A_830 = vector.shape_cast %get3A_829 : vector<1x200x128xf32> to vector<200x128xf32>
    %sub3A_831 = arith.subf %get3A_830, %get3A_1 : vector<200x128xf32>
    %dot_general3A_832 = arith.constant dense<0.000000e+00> : vector<200x16xf32>
    %dot_general3A_833 = tpu.matmul %sub3A_831, %get3A_4, %dot_general3A_832 {dimension_numbers = #tpu.dot_dimension_numbers<[1], [0], [0], [1], [0, 0, 1, 1], [], []>, transpose_lhs_hint = false} : vector<200x128xf32>, vector<128x16xf32>, vector<200x16xf32> -> vector<200x16xf32>
    %mul3A_834 = arith.mulf %sub3A_831, %sub3A_831 : vector<200x128xf32>
    %reduce_sum3A_835 = arith.constant dense<0.000000e+00> : vector<200xf32>
    %reduce_sum3A_836 = vector.multi_reduction <add>, %mul3A_834, %reduce_sum3A_835 [1] : vector<200x128xf32> to vector<200xf32>
    %broadcast_in_dim3A_837 = vector.shape_cast %reduce_sum3A_836 : vector<200xf32> to vector<200x1xf32>
    %mul3A_838 = arith.constant 2.000000e+00 : f32
    %mul3A_839 = vector.broadcast %mul3A_838 : f32 to vector<200x16xf32>
    %mul3A_840 = arith.mulf %mul3A_839, %dot_general3A_833 : vector<200x16xf32>
    %sub3A_841 = vector.broadcast %broadcast_in_dim3A_837 : vector<200x1xf32> to vector<200x16xf32>
    %sub3A_842 = arith.subf %sub3A_841, %mul3A_840 : vector<200x16xf32>
    %add3A_843 = vector.broadcast %get3A_7 : vector<1x16xf32> to vector<200x16xf32>
    %add3A_844 = arith.addf %sub3A_842, %add3A_843 : vector<200x16xf32>
    %max3A_845 = arith.constant 0.000000e+00 : f32
    %max3A_846 = vector.broadcast %max3A_845 : f32 to vector<200x16xf32>
    %max3A_847 = arith.maximumf %add3A_844, %max3A_846 : vector<200x16xf32>
    %add3A_848 = arith.constant 9.99999996E-13 : f32
    %add3A_849 = vector.broadcast %add3A_848 : f32 to vector<200x16xf32>
    %add3A_850 = arith.addf %max3A_847, %add3A_849 : vector<200x16xf32>
    %sqrt3A_851 = math.sqrt %add3A_850 : vector<200x16xf32>
    %div3A_852 = arith.constant 1.200000e+00 : f32
    %div3A_853 = vector.broadcast %div3A_852 : f32 to vector<200x16xf32>
    %div3A_854 = arith.divf %sqrt3A_851, %div3A_853 : vector<200x16xf32>
    %sub3A_855 = arith.constant 1.000000e+00 : f32
    %sub3A_856 = vector.broadcast %sub3A_855 : f32 to vector<200x16xf32>
    %sub3A_857 = arith.subf %sub3A_856, %div3A_854 : vector<200x16xf32>
    %max3A_858 = arith.constant 0.000000e+00 : f32
    %max3A_859 = vector.broadcast %max3A_858 : f32 to vector<200x16xf32>
    %max3A_860 = arith.maximumf %max3A_859, %sub3A_857 : vector<200x16xf32>
    %transpose3A_861 = tpu.transpose %max3A_860, [1, 0] : vector<200x16xf32> -> vector<16x200xf32>
    %get3A_862 = arith.constant 24 : index
    %get3A_863 = arith.constant 0 : index
    %get3A_864 = arith.constant 0 : index
    %get3A_865 = vector.load %arg2[%get3A_862, %get3A_863, %get3A_864] : memref<32x200x128xf32, #tpu.memory_space<vmem>>, vector<1x200x128xf32>
    %get3A_866 = vector.shape_cast %get3A_865 : vector<1x200x128xf32> to vector<200x128xf32>
    %sub3A_867 = arith.subf %get3A_866, %get3A_1 : vector<200x128xf32>
    %dot_general3A_868 = arith.constant dense<0.000000e+00> : vector<200x16xf32>
    %dot_general3A_869 = tpu.matmul %sub3A_867, %get3A_4, %dot_general3A_868 {dimension_numbers = #tpu.dot_dimension_numbers<[1], [0], [0], [1], [0, 0, 1, 1], [], []>, transpose_lhs_hint = false} : vector<200x128xf32>, vector<128x16xf32>, vector<200x16xf32> -> vector<200x16xf32>
    %mul3A_870 = arith.mulf %sub3A_867, %sub3A_867 : vector<200x128xf32>
    %reduce_sum3A_871 = arith.constant dense<0.000000e+00> : vector<200xf32>
    %reduce_sum3A_872 = vector.multi_reduction <add>, %mul3A_870, %reduce_sum3A_871 [1] : vector<200x128xf32> to vector<200xf32>
    %broadcast_in_dim3A_873 = vector.shape_cast %reduce_sum3A_872 : vector<200xf32> to vector<200x1xf32>
    %mul3A_874 = arith.constant 2.000000e+00 : f32
    %mul3A_875 = vector.broadcast %mul3A_874 : f32 to vector<200x16xf32>
    %mul3A_876 = arith.mulf %mul3A_875, %dot_general3A_869 : vector<200x16xf32>
    %sub3A_877 = vector.broadcast %broadcast_in_dim3A_873 : vector<200x1xf32> to vector<200x16xf32>
    %sub3A_878 = arith.subf %sub3A_877, %mul3A_876 : vector<200x16xf32>
    %add3A_879 = vector.broadcast %get3A_7 : vector<1x16xf32> to vector<200x16xf32>
    %add3A_880 = arith.addf %sub3A_878, %add3A_879 : vector<200x16xf32>
    %max3A_881 = arith.constant 0.000000e+00 : f32
    %max3A_882 = vector.broadcast %max3A_881 : f32 to vector<200x16xf32>
    %max3A_883 = arith.maximumf %add3A_880, %max3A_882 : vector<200x16xf32>
    %add3A_884 = arith.constant 9.99999996E-13 : f32
    %add3A_885 = vector.broadcast %add3A_884 : f32 to vector<200x16xf32>
    %add3A_886 = arith.addf %max3A_883, %add3A_885 : vector<200x16xf32>
    %sqrt3A_887 = math.sqrt %add3A_886 : vector<200x16xf32>
    %div3A_888 = arith.constant 1.200000e+00 : f32
    %div3A_889 = vector.broadcast %div3A_888 : f32 to vector<200x16xf32>
    %div3A_890 = arith.divf %sqrt3A_887, %div3A_889 : vector<200x16xf32>
    %sub3A_891 = arith.constant 1.000000e+00 : f32
    %sub3A_892 = vector.broadcast %sub3A_891 : f32 to vector<200x16xf32>
    %sub3A_893 = arith.subf %sub3A_892, %div3A_890 : vector<200x16xf32>
    %max3A_894 = arith.constant 0.000000e+00 : f32
    %max3A_895 = vector.broadcast %max3A_894 : f32 to vector<200x16xf32>
    %max3A_896 = arith.maximumf %max3A_895, %sub3A_893 : vector<200x16xf32>
    %transpose3A_897 = tpu.transpose %max3A_896, [1, 0] : vector<200x16xf32> -> vector<16x200xf32>
    %get3A_898 = arith.constant 25 : index
    %get3A_899 = arith.constant 0 : index
    %get3A_900 = arith.constant 0 : index
    %get3A_901 = vector.load %arg2[%get3A_898, %get3A_899, %get3A_900] : memref<32x200x128xf32, #tpu.memory_space<vmem>>, vector<1x200x128xf32>
    %get3A_902 = vector.shape_cast %get3A_901 : vector<1x200x128xf32> to vector<200x128xf32>
    %sub3A_903 = arith.subf %get3A_902, %get3A_1 : vector<200x128xf32>
    %dot_general3A_904 = arith.constant dense<0.000000e+00> : vector<200x16xf32>
    %dot_general3A_905 = tpu.matmul %sub3A_903, %get3A_4, %dot_general3A_904 {dimension_numbers = #tpu.dot_dimension_numbers<[1], [0], [0], [1], [0, 0, 1, 1], [], []>, transpose_lhs_hint = false} : vector<200x128xf32>, vector<128x16xf32>, vector<200x16xf32> -> vector<200x16xf32>
    %mul3A_906 = arith.mulf %sub3A_903, %sub3A_903 : vector<200x128xf32>
    %reduce_sum3A_907 = arith.constant dense<0.000000e+00> : vector<200xf32>
    %reduce_sum3A_908 = vector.multi_reduction <add>, %mul3A_906, %reduce_sum3A_907 [1] : vector<200x128xf32> to vector<200xf32>
    %broadcast_in_dim3A_909 = vector.shape_cast %reduce_sum3A_908 : vector<200xf32> to vector<200x1xf32>
    %mul3A_910 = arith.constant 2.000000e+00 : f32
    %mul3A_911 = vector.broadcast %mul3A_910 : f32 to vector<200x16xf32>
    %mul3A_912 = arith.mulf %mul3A_911, %dot_general3A_905 : vector<200x16xf32>
    %sub3A_913 = vector.broadcast %broadcast_in_dim3A_909 : vector<200x1xf32> to vector<200x16xf32>
    %sub3A_914 = arith.subf %sub3A_913, %mul3A_912 : vector<200x16xf32>
    %add3A_915 = vector.broadcast %get3A_7 : vector<1x16xf32> to vector<200x16xf32>
    %add3A_916 = arith.addf %sub3A_914, %add3A_915 : vector<200x16xf32>
    %max3A_917 = arith.constant 0.000000e+00 : f32
    %max3A_918 = vector.broadcast %max3A_917 : f32 to vector<200x16xf32>
    %max3A_919 = arith.maximumf %add3A_916, %max3A_918 : vector<200x16xf32>
    %add3A_920 = arith.constant 9.99999996E-13 : f32
    %add3A_921 = vector.broadcast %add3A_920 : f32 to vector<200x16xf32>
    %add3A_922 = arith.addf %max3A_919, %add3A_921 : vector<200x16xf32>
    %sqrt3A_923 = math.sqrt %add3A_922 : vector<200x16xf32>
    %div3A_924 = arith.constant 1.200000e+00 : f32
    %div3A_925 = vector.broadcast %div3A_924 : f32 to vector<200x16xf32>
    %div3A_926 = arith.divf %sqrt3A_923, %div3A_925 : vector<200x16xf32>
    %sub3A_927 = arith.constant 1.000000e+00 : f32
    %sub3A_928 = vector.broadcast %sub3A_927 : f32 to vector<200x16xf32>
    %sub3A_929 = arith.subf %sub3A_928, %div3A_926 : vector<200x16xf32>
    %max3A_930 = arith.constant 0.000000e+00 : f32
    %max3A_931 = vector.broadcast %max3A_930 : f32 to vector<200x16xf32>
    %max3A_932 = arith.maximumf %max3A_931, %sub3A_929 : vector<200x16xf32>
    %transpose3A_933 = tpu.transpose %max3A_932, [1, 0] : vector<200x16xf32> -> vector<16x200xf32>
    %get3A_934 = arith.constant 26 : index
    %get3A_935 = arith.constant 0 : index
    %get3A_936 = arith.constant 0 : index
    %get3A_937 = vector.load %arg2[%get3A_934, %get3A_935, %get3A_936] : memref<32x200x128xf32, #tpu.memory_space<vmem>>, vector<1x200x128xf32>
    %get3A_938 = vector.shape_cast %get3A_937 : vector<1x200x128xf32> to vector<200x128xf32>
    %sub3A_939 = arith.subf %get3A_938, %get3A_1 : vector<200x128xf32>
    %dot_general3A_940 = arith.constant dense<0.000000e+00> : vector<200x16xf32>
    %dot_general3A_941 = tpu.matmul %sub3A_939, %get3A_4, %dot_general3A_940 {dimension_numbers = #tpu.dot_dimension_numbers<[1], [0], [0], [1], [0, 0, 1, 1], [], []>, transpose_lhs_hint = false} : vector<200x128xf32>, vector<128x16xf32>, vector<200x16xf32> -> vector<200x16xf32>
    %mul3A_942 = arith.mulf %sub3A_939, %sub3A_939 : vector<200x128xf32>
    %reduce_sum3A_943 = arith.constant dense<0.000000e+00> : vector<200xf32>
    %reduce_sum3A_944 = vector.multi_reduction <add>, %mul3A_942, %reduce_sum3A_943 [1] : vector<200x128xf32> to vector<200xf32>
    %broadcast_in_dim3A_945 = vector.shape_cast %reduce_sum3A_944 : vector<200xf32> to vector<200x1xf32>
    %mul3A_946 = arith.constant 2.000000e+00 : f32
    %mul3A_947 = vector.broadcast %mul3A_946 : f32 to vector<200x16xf32>
    %mul3A_948 = arith.mulf %mul3A_947, %dot_general3A_941 : vector<200x16xf32>
    %sub3A_949 = vector.broadcast %broadcast_in_dim3A_945 : vector<200x1xf32> to vector<200x16xf32>
    %sub3A_950 = arith.subf %sub3A_949, %mul3A_948 : vector<200x16xf32>
    %add3A_951 = vector.broadcast %get3A_7 : vector<1x16xf32> to vector<200x16xf32>
    %add3A_952 = arith.addf %sub3A_950, %add3A_951 : vector<200x16xf32>
    %max3A_953 = arith.constant 0.000000e+00 : f32
    %max3A_954 = vector.broadcast %max3A_953 : f32 to vector<200x16xf32>
    %max3A_955 = arith.maximumf %add3A_952, %max3A_954 : vector<200x16xf32>
    %add3A_956 = arith.constant 9.99999996E-13 : f32
    %add3A_957 = vector.broadcast %add3A_956 : f32 to vector<200x16xf32>
    %add3A_958 = arith.addf %max3A_955, %add3A_957 : vector<200x16xf32>
    %sqrt3A_959 = math.sqrt %add3A_958 : vector<200x16xf32>
    %div3A_960 = arith.constant 1.200000e+00 : f32
    %div3A_961 = vector.broadcast %div3A_960 : f32 to vector<200x16xf32>
    %div3A_962 = arith.divf %sqrt3A_959, %div3A_961 : vector<200x16xf32>
    %sub3A_963 = arith.constant 1.000000e+00 : f32
    %sub3A_964 = vector.broadcast %sub3A_963 : f32 to vector<200x16xf32>
    %sub3A_965 = arith.subf %sub3A_964, %div3A_962 : vector<200x16xf32>
    %max3A_966 = arith.constant 0.000000e+00 : f32
    %max3A_967 = vector.broadcast %max3A_966 : f32 to vector<200x16xf32>
    %max3A_968 = arith.maximumf %max3A_967, %sub3A_965 : vector<200x16xf32>
    %transpose3A_969 = tpu.transpose %max3A_968, [1, 0] : vector<200x16xf32> -> vector<16x200xf32>
    %get3A_970 = arith.constant 27 : index
    %get3A_971 = arith.constant 0 : index
    %get3A_972 = arith.constant 0 : index
    %get3A_973 = vector.load %arg2[%get3A_970, %get3A_971, %get3A_972] : memref<32x200x128xf32, #tpu.memory_space<vmem>>, vector<1x200x128xf32>
    %get3A_974 = vector.shape_cast %get3A_973 : vector<1x200x128xf32> to vector<200x128xf32>
    %sub3A_975 = arith.subf %get3A_974, %get3A_1 : vector<200x128xf32>
    %dot_general3A_976 = arith.constant dense<0.000000e+00> : vector<200x16xf32>
    %dot_general3A_977 = tpu.matmul %sub3A_975, %get3A_4, %dot_general3A_976 {dimension_numbers = #tpu.dot_dimension_numbers<[1], [0], [0], [1], [0, 0, 1, 1], [], []>, transpose_lhs_hint = false} : vector<200x128xf32>, vector<128x16xf32>, vector<200x16xf32> -> vector<200x16xf32>
    %mul3A_978 = arith.mulf %sub3A_975, %sub3A_975 : vector<200x128xf32>
    %reduce_sum3A_979 = arith.constant dense<0.000000e+00> : vector<200xf32>
    %reduce_sum3A_980 = vector.multi_reduction <add>, %mul3A_978, %reduce_sum3A_979 [1] : vector<200x128xf32> to vector<200xf32>
    %broadcast_in_dim3A_981 = vector.shape_cast %reduce_sum3A_980 : vector<200xf32> to vector<200x1xf32>
    %mul3A_982 = arith.constant 2.000000e+00 : f32
    %mul3A_983 = vector.broadcast %mul3A_982 : f32 to vector<200x16xf32>
    %mul3A_984 = arith.mulf %mul3A_983, %dot_general3A_977 : vector<200x16xf32>
    %sub3A_985 = vector.broadcast %broadcast_in_dim3A_981 : vector<200x1xf32> to vector<200x16xf32>
    %sub3A_986 = arith.subf %sub3A_985, %mul3A_984 : vector<200x16xf32>
    %add3A_987 = vector.broadcast %get3A_7 : vector<1x16xf32> to vector<200x16xf32>
    %add3A_988 = arith.addf %sub3A_986, %add3A_987 : vector<200x16xf32>
    %max3A_989 = arith.constant 0.000000e+00 : f32
    %max3A_990 = vector.broadcast %max3A_989 : f32 to vector<200x16xf32>
    %max3A_991 = arith.maximumf %add3A_988, %max3A_990 : vector<200x16xf32>
    %add3A_992 = arith.constant 9.99999996E-13 : f32
    %add3A_993 = vector.broadcast %add3A_992 : f32 to vector<200x16xf32>
    %add3A_994 = arith.addf %max3A_991, %add3A_993 : vector<200x16xf32>
    %sqrt3A_995 = math.sqrt %add3A_994 : vector<200x16xf32>
    %div3A_996 = arith.constant 1.200000e+00 : f32
    %div3A_997 = vector.broadcast %div3A_996 : f32 to vector<200x16xf32>
    %div3A_998 = arith.divf %sqrt3A_995, %div3A_997 : vector<200x16xf32>
    %sub3A_999 = arith.constant 1.000000e+00 : f32
    %sub3A_1000 = vector.broadcast %sub3A_999 : f32 to vector<200x16xf32>
    %sub3A_1001 = arith.subf %sub3A_1000, %div3A_998 : vector<200x16xf32>
    %max3A_1002 = arith.constant 0.000000e+00 : f32
    %max3A_1003 = vector.broadcast %max3A_1002 : f32 to vector<200x16xf32>
    %max3A_1004 = arith.maximumf %max3A_1003, %sub3A_1001 : vector<200x16xf32>
    %transpose3A_1005 = tpu.transpose %max3A_1004, [1, 0] : vector<200x16xf32> -> vector<16x200xf32>
    %get3A_1006 = arith.constant 28 : index
    %get3A_1007 = arith.constant 0 : index
    %get3A_1008 = arith.constant 0 : index
    %get3A_1009 = vector.load %arg2[%get3A_1006, %get3A_1007, %get3A_1008] : memref<32x200x128xf32, #tpu.memory_space<vmem>>, vector<1x200x128xf32>
    %get3A_1010 = vector.shape_cast %get3A_1009 : vector<1x200x128xf32> to vector<200x128xf32>
    %sub3A_1011 = arith.subf %get3A_1010, %get3A_1 : vector<200x128xf32>
    %dot_general3A_1012 = arith.constant dense<0.000000e+00> : vector<200x16xf32>
    %dot_general3A_1013 = tpu.matmul %sub3A_1011, %get3A_4, %dot_general3A_1012 {dimension_numbers = #tpu.dot_dimension_numbers<[1], [0], [0], [1], [0, 0, 1, 1], [], []>, transpose_lhs_hint = false} : vector<200x128xf32>, vector<128x16xf32>, vector<200x16xf32> -> vector<200x16xf32>
    %mul3A_1014 = arith.mulf %sub3A_1011, %sub3A_1011 : vector<200x128xf32>
    %reduce_sum3A_1015 = arith.constant dense<0.000000e+00> : vector<200xf32>
    %reduce_sum3A_1016 = vector.multi_reduction <add>, %mul3A_1014, %reduce_sum3A_1015 [1] : vector<200x128xf32> to vector<200xf32>
    %broadcast_in_dim3A_1017 = vector.shape_cast %reduce_sum3A_1016 : vector<200xf32> to vector<200x1xf32>
    %mul3A_1018 = arith.constant 2.000000e+00 : f32
    %mul3A_1019 = vector.broadcast %mul3A_1018 : f32 to vector<200x16xf32>
    %mul3A_1020 = arith.mulf %mul3A_1019, %dot_general3A_1013 : vector<200x16xf32>
    %sub3A_1021 = vector.broadcast %broadcast_in_dim3A_1017 : vector<200x1xf32> to vector<200x16xf32>
    %sub3A_1022 = arith.subf %sub3A_1021, %mul3A_1020 : vector<200x16xf32>
    %add3A_1023 = vector.broadcast %get3A_7 : vector<1x16xf32> to vector<200x16xf32>
    %add3A_1024 = arith.addf %sub3A_1022, %add3A_1023 : vector<200x16xf32>
    %max3A_1025 = arith.constant 0.000000e+00 : f32
    %max3A_1026 = vector.broadcast %max3A_1025 : f32 to vector<200x16xf32>
    %max3A_1027 = arith.maximumf %add3A_1024, %max3A_1026 : vector<200x16xf32>
    %add3A_1028 = arith.constant 9.99999996E-13 : f32
    %add3A_1029 = vector.broadcast %add3A_1028 : f32 to vector<200x16xf32>
    %add3A_1030 = arith.addf %max3A_1027, %add3A_1029 : vector<200x16xf32>
    %sqrt3A_1031 = math.sqrt %add3A_1030 : vector<200x16xf32>
    %div3A_1032 = arith.constant 1.200000e+00 : f32
    %div3A_1033 = vector.broadcast %div3A_1032 : f32 to vector<200x16xf32>
    %div3A_1034 = arith.divf %sqrt3A_1031, %div3A_1033 : vector<200x16xf32>
    %sub3A_1035 = arith.constant 1.000000e+00 : f32
    %sub3A_1036 = vector.broadcast %sub3A_1035 : f32 to vector<200x16xf32>
    %sub3A_1037 = arith.subf %sub3A_1036, %div3A_1034 : vector<200x16xf32>
    %max3A_1038 = arith.constant 0.000000e+00 : f32
    %max3A_1039 = vector.broadcast %max3A_1038 : f32 to vector<200x16xf32>
    %max3A_1040 = arith.maximumf %max3A_1039, %sub3A_1037 : vector<200x16xf32>
    %transpose3A_1041 = tpu.transpose %max3A_1040, [1, 0] : vector<200x16xf32> -> vector<16x200xf32>
    %get3A_1042 = arith.constant 29 : index
    %get3A_1043 = arith.constant 0 : index
    %get3A_1044 = arith.constant 0 : index
    %get3A_1045 = vector.load %arg2[%get3A_1042, %get3A_1043, %get3A_1044] : memref<32x200x128xf32, #tpu.memory_space<vmem>>, vector<1x200x128xf32>
    %get3A_1046 = vector.shape_cast %get3A_1045 : vector<1x200x128xf32> to vector<200x128xf32>
    %sub3A_1047 = arith.subf %get3A_1046, %get3A_1 : vector<200x128xf32>
    %dot_general3A_1048 = arith.constant dense<0.000000e+00> : vector<200x16xf32>
    %dot_general3A_1049 = tpu.matmul %sub3A_1047, %get3A_4, %dot_general3A_1048 {dimension_numbers = #tpu.dot_dimension_numbers<[1], [0], [0], [1], [0, 0, 1, 1], [], []>, transpose_lhs_hint = false} : vector<200x128xf32>, vector<128x16xf32>, vector<200x16xf32> -> vector<200x16xf32>
    %mul3A_1050 = arith.mulf %sub3A_1047, %sub3A_1047 : vector<200x128xf32>
    %reduce_sum3A_1051 = arith.constant dense<0.000000e+00> : vector<200xf32>
    %reduce_sum3A_1052 = vector.multi_reduction <add>, %mul3A_1050, %reduce_sum3A_1051 [1] : vector<200x128xf32> to vector<200xf32>
    %broadcast_in_dim3A_1053 = vector.shape_cast %reduce_sum3A_1052 : vector<200xf32> to vector<200x1xf32>
    %mul3A_1054 = arith.constant 2.000000e+00 : f32
    %mul3A_1055 = vector.broadcast %mul3A_1054 : f32 to vector<200x16xf32>
    %mul3A_1056 = arith.mulf %mul3A_1055, %dot_general3A_1049 : vector<200x16xf32>
    %sub3A_1057 = vector.broadcast %broadcast_in_dim3A_1053 : vector<200x1xf32> to vector<200x16xf32>
    %sub3A_1058 = arith.subf %sub3A_1057, %mul3A_1056 : vector<200x16xf32>
    %add3A_1059 = vector.broadcast %get3A_7 : vector<1x16xf32> to vector<200x16xf32>
    %add3A_1060 = arith.addf %sub3A_1058, %add3A_1059 : vector<200x16xf32>
    %max3A_1061 = arith.constant 0.000000e+00 : f32
    %max3A_1062 = vector.broadcast %max3A_1061 : f32 to vector<200x16xf32>
    %max3A_1063 = arith.maximumf %add3A_1060, %max3A_1062 : vector<200x16xf32>
    %add3A_1064 = arith.constant 9.99999996E-13 : f32
    %add3A_1065 = vector.broadcast %add3A_1064 : f32 to vector<200x16xf32>
    %add3A_1066 = arith.addf %max3A_1063, %add3A_1065 : vector<200x16xf32>
    %sqrt3A_1067 = math.sqrt %add3A_1066 : vector<200x16xf32>
    %div3A_1068 = arith.constant 1.200000e+00 : f32
    %div3A_1069 = vector.broadcast %div3A_1068 : f32 to vector<200x16xf32>
    %div3A_1070 = arith.divf %sqrt3A_1067, %div3A_1069 : vector<200x16xf32>
    %sub3A_1071 = arith.constant 1.000000e+00 : f32
    %sub3A_1072 = vector.broadcast %sub3A_1071 : f32 to vector<200x16xf32>
    %sub3A_1073 = arith.subf %sub3A_1072, %div3A_1070 : vector<200x16xf32>
    %max3A_1074 = arith.constant 0.000000e+00 : f32
    %max3A_1075 = vector.broadcast %max3A_1074 : f32 to vector<200x16xf32>
    %max3A_1076 = arith.maximumf %max3A_1075, %sub3A_1073 : vector<200x16xf32>
    %transpose3A_1077 = tpu.transpose %max3A_1076, [1, 0] : vector<200x16xf32> -> vector<16x200xf32>
    %get3A_1078 = arith.constant 30 : index
    %get3A_1079 = arith.constant 0 : index
    %get3A_1080 = arith.constant 0 : index
    %get3A_1081 = vector.load %arg2[%get3A_1078, %get3A_1079, %get3A_1080] : memref<32x200x128xf32, #tpu.memory_space<vmem>>, vector<1x200x128xf32>
    %get3A_1082 = vector.shape_cast %get3A_1081 : vector<1x200x128xf32> to vector<200x128xf32>
    %sub3A_1083 = arith.subf %get3A_1082, %get3A_1 : vector<200x128xf32>
    %dot_general3A_1084 = arith.constant dense<0.000000e+00> : vector<200x16xf32>
    %dot_general3A_1085 = tpu.matmul %sub3A_1083, %get3A_4, %dot_general3A_1084 {dimension_numbers = #tpu.dot_dimension_numbers<[1], [0], [0], [1], [0, 0, 1, 1], [], []>, transpose_lhs_hint = false} : vector<200x128xf32>, vector<128x16xf32>, vector<200x16xf32> -> vector<200x16xf32>
    %mul3A_1086 = arith.mulf %sub3A_1083, %sub3A_1083 : vector<200x128xf32>
    %reduce_sum3A_1087 = arith.constant dense<0.000000e+00> : vector<200xf32>
    %reduce_sum3A_1088 = vector.multi_reduction <add>, %mul3A_1086, %reduce_sum3A_1087 [1] : vector<200x128xf32> to vector<200xf32>
    %broadcast_in_dim3A_1089 = vector.shape_cast %reduce_sum3A_1088 : vector<200xf32> to vector<200x1xf32>
    %mul3A_1090 = arith.constant 2.000000e+00 : f32
    %mul3A_1091 = vector.broadcast %mul3A_1090 : f32 to vector<200x16xf32>
    %mul3A_1092 = arith.mulf %mul3A_1091, %dot_general3A_1085 : vector<200x16xf32>
    %sub3A_1093 = vector.broadcast %broadcast_in_dim3A_1089 : vector<200x1xf32> to vector<200x16xf32>
    %sub3A_1094 = arith.subf %sub3A_1093, %mul3A_1092 : vector<200x16xf32>
    %add3A_1095 = vector.broadcast %get3A_7 : vector<1x16xf32> to vector<200x16xf32>
    %add3A_1096 = arith.addf %sub3A_1094, %add3A_1095 : vector<200x16xf32>
    %max3A_1097 = arith.constant 0.000000e+00 : f32
    %max3A_1098 = vector.broadcast %max3A_1097 : f32 to vector<200x16xf32>
    %max3A_1099 = arith.maximumf %add3A_1096, %max3A_1098 : vector<200x16xf32>
    %add3A_1100 = arith.constant 9.99999996E-13 : f32
    %add3A_1101 = vector.broadcast %add3A_1100 : f32 to vector<200x16xf32>
    %add3A_1102 = arith.addf %max3A_1099, %add3A_1101 : vector<200x16xf32>
    %sqrt3A_1103 = math.sqrt %add3A_1102 : vector<200x16xf32>
    %div3A_1104 = arith.constant 1.200000e+00 : f32
    %div3A_1105 = vector.broadcast %div3A_1104 : f32 to vector<200x16xf32>
    %div3A_1106 = arith.divf %sqrt3A_1103, %div3A_1105 : vector<200x16xf32>
    %sub3A_1107 = arith.constant 1.000000e+00 : f32
    %sub3A_1108 = vector.broadcast %sub3A_1107 : f32 to vector<200x16xf32>
    %sub3A_1109 = arith.subf %sub3A_1108, %div3A_1106 : vector<200x16xf32>
    %max3A_1110 = arith.constant 0.000000e+00 : f32
    %max3A_1111 = vector.broadcast %max3A_1110 : f32 to vector<200x16xf32>
    %max3A_1112 = arith.maximumf %max3A_1111, %sub3A_1109 : vector<200x16xf32>
    %transpose3A_1113 = tpu.transpose %max3A_1112, [1, 0] : vector<200x16xf32> -> vector<16x200xf32>
    %get3A_1114 = arith.constant 31 : index
    %get3A_1115 = arith.constant 0 : index
    %get3A_1116 = arith.constant 0 : index
    %get3A_1117 = vector.load %arg2[%get3A_1114, %get3A_1115, %get3A_1116] : memref<32x200x128xf32, #tpu.memory_space<vmem>>, vector<1x200x128xf32>
    %get3A_1118 = vector.shape_cast %get3A_1117 : vector<1x200x128xf32> to vector<200x128xf32>
    %sub3A_1119 = arith.subf %get3A_1118, %get3A_1 : vector<200x128xf32>
    %dot_general3A_1120 = arith.constant dense<0.000000e+00> : vector<200x16xf32>
    %dot_general3A_1121 = tpu.matmul %sub3A_1119, %get3A_4, %dot_general3A_1120 {dimension_numbers = #tpu.dot_dimension_numbers<[1], [0], [0], [1], [0, 0, 1, 1], [], []>, transpose_lhs_hint = false} : vector<200x128xf32>, vector<128x16xf32>, vector<200x16xf32> -> vector<200x16xf32>
    %mul3A_1122 = arith.mulf %sub3A_1119, %sub3A_1119 : vector<200x128xf32>
    %reduce_sum3A_1123 = arith.constant dense<0.000000e+00> : vector<200xf32>
    %reduce_sum3A_1124 = vector.multi_reduction <add>, %mul3A_1122, %reduce_sum3A_1123 [1] : vector<200x128xf32> to vector<200xf32>
    %broadcast_in_dim3A_1125 = vector.shape_cast %reduce_sum3A_1124 : vector<200xf32> to vector<200x1xf32>
    %mul3A_1126 = arith.constant 2.000000e+00 : f32
    %mul3A_1127 = vector.broadcast %mul3A_1126 : f32 to vector<200x16xf32>
    %mul3A_1128 = arith.mulf %mul3A_1127, %dot_general3A_1121 : vector<200x16xf32>
    %sub3A_1129 = vector.broadcast %broadcast_in_dim3A_1125 : vector<200x1xf32> to vector<200x16xf32>
    %sub3A_1130 = arith.subf %sub3A_1129, %mul3A_1128 : vector<200x16xf32>
    %add3A_1131 = vector.broadcast %get3A_7 : vector<1x16xf32> to vector<200x16xf32>
    %add3A_1132 = arith.addf %sub3A_1130, %add3A_1131 : vector<200x16xf32>
    %max3A_1133 = arith.constant 0.000000e+00 : f32
    %max3A_1134 = vector.broadcast %max3A_1133 : f32 to vector<200x16xf32>
    %max3A_1135 = arith.maximumf %add3A_1132, %max3A_1134 : vector<200x16xf32>
    %add3A_1136 = arith.constant 9.99999996E-13 : f32
    %add3A_1137 = vector.broadcast %add3A_1136 : f32 to vector<200x16xf32>
    %add3A_1138 = arith.addf %max3A_1135, %add3A_1137 : vector<200x16xf32>
    %sqrt3A_1139 = math.sqrt %add3A_1138 : vector<200x16xf32>
    %div3A_1140 = arith.constant 1.200000e+00 : f32
    %div3A_1141 = vector.broadcast %div3A_1140 : f32 to vector<200x16xf32>
    %div3A_1142 = arith.divf %sqrt3A_1139, %div3A_1141 : vector<200x16xf32>
    %sub3A_1143 = arith.constant 1.000000e+00 : f32
    %sub3A_1144 = vector.broadcast %sub3A_1143 : f32 to vector<200x16xf32>
    %sub3A_1145 = arith.subf %sub3A_1144, %div3A_1142 : vector<200x16xf32>
    %max3A_1146 = arith.constant 0.000000e+00 : f32
    %max3A_1147 = vector.broadcast %max3A_1146 : f32 to vector<200x16xf32>
    %max3A_1148 = arith.maximumf %max3A_1147, %sub3A_1145 : vector<200x16xf32>
    %transpose3A_1149 = tpu.transpose %max3A_1148, [1, 0] : vector<200x16xf32> -> vector<16x200xf32>
    %get3A_1150 = arith.constant 0 : index
    %get3A_1151 = arith.constant 0 : index
    %get3A_1152 = arith.constant 0 : index
    %get3A_1153 = vector.load %arg1[%get3A_1150, %get3A_1151, %get3A_1152] : memref<32x200x128xf32, #tpu.memory_space<vmem>>, vector<1x200x128xf32>
    %get3A_1154 = vector.shape_cast %get3A_1153 : vector<1x200x128xf32> to vector<200x128xf32>
    %transpose3A_1155 = tpu.transpose %get3A_1154, [1, 0] : vector<200x128xf32> -> vector<128x200xf32>
    %get3A_1156 = arith.constant 1 : index
    %get3A_1157 = arith.constant 0 : index
    %get3A_1158 = arith.constant 0 : index
    %get3A_1159 = vector.load %arg1[%get3A_1156, %get3A_1157, %get3A_1158] : memref<32x200x128xf32, #tpu.memory_space<vmem>>, vector<1x200x128xf32>
    %get3A_1160 = vector.shape_cast %get3A_1159 : vector<1x200x128xf32> to vector<200x128xf32>
    %transpose3A_1161 = tpu.transpose %get3A_1160, [1, 0] : vector<200x128xf32> -> vector<128x200xf32>
    %get3A_1162 = arith.constant 2 : index
    %get3A_1163 = arith.constant 0 : index
    %get3A_1164 = arith.constant 0 : index
    %get3A_1165 = vector.load %arg1[%get3A_1162, %get3A_1163, %get3A_1164] : memref<32x200x128xf32, #tpu.memory_space<vmem>>, vector<1x200x128xf32>
    %get3A_1166 = vector.shape_cast %get3A_1165 : vector<1x200x128xf32> to vector<200x128xf32>
    %transpose3A_1167 = tpu.transpose %get3A_1166, [1, 0] : vector<200x128xf32> -> vector<128x200xf32>
    %get3A_1168 = arith.constant 3 : index
    %get3A_1169 = arith.constant 0 : index
    %get3A_1170 = arith.constant 0 : index
    %get3A_1171 = vector.load %arg1[%get3A_1168, %get3A_1169, %get3A_1170] : memref<32x200x128xf32, #tpu.memory_space<vmem>>, vector<1x200x128xf32>
    %get3A_1172 = vector.shape_cast %get3A_1171 : vector<1x200x128xf32> to vector<200x128xf32>
    %transpose3A_1173 = tpu.transpose %get3A_1172, [1, 0] : vector<200x128xf32> -> vector<128x200xf32>
    %get3A_1174 = arith.constant 4 : index
    %get3A_1175 = arith.constant 0 : index
    %get3A_1176 = arith.constant 0 : index
    %get3A_1177 = vector.load %arg1[%get3A_1174, %get3A_1175, %get3A_1176] : memref<32x200x128xf32, #tpu.memory_space<vmem>>, vector<1x200x128xf32>
    %get3A_1178 = vector.shape_cast %get3A_1177 : vector<1x200x128xf32> to vector<200x128xf32>
    %transpose3A_1179 = tpu.transpose %get3A_1178, [1, 0] : vector<200x128xf32> -> vector<128x200xf32>
    %get3A_1180 = arith.constant 5 : index
    %get3A_1181 = arith.constant 0 : index
    %get3A_1182 = arith.constant 0 : index
    %get3A_1183 = vector.load %arg1[%get3A_1180, %get3A_1181, %get3A_1182] : memref<32x200x128xf32, #tpu.memory_space<vmem>>, vector<1x200x128xf32>
    %get3A_1184 = vector.shape_cast %get3A_1183 : vector<1x200x128xf32> to vector<200x128xf32>
    %transpose3A_1185 = tpu.transpose %get3A_1184, [1, 0] : vector<200x128xf32> -> vector<128x200xf32>
    %get3A_1186 = arith.constant 6 : index
    %get3A_1187 = arith.constant 0 : index
    %get3A_1188 = arith.constant 0 : index
    %get3A_1189 = vector.load %arg1[%get3A_1186, %get3A_1187, %get3A_1188] : memref<32x200x128xf32, #tpu.memory_space<vmem>>, vector<1x200x128xf32>
    %get3A_1190 = vector.shape_cast %get3A_1189 : vector<1x200x128xf32> to vector<200x128xf32>
    %transpose3A_1191 = tpu.transpose %get3A_1190, [1, 0] : vector<200x128xf32> -> vector<128x200xf32>
    %get3A_1192 = arith.constant 7 : index
    %get3A_1193 = arith.constant 0 : index
    %get3A_1194 = arith.constant 0 : index
    %get3A_1195 = vector.load %arg1[%get3A_1192, %get3A_1193, %get3A_1194] : memref<32x200x128xf32, #tpu.memory_space<vmem>>, vector<1x200x128xf32>
    %get3A_1196 = vector.shape_cast %get3A_1195 : vector<1x200x128xf32> to vector<200x128xf32>
    %transpose3A_1197 = tpu.transpose %get3A_1196, [1, 0] : vector<200x128xf32> -> vector<128x200xf32>
    %get3A_1198 = arith.constant 8 : index
    %get3A_1199 = arith.constant 0 : index
    %get3A_1200 = arith.constant 0 : index
    %get3A_1201 = vector.load %arg1[%get3A_1198, %get3A_1199, %get3A_1200] : memref<32x200x128xf32, #tpu.memory_space<vmem>>, vector<1x200x128xf32>
    %get3A_1202 = vector.shape_cast %get3A_1201 : vector<1x200x128xf32> to vector<200x128xf32>
    %transpose3A_1203 = tpu.transpose %get3A_1202, [1, 0] : vector<200x128xf32> -> vector<128x200xf32>
    %get3A_1204 = arith.constant 9 : index
    %get3A_1205 = arith.constant 0 : index
    %get3A_1206 = arith.constant 0 : index
    %get3A_1207 = vector.load %arg1[%get3A_1204, %get3A_1205, %get3A_1206] : memref<32x200x128xf32, #tpu.memory_space<vmem>>, vector<1x200x128xf32>
    %get3A_1208 = vector.shape_cast %get3A_1207 : vector<1x200x128xf32> to vector<200x128xf32>
    %transpose3A_1209 = tpu.transpose %get3A_1208, [1, 0] : vector<200x128xf32> -> vector<128x200xf32>
    %get3A_1210 = arith.constant 10 : index
    %get3A_1211 = arith.constant 0 : index
    %get3A_1212 = arith.constant 0 : index
    %get3A_1213 = vector.load %arg1[%get3A_1210, %get3A_1211, %get3A_1212] : memref<32x200x128xf32, #tpu.memory_space<vmem>>, vector<1x200x128xf32>
    %get3A_1214 = vector.shape_cast %get3A_1213 : vector<1x200x128xf32> to vector<200x128xf32>
    %transpose3A_1215 = tpu.transpose %get3A_1214, [1, 0] : vector<200x128xf32> -> vector<128x200xf32>
    %get3A_1216 = arith.constant 11 : index
    %get3A_1217 = arith.constant 0 : index
    %get3A_1218 = arith.constant 0 : index
    %get3A_1219 = vector.load %arg1[%get3A_1216, %get3A_1217, %get3A_1218] : memref<32x200x128xf32, #tpu.memory_space<vmem>>, vector<1x200x128xf32>
    %get3A_1220 = vector.shape_cast %get3A_1219 : vector<1x200x128xf32> to vector<200x128xf32>
    %transpose3A_1221 = tpu.transpose %get3A_1220, [1, 0] : vector<200x128xf32> -> vector<128x200xf32>
    %get3A_1222 = arith.constant 12 : index
    %get3A_1223 = arith.constant 0 : index
    %get3A_1224 = arith.constant 0 : index
    %get3A_1225 = vector.load %arg1[%get3A_1222, %get3A_1223, %get3A_1224] : memref<32x200x128xf32, #tpu.memory_space<vmem>>, vector<1x200x128xf32>
    %get3A_1226 = vector.shape_cast %get3A_1225 : vector<1x200x128xf32> to vector<200x128xf32>
    %transpose3A_1227 = tpu.transpose %get3A_1226, [1, 0] : vector<200x128xf32> -> vector<128x200xf32>
    %get3A_1228 = arith.constant 13 : index
    %get3A_1229 = arith.constant 0 : index
    %get3A_1230 = arith.constant 0 : index
    %get3A_1231 = vector.load %arg1[%get3A_1228, %get3A_1229, %get3A_1230] : memref<32x200x128xf32, #tpu.memory_space<vmem>>, vector<1x200x128xf32>
    %get3A_1232 = vector.shape_cast %get3A_1231 : vector<1x200x128xf32> to vector<200x128xf32>
    %transpose3A_1233 = tpu.transpose %get3A_1232, [1, 0] : vector<200x128xf32> -> vector<128x200xf32>
    %get3A_1234 = arith.constant 14 : index
    %get3A_1235 = arith.constant 0 : index
    %get3A_1236 = arith.constant 0 : index
    %get3A_1237 = vector.load %arg1[%get3A_1234, %get3A_1235, %get3A_1236] : memref<32x200x128xf32, #tpu.memory_space<vmem>>, vector<1x200x128xf32>
    %get3A_1238 = vector.shape_cast %get3A_1237 : vector<1x200x128xf32> to vector<200x128xf32>
    %transpose3A_1239 = tpu.transpose %get3A_1238, [1, 0] : vector<200x128xf32> -> vector<128x200xf32>
    %get3A_1240 = arith.constant 15 : index
    %get3A_1241 = arith.constant 0 : index
    %get3A_1242 = arith.constant 0 : index
    %get3A_1243 = vector.load %arg1[%get3A_1240, %get3A_1241, %get3A_1242] : memref<32x200x128xf32, #tpu.memory_space<vmem>>, vector<1x200x128xf32>
    %get3A_1244 = vector.shape_cast %get3A_1243 : vector<1x200x128xf32> to vector<200x128xf32>
    %transpose3A_1245 = tpu.transpose %get3A_1244, [1, 0] : vector<200x128xf32> -> vector<128x200xf32>
    %get3A_1246 = arith.constant 16 : index
    %get3A_1247 = arith.constant 0 : index
    %get3A_1248 = arith.constant 0 : index
    %get3A_1249 = vector.load %arg1[%get3A_1246, %get3A_1247, %get3A_1248] : memref<32x200x128xf32, #tpu.memory_space<vmem>>, vector<1x200x128xf32>
    %get3A_1250 = vector.shape_cast %get3A_1249 : vector<1x200x128xf32> to vector<200x128xf32>
    %transpose3A_1251 = tpu.transpose %get3A_1250, [1, 0] : vector<200x128xf32> -> vector<128x200xf32>
    %get3A_1252 = arith.constant 17 : index
    %get3A_1253 = arith.constant 0 : index
    %get3A_1254 = arith.constant 0 : index
    %get3A_1255 = vector.load %arg1[%get3A_1252, %get3A_1253, %get3A_1254] : memref<32x200x128xf32, #tpu.memory_space<vmem>>, vector<1x200x128xf32>
    %get3A_1256 = vector.shape_cast %get3A_1255 : vector<1x200x128xf32> to vector<200x128xf32>
    %transpose3A_1257 = tpu.transpose %get3A_1256, [1, 0] : vector<200x128xf32> -> vector<128x200xf32>
    %get3A_1258 = arith.constant 18 : index
    %get3A_1259 = arith.constant 0 : index
    %get3A_1260 = arith.constant 0 : index
    %get3A_1261 = vector.load %arg1[%get3A_1258, %get3A_1259, %get3A_1260] : memref<32x200x128xf32, #tpu.memory_space<vmem>>, vector<1x200x128xf32>
    %get3A_1262 = vector.shape_cast %get3A_1261 : vector<1x200x128xf32> to vector<200x128xf32>
    %transpose3A_1263 = tpu.transpose %get3A_1262, [1, 0] : vector<200x128xf32> -> vector<128x200xf32>
    %get3A_1264 = arith.constant 19 : index
    %get3A_1265 = arith.constant 0 : index
    %get3A_1266 = arith.constant 0 : index
    %get3A_1267 = vector.load %arg1[%get3A_1264, %get3A_1265, %get3A_1266] : memref<32x200x128xf32, #tpu.memory_space<vmem>>, vector<1x200x128xf32>
    %get3A_1268 = vector.shape_cast %get3A_1267 : vector<1x200x128xf32> to vector<200x128xf32>
    %transpose3A_1269 = tpu.transpose %get3A_1268, [1, 0] : vector<200x128xf32> -> vector<128x200xf32>
    %get3A_1270 = arith.constant 20 : index
    %get3A_1271 = arith.constant 0 : index
    %get3A_1272 = arith.constant 0 : index
    %get3A_1273 = vector.load %arg1[%get3A_1270, %get3A_1271, %get3A_1272] : memref<32x200x128xf32, #tpu.memory_space<vmem>>, vector<1x200x128xf32>
    %get3A_1274 = vector.shape_cast %get3A_1273 : vector<1x200x128xf32> to vector<200x128xf32>
    %transpose3A_1275 = tpu.transpose %get3A_1274, [1, 0] : vector<200x128xf32> -> vector<128x200xf32>
    %get3A_1276 = arith.constant 21 : index
    %get3A_1277 = arith.constant 0 : index
    %get3A_1278 = arith.constant 0 : index
    %get3A_1279 = vector.load %arg1[%get3A_1276, %get3A_1277, %get3A_1278] : memref<32x200x128xf32, #tpu.memory_space<vmem>>, vector<1x200x128xf32>
    %get3A_1280 = vector.shape_cast %get3A_1279 : vector<1x200x128xf32> to vector<200x128xf32>
    %transpose3A_1281 = tpu.transpose %get3A_1280, [1, 0] : vector<200x128xf32> -> vector<128x200xf32>
    %get3A_1282 = arith.constant 22 : index
    %get3A_1283 = arith.constant 0 : index
    %get3A_1284 = arith.constant 0 : index
    %get3A_1285 = vector.load %arg1[%get3A_1282, %get3A_1283, %get3A_1284] : memref<32x200x128xf32, #tpu.memory_space<vmem>>, vector<1x200x128xf32>
    %get3A_1286 = vector.shape_cast %get3A_1285 : vector<1x200x128xf32> to vector<200x128xf32>
    %transpose3A_1287 = tpu.transpose %get3A_1286, [1, 0] : vector<200x128xf32> -> vector<128x200xf32>
    %get3A_1288 = arith.constant 23 : index
    %get3A_1289 = arith.constant 0 : index
    %get3A_1290 = arith.constant 0 : index
    %get3A_1291 = vector.load %arg1[%get3A_1288, %get3A_1289, %get3A_1290] : memref<32x200x128xf32, #tpu.memory_space<vmem>>, vector<1x200x128xf32>
    %get3A_1292 = vector.shape_cast %get3A_1291 : vector<1x200x128xf32> to vector<200x128xf32>
    %transpose3A_1293 = tpu.transpose %get3A_1292, [1, 0] : vector<200x128xf32> -> vector<128x200xf32>
    %get3A_1294 = arith.constant 24 : index
    %get3A_1295 = arith.constant 0 : index
    %get3A_1296 = arith.constant 0 : index
    %get3A_1297 = vector.load %arg1[%get3A_1294, %get3A_1295, %get3A_1296] : memref<32x200x128xf32, #tpu.memory_space<vmem>>, vector<1x200x128xf32>
    %get3A_1298 = vector.shape_cast %get3A_1297 : vector<1x200x128xf32> to vector<200x128xf32>
    %transpose3A_1299 = tpu.transpose %get3A_1298, [1, 0] : vector<200x128xf32> -> vector<128x200xf32>
    %get3A_1300 = arith.constant 25 : index
    %get3A_1301 = arith.constant 0 : index
    %get3A_1302 = arith.constant 0 : index
    %get3A_1303 = vector.load %arg1[%get3A_1300, %get3A_1301, %get3A_1302] : memref<32x200x128xf32, #tpu.memory_space<vmem>>, vector<1x200x128xf32>
    %get3A_1304 = vector.shape_cast %get3A_1303 : vector<1x200x128xf32> to vector<200x128xf32>
    %transpose3A_1305 = tpu.transpose %get3A_1304, [1, 0] : vector<200x128xf32> -> vector<128x200xf32>
    %get3A_1306 = arith.constant 26 : index
    %get3A_1307 = arith.constant 0 : index
    %get3A_1308 = arith.constant 0 : index
    %get3A_1309 = vector.load %arg1[%get3A_1306, %get3A_1307, %get3A_1308] : memref<32x200x128xf32, #tpu.memory_space<vmem>>, vector<1x200x128xf32>
    %get3A_1310 = vector.shape_cast %get3A_1309 : vector<1x200x128xf32> to vector<200x128xf32>
    %transpose3A_1311 = tpu.transpose %get3A_1310, [1, 0] : vector<200x128xf32> -> vector<128x200xf32>
    %get3A_1312 = arith.constant 27 : index
    %get3A_1313 = arith.constant 0 : index
    %get3A_1314 = arith.constant 0 : index
    %get3A_1315 = vector.load %arg1[%get3A_1312, %get3A_1313, %get3A_1314] : memref<32x200x128xf32, #tpu.memory_space<vmem>>, vector<1x200x128xf32>
    %get3A_1316 = vector.shape_cast %get3A_1315 : vector<1x200x128xf32> to vector<200x128xf32>
    %transpose3A_1317 = tpu.transpose %get3A_1316, [1, 0] : vector<200x128xf32> -> vector<128x200xf32>
    %get3A_1318 = arith.constant 28 : index
    %get3A_1319 = arith.constant 0 : index
    %get3A_1320 = arith.constant 0 : index
    %get3A_1321 = vector.load %arg1[%get3A_1318, %get3A_1319, %get3A_1320] : memref<32x200x128xf32, #tpu.memory_space<vmem>>, vector<1x200x128xf32>
    %get3A_1322 = vector.shape_cast %get3A_1321 : vector<1x200x128xf32> to vector<200x128xf32>
    %transpose3A_1323 = tpu.transpose %get3A_1322, [1, 0] : vector<200x128xf32> -> vector<128x200xf32>
    %get3A_1324 = arith.constant 29 : index
    %get3A_1325 = arith.constant 0 : index
    %get3A_1326 = arith.constant 0 : index
    %get3A_1327 = vector.load %arg1[%get3A_1324, %get3A_1325, %get3A_1326] : memref<32x200x128xf32, #tpu.memory_space<vmem>>, vector<1x200x128xf32>
    %get3A_1328 = vector.shape_cast %get3A_1327 : vector<1x200x128xf32> to vector<200x128xf32>
    %transpose3A_1329 = tpu.transpose %get3A_1328, [1, 0] : vector<200x128xf32> -> vector<128x200xf32>
    %get3A_1330 = arith.constant 30 : index
    %get3A_1331 = arith.constant 0 : index
    %get3A_1332 = arith.constant 0 : index
    %get3A_1333 = vector.load %arg1[%get3A_1330, %get3A_1331, %get3A_1332] : memref<32x200x128xf32, #tpu.memory_space<vmem>>, vector<1x200x128xf32>
    %get3A_1334 = vector.shape_cast %get3A_1333 : vector<1x200x128xf32> to vector<200x128xf32>
    %transpose3A_1335 = tpu.transpose %get3A_1334, [1, 0] : vector<200x128xf32> -> vector<128x200xf32>
    %get3A_1336 = arith.constant 31 : index
    %get3A_1337 = arith.constant 0 : index
    %get3A_1338 = arith.constant 0 : index
    %get3A_1339 = vector.load %arg1[%get3A_1336, %get3A_1337, %get3A_1338] : memref<32x200x128xf32, #tpu.memory_space<vmem>>, vector<1x200x128xf32>
    %get3A_1340 = vector.shape_cast %get3A_1339 : vector<1x200x128xf32> to vector<200x128xf32>
    %transpose3A_1341 = tpu.transpose %get3A_1340, [1, 0] : vector<200x128xf32> -> vector<128x200xf32>
    %slice3A = vector.extract_strided_slice %transpose3A {offsets = [0, 0], sizes = [1, 200], strides = [1, 1]} : vector<16x200xf32> to vector<1x200xf32>
    %mul3A_1342 = vector.broadcast %slice3A : vector<1x200xf32> to vector<128x200xf32>
    %mul3A_1343 = arith.mulf %mul3A_1342, %transpose3A_1155 : vector<128x200xf32>
    %slice3A_1344 = vector.extract_strided_slice %transpose3A_69 {offsets = [0, 0], sizes = [1, 200], strides = [1, 1]} : vector<16x200xf32> to vector<1x200xf32>
    %mul3A_1345 = vector.broadcast %slice3A_1344 : vector<1x200xf32> to vector<128x200xf32>
    %mul3A_1346 = arith.mulf %mul3A_1345, %transpose3A_1161 : vector<128x200xf32>
    %add3A_1347 = arith.addf %mul3A_1343, %mul3A_1346 : vector<128x200xf32>
    %slice3A_1348 = vector.extract_strided_slice %transpose3A_105 {offsets = [0, 0], sizes = [1, 200], strides = [1, 1]} : vector<16x200xf32> to vector<1x200xf32>
    %mul3A_1349 = vector.broadcast %slice3A_1348 : vector<1x200xf32> to vector<128x200xf32>
    %mul3A_1350 = arith.mulf %mul3A_1349, %transpose3A_1167 : vector<128x200xf32>
    %add3A_1351 = arith.addf %add3A_1347, %mul3A_1350 : vector<128x200xf32>
    %slice3A_1352 = vector.extract_strided_slice %transpose3A_141 {offsets = [0, 0], sizes = [1, 200], strides = [1, 1]} : vector<16x200xf32> to vector<1x200xf32>
    %mul3A_1353 = vector.broadcast %slice3A_1352 : vector<1x200xf32> to vector<128x200xf32>
    %mul3A_1354 = arith.mulf %mul3A_1353, %transpose3A_1173 : vector<128x200xf32>
    %add3A_1355 = arith.addf %add3A_1351, %mul3A_1354 : vector<128x200xf32>
    %slice3A_1356 = vector.extract_strided_slice %transpose3A_177 {offsets = [0, 0], sizes = [1, 200], strides = [1, 1]} : vector<16x200xf32> to vector<1x200xf32>
    %mul3A_1357 = vector.broadcast %slice3A_1356 : vector<1x200xf32> to vector<128x200xf32>
    %mul3A_1358 = arith.mulf %mul3A_1357, %transpose3A_1179 : vector<128x200xf32>
    %add3A_1359 = arith.addf %add3A_1355, %mul3A_1358 : vector<128x200xf32>
    %slice3A_1360 = vector.extract_strided_slice %transpose3A_213 {offsets = [0, 0], sizes = [1, 200], strides = [1, 1]} : vector<16x200xf32> to vector<1x200xf32>
    %mul3A_1361 = vector.broadcast %slice3A_1360 : vector<1x200xf32> to vector<128x200xf32>
    %mul3A_1362 = arith.mulf %mul3A_1361, %transpose3A_1185 : vector<128x200xf32>
    %add3A_1363 = arith.addf %add3A_1359, %mul3A_1362 : vector<128x200xf32>
    %slice3A_1364 = vector.extract_strided_slice %transpose3A_249 {offsets = [0, 0], sizes = [1, 200], strides = [1, 1]} : vector<16x200xf32> to vector<1x200xf32>
    %mul3A_1365 = vector.broadcast %slice3A_1364 : vector<1x200xf32> to vector<128x200xf32>
    %mul3A_1366 = arith.mulf %mul3A_1365, %transpose3A_1191 : vector<128x200xf32>
    %add3A_1367 = arith.addf %add3A_1363, %mul3A_1366 : vector<128x200xf32>
    %slice3A_1368 = vector.extract_strided_slice %transpose3A_285 {offsets = [0, 0], sizes = [1, 200], strides = [1, 1]} : vector<16x200xf32> to vector<1x200xf32>
    %mul3A_1369 = vector.broadcast %slice3A_1368 : vector<1x200xf32> to vector<128x200xf32>
    %mul3A_1370 = arith.mulf %mul3A_1369, %transpose3A_1197 : vector<128x200xf32>
    %add3A_1371 = arith.addf %add3A_1367, %mul3A_1370 : vector<128x200xf32>
    %slice3A_1372 = vector.extract_strided_slice %transpose3A_321 {offsets = [0, 0], sizes = [1, 200], strides = [1, 1]} : vector<16x200xf32> to vector<1x200xf32>
    %mul3A_1373 = vector.broadcast %slice3A_1372 : vector<1x200xf32> to vector<128x200xf32>
    %mul3A_1374 = arith.mulf %mul3A_1373, %transpose3A_1203 : vector<128x200xf32>
    %add3A_1375 = arith.addf %add3A_1371, %mul3A_1374 : vector<128x200xf32>
    %slice3A_1376 = vector.extract_strided_slice %transpose3A_357 {offsets = [0, 0], sizes = [1, 200], strides = [1, 1]} : vector<16x200xf32> to vector<1x200xf32>
    %mul3A_1377 = vector.broadcast %slice3A_1376 : vector<1x200xf32> to vector<128x200xf32>
    %mul3A_1378 = arith.mulf %mul3A_1377, %transpose3A_1209 : vector<128x200xf32>
    %add3A_1379 = arith.addf %add3A_1375, %mul3A_1378 : vector<128x200xf32>
    %slice3A_1380 = vector.extract_strided_slice %transpose3A_393 {offsets = [0, 0], sizes = [1, 200], strides = [1, 1]} : vector<16x200xf32> to vector<1x200xf32>
    %mul3A_1381 = vector.broadcast %slice3A_1380 : vector<1x200xf32> to vector<128x200xf32>
    %mul3A_1382 = arith.mulf %mul3A_1381, %transpose3A_1215 : vector<128x200xf32>
    %add3A_1383 = arith.addf %add3A_1379, %mul3A_1382 : vector<128x200xf32>
    %slice3A_1384 = vector.extract_strided_slice %transpose3A_429 {offsets = [0, 0], sizes = [1, 200], strides = [1, 1]} : vector<16x200xf32> to vector<1x200xf32>
    %mul3A_1385 = vector.broadcast %slice3A_1384 : vector<1x200xf32> to vector<128x200xf32>
    %mul3A_1386 = arith.mulf %mul3A_1385, %transpose3A_1221 : vector<128x200xf32>
    %add3A_1387 = arith.addf %add3A_1383, %mul3A_1386 : vector<128x200xf32>
    %slice3A_1388 = vector.extract_strided_slice %transpose3A_465 {offsets = [0, 0], sizes = [1, 200], strides = [1, 1]} : vector<16x200xf32> to vector<1x200xf32>
    %mul3A_1389 = vector.broadcast %slice3A_1388 : vector<1x200xf32> to vector<128x200xf32>
    %mul3A_1390 = arith.mulf %mul3A_1389, %transpose3A_1227 : vector<128x200xf32>
    %add3A_1391 = arith.addf %add3A_1387, %mul3A_1390 : vector<128x200xf32>
    %slice3A_1392 = vector.extract_strided_slice %transpose3A_501 {offsets = [0, 0], sizes = [1, 200], strides = [1, 1]} : vector<16x200xf32> to vector<1x200xf32>
    %mul3A_1393 = vector.broadcast %slice3A_1392 : vector<1x200xf32> to vector<128x200xf32>
    %mul3A_1394 = arith.mulf %mul3A_1393, %transpose3A_1233 : vector<128x200xf32>
    %add3A_1395 = arith.addf %add3A_1391, %mul3A_1394 : vector<128x200xf32>
    %slice3A_1396 = vector.extract_strided_slice %transpose3A_537 {offsets = [0, 0], sizes = [1, 200], strides = [1, 1]} : vector<16x200xf32> to vector<1x200xf32>
    %mul3A_1397 = vector.broadcast %slice3A_1396 : vector<1x200xf32> to vector<128x200xf32>
    %mul3A_1398 = arith.mulf %mul3A_1397, %transpose3A_1239 : vector<128x200xf32>
    %add3A_1399 = arith.addf %add3A_1395, %mul3A_1398 : vector<128x200xf32>
    %slice3A_1400 = vector.extract_strided_slice %transpose3A_573 {offsets = [0, 0], sizes = [1, 200], strides = [1, 1]} : vector<16x200xf32> to vector<1x200xf32>
    %mul3A_1401 = vector.broadcast %slice3A_1400 : vector<1x200xf32> to vector<128x200xf32>
    %mul3A_1402 = arith.mulf %mul3A_1401, %transpose3A_1245 : vector<128x200xf32>
    %add3A_1403 = arith.addf %add3A_1399, %mul3A_1402 : vector<128x200xf32>
    %slice3A_1404 = vector.extract_strided_slice %transpose3A_609 {offsets = [0, 0], sizes = [1, 200], strides = [1, 1]} : vector<16x200xf32> to vector<1x200xf32>
    %mul3A_1405 = vector.broadcast %slice3A_1404 : vector<1x200xf32> to vector<128x200xf32>
    %mul3A_1406 = arith.mulf %mul3A_1405, %transpose3A_1251 : vector<128x200xf32>
    %add3A_1407 = arith.addf %add3A_1403, %mul3A_1406 : vector<128x200xf32>
    %slice3A_1408 = vector.extract_strided_slice %transpose3A_645 {offsets = [0, 0], sizes = [1, 200], strides = [1, 1]} : vector<16x200xf32> to vector<1x200xf32>
    %mul3A_1409 = vector.broadcast %slice3A_1408 : vector<1x200xf32> to vector<128x200xf32>
    %mul3A_1410 = arith.mulf %mul3A_1409, %transpose3A_1257 : vector<128x200xf32>
    %add3A_1411 = arith.addf %add3A_1407, %mul3A_1410 : vector<128x200xf32>
    %slice3A_1412 = vector.extract_strided_slice %transpose3A_681 {offsets = [0, 0], sizes = [1, 200], strides = [1, 1]} : vector<16x200xf32> to vector<1x200xf32>
    %mul3A_1413 = vector.broadcast %slice3A_1412 : vector<1x200xf32> to vector<128x200xf32>
    %mul3A_1414 = arith.mulf %mul3A_1413, %transpose3A_1263 : vector<128x200xf32>
    %add3A_1415 = arith.addf %add3A_1411, %mul3A_1414 : vector<128x200xf32>
    %slice3A_1416 = vector.extract_strided_slice %transpose3A_717 {offsets = [0, 0], sizes = [1, 200], strides = [1, 1]} : vector<16x200xf32> to vector<1x200xf32>
    %mul3A_1417 = vector.broadcast %slice3A_1416 : vector<1x200xf32> to vector<128x200xf32>
    %mul3A_1418 = arith.mulf %mul3A_1417, %transpose3A_1269 : vector<128x200xf32>
    %add3A_1419 = arith.addf %add3A_1415, %mul3A_1418 : vector<128x200xf32>
    %slice3A_1420 = vector.extract_strided_slice %transpose3A_753 {offsets = [0, 0], sizes = [1, 200], strides = [1, 1]} : vector<16x200xf32> to vector<1x200xf32>
    %mul3A_1421 = vector.broadcast %slice3A_1420 : vector<1x200xf32> to vector<128x200xf32>
    %mul3A_1422 = arith.mulf %mul3A_1421, %transpose3A_1275 : vector<128x200xf32>
    %add3A_1423 = arith.addf %add3A_1419, %mul3A_1422 : vector<128x200xf32>
    %slice3A_1424 = vector.extract_strided_slice %transpose3A_789 {offsets = [0, 0], sizes = [1, 200], strides = [1, 1]} : vector<16x200xf32> to vector<1x200xf32>
    %mul3A_1425 = vector.broadcast %slice3A_1424 : vector<1x200xf32> to vector<128x200xf32>
    %mul3A_1426 = arith.mulf %mul3A_1425, %transpose3A_1281 : vector<128x200xf32>
    %add3A_1427 = arith.addf %add3A_1423, %mul3A_1426 : vector<128x200xf32>
    %slice3A_1428 = vector.extract_strided_slice %transpose3A_825 {offsets = [0, 0], sizes = [1, 200], strides = [1, 1]} : vector<16x200xf32> to vector<1x200xf32>
    %mul3A_1429 = vector.broadcast %slice3A_1428 : vector<1x200xf32> to vector<128x200xf32>
    %mul3A_1430 = arith.mulf %mul3A_1429, %transpose3A_1287 : vector<128x200xf32>
    %add3A_1431 = arith.addf %add3A_1427, %mul3A_1430 : vector<128x200xf32>
    %slice3A_1432 = vector.extract_strided_slice %transpose3A_861 {offsets = [0, 0], sizes = [1, 200], strides = [1, 1]} : vector<16x200xf32> to vector<1x200xf32>
    %mul3A_1433 = vector.broadcast %slice3A_1432 : vector<1x200xf32> to vector<128x200xf32>
    %mul3A_1434 = arith.mulf %mul3A_1433, %transpose3A_1293 : vector<128x200xf32>
    %add3A_1435 = arith.addf %add3A_1431, %mul3A_1434 : vector<128x200xf32>
    %slice3A_1436 = vector.extract_strided_slice %transpose3A_897 {offsets = [0, 0], sizes = [1, 200], strides = [1, 1]} : vector<16x200xf32> to vector<1x200xf32>
    %mul3A_1437 = vector.broadcast %slice3A_1436 : vector<1x200xf32> to vector<128x200xf32>
    %mul3A_1438 = arith.mulf %mul3A_1437, %transpose3A_1299 : vector<128x200xf32>
    %add3A_1439 = arith.addf %add3A_1435, %mul3A_1438 : vector<128x200xf32>
    %slice3A_1440 = vector.extract_strided_slice %transpose3A_933 {offsets = [0, 0], sizes = [1, 200], strides = [1, 1]} : vector<16x200xf32> to vector<1x200xf32>
    %mul3A_1441 = vector.broadcast %slice3A_1440 : vector<1x200xf32> to vector<128x200xf32>
    %mul3A_1442 = arith.mulf %mul3A_1441, %transpose3A_1305 : vector<128x200xf32>
    %add3A_1443 = arith.addf %add3A_1439, %mul3A_1442 : vector<128x200xf32>
    %slice3A_1444 = vector.extract_strided_slice %transpose3A_969 {offsets = [0, 0], sizes = [1, 200], strides = [1, 1]} : vector<16x200xf32> to vector<1x200xf32>
    %mul3A_1445 = vector.broadcast %slice3A_1444 : vector<1x200xf32> to vector<128x200xf32>
    %mul3A_1446 = arith.mulf %mul3A_1445, %transpose3A_1311 : vector<128x200xf32>
    %add3A_1447 = arith.addf %add3A_1443, %mul3A_1446 : vector<128x200xf32>
    %slice3A_1448 = vector.extract_strided_slice %transpose3A_1005 {offsets = [0, 0], sizes = [1, 200], strides = [1, 1]} : vector<16x200xf32> to vector<1x200xf32>
    %mul3A_1449 = vector.broadcast %slice3A_1448 : vector<1x200xf32> to vector<128x200xf32>
    %mul3A_1450 = arith.mulf %mul3A_1449, %transpose3A_1317 : vector<128x200xf32>
    %add3A_1451 = arith.addf %add3A_1447, %mul3A_1450 : vector<128x200xf32>
    %slice3A_1452 = vector.extract_strided_slice %transpose3A_1041 {offsets = [0, 0], sizes = [1, 200], strides = [1, 1]} : vector<16x200xf32> to vector<1x200xf32>
    %mul3A_1453 = vector.broadcast %slice3A_1452 : vector<1x200xf32> to vector<128x200xf32>
    %mul3A_1454 = arith.mulf %mul3A_1453, %transpose3A_1323 : vector<128x200xf32>
    %add3A_1455 = arith.addf %add3A_1451, %mul3A_1454 : vector<128x200xf32>
    %slice3A_1456 = vector.extract_strided_slice %transpose3A_1077 {offsets = [0, 0], sizes = [1, 200], strides = [1, 1]} : vector<16x200xf32> to vector<1x200xf32>
    %mul3A_1457 = vector.broadcast %slice3A_1456 : vector<1x200xf32> to vector<128x200xf32>
    %mul3A_1458 = arith.mulf %mul3A_1457, %transpose3A_1329 : vector<128x200xf32>
    %add3A_1459 = arith.addf %add3A_1455, %mul3A_1458 : vector<128x200xf32>
    %slice3A_1460 = vector.extract_strided_slice %transpose3A_1113 {offsets = [0, 0], sizes = [1, 200], strides = [1, 1]} : vector<16x200xf32> to vector<1x200xf32>
    %mul3A_1461 = vector.broadcast %slice3A_1460 : vector<1x200xf32> to vector<128x200xf32>
    %mul3A_1462 = arith.mulf %mul3A_1461, %transpose3A_1335 : vector<128x200xf32>
    %add3A_1463 = arith.addf %add3A_1459, %mul3A_1462 : vector<128x200xf32>
    %slice3A_1464 = vector.extract_strided_slice %transpose3A_1149 {offsets = [0, 0], sizes = [1, 200], strides = [1, 1]} : vector<16x200xf32> to vector<1x200xf32>
    %mul3A_1465 = vector.broadcast %slice3A_1464 : vector<1x200xf32> to vector<128x200xf32>
    %mul3A_1466 = arith.mulf %mul3A_1465, %transpose3A_1341 : vector<128x200xf32>
    %add3A_1467 = arith.addf %add3A_1463, %mul3A_1466 : vector<128x200xf32>
    %get3A_1468 = arith.constant 0 : index
    %get3A_1469 = arith.constant 0 : index
    %get3A_1470 = arith.constant 0 : index
    %get3A_1471 = vector.load %arg6[%get3A_1468, %get3A_1469, %get3A_1470] : memref<15x128x128xf32, #tpu.memory_space<vmem>>, vector<1x128x128xf32>
    %get3A_1472 = vector.shape_cast %get3A_1471 : vector<1x128x128xf32> to vector<128x128xf32>
    %dot_general3A_1473 = arith.constant dense<0.000000e+00> : vector<128x200xf32>
    %dot_general3A_1474 = tpu.matmul %get3A_1472, %add3A_1467, %dot_general3A_1473 {dimension_numbers = #tpu.dot_dimension_numbers<[0], [0], [1], [1], [0, 1, 1, 1], [], []>, transpose_lhs_hint = false} : vector<128x128xf32>, vector<128x200xf32>, vector<128x200xf32> -> vector<128x200xf32>
    %slice3A_1475 = vector.extract_strided_slice %transpose3A {offsets = [1, 0], sizes = [1, 200], strides = [1, 1]} : vector<16x200xf32> to vector<1x200xf32>
    %mul3A_1476 = vector.broadcast %slice3A_1475 : vector<1x200xf32> to vector<128x200xf32>
    %mul3A_1477 = arith.mulf %mul3A_1476, %transpose3A_1155 : vector<128x200xf32>
    %slice3A_1478 = vector.extract_strided_slice %transpose3A_69 {offsets = [1, 0], sizes = [1, 200], strides = [1, 1]} : vector<16x200xf32> to vector<1x200xf32>
    %mul3A_1479 = vector.broadcast %slice3A_1478 : vector<1x200xf32> to vector<128x200xf32>
    %mul3A_1480 = arith.mulf %mul3A_1479, %transpose3A_1161 : vector<128x200xf32>
    %add3A_1481 = arith.addf %mul3A_1477, %mul3A_1480 : vector<128x200xf32>
    %slice3A_1482 = vector.extract_strided_slice %transpose3A_105 {offsets = [1, 0], sizes = [1, 200], strides = [1, 1]} : vector<16x200xf32> to vector<1x200xf32>
    %mul3A_1483 = vector.broadcast %slice3A_1482 : vector<1x200xf32> to vector<128x200xf32>
    %mul3A_1484 = arith.mulf %mul3A_1483, %transpose3A_1167 : vector<128x200xf32>
    %add3A_1485 = arith.addf %add3A_1481, %mul3A_1484 : vector<128x200xf32>
    %slice3A_1486 = vector.extract_strided_slice %transpose3A_141 {offsets = [1, 0], sizes = [1, 200], strides = [1, 1]} : vector<16x200xf32> to vector<1x200xf32>
    %mul3A_1487 = vector.broadcast %slice3A_1486 : vector<1x200xf32> to vector<128x200xf32>
    %mul3A_1488 = arith.mulf %mul3A_1487, %transpose3A_1173 : vector<128x200xf32>
    %add3A_1489 = arith.addf %add3A_1485, %mul3A_1488 : vector<128x200xf32>
    %slice3A_1490 = vector.extract_strided_slice %transpose3A_177 {offsets = [1, 0], sizes = [1, 200], strides = [1, 1]} : vector<16x200xf32> to vector<1x200xf32>
    %mul3A_1491 = vector.broadcast %slice3A_1490 : vector<1x200xf32> to vector<128x200xf32>
    %mul3A_1492 = arith.mulf %mul3A_1491, %transpose3A_1179 : vector<128x200xf32>
    %add3A_1493 = arith.addf %add3A_1489, %mul3A_1492 : vector<128x200xf32>
    %slice3A_1494 = vector.extract_strided_slice %transpose3A_213 {offsets = [1, 0], sizes = [1, 200], strides = [1, 1]} : vector<16x200xf32> to vector<1x200xf32>
    %mul3A_1495 = vector.broadcast %slice3A_1494 : vector<1x200xf32> to vector<128x200xf32>
    %mul3A_1496 = arith.mulf %mul3A_1495, %transpose3A_1185 : vector<128x200xf32>
    %add3A_1497 = arith.addf %add3A_1493, %mul3A_1496 : vector<128x200xf32>
    %slice3A_1498 = vector.extract_strided_slice %transpose3A_249 {offsets = [1, 0], sizes = [1, 200], strides = [1, 1]} : vector<16x200xf32> to vector<1x200xf32>
    %mul3A_1499 = vector.broadcast %slice3A_1498 : vector<1x200xf32> to vector<128x200xf32>
    %mul3A_1500 = arith.mulf %mul3A_1499, %transpose3A_1191 : vector<128x200xf32>
    %add3A_1501 = arith.addf %add3A_1497, %mul3A_1500 : vector<128x200xf32>
    %slice3A_1502 = vector.extract_strided_slice %transpose3A_285 {offsets = [1, 0], sizes = [1, 200], strides = [1, 1]} : vector<16x200xf32> to vector<1x200xf32>
    %mul3A_1503 = vector.broadcast %slice3A_1502 : vector<1x200xf32> to vector<128x200xf32>
    %mul3A_1504 = arith.mulf %mul3A_1503, %transpose3A_1197 : vector<128x200xf32>
    %add3A_1505 = arith.addf %add3A_1501, %mul3A_1504 : vector<128x200xf32>
    %slice3A_1506 = vector.extract_strided_slice %transpose3A_321 {offsets = [1, 0], sizes = [1, 200], strides = [1, 1]} : vector<16x200xf32> to vector<1x200xf32>
    %mul3A_1507 = vector.broadcast %slice3A_1506 : vector<1x200xf32> to vector<128x200xf32>
    %mul3A_1508 = arith.mulf %mul3A_1507, %transpose3A_1203 : vector<128x200xf32>
    %add3A_1509 = arith.addf %add3A_1505, %mul3A_1508 : vector<128x200xf32>
    %slice3A_1510 = vector.extract_strided_slice %transpose3A_357 {offsets = [1, 0], sizes = [1, 200], strides = [1, 1]} : vector<16x200xf32> to vector<1x200xf32>
    %mul3A_1511 = vector.broadcast %slice3A_1510 : vector<1x200xf32> to vector<128x200xf32>
    %mul3A_1512 = arith.mulf %mul3A_1511, %transpose3A_1209 : vector<128x200xf32>
    %add3A_1513 = arith.addf %add3A_1509, %mul3A_1512 : vector<128x200xf32>
    %slice3A_1514 = vector.extract_strided_slice %transpose3A_393 {offsets = [1, 0], sizes = [1, 200], strides = [1, 1]} : vector<16x200xf32> to vector<1x200xf32>
    %mul3A_1515 = vector.broadcast %slice3A_1514 : vector<1x200xf32> to vector<128x200xf32>
    %mul3A_1516 = arith.mulf %mul3A_1515, %transpose3A_1215 : vector<128x200xf32>
    %add3A_1517 = arith.addf %add3A_1513, %mul3A_1516 : vector<128x200xf32>
    %slice3A_1518 = vector.extract_strided_slice %transpose3A_429 {offsets = [1, 0], sizes = [1, 200], strides = [1, 1]} : vector<16x200xf32> to vector<1x200xf32>
    %mul3A_1519 = vector.broadcast %slice3A_1518 : vector<1x200xf32> to vector<128x200xf32>
    %mul3A_1520 = arith.mulf %mul3A_1519, %transpose3A_1221 : vector<128x200xf32>
    %add3A_1521 = arith.addf %add3A_1517, %mul3A_1520 : vector<128x200xf32>
    %slice3A_1522 = vector.extract_strided_slice %transpose3A_465 {offsets = [1, 0], sizes = [1, 200], strides = [1, 1]} : vector<16x200xf32> to vector<1x200xf32>
    %mul3A_1523 = vector.broadcast %slice3A_1522 : vector<1x200xf32> to vector<128x200xf32>
    %mul3A_1524 = arith.mulf %mul3A_1523, %transpose3A_1227 : vector<128x200xf32>
    %add3A_1525 = arith.addf %add3A_1521, %mul3A_1524 : vector<128x200xf32>
    %slice3A_1526 = vector.extract_strided_slice %transpose3A_501 {offsets = [1, 0], sizes = [1, 200], strides = [1, 1]} : vector<16x200xf32> to vector<1x200xf32>
    %mul3A_1527 = vector.broadcast %slice3A_1526 : vector<1x200xf32> to vector<128x200xf32>
    %mul3A_1528 = arith.mulf %mul3A_1527, %transpose3A_1233 : vector<128x200xf32>
    %add3A_1529 = arith.addf %add3A_1525, %mul3A_1528 : vector<128x200xf32>
    %slice3A_1530 = vector.extract_strided_slice %transpose3A_537 {offsets = [1, 0], sizes = [1, 200], strides = [1, 1]} : vector<16x200xf32> to vector<1x200xf32>
    %mul3A_1531 = vector.broadcast %slice3A_1530 : vector<1x200xf32> to vector<128x200xf32>
    %mul3A_1532 = arith.mulf %mul3A_1531, %transpose3A_1239 : vector<128x200xf32>
    %add3A_1533 = arith.addf %add3A_1529, %mul3A_1532 : vector<128x200xf32>
    %slice3A_1534 = vector.extract_strided_slice %transpose3A_573 {offsets = [1, 0], sizes = [1, 200], strides = [1, 1]} : vector<16x200xf32> to vector<1x200xf32>
    %mul3A_1535 = vector.broadcast %slice3A_1534 : vector<1x200xf32> to vector<128x200xf32>
    %mul3A_1536 = arith.mulf %mul3A_1535, %transpose3A_1245 : vector<128x200xf32>
    %add3A_1537 = arith.addf %add3A_1533, %mul3A_1536 : vector<128x200xf32>
    %slice3A_1538 = vector.extract_strided_slice %transpose3A_609 {offsets = [1, 0], sizes = [1, 200], strides = [1, 1]} : vector<16x200xf32> to vector<1x200xf32>
    %mul3A_1539 = vector.broadcast %slice3A_1538 : vector<1x200xf32> to vector<128x200xf32>
    %mul3A_1540 = arith.mulf %mul3A_1539, %transpose3A_1251 : vector<128x200xf32>
    %add3A_1541 = arith.addf %add3A_1537, %mul3A_1540 : vector<128x200xf32>
    %slice3A_1542 = vector.extract_strided_slice %transpose3A_645 {offsets = [1, 0], sizes = [1, 200], strides = [1, 1]} : vector<16x200xf32> to vector<1x200xf32>
    %mul3A_1543 = vector.broadcast %slice3A_1542 : vector<1x200xf32> to vector<128x200xf32>
    %mul3A_1544 = arith.mulf %mul3A_1543, %transpose3A_1257 : vector<128x200xf32>
    %add3A_1545 = arith.addf %add3A_1541, %mul3A_1544 : vector<128x200xf32>
    %slice3A_1546 = vector.extract_strided_slice %transpose3A_681 {offsets = [1, 0], sizes = [1, 200], strides = [1, 1]} : vector<16x200xf32> to vector<1x200xf32>
    %mul3A_1547 = vector.broadcast %slice3A_1546 : vector<1x200xf32> to vector<128x200xf32>
    %mul3A_1548 = arith.mulf %mul3A_1547, %transpose3A_1263 : vector<128x200xf32>
    %add3A_1549 = arith.addf %add3A_1545, %mul3A_1548 : vector<128x200xf32>
    %slice3A_1550 = vector.extract_strided_slice %transpose3A_717 {offsets = [1, 0], sizes = [1, 200], strides = [1, 1]} : vector<16x200xf32> to vector<1x200xf32>
    %mul3A_1551 = vector.broadcast %slice3A_1550 : vector<1x200xf32> to vector<128x200xf32>
    %mul3A_1552 = arith.mulf %mul3A_1551, %transpose3A_1269 : vector<128x200xf32>
    %add3A_1553 = arith.addf %add3A_1549, %mul3A_1552 : vector<128x200xf32>
    %slice3A_1554 = vector.extract_strided_slice %transpose3A_753 {offsets = [1, 0], sizes = [1, 200], strides = [1, 1]} : vector<16x200xf32> to vector<1x200xf32>
    %mul3A_1555 = vector.broadcast %slice3A_1554 : vector<1x200xf32> to vector<128x200xf32>
    %mul3A_1556 = arith.mulf %mul3A_1555, %transpose3A_1275 : vector<128x200xf32>
    %add3A_1557 = arith.addf %add3A_1553, %mul3A_1556 : vector<128x200xf32>
    %slice3A_1558 = vector.extract_strided_slice %transpose3A_789 {offsets = [1, 0], sizes = [1, 200], strides = [1, 1]} : vector<16x200xf32> to vector<1x200xf32>
    %mul3A_1559 = vector.broadcast %slice3A_1558 : vector<1x200xf32> to vector<128x200xf32>
    %mul3A_1560 = arith.mulf %mul3A_1559, %transpose3A_1281 : vector<128x200xf32>
    %add3A_1561 = arith.addf %add3A_1557, %mul3A_1560 : vector<128x200xf32>
    %slice3A_1562 = vector.extract_strided_slice %transpose3A_825 {offsets = [1, 0], sizes = [1, 200], strides = [1, 1]} : vector<16x200xf32> to vector<1x200xf32>
    %mul3A_1563 = vector.broadcast %slice3A_1562 : vector<1x200xf32> to vector<128x200xf32>
    %mul3A_1564 = arith.mulf %mul3A_1563, %transpose3A_1287 : vector<128x200xf32>
    %add3A_1565 = arith.addf %add3A_1561, %mul3A_1564 : vector<128x200xf32>
    %slice3A_1566 = vector.extract_strided_slice %transpose3A_861 {offsets = [1, 0], sizes = [1, 200], strides = [1, 1]} : vector<16x200xf32> to vector<1x200xf32>
    %mul3A_1567 = vector.broadcast %slice3A_1566 : vector<1x200xf32> to vector<128x200xf32>
    %mul3A_1568 = arith.mulf %mul3A_1567, %transpose3A_1293 : vector<128x200xf32>
    %add3A_1569 = arith.addf %add3A_1565, %mul3A_1568 : vector<128x200xf32>
    %slice3A_1570 = vector.extract_strided_slice %transpose3A_897 {offsets = [1, 0], sizes = [1, 200], strides = [1, 1]} : vector<16x200xf32> to vector<1x200xf32>
    %mul3A_1571 = vector.broadcast %slice3A_1570 : vector<1x200xf32> to vector<128x200xf32>
    %mul3A_1572 = arith.mulf %mul3A_1571, %transpose3A_1299 : vector<128x200xf32>
    %add3A_1573 = arith.addf %add3A_1569, %mul3A_1572 : vector<128x200xf32>
    %slice3A_1574 = vector.extract_strided_slice %transpose3A_933 {offsets = [1, 0], sizes = [1, 200], strides = [1, 1]} : vector<16x200xf32> to vector<1x200xf32>
    %mul3A_1575 = vector.broadcast %slice3A_1574 : vector<1x200xf32> to vector<128x200xf32>
    %mul3A_1576 = arith.mulf %mul3A_1575, %transpose3A_1305 : vector<128x200xf32>
    %add3A_1577 = arith.addf %add3A_1573, %mul3A_1576 : vector<128x200xf32>
    %slice3A_1578 = vector.extract_strided_slice %transpose3A_969 {offsets = [1, 0], sizes = [1, 200], strides = [1, 1]} : vector<16x200xf32> to vector<1x200xf32>
    %mul3A_1579 = vector.broadcast %slice3A_1578 : vector<1x200xf32> to vector<128x200xf32>
    %mul3A_1580 = arith.mulf %mul3A_1579, %transpose3A_1311 : vector<128x200xf32>
    %add3A_1581 = arith.addf %add3A_1577, %mul3A_1580 : vector<128x200xf32>
    %slice3A_1582 = vector.extract_strided_slice %transpose3A_1005 {offsets = [1, 0], sizes = [1, 200], strides = [1, 1]} : vector<16x200xf32> to vector<1x200xf32>
    %mul3A_1583 = vector.broadcast %slice3A_1582 : vector<1x200xf32> to vector<128x200xf32>
    %mul3A_1584 = arith.mulf %mul3A_1583, %transpose3A_1317 : vector<128x200xf32>
    %add3A_1585 = arith.addf %add3A_1581, %mul3A_1584 : vector<128x200xf32>
    %slice3A_1586 = vector.extract_strided_slice %transpose3A_1041 {offsets = [1, 0], sizes = [1, 200], strides = [1, 1]} : vector<16x200xf32> to vector<1x200xf32>
    %mul3A_1587 = vector.broadcast %slice3A_1586 : vector<1x200xf32> to vector<128x200xf32>
    %mul3A_1588 = arith.mulf %mul3A_1587, %transpose3A_1323 : vector<128x200xf32>
    %add3A_1589 = arith.addf %add3A_1585, %mul3A_1588 : vector<128x200xf32>
    %slice3A_1590 = vector.extract_strided_slice %transpose3A_1077 {offsets = [1, 0], sizes = [1, 200], strides = [1, 1]} : vector<16x200xf32> to vector<1x200xf32>
    %mul3A_1591 = vector.broadcast %slice3A_1590 : vector<1x200xf32> to vector<128x200xf32>
    %mul3A_1592 = arith.mulf %mul3A_1591, %transpose3A_1329 : vector<128x200xf32>
    %add3A_1593 = arith.addf %add3A_1589, %mul3A_1592 : vector<128x200xf32>
    %slice3A_1594 = vector.extract_strided_slice %transpose3A_1113 {offsets = [1, 0], sizes = [1, 200], strides = [1, 1]} : vector<16x200xf32> to vector<1x200xf32>
    %mul3A_1595 = vector.broadcast %slice3A_1594 : vector<1x200xf32> to vector<128x200xf32>
    %mul3A_1596 = arith.mulf %mul3A_1595, %transpose3A_1335 : vector<128x200xf32>
    %add3A_1597 = arith.addf %add3A_1593, %mul3A_1596 : vector<128x200xf32>
    %slice3A_1598 = vector.extract_strided_slice %transpose3A_1149 {offsets = [1, 0], sizes = [1, 200], strides = [1, 1]} : vector<16x200xf32> to vector<1x200xf32>
    %mul3A_1599 = vector.broadcast %slice3A_1598 : vector<1x200xf32> to vector<128x200xf32>
    %mul3A_1600 = arith.mulf %mul3A_1599, %transpose3A_1341 : vector<128x200xf32>
    %add3A_1601 = arith.addf %add3A_1597, %mul3A_1600 : vector<128x200xf32>
    %get3A_1602 = arith.constant 1 : index
    %get3A_1603 = arith.constant 0 : index
    %get3A_1604 = arith.constant 0 : index
    %get3A_1605 = vector.load %arg6[%get3A_1602, %get3A_1603, %get3A_1604] : memref<15x128x128xf32, #tpu.memory_space<vmem>>, vector<1x128x128xf32>
    %get3A_1606 = vector.shape_cast %get3A_1605 : vector<1x128x128xf32> to vector<128x128xf32>
    %dot_general3A_1607 = arith.constant dense<0.000000e+00> : vector<128x200xf32>
    %dot_general3A_1608 = tpu.matmul %get3A_1606, %add3A_1601, %dot_general3A_1607 {dimension_numbers = #tpu.dot_dimension_numbers<[0], [0], [1], [1], [0, 1, 1, 1], [], []>, transpose_lhs_hint = false} : vector<128x128xf32>, vector<128x200xf32>, vector<128x200xf32> -> vector<128x200xf32>
    %add3A_1609 = arith.addf %dot_general3A_1474, %dot_general3A_1608 : vector<128x200xf32>
    %slice3A_1610 = vector.extract_strided_slice %transpose3A {offsets = [2, 0], sizes = [1, 200], strides = [1, 1]} : vector<16x200xf32> to vector<1x200xf32>
    %mul3A_1611 = vector.broadcast %slice3A_1610 : vector<1x200xf32> to vector<128x200xf32>
    %mul3A_1612 = arith.mulf %mul3A_1611, %transpose3A_1155 : vector<128x200xf32>
    %slice3A_1613 = vector.extract_strided_slice %transpose3A_69 {offsets = [2, 0], sizes = [1, 200], strides = [1, 1]} : vector<16x200xf32> to vector<1x200xf32>
    %mul3A_1614 = vector.broadcast %slice3A_1613 : vector<1x200xf32> to vector<128x200xf32>
    %mul3A_1615 = arith.mulf %mul3A_1614, %transpose3A_1161 : vector<128x200xf32>
    %add3A_1616 = arith.addf %mul3A_1612, %mul3A_1615 : vector<128x200xf32>
    %slice3A_1617 = vector.extract_strided_slice %transpose3A_105 {offsets = [2, 0], sizes = [1, 200], strides = [1, 1]} : vector<16x200xf32> to vector<1x200xf32>
    %mul3A_1618 = vector.broadcast %slice3A_1617 : vector<1x200xf32> to vector<128x200xf32>
    %mul3A_1619 = arith.mulf %mul3A_1618, %transpose3A_1167 : vector<128x200xf32>
    %add3A_1620 = arith.addf %add3A_1616, %mul3A_1619 : vector<128x200xf32>
    %slice3A_1621 = vector.extract_strided_slice %transpose3A_141 {offsets = [2, 0], sizes = [1, 200], strides = [1, 1]} : vector<16x200xf32> to vector<1x200xf32>
    %mul3A_1622 = vector.broadcast %slice3A_1621 : vector<1x200xf32> to vector<128x200xf32>
    %mul3A_1623 = arith.mulf %mul3A_1622, %transpose3A_1173 : vector<128x200xf32>
    %add3A_1624 = arith.addf %add3A_1620, %mul3A_1623 : vector<128x200xf32>
    %slice3A_1625 = vector.extract_strided_slice %transpose3A_177 {offsets = [2, 0], sizes = [1, 200], strides = [1, 1]} : vector<16x200xf32> to vector<1x200xf32>
    %mul3A_1626 = vector.broadcast %slice3A_1625 : vector<1x200xf32> to vector<128x200xf32>
    %mul3A_1627 = arith.mulf %mul3A_1626, %transpose3A_1179 : vector<128x200xf32>
    %add3A_1628 = arith.addf %add3A_1624, %mul3A_1627 : vector<128x200xf32>
    %slice3A_1629 = vector.extract_strided_slice %transpose3A_213 {offsets = [2, 0], sizes = [1, 200], strides = [1, 1]} : vector<16x200xf32> to vector<1x200xf32>
    %mul3A_1630 = vector.broadcast %slice3A_1629 : vector<1x200xf32> to vector<128x200xf32>
    %mul3A_1631 = arith.mulf %mul3A_1630, %transpose3A_1185 : vector<128x200xf32>
    %add3A_1632 = arith.addf %add3A_1628, %mul3A_1631 : vector<128x200xf32>
    %slice3A_1633 = vector.extract_strided_slice %transpose3A_249 {offsets = [2, 0], sizes = [1, 200], strides = [1, 1]} : vector<16x200xf32> to vector<1x200xf32>
    %mul3A_1634 = vector.broadcast %slice3A_1633 : vector<1x200xf32> to vector<128x200xf32>
    %mul3A_1635 = arith.mulf %mul3A_1634, %transpose3A_1191 : vector<128x200xf32>
    %add3A_1636 = arith.addf %add3A_1632, %mul3A_1635 : vector<128x200xf32>
    %slice3A_1637 = vector.extract_strided_slice %transpose3A_285 {offsets = [2, 0], sizes = [1, 200], strides = [1, 1]} : vector<16x200xf32> to vector<1x200xf32>
    %mul3A_1638 = vector.broadcast %slice3A_1637 : vector<1x200xf32> to vector<128x200xf32>
    %mul3A_1639 = arith.mulf %mul3A_1638, %transpose3A_1197 : vector<128x200xf32>
    %add3A_1640 = arith.addf %add3A_1636, %mul3A_1639 : vector<128x200xf32>
    %slice3A_1641 = vector.extract_strided_slice %transpose3A_321 {offsets = [2, 0], sizes = [1, 200], strides = [1, 1]} : vector<16x200xf32> to vector<1x200xf32>
    %mul3A_1642 = vector.broadcast %slice3A_1641 : vector<1x200xf32> to vector<128x200xf32>
    %mul3A_1643 = arith.mulf %mul3A_1642, %transpose3A_1203 : vector<128x200xf32>
    %add3A_1644 = arith.addf %add3A_1640, %mul3A_1643 : vector<128x200xf32>
    %slice3A_1645 = vector.extract_strided_slice %transpose3A_357 {offsets = [2, 0], sizes = [1, 200], strides = [1, 1]} : vector<16x200xf32> to vector<1x200xf32>
    %mul3A_1646 = vector.broadcast %slice3A_1645 : vector<1x200xf32> to vector<128x200xf32>
    %mul3A_1647 = arith.mulf %mul3A_1646, %transpose3A_1209 : vector<128x200xf32>
    %add3A_1648 = arith.addf %add3A_1644, %mul3A_1647 : vector<128x200xf32>
    %slice3A_1649 = vector.extract_strided_slice %transpose3A_393 {offsets = [2, 0], sizes = [1, 200], strides = [1, 1]} : vector<16x200xf32> to vector<1x200xf32>
    %mul3A_1650 = vector.broadcast %slice3A_1649 : vector<1x200xf32> to vector<128x200xf32>
    %mul3A_1651 = arith.mulf %mul3A_1650, %transpose3A_1215 : vector<128x200xf32>
    %add3A_1652 = arith.addf %add3A_1648, %mul3A_1651 : vector<128x200xf32>
    %slice3A_1653 = vector.extract_strided_slice %transpose3A_429 {offsets = [2, 0], sizes = [1, 200], strides = [1, 1]} : vector<16x200xf32> to vector<1x200xf32>
    %mul3A_1654 = vector.broadcast %slice3A_1653 : vector<1x200xf32> to vector<128x200xf32>
    %mul3A_1655 = arith.mulf %mul3A_1654, %transpose3A_1221 : vector<128x200xf32>
    %add3A_1656 = arith.addf %add3A_1652, %mul3A_1655 : vector<128x200xf32>
    %slice3A_1657 = vector.extract_strided_slice %transpose3A_465 {offsets = [2, 0], sizes = [1, 200], strides = [1, 1]} : vector<16x200xf32> to vector<1x200xf32>
    %mul3A_1658 = vector.broadcast %slice3A_1657 : vector<1x200xf32> to vector<128x200xf32>
    %mul3A_1659 = arith.mulf %mul3A_1658, %transpose3A_1227 : vector<128x200xf32>
    %add3A_1660 = arith.addf %add3A_1656, %mul3A_1659 : vector<128x200xf32>
    %slice3A_1661 = vector.extract_strided_slice %transpose3A_501 {offsets = [2, 0], sizes = [1, 200], strides = [1, 1]} : vector<16x200xf32> to vector<1x200xf32>
    %mul3A_1662 = vector.broadcast %slice3A_1661 : vector<1x200xf32> to vector<128x200xf32>
    %mul3A_1663 = arith.mulf %mul3A_1662, %transpose3A_1233 : vector<128x200xf32>
    %add3A_1664 = arith.addf %add3A_1660, %mul3A_1663 : vector<128x200xf32>
    %slice3A_1665 = vector.extract_strided_slice %transpose3A_537 {offsets = [2, 0], sizes = [1, 200], strides = [1, 1]} : vector<16x200xf32> to vector<1x200xf32>
    %mul3A_1666 = vector.broadcast %slice3A_1665 : vector<1x200xf32> to vector<128x200xf32>
    %mul3A_1667 = arith.mulf %mul3A_1666, %transpose3A_1239 : vector<128x200xf32>
    %add3A_1668 = arith.addf %add3A_1664, %mul3A_1667 : vector<128x200xf32>
    %slice3A_1669 = vector.extract_strided_slice %transpose3A_573 {offsets = [2, 0], sizes = [1, 200], strides = [1, 1]} : vector<16x200xf32> to vector<1x200xf32>
    %mul3A_1670 = vector.broadcast %slice3A_1669 : vector<1x200xf32> to vector<128x200xf32>
    %mul3A_1671 = arith.mulf %mul3A_1670, %transpose3A_1245 : vector<128x200xf32>
    %add3A_1672 = arith.addf %add3A_1668, %mul3A_1671 : vector<128x200xf32>
    %slice3A_1673 = vector.extract_strided_slice %transpose3A_609 {offsets = [2, 0], sizes = [1, 200], strides = [1, 1]} : vector<16x200xf32> to vector<1x200xf32>
    %mul3A_1674 = vector.broadcast %slice3A_1673 : vector<1x200xf32> to vector<128x200xf32>
    %mul3A_1675 = arith.mulf %mul3A_1674, %transpose3A_1251 : vector<128x200xf32>
    %add3A_1676 = arith.addf %add3A_1672, %mul3A_1675 : vector<128x200xf32>
    %slice3A_1677 = vector.extract_strided_slice %transpose3A_645 {offsets = [2, 0], sizes = [1, 200], strides = [1, 1]} : vector<16x200xf32> to vector<1x200xf32>
    %mul3A_1678 = vector.broadcast %slice3A_1677 : vector<1x200xf32> to vector<128x200xf32>
    %mul3A_1679 = arith.mulf %mul3A_1678, %transpose3A_1257 : vector<128x200xf32>
    %add3A_1680 = arith.addf %add3A_1676, %mul3A_1679 : vector<128x200xf32>
    %slice3A_1681 = vector.extract_strided_slice %transpose3A_681 {offsets = [2, 0], sizes = [1, 200], strides = [1, 1]} : vector<16x200xf32> to vector<1x200xf32>
    %mul3A_1682 = vector.broadcast %slice3A_1681 : vector<1x200xf32> to vector<128x200xf32>
    %mul3A_1683 = arith.mulf %mul3A_1682, %transpose3A_1263 : vector<128x200xf32>
    %add3A_1684 = arith.addf %add3A_1680, %mul3A_1683 : vector<128x200xf32>
    %slice3A_1685 = vector.extract_strided_slice %transpose3A_717 {offsets = [2, 0], sizes = [1, 200], strides = [1, 1]} : vector<16x200xf32> to vector<1x200xf32>
    %mul3A_1686 = vector.broadcast %slice3A_1685 : vector<1x200xf32> to vector<128x200xf32>
    %mul3A_1687 = arith.mulf %mul3A_1686, %transpose3A_1269 : vector<128x200xf32>
    %add3A_1688 = arith.addf %add3A_1684, %mul3A_1687 : vector<128x200xf32>
    %slice3A_1689 = vector.extract_strided_slice %transpose3A_753 {offsets = [2, 0], sizes = [1, 200], strides = [1, 1]} : vector<16x200xf32> to vector<1x200xf32>
    %mul3A_1690 = vector.broadcast %slice3A_1689 : vector<1x200xf32> to vector<128x200xf32>
    %mul3A_1691 = arith.mulf %mul3A_1690, %transpose3A_1275 : vector<128x200xf32>
    %add3A_1692 = arith.addf %add3A_1688, %mul3A_1691 : vector<128x200xf32>
    %slice3A_1693 = vector.extract_strided_slice %transpose3A_789 {offsets = [2, 0], sizes = [1, 200], strides = [1, 1]} : vector<16x200xf32> to vector<1x200xf32>
    %mul3A_1694 = vector.broadcast %slice3A_1693 : vector<1x200xf32> to vector<128x200xf32>
    %mul3A_1695 = arith.mulf %mul3A_1694, %transpose3A_1281 : vector<128x200xf32>
    %add3A_1696 = arith.addf %add3A_1692, %mul3A_1695 : vector<128x200xf32>
    %slice3A_1697 = vector.extract_strided_slice %transpose3A_825 {offsets = [2, 0], sizes = [1, 200], strides = [1, 1]} : vector<16x200xf32> to vector<1x200xf32>
    %mul3A_1698 = vector.broadcast %slice3A_1697 : vector<1x200xf32> to vector<128x200xf32>
    %mul3A_1699 = arith.mulf %mul3A_1698, %transpose3A_1287 : vector<128x200xf32>
    %add3A_1700 = arith.addf %add3A_1696, %mul3A_1699 : vector<128x200xf32>
    %slice3A_1701 = vector.extract_strided_slice %transpose3A_861 {offsets = [2, 0], sizes = [1, 200], strides = [1, 1]} : vector<16x200xf32> to vector<1x200xf32>
    %mul3A_1702 = vector.broadcast %slice3A_1701 : vector<1x200xf32> to vector<128x200xf32>
    %mul3A_1703 = arith.mulf %mul3A_1702, %transpose3A_1293 : vector<128x200xf32>
    %add3A_1704 = arith.addf %add3A_1700, %mul3A_1703 : vector<128x200xf32>
    %slice3A_1705 = vector.extract_strided_slice %transpose3A_897 {offsets = [2, 0], sizes = [1, 200], strides = [1, 1]} : vector<16x200xf32> to vector<1x200xf32>
    %mul3A_1706 = vector.broadcast %slice3A_1705 : vector<1x200xf32> to vector<128x200xf32>
    %mul3A_1707 = arith.mulf %mul3A_1706, %transpose3A_1299 : vector<128x200xf32>
    %add3A_1708 = arith.addf %add3A_1704, %mul3A_1707 : vector<128x200xf32>
    %slice3A_1709 = vector.extract_strided_slice %transpose3A_933 {offsets = [2, 0], sizes = [1, 200], strides = [1, 1]} : vector<16x200xf32> to vector<1x200xf32>
    %mul3A_1710 = vector.broadcast %slice3A_1709 : vector<1x200xf32> to vector<128x200xf32>
    %mul3A_1711 = arith.mulf %mul3A_1710, %transpose3A_1305 : vector<128x200xf32>
    %add3A_1712 = arith.addf %add3A_1708, %mul3A_1711 : vector<128x200xf32>
    %slice3A_1713 = vector.extract_strided_slice %transpose3A_969 {offsets = [2, 0], sizes = [1, 200], strides = [1, 1]} : vector<16x200xf32> to vector<1x200xf32>
    %mul3A_1714 = vector.broadcast %slice3A_1713 : vector<1x200xf32> to vector<128x200xf32>
    %mul3A_1715 = arith.mulf %mul3A_1714, %transpose3A_1311 : vector<128x200xf32>
    %add3A_1716 = arith.addf %add3A_1712, %mul3A_1715 : vector<128x200xf32>
    %slice3A_1717 = vector.extract_strided_slice %transpose3A_1005 {offsets = [2, 0], sizes = [1, 200], strides = [1, 1]} : vector<16x200xf32> to vector<1x200xf32>
    %mul3A_1718 = vector.broadcast %slice3A_1717 : vector<1x200xf32> to vector<128x200xf32>
    %mul3A_1719 = arith.mulf %mul3A_1718, %transpose3A_1317 : vector<128x200xf32>
    %add3A_1720 = arith.addf %add3A_1716, %mul3A_1719 : vector<128x200xf32>
    %slice3A_1721 = vector.extract_strided_slice %transpose3A_1041 {offsets = [2, 0], sizes = [1, 200], strides = [1, 1]} : vector<16x200xf32> to vector<1x200xf32>
    %mul3A_1722 = vector.broadcast %slice3A_1721 : vector<1x200xf32> to vector<128x200xf32>
    %mul3A_1723 = arith.mulf %mul3A_1722, %transpose3A_1323 : vector<128x200xf32>
    %add3A_1724 = arith.addf %add3A_1720, %mul3A_1723 : vector<128x200xf32>
    %slice3A_1725 = vector.extract_strided_slice %transpose3A_1077 {offsets = [2, 0], sizes = [1, 200], strides = [1, 1]} : vector<16x200xf32> to vector<1x200xf32>
    %mul3A_1726 = vector.broadcast %slice3A_1725 : vector<1x200xf32> to vector<128x200xf32>
    %mul3A_1727 = arith.mulf %mul3A_1726, %transpose3A_1329 : vector<128x200xf32>
    %add3A_1728 = arith.addf %add3A_1724, %mul3A_1727 : vector<128x200xf32>
    %slice3A_1729 = vector.extract_strided_slice %transpose3A_1113 {offsets = [2, 0], sizes = [1, 200], strides = [1, 1]} : vector<16x200xf32> to vector<1x200xf32>
    %mul3A_1730 = vector.broadcast %slice3A_1729 : vector<1x200xf32> to vector<128x200xf32>
    %mul3A_1731 = arith.mulf %mul3A_1730, %transpose3A_1335 : vector<128x200xf32>
    %add3A_1732 = arith.addf %add3A_1728, %mul3A_1731 : vector<128x200xf32>
    %slice3A_1733 = vector.extract_strided_slice %transpose3A_1149 {offsets = [2, 0], sizes = [1, 200], strides = [1, 1]} : vector<16x200xf32> to vector<1x200xf32>
    %mul3A_1734 = vector.broadcast %slice3A_1733 : vector<1x200xf32> to vector<128x200xf32>
    %mul3A_1735 = arith.mulf %mul3A_1734, %transpose3A_1341 : vector<128x200xf32>
    %add3A_1736 = arith.addf %add3A_1732, %mul3A_1735 : vector<128x200xf32>
    %get3A_1737 = arith.constant 2 : index
    %get3A_1738 = arith.constant 0 : index
    %get3A_1739 = arith.constant 0 : index
    %get3A_1740 = vector.load %arg6[%get3A_1737, %get3A_1738, %get3A_1739] : memref<15x128x128xf32, #tpu.memory_space<vmem>>, vector<1x128x128xf32>
    %get3A_1741 = vector.shape_cast %get3A_1740 : vector<1x128x128xf32> to vector<128x128xf32>
    %dot_general3A_1742 = arith.constant dense<0.000000e+00> : vector<128x200xf32>
    %dot_general3A_1743 = tpu.matmul %get3A_1741, %add3A_1736, %dot_general3A_1742 {dimension_numbers = #tpu.dot_dimension_numbers<[0], [0], [1], [1], [0, 1, 1, 1], [], []>, transpose_lhs_hint = false} : vector<128x128xf32>, vector<128x200xf32>, vector<128x200xf32> -> vector<128x200xf32>
    %add3A_1744 = arith.addf %add3A_1609, %dot_general3A_1743 : vector<128x200xf32>
    %slice3A_1745 = vector.extract_strided_slice %transpose3A {offsets = [3, 0], sizes = [1, 200], strides = [1, 1]} : vector<16x200xf32> to vector<1x200xf32>
    %mul3A_1746 = vector.broadcast %slice3A_1745 : vector<1x200xf32> to vector<128x200xf32>
    %mul3A_1747 = arith.mulf %mul3A_1746, %transpose3A_1155 : vector<128x200xf32>
    %slice3A_1748 = vector.extract_strided_slice %transpose3A_69 {offsets = [3, 0], sizes = [1, 200], strides = [1, 1]} : vector<16x200xf32> to vector<1x200xf32>
    %mul3A_1749 = vector.broadcast %slice3A_1748 : vector<1x200xf32> to vector<128x200xf32>
    %mul3A_1750 = arith.mulf %mul3A_1749, %transpose3A_1161 : vector<128x200xf32>
    %add3A_1751 = arith.addf %mul3A_1747, %mul3A_1750 : vector<128x200xf32>
    %slice3A_1752 = vector.extract_strided_slice %transpose3A_105 {offsets = [3, 0], sizes = [1, 200], strides = [1, 1]} : vector<16x200xf32> to vector<1x200xf32>
    %mul3A_1753 = vector.broadcast %slice3A_1752 : vector<1x200xf32> to vector<128x200xf32>
    %mul3A_1754 = arith.mulf %mul3A_1753, %transpose3A_1167 : vector<128x200xf32>
    %add3A_1755 = arith.addf %add3A_1751, %mul3A_1754 : vector<128x200xf32>
    %slice3A_1756 = vector.extract_strided_slice %transpose3A_141 {offsets = [3, 0], sizes = [1, 200], strides = [1, 1]} : vector<16x200xf32> to vector<1x200xf32>
    %mul3A_1757 = vector.broadcast %slice3A_1756 : vector<1x200xf32> to vector<128x200xf32>
    %mul3A_1758 = arith.mulf %mul3A_1757, %transpose3A_1173 : vector<128x200xf32>
    %add3A_1759 = arith.addf %add3A_1755, %mul3A_1758 : vector<128x200xf32>
    %slice3A_1760 = vector.extract_strided_slice %transpose3A_177 {offsets = [3, 0], sizes = [1, 200], strides = [1, 1]} : vector<16x200xf32> to vector<1x200xf32>
    %mul3A_1761 = vector.broadcast %slice3A_1760 : vector<1x200xf32> to vector<128x200xf32>
    %mul3A_1762 = arith.mulf %mul3A_1761, %transpose3A_1179 : vector<128x200xf32>
    %add3A_1763 = arith.addf %add3A_1759, %mul3A_1762 : vector<128x200xf32>
    %slice3A_1764 = vector.extract_strided_slice %transpose3A_213 {offsets = [3, 0], sizes = [1, 200], strides = [1, 1]} : vector<16x200xf32> to vector<1x200xf32>
    %mul3A_1765 = vector.broadcast %slice3A_1764 : vector<1x200xf32> to vector<128x200xf32>
    %mul3A_1766 = arith.mulf %mul3A_1765, %transpose3A_1185 : vector<128x200xf32>
    %add3A_1767 = arith.addf %add3A_1763, %mul3A_1766 : vector<128x200xf32>
    %slice3A_1768 = vector.extract_strided_slice %transpose3A_249 {offsets = [3, 0], sizes = [1, 200], strides = [1, 1]} : vector<16x200xf32> to vector<1x200xf32>
    %mul3A_1769 = vector.broadcast %slice3A_1768 : vector<1x200xf32> to vector<128x200xf32>
    %mul3A_1770 = arith.mulf %mul3A_1769, %transpose3A_1191 : vector<128x200xf32>
    %add3A_1771 = arith.addf %add3A_1767, %mul3A_1770 : vector<128x200xf32>
    %slice3A_1772 = vector.extract_strided_slice %transpose3A_285 {offsets = [3, 0], sizes = [1, 200], strides = [1, 1]} : vector<16x200xf32> to vector<1x200xf32>
    %mul3A_1773 = vector.broadcast %slice3A_1772 : vector<1x200xf32> to vector<128x200xf32>
    %mul3A_1774 = arith.mulf %mul3A_1773, %transpose3A_1197 : vector<128x200xf32>
    %add3A_1775 = arith.addf %add3A_1771, %mul3A_1774 : vector<128x200xf32>
    %slice3A_1776 = vector.extract_strided_slice %transpose3A_321 {offsets = [3, 0], sizes = [1, 200], strides = [1, 1]} : vector<16x200xf32> to vector<1x200xf32>
    %mul3A_1777 = vector.broadcast %slice3A_1776 : vector<1x200xf32> to vector<128x200xf32>
    %mul3A_1778 = arith.mulf %mul3A_1777, %transpose3A_1203 : vector<128x200xf32>
    %add3A_1779 = arith.addf %add3A_1775, %mul3A_1778 : vector<128x200xf32>
    %slice3A_1780 = vector.extract_strided_slice %transpose3A_357 {offsets = [3, 0], sizes = [1, 200], strides = [1, 1]} : vector<16x200xf32> to vector<1x200xf32>
    %mul3A_1781 = vector.broadcast %slice3A_1780 : vector<1x200xf32> to vector<128x200xf32>
    %mul3A_1782 = arith.mulf %mul3A_1781, %transpose3A_1209 : vector<128x200xf32>
    %add3A_1783 = arith.addf %add3A_1779, %mul3A_1782 : vector<128x200xf32>
    %slice3A_1784 = vector.extract_strided_slice %transpose3A_393 {offsets = [3, 0], sizes = [1, 200], strides = [1, 1]} : vector<16x200xf32> to vector<1x200xf32>
    %mul3A_1785 = vector.broadcast %slice3A_1784 : vector<1x200xf32> to vector<128x200xf32>
    %mul3A_1786 = arith.mulf %mul3A_1785, %transpose3A_1215 : vector<128x200xf32>
    %add3A_1787 = arith.addf %add3A_1783, %mul3A_1786 : vector<128x200xf32>
    %slice3A_1788 = vector.extract_strided_slice %transpose3A_429 {offsets = [3, 0], sizes = [1, 200], strides = [1, 1]} : vector<16x200xf32> to vector<1x200xf32>
    %mul3A_1789 = vector.broadcast %slice3A_1788 : vector<1x200xf32> to vector<128x200xf32>
    %mul3A_1790 = arith.mulf %mul3A_1789, %transpose3A_1221 : vector<128x200xf32>
    %add3A_1791 = arith.addf %add3A_1787, %mul3A_1790 : vector<128x200xf32>
    %slice3A_1792 = vector.extract_strided_slice %transpose3A_465 {offsets = [3, 0], sizes = [1, 200], strides = [1, 1]} : vector<16x200xf32> to vector<1x200xf32>
    %mul3A_1793 = vector.broadcast %slice3A_1792 : vector<1x200xf32> to vector<128x200xf32>
    %mul3A_1794 = arith.mulf %mul3A_1793, %transpose3A_1227 : vector<128x200xf32>
    %add3A_1795 = arith.addf %add3A_1791, %mul3A_1794 : vector<128x200xf32>
    %slice3A_1796 = vector.extract_strided_slice %transpose3A_501 {offsets = [3, 0], sizes = [1, 200], strides = [1, 1]} : vector<16x200xf32> to vector<1x200xf32>
    %mul3A_1797 = vector.broadcast %slice3A_1796 : vector<1x200xf32> to vector<128x200xf32>
    %mul3A_1798 = arith.mulf %mul3A_1797, %transpose3A_1233 : vector<128x200xf32>
    %add3A_1799 = arith.addf %add3A_1795, %mul3A_1798 : vector<128x200xf32>
    %slice3A_1800 = vector.extract_strided_slice %transpose3A_537 {offsets = [3, 0], sizes = [1, 200], strides = [1, 1]} : vector<16x200xf32> to vector<1x200xf32>
    %mul3A_1801 = vector.broadcast %slice3A_1800 : vector<1x200xf32> to vector<128x200xf32>
    %mul3A_1802 = arith.mulf %mul3A_1801, %transpose3A_1239 : vector<128x200xf32>
    %add3A_1803 = arith.addf %add3A_1799, %mul3A_1802 : vector<128x200xf32>
    %slice3A_1804 = vector.extract_strided_slice %transpose3A_573 {offsets = [3, 0], sizes = [1, 200], strides = [1, 1]} : vector<16x200xf32> to vector<1x200xf32>
    %mul3A_1805 = vector.broadcast %slice3A_1804 : vector<1x200xf32> to vector<128x200xf32>
    %mul3A_1806 = arith.mulf %mul3A_1805, %transpose3A_1245 : vector<128x200xf32>
    %add3A_1807 = arith.addf %add3A_1803, %mul3A_1806 : vector<128x200xf32>
    %slice3A_1808 = vector.extract_strided_slice %transpose3A_609 {offsets = [3, 0], sizes = [1, 200], strides = [1, 1]} : vector<16x200xf32> to vector<1x200xf32>
    %mul3A_1809 = vector.broadcast %slice3A_1808 : vector<1x200xf32> to vector<128x200xf32>
    %mul3A_1810 = arith.mulf %mul3A_1809, %transpose3A_1251 : vector<128x200xf32>
    %add3A_1811 = arith.addf %add3A_1807, %mul3A_1810 : vector<128x200xf32>
    %slice3A_1812 = vector.extract_strided_slice %transpose3A_645 {offsets = [3, 0], sizes = [1, 200], strides = [1, 1]} : vector<16x200xf32> to vector<1x200xf32>
    %mul3A_1813 = vector.broadcast %slice3A_1812 : vector<1x200xf32> to vector<128x200xf32>
    %mul3A_1814 = arith.mulf %mul3A_1813, %transpose3A_1257 : vector<128x200xf32>
    %add3A_1815 = arith.addf %add3A_1811, %mul3A_1814 : vector<128x200xf32>
    %slice3A_1816 = vector.extract_strided_slice %transpose3A_681 {offsets = [3, 0], sizes = [1, 200], strides = [1, 1]} : vector<16x200xf32> to vector<1x200xf32>
    %mul3A_1817 = vector.broadcast %slice3A_1816 : vector<1x200xf32> to vector<128x200xf32>
    %mul3A_1818 = arith.mulf %mul3A_1817, %transpose3A_1263 : vector<128x200xf32>
    %add3A_1819 = arith.addf %add3A_1815, %mul3A_1818 : vector<128x200xf32>
    %slice3A_1820 = vector.extract_strided_slice %transpose3A_717 {offsets = [3, 0], sizes = [1, 200], strides = [1, 1]} : vector<16x200xf32> to vector<1x200xf32>
    %mul3A_1821 = vector.broadcast %slice3A_1820 : vector<1x200xf32> to vector<128x200xf32>
    %mul3A_1822 = arith.mulf %mul3A_1821, %transpose3A_1269 : vector<128x200xf32>
    %add3A_1823 = arith.addf %add3A_1819, %mul3A_1822 : vector<128x200xf32>
    %slice3A_1824 = vector.extract_strided_slice %transpose3A_753 {offsets = [3, 0], sizes = [1, 200], strides = [1, 1]} : vector<16x200xf32> to vector<1x200xf32>
    %mul3A_1825 = vector.broadcast %slice3A_1824 : vector<1x200xf32> to vector<128x200xf32>
    %mul3A_1826 = arith.mulf %mul3A_1825, %transpose3A_1275 : vector<128x200xf32>
    %add3A_1827 = arith.addf %add3A_1823, %mul3A_1826 : vector<128x200xf32>
    %slice3A_1828 = vector.extract_strided_slice %transpose3A_789 {offsets = [3, 0], sizes = [1, 200], strides = [1, 1]} : vector<16x200xf32> to vector<1x200xf32>
    %mul3A_1829 = vector.broadcast %slice3A_1828 : vector<1x200xf32> to vector<128x200xf32>
    %mul3A_1830 = arith.mulf %mul3A_1829, %transpose3A_1281 : vector<128x200xf32>
    %add3A_1831 = arith.addf %add3A_1827, %mul3A_1830 : vector<128x200xf32>
    %slice3A_1832 = vector.extract_strided_slice %transpose3A_825 {offsets = [3, 0], sizes = [1, 200], strides = [1, 1]} : vector<16x200xf32> to vector<1x200xf32>
    %mul3A_1833 = vector.broadcast %slice3A_1832 : vector<1x200xf32> to vector<128x200xf32>
    %mul3A_1834 = arith.mulf %mul3A_1833, %transpose3A_1287 : vector<128x200xf32>
    %add3A_1835 = arith.addf %add3A_1831, %mul3A_1834 : vector<128x200xf32>
    %slice3A_1836 = vector.extract_strided_slice %transpose3A_861 {offsets = [3, 0], sizes = [1, 200], strides = [1, 1]} : vector<16x200xf32> to vector<1x200xf32>
    %mul3A_1837 = vector.broadcast %slice3A_1836 : vector<1x200xf32> to vector<128x200xf32>
    %mul3A_1838 = arith.mulf %mul3A_1837, %transpose3A_1293 : vector<128x200xf32>
    %add3A_1839 = arith.addf %add3A_1835, %mul3A_1838 : vector<128x200xf32>
    %slice3A_1840 = vector.extract_strided_slice %transpose3A_897 {offsets = [3, 0], sizes = [1, 200], strides = [1, 1]} : vector<16x200xf32> to vector<1x200xf32>
    %mul3A_1841 = vector.broadcast %slice3A_1840 : vector<1x200xf32> to vector<128x200xf32>
    %mul3A_1842 = arith.mulf %mul3A_1841, %transpose3A_1299 : vector<128x200xf32>
    %add3A_1843 = arith.addf %add3A_1839, %mul3A_1842 : vector<128x200xf32>
    %slice3A_1844 = vector.extract_strided_slice %transpose3A_933 {offsets = [3, 0], sizes = [1, 200], strides = [1, 1]} : vector<16x200xf32> to vector<1x200xf32>
    %mul3A_1845 = vector.broadcast %slice3A_1844 : vector<1x200xf32> to vector<128x200xf32>
    %mul3A_1846 = arith.mulf %mul3A_1845, %transpose3A_1305 : vector<128x200xf32>
    %add3A_1847 = arith.addf %add3A_1843, %mul3A_1846 : vector<128x200xf32>
    %slice3A_1848 = vector.extract_strided_slice %transpose3A_969 {offsets = [3, 0], sizes = [1, 200], strides = [1, 1]} : vector<16x200xf32> to vector<1x200xf32>
    %mul3A_1849 = vector.broadcast %slice3A_1848 : vector<1x200xf32> to vector<128x200xf32>
    %mul3A_1850 = arith.mulf %mul3A_1849, %transpose3A_1311 : vector<128x200xf32>
    %add3A_1851 = arith.addf %add3A_1847, %mul3A_1850 : vector<128x200xf32>
    %slice3A_1852 = vector.extract_strided_slice %transpose3A_1005 {offsets = [3, 0], sizes = [1, 200], strides = [1, 1]} : vector<16x200xf32> to vector<1x200xf32>
    %mul3A_1853 = vector.broadcast %slice3A_1852 : vector<1x200xf32> to vector<128x200xf32>
    %mul3A_1854 = arith.mulf %mul3A_1853, %transpose3A_1317 : vector<128x200xf32>
    %add3A_1855 = arith.addf %add3A_1851, %mul3A_1854 : vector<128x200xf32>
    %slice3A_1856 = vector.extract_strided_slice %transpose3A_1041 {offsets = [3, 0], sizes = [1, 200], strides = [1, 1]} : vector<16x200xf32> to vector<1x200xf32>
    %mul3A_1857 = vector.broadcast %slice3A_1856 : vector<1x200xf32> to vector<128x200xf32>
    %mul3A_1858 = arith.mulf %mul3A_1857, %transpose3A_1323 : vector<128x200xf32>
    %add3A_1859 = arith.addf %add3A_1855, %mul3A_1858 : vector<128x200xf32>
    %slice3A_1860 = vector.extract_strided_slice %transpose3A_1077 {offsets = [3, 0], sizes = [1, 200], strides = [1, 1]} : vector<16x200xf32> to vector<1x200xf32>
    %mul3A_1861 = vector.broadcast %slice3A_1860 : vector<1x200xf32> to vector<128x200xf32>
    %mul3A_1862 = arith.mulf %mul3A_1861, %transpose3A_1329 : vector<128x200xf32>
    %add3A_1863 = arith.addf %add3A_1859, %mul3A_1862 : vector<128x200xf32>
    %slice3A_1864 = vector.extract_strided_slice %transpose3A_1113 {offsets = [3, 0], sizes = [1, 200], strides = [1, 1]} : vector<16x200xf32> to vector<1x200xf32>
    %mul3A_1865 = vector.broadcast %slice3A_1864 : vector<1x200xf32> to vector<128x200xf32>
    %mul3A_1866 = arith.mulf %mul3A_1865, %transpose3A_1335 : vector<128x200xf32>
    %add3A_1867 = arith.addf %add3A_1863, %mul3A_1866 : vector<128x200xf32>
    %slice3A_1868 = vector.extract_strided_slice %transpose3A_1149 {offsets = [3, 0], sizes = [1, 200], strides = [1, 1]} : vector<16x200xf32> to vector<1x200xf32>
    %mul3A_1869 = vector.broadcast %slice3A_1868 : vector<1x200xf32> to vector<128x200xf32>
    %mul3A_1870 = arith.mulf %mul3A_1869, %transpose3A_1341 : vector<128x200xf32>
    %add3A_1871 = arith.addf %add3A_1867, %mul3A_1870 : vector<128x200xf32>
    %get3A_1872 = arith.constant 3 : index
    %get3A_1873 = arith.constant 0 : index
    %get3A_1874 = arith.constant 0 : index
    %get3A_1875 = vector.load %arg6[%get3A_1872, %get3A_1873, %get3A_1874] : memref<15x128x128xf32, #tpu.memory_space<vmem>>, vector<1x128x128xf32>
    %get3A_1876 = vector.shape_cast %get3A_1875 : vector<1x128x128xf32> to vector<128x128xf32>
    %dot_general3A_1877 = arith.constant dense<0.000000e+00> : vector<128x200xf32>
    %dot_general3A_1878 = tpu.matmul %get3A_1876, %add3A_1871, %dot_general3A_1877 {dimension_numbers = #tpu.dot_dimension_numbers<[0], [0], [1], [1], [0, 1, 1, 1], [], []>, transpose_lhs_hint = false} : vector<128x128xf32>, vector<128x200xf32>, vector<128x200xf32> -> vector<128x200xf32>
    %add3A_1879 = arith.addf %add3A_1744, %dot_general3A_1878 : vector<128x200xf32>
    %slice3A_1880 = vector.extract_strided_slice %transpose3A {offsets = [4, 0], sizes = [1, 200], strides = [1, 1]} : vector<16x200xf32> to vector<1x200xf32>
    %mul3A_1881 = vector.broadcast %slice3A_1880 : vector<1x200xf32> to vector<128x200xf32>
    %mul3A_1882 = arith.mulf %mul3A_1881, %transpose3A_1155 : vector<128x200xf32>
    %slice3A_1883 = vector.extract_strided_slice %transpose3A_69 {offsets = [4, 0], sizes = [1, 200], strides = [1, 1]} : vector<16x200xf32> to vector<1x200xf32>
    %mul3A_1884 = vector.broadcast %slice3A_1883 : vector<1x200xf32> to vector<128x200xf32>
    %mul3A_1885 = arith.mulf %mul3A_1884, %transpose3A_1161 : vector<128x200xf32>
    %add3A_1886 = arith.addf %mul3A_1882, %mul3A_1885 : vector<128x200xf32>
    %slice3A_1887 = vector.extract_strided_slice %transpose3A_105 {offsets = [4, 0], sizes = [1, 200], strides = [1, 1]} : vector<16x200xf32> to vector<1x200xf32>
    %mul3A_1888 = vector.broadcast %slice3A_1887 : vector<1x200xf32> to vector<128x200xf32>
    %mul3A_1889 = arith.mulf %mul3A_1888, %transpose3A_1167 : vector<128x200xf32>
    %add3A_1890 = arith.addf %add3A_1886, %mul3A_1889 : vector<128x200xf32>
    %slice3A_1891 = vector.extract_strided_slice %transpose3A_141 {offsets = [4, 0], sizes = [1, 200], strides = [1, 1]} : vector<16x200xf32> to vector<1x200xf32>
    %mul3A_1892 = vector.broadcast %slice3A_1891 : vector<1x200xf32> to vector<128x200xf32>
    %mul3A_1893 = arith.mulf %mul3A_1892, %transpose3A_1173 : vector<128x200xf32>
    %add3A_1894 = arith.addf %add3A_1890, %mul3A_1893 : vector<128x200xf32>
    %slice3A_1895 = vector.extract_strided_slice %transpose3A_177 {offsets = [4, 0], sizes = [1, 200], strides = [1, 1]} : vector<16x200xf32> to vector<1x200xf32>
    %mul3A_1896 = vector.broadcast %slice3A_1895 : vector<1x200xf32> to vector<128x200xf32>
    %mul3A_1897 = arith.mulf %mul3A_1896, %transpose3A_1179 : vector<128x200xf32>
    %add3A_1898 = arith.addf %add3A_1894, %mul3A_1897 : vector<128x200xf32>
    %slice3A_1899 = vector.extract_strided_slice %transpose3A_213 {offsets = [4, 0], sizes = [1, 200], strides = [1, 1]} : vector<16x200xf32> to vector<1x200xf32>
    %mul3A_1900 = vector.broadcast %slice3A_1899 : vector<1x200xf32> to vector<128x200xf32>
    %mul3A_1901 = arith.mulf %mul3A_1900, %transpose3A_1185 : vector<128x200xf32>
    %add3A_1902 = arith.addf %add3A_1898, %mul3A_1901 : vector<128x200xf32>
    %slice3A_1903 = vector.extract_strided_slice %transpose3A_249 {offsets = [4, 0], sizes = [1, 200], strides = [1, 1]} : vector<16x200xf32> to vector<1x200xf32>
    %mul3A_1904 = vector.broadcast %slice3A_1903 : vector<1x200xf32> to vector<128x200xf32>
    %mul3A_1905 = arith.mulf %mul3A_1904, %transpose3A_1191 : vector<128x200xf32>
    %add3A_1906 = arith.addf %add3A_1902, %mul3A_1905 : vector<128x200xf32>
    %slice3A_1907 = vector.extract_strided_slice %transpose3A_285 {offsets = [4, 0], sizes = [1, 200], strides = [1, 1]} : vector<16x200xf32> to vector<1x200xf32>
    %mul3A_1908 = vector.broadcast %slice3A_1907 : vector<1x200xf32> to vector<128x200xf32>
    %mul3A_1909 = arith.mulf %mul3A_1908, %transpose3A_1197 : vector<128x200xf32>
    %add3A_1910 = arith.addf %add3A_1906, %mul3A_1909 : vector<128x200xf32>
    %slice3A_1911 = vector.extract_strided_slice %transpose3A_321 {offsets = [4, 0], sizes = [1, 200], strides = [1, 1]} : vector<16x200xf32> to vector<1x200xf32>
    %mul3A_1912 = vector.broadcast %slice3A_1911 : vector<1x200xf32> to vector<128x200xf32>
    %mul3A_1913 = arith.mulf %mul3A_1912, %transpose3A_1203 : vector<128x200xf32>
    %add3A_1914 = arith.addf %add3A_1910, %mul3A_1913 : vector<128x200xf32>
    %slice3A_1915 = vector.extract_strided_slice %transpose3A_357 {offsets = [4, 0], sizes = [1, 200], strides = [1, 1]} : vector<16x200xf32> to vector<1x200xf32>
    %mul3A_1916 = vector.broadcast %slice3A_1915 : vector<1x200xf32> to vector<128x200xf32>
    %mul3A_1917 = arith.mulf %mul3A_1916, %transpose3A_1209 : vector<128x200xf32>
    %add3A_1918 = arith.addf %add3A_1914, %mul3A_1917 : vector<128x200xf32>
    %slice3A_1919 = vector.extract_strided_slice %transpose3A_393 {offsets = [4, 0], sizes = [1, 200], strides = [1, 1]} : vector<16x200xf32> to vector<1x200xf32>
    %mul3A_1920 = vector.broadcast %slice3A_1919 : vector<1x200xf32> to vector<128x200xf32>
    %mul3A_1921 = arith.mulf %mul3A_1920, %transpose3A_1215 : vector<128x200xf32>
    %add3A_1922 = arith.addf %add3A_1918, %mul3A_1921 : vector<128x200xf32>
    %slice3A_1923 = vector.extract_strided_slice %transpose3A_429 {offsets = [4, 0], sizes = [1, 200], strides = [1, 1]} : vector<16x200xf32> to vector<1x200xf32>
    %mul3A_1924 = vector.broadcast %slice3A_1923 : vector<1x200xf32> to vector<128x200xf32>
    %mul3A_1925 = arith.mulf %mul3A_1924, %transpose3A_1221 : vector<128x200xf32>
    %add3A_1926 = arith.addf %add3A_1922, %mul3A_1925 : vector<128x200xf32>
    %slice3A_1927 = vector.extract_strided_slice %transpose3A_465 {offsets = [4, 0], sizes = [1, 200], strides = [1, 1]} : vector<16x200xf32> to vector<1x200xf32>
    %mul3A_1928 = vector.broadcast %slice3A_1927 : vector<1x200xf32> to vector<128x200xf32>
    %mul3A_1929 = arith.mulf %mul3A_1928, %transpose3A_1227 : vector<128x200xf32>
    %add3A_1930 = arith.addf %add3A_1926, %mul3A_1929 : vector<128x200xf32>
    %slice3A_1931 = vector.extract_strided_slice %transpose3A_501 {offsets = [4, 0], sizes = [1, 200], strides = [1, 1]} : vector<16x200xf32> to vector<1x200xf32>
    %mul3A_1932 = vector.broadcast %slice3A_1931 : vector<1x200xf32> to vector<128x200xf32>
    %mul3A_1933 = arith.mulf %mul3A_1932, %transpose3A_1233 : vector<128x200xf32>
    %add3A_1934 = arith.addf %add3A_1930, %mul3A_1933 : vector<128x200xf32>
    %slice3A_1935 = vector.extract_strided_slice %transpose3A_537 {offsets = [4, 0], sizes = [1, 200], strides = [1, 1]} : vector<16x200xf32> to vector<1x200xf32>
    %mul3A_1936 = vector.broadcast %slice3A_1935 : vector<1x200xf32> to vector<128x200xf32>
    %mul3A_1937 = arith.mulf %mul3A_1936, %transpose3A_1239 : vector<128x200xf32>
    %add3A_1938 = arith.addf %add3A_1934, %mul3A_1937 : vector<128x200xf32>
    %slice3A_1939 = vector.extract_strided_slice %transpose3A_573 {offsets = [4, 0], sizes = [1, 200], strides = [1, 1]} : vector<16x200xf32> to vector<1x200xf32>
    %mul3A_1940 = vector.broadcast %slice3A_1939 : vector<1x200xf32> to vector<128x200xf32>
    %mul3A_1941 = arith.mulf %mul3A_1940, %transpose3A_1245 : vector<128x200xf32>
    %add3A_1942 = arith.addf %add3A_1938, %mul3A_1941 : vector<128x200xf32>
    %slice3A_1943 = vector.extract_strided_slice %transpose3A_609 {offsets = [4, 0], sizes = [1, 200], strides = [1, 1]} : vector<16x200xf32> to vector<1x200xf32>
    %mul3A_1944 = vector.broadcast %slice3A_1943 : vector<1x200xf32> to vector<128x200xf32>
    %mul3A_1945 = arith.mulf %mul3A_1944, %transpose3A_1251 : vector<128x200xf32>
    %add3A_1946 = arith.addf %add3A_1942, %mul3A_1945 : vector<128x200xf32>
    %slice3A_1947 = vector.extract_strided_slice %transpose3A_645 {offsets = [4, 0], sizes = [1, 200], strides = [1, 1]} : vector<16x200xf32> to vector<1x200xf32>
    %mul3A_1948 = vector.broadcast %slice3A_1947 : vector<1x200xf32> to vector<128x200xf32>
    %mul3A_1949 = arith.mulf %mul3A_1948, %transpose3A_1257 : vector<128x200xf32>
    %add3A_1950 = arith.addf %add3A_1946, %mul3A_1949 : vector<128x200xf32>
    %slice3A_1951 = vector.extract_strided_slice %transpose3A_681 {offsets = [4, 0], sizes = [1, 200], strides = [1, 1]} : vector<16x200xf32> to vector<1x200xf32>
    %mul3A_1952 = vector.broadcast %slice3A_1951 : vector<1x200xf32> to vector<128x200xf32>
    %mul3A_1953 = arith.mulf %mul3A_1952, %transpose3A_1263 : vector<128x200xf32>
    %add3A_1954 = arith.addf %add3A_1950, %mul3A_1953 : vector<128x200xf32>
    %slice3A_1955 = vector.extract_strided_slice %transpose3A_717 {offsets = [4, 0], sizes = [1, 200], strides = [1, 1]} : vector<16x200xf32> to vector<1x200xf32>
    %mul3A_1956 = vector.broadcast %slice3A_1955 : vector<1x200xf32> to vector<128x200xf32>
    %mul3A_1957 = arith.mulf %mul3A_1956, %transpose3A_1269 : vector<128x200xf32>
    %add3A_1958 = arith.addf %add3A_1954, %mul3A_1957 : vector<128x200xf32>
    %slice3A_1959 = vector.extract_strided_slice %transpose3A_753 {offsets = [4, 0], sizes = [1, 200], strides = [1, 1]} : vector<16x200xf32> to vector<1x200xf32>
    %mul3A_1960 = vector.broadcast %slice3A_1959 : vector<1x200xf32> to vector<128x200xf32>
    %mul3A_1961 = arith.mulf %mul3A_1960, %transpose3A_1275 : vector<128x200xf32>
    %add3A_1962 = arith.addf %add3A_1958, %mul3A_1961 : vector<128x200xf32>
    %slice3A_1963 = vector.extract_strided_slice %transpose3A_789 {offsets = [4, 0], sizes = [1, 200], strides = [1, 1]} : vector<16x200xf32> to vector<1x200xf32>
    %mul3A_1964 = vector.broadcast %slice3A_1963 : vector<1x200xf32> to vector<128x200xf32>
    %mul3A_1965 = arith.mulf %mul3A_1964, %transpose3A_1281 : vector<128x200xf32>
    %add3A_1966 = arith.addf %add3A_1962, %mul3A_1965 : vector<128x200xf32>
    %slice3A_1967 = vector.extract_strided_slice %transpose3A_825 {offsets = [4, 0], sizes = [1, 200], strides = [1, 1]} : vector<16x200xf32> to vector<1x200xf32>
    %mul3A_1968 = vector.broadcast %slice3A_1967 : vector<1x200xf32> to vector<128x200xf32>
    %mul3A_1969 = arith.mulf %mul3A_1968, %transpose3A_1287 : vector<128x200xf32>
    %add3A_1970 = arith.addf %add3A_1966, %mul3A_1969 : vector<128x200xf32>
    %slice3A_1971 = vector.extract_strided_slice %transpose3A_861 {offsets = [4, 0], sizes = [1, 200], strides = [1, 1]} : vector<16x200xf32> to vector<1x200xf32>
    %mul3A_1972 = vector.broadcast %slice3A_1971 : vector<1x200xf32> to vector<128x200xf32>
    %mul3A_1973 = arith.mulf %mul3A_1972, %transpose3A_1293 : vector<128x200xf32>
    %add3A_1974 = arith.addf %add3A_1970, %mul3A_1973 : vector<128x200xf32>
    %slice3A_1975 = vector.extract_strided_slice %transpose3A_897 {offsets = [4, 0], sizes = [1, 200], strides = [1, 1]} : vector<16x200xf32> to vector<1x200xf32>
    %mul3A_1976 = vector.broadcast %slice3A_1975 : vector<1x200xf32> to vector<128x200xf32>
    %mul3A_1977 = arith.mulf %mul3A_1976, %transpose3A_1299 : vector<128x200xf32>
    %add3A_1978 = arith.addf %add3A_1974, %mul3A_1977 : vector<128x200xf32>
    %slice3A_1979 = vector.extract_strided_slice %transpose3A_933 {offsets = [4, 0], sizes = [1, 200], strides = [1, 1]} : vector<16x200xf32> to vector<1x200xf32>
    %mul3A_1980 = vector.broadcast %slice3A_1979 : vector<1x200xf32> to vector<128x200xf32>
    %mul3A_1981 = arith.mulf %mul3A_1980, %transpose3A_1305 : vector<128x200xf32>
    %add3A_1982 = arith.addf %add3A_1978, %mul3A_1981 : vector<128x200xf32>
    %slice3A_1983 = vector.extract_strided_slice %transpose3A_969 {offsets = [4, 0], sizes = [1, 200], strides = [1, 1]} : vector<16x200xf32> to vector<1x200xf32>
    %mul3A_1984 = vector.broadcast %slice3A_1983 : vector<1x200xf32> to vector<128x200xf32>
    %mul3A_1985 = arith.mulf %mul3A_1984, %transpose3A_1311 : vector<128x200xf32>
    %add3A_1986 = arith.addf %add3A_1982, %mul3A_1985 : vector<128x200xf32>
    %slice3A_1987 = vector.extract_strided_slice %transpose3A_1005 {offsets = [4, 0], sizes = [1, 200], strides = [1, 1]} : vector<16x200xf32> to vector<1x200xf32>
    %mul3A_1988 = vector.broadcast %slice3A_1987 : vector<1x200xf32> to vector<128x200xf32>
    %mul3A_1989 = arith.mulf %mul3A_1988, %transpose3A_1317 : vector<128x200xf32>
    %add3A_1990 = arith.addf %add3A_1986, %mul3A_1989 : vector<128x200xf32>
    %slice3A_1991 = vector.extract_strided_slice %transpose3A_1041 {offsets = [4, 0], sizes = [1, 200], strides = [1, 1]} : vector<16x200xf32> to vector<1x200xf32>
    %mul3A_1992 = vector.broadcast %slice3A_1991 : vector<1x200xf32> to vector<128x200xf32>
    %mul3A_1993 = arith.mulf %mul3A_1992, %transpose3A_1323 : vector<128x200xf32>
    %add3A_1994 = arith.addf %add3A_1990, %mul3A_1993 : vector<128x200xf32>
    %slice3A_1995 = vector.extract_strided_slice %transpose3A_1077 {offsets = [4, 0], sizes = [1, 200], strides = [1, 1]} : vector<16x200xf32> to vector<1x200xf32>
    %mul3A_1996 = vector.broadcast %slice3A_1995 : vector<1x200xf32> to vector<128x200xf32>
    %mul3A_1997 = arith.mulf %mul3A_1996, %transpose3A_1329 : vector<128x200xf32>
    %add3A_1998 = arith.addf %add3A_1994, %mul3A_1997 : vector<128x200xf32>
    %slice3A_1999 = vector.extract_strided_slice %transpose3A_1113 {offsets = [4, 0], sizes = [1, 200], strides = [1, 1]} : vector<16x200xf32> to vector<1x200xf32>
    %mul3A_2000 = vector.broadcast %slice3A_1999 : vector<1x200xf32> to vector<128x200xf32>
    %mul3A_2001 = arith.mulf %mul3A_2000, %transpose3A_1335 : vector<128x200xf32>
    %add3A_2002 = arith.addf %add3A_1998, %mul3A_2001 : vector<128x200xf32>
    %slice3A_2003 = vector.extract_strided_slice %transpose3A_1149 {offsets = [4, 0], sizes = [1, 200], strides = [1, 1]} : vector<16x200xf32> to vector<1x200xf32>
    %mul3A_2004 = vector.broadcast %slice3A_2003 : vector<1x200xf32> to vector<128x200xf32>
    %mul3A_2005 = arith.mulf %mul3A_2004, %transpose3A_1341 : vector<128x200xf32>
    %add3A_2006 = arith.addf %add3A_2002, %mul3A_2005 : vector<128x200xf32>
    %get3A_2007 = arith.constant 4 : index
    %get3A_2008 = arith.constant 0 : index
    %get3A_2009 = arith.constant 0 : index
    %get3A_2010 = vector.load %arg6[%get3A_2007, %get3A_2008, %get3A_2009] : memref<15x128x128xf32, #tpu.memory_space<vmem>>, vector<1x128x128xf32>
    %get3A_2011 = vector.shape_cast %get3A_2010 : vector<1x128x128xf32> to vector<128x128xf32>
    %dot_general3A_2012 = arith.constant dense<0.000000e+00> : vector<128x200xf32>
    %dot_general3A_2013 = tpu.matmul %get3A_2011, %add3A_2006, %dot_general3A_2012 {dimension_numbers = #tpu.dot_dimension_numbers<[0], [0], [1], [1], [0, 1, 1, 1], [], []>, transpose_lhs_hint = false} : vector<128x128xf32>, vector<128x200xf32>, vector<128x200xf32> -> vector<128x200xf32>
    %add3A_2014 = arith.addf %add3A_1879, %dot_general3A_2013 : vector<128x200xf32>
    %slice3A_2015 = vector.extract_strided_slice %transpose3A {offsets = [5, 0], sizes = [1, 200], strides = [1, 1]} : vector<16x200xf32> to vector<1x200xf32>
    %mul3A_2016 = vector.broadcast %slice3A_2015 : vector<1x200xf32> to vector<128x200xf32>
    %mul3A_2017 = arith.mulf %mul3A_2016, %transpose3A_1155 : vector<128x200xf32>
    %slice3A_2018 = vector.extract_strided_slice %transpose3A_69 {offsets = [5, 0], sizes = [1, 200], strides = [1, 1]} : vector<16x200xf32> to vector<1x200xf32>
    %mul3A_2019 = vector.broadcast %slice3A_2018 : vector<1x200xf32> to vector<128x200xf32>
    %mul3A_2020 = arith.mulf %mul3A_2019, %transpose3A_1161 : vector<128x200xf32>
    %add3A_2021 = arith.addf %mul3A_2017, %mul3A_2020 : vector<128x200xf32>
    %slice3A_2022 = vector.extract_strided_slice %transpose3A_105 {offsets = [5, 0], sizes = [1, 200], strides = [1, 1]} : vector<16x200xf32> to vector<1x200xf32>
    %mul3A_2023 = vector.broadcast %slice3A_2022 : vector<1x200xf32> to vector<128x200xf32>
    %mul3A_2024 = arith.mulf %mul3A_2023, %transpose3A_1167 : vector<128x200xf32>
    %add3A_2025 = arith.addf %add3A_2021, %mul3A_2024 : vector<128x200xf32>
    %slice3A_2026 = vector.extract_strided_slice %transpose3A_141 {offsets = [5, 0], sizes = [1, 200], strides = [1, 1]} : vector<16x200xf32> to vector<1x200xf32>
    %mul3A_2027 = vector.broadcast %slice3A_2026 : vector<1x200xf32> to vector<128x200xf32>
    %mul3A_2028 = arith.mulf %mul3A_2027, %transpose3A_1173 : vector<128x200xf32>
    %add3A_2029 = arith.addf %add3A_2025, %mul3A_2028 : vector<128x200xf32>
    %slice3A_2030 = vector.extract_strided_slice %transpose3A_177 {offsets = [5, 0], sizes = [1, 200], strides = [1, 1]} : vector<16x200xf32> to vector<1x200xf32>
    %mul3A_2031 = vector.broadcast %slice3A_2030 : vector<1x200xf32> to vector<128x200xf32>
    %mul3A_2032 = arith.mulf %mul3A_2031, %transpose3A_1179 : vector<128x200xf32>
    %add3A_2033 = arith.addf %add3A_2029, %mul3A_2032 : vector<128x200xf32>
    %slice3A_2034 = vector.extract_strided_slice %transpose3A_213 {offsets = [5, 0], sizes = [1, 200], strides = [1, 1]} : vector<16x200xf32> to vector<1x200xf32>
    %mul3A_2035 = vector.broadcast %slice3A_2034 : vector<1x200xf32> to vector<128x200xf32>
    %mul3A_2036 = arith.mulf %mul3A_2035, %transpose3A_1185 : vector<128x200xf32>
    %add3A_2037 = arith.addf %add3A_2033, %mul3A_2036 : vector<128x200xf32>
    %slice3A_2038 = vector.extract_strided_slice %transpose3A_249 {offsets = [5, 0], sizes = [1, 200], strides = [1, 1]} : vector<16x200xf32> to vector<1x200xf32>
    %mul3A_2039 = vector.broadcast %slice3A_2038 : vector<1x200xf32> to vector<128x200xf32>
    %mul3A_2040 = arith.mulf %mul3A_2039, %transpose3A_1191 : vector<128x200xf32>
    %add3A_2041 = arith.addf %add3A_2037, %mul3A_2040 : vector<128x200xf32>
    %slice3A_2042 = vector.extract_strided_slice %transpose3A_285 {offsets = [5, 0], sizes = [1, 200], strides = [1, 1]} : vector<16x200xf32> to vector<1x200xf32>
    %mul3A_2043 = vector.broadcast %slice3A_2042 : vector<1x200xf32> to vector<128x200xf32>
    %mul3A_2044 = arith.mulf %mul3A_2043, %transpose3A_1197 : vector<128x200xf32>
    %add3A_2045 = arith.addf %add3A_2041, %mul3A_2044 : vector<128x200xf32>
    %slice3A_2046 = vector.extract_strided_slice %transpose3A_321 {offsets = [5, 0], sizes = [1, 200], strides = [1, 1]} : vector<16x200xf32> to vector<1x200xf32>
    %mul3A_2047 = vector.broadcast %slice3A_2046 : vector<1x200xf32> to vector<128x200xf32>
    %mul3A_2048 = arith.mulf %mul3A_2047, %transpose3A_1203 : vector<128x200xf32>
    %add3A_2049 = arith.addf %add3A_2045, %mul3A_2048 : vector<128x200xf32>
    %slice3A_2050 = vector.extract_strided_slice %transpose3A_357 {offsets = [5, 0], sizes = [1, 200], strides = [1, 1]} : vector<16x200xf32> to vector<1x200xf32>
    %mul3A_2051 = vector.broadcast %slice3A_2050 : vector<1x200xf32> to vector<128x200xf32>
    %mul3A_2052 = arith.mulf %mul3A_2051, %transpose3A_1209 : vector<128x200xf32>
    %add3A_2053 = arith.addf %add3A_2049, %mul3A_2052 : vector<128x200xf32>
    %slice3A_2054 = vector.extract_strided_slice %transpose3A_393 {offsets = [5, 0], sizes = [1, 200], strides = [1, 1]} : vector<16x200xf32> to vector<1x200xf32>
    %mul3A_2055 = vector.broadcast %slice3A_2054 : vector<1x200xf32> to vector<128x200xf32>
    %mul3A_2056 = arith.mulf %mul3A_2055, %transpose3A_1215 : vector<128x200xf32>
    %add3A_2057 = arith.addf %add3A_2053, %mul3A_2056 : vector<128x200xf32>
    %slice3A_2058 = vector.extract_strided_slice %transpose3A_429 {offsets = [5, 0], sizes = [1, 200], strides = [1, 1]} : vector<16x200xf32> to vector<1x200xf32>
    %mul3A_2059 = vector.broadcast %slice3A_2058 : vector<1x200xf32> to vector<128x200xf32>
    %mul3A_2060 = arith.mulf %mul3A_2059, %transpose3A_1221 : vector<128x200xf32>
    %add3A_2061 = arith.addf %add3A_2057, %mul3A_2060 : vector<128x200xf32>
    %slice3A_2062 = vector.extract_strided_slice %transpose3A_465 {offsets = [5, 0], sizes = [1, 200], strides = [1, 1]} : vector<16x200xf32> to vector<1x200xf32>
    %mul3A_2063 = vector.broadcast %slice3A_2062 : vector<1x200xf32> to vector<128x200xf32>
    %mul3A_2064 = arith.mulf %mul3A_2063, %transpose3A_1227 : vector<128x200xf32>
    %add3A_2065 = arith.addf %add3A_2061, %mul3A_2064 : vector<128x200xf32>
    %slice3A_2066 = vector.extract_strided_slice %transpose3A_501 {offsets = [5, 0], sizes = [1, 200], strides = [1, 1]} : vector<16x200xf32> to vector<1x200xf32>
    %mul3A_2067 = vector.broadcast %slice3A_2066 : vector<1x200xf32> to vector<128x200xf32>
    %mul3A_2068 = arith.mulf %mul3A_2067, %transpose3A_1233 : vector<128x200xf32>
    %add3A_2069 = arith.addf %add3A_2065, %mul3A_2068 : vector<128x200xf32>
    %slice3A_2070 = vector.extract_strided_slice %transpose3A_537 {offsets = [5, 0], sizes = [1, 200], strides = [1, 1]} : vector<16x200xf32> to vector<1x200xf32>
    %mul3A_2071 = vector.broadcast %slice3A_2070 : vector<1x200xf32> to vector<128x200xf32>
    %mul3A_2072 = arith.mulf %mul3A_2071, %transpose3A_1239 : vector<128x200xf32>
    %add3A_2073 = arith.addf %add3A_2069, %mul3A_2072 : vector<128x200xf32>
    %slice3A_2074 = vector.extract_strided_slice %transpose3A_573 {offsets = [5, 0], sizes = [1, 200], strides = [1, 1]} : vector<16x200xf32> to vector<1x200xf32>
    %mul3A_2075 = vector.broadcast %slice3A_2074 : vector<1x200xf32> to vector<128x200xf32>
    %mul3A_2076 = arith.mulf %mul3A_2075, %transpose3A_1245 : vector<128x200xf32>
    %add3A_2077 = arith.addf %add3A_2073, %mul3A_2076 : vector<128x200xf32>
    %slice3A_2078 = vector.extract_strided_slice %transpose3A_609 {offsets = [5, 0], sizes = [1, 200], strides = [1, 1]} : vector<16x200xf32> to vector<1x200xf32>
    %mul3A_2079 = vector.broadcast %slice3A_2078 : vector<1x200xf32> to vector<128x200xf32>
    %mul3A_2080 = arith.mulf %mul3A_2079, %transpose3A_1251 : vector<128x200xf32>
    %add3A_2081 = arith.addf %add3A_2077, %mul3A_2080 : vector<128x200xf32>
    %slice3A_2082 = vector.extract_strided_slice %transpose3A_645 {offsets = [5, 0], sizes = [1, 200], strides = [1, 1]} : vector<16x200xf32> to vector<1x200xf32>
    %mul3A_2083 = vector.broadcast %slice3A_2082 : vector<1x200xf32> to vector<128x200xf32>
    %mul3A_2084 = arith.mulf %mul3A_2083, %transpose3A_1257 : vector<128x200xf32>
    %add3A_2085 = arith.addf %add3A_2081, %mul3A_2084 : vector<128x200xf32>
    %slice3A_2086 = vector.extract_strided_slice %transpose3A_681 {offsets = [5, 0], sizes = [1, 200], strides = [1, 1]} : vector<16x200xf32> to vector<1x200xf32>
    %mul3A_2087 = vector.broadcast %slice3A_2086 : vector<1x200xf32> to vector<128x200xf32>
    %mul3A_2088 = arith.mulf %mul3A_2087, %transpose3A_1263 : vector<128x200xf32>
    %add3A_2089 = arith.addf %add3A_2085, %mul3A_2088 : vector<128x200xf32>
    %slice3A_2090 = vector.extract_strided_slice %transpose3A_717 {offsets = [5, 0], sizes = [1, 200], strides = [1, 1]} : vector<16x200xf32> to vector<1x200xf32>
    %mul3A_2091 = vector.broadcast %slice3A_2090 : vector<1x200xf32> to vector<128x200xf32>
    %mul3A_2092 = arith.mulf %mul3A_2091, %transpose3A_1269 : vector<128x200xf32>
    %add3A_2093 = arith.addf %add3A_2089, %mul3A_2092 : vector<128x200xf32>
    %slice3A_2094 = vector.extract_strided_slice %transpose3A_753 {offsets = [5, 0], sizes = [1, 200], strides = [1, 1]} : vector<16x200xf32> to vector<1x200xf32>
    %mul3A_2095 = vector.broadcast %slice3A_2094 : vector<1x200xf32> to vector<128x200xf32>
    %mul3A_2096 = arith.mulf %mul3A_2095, %transpose3A_1275 : vector<128x200xf32>
    %add3A_2097 = arith.addf %add3A_2093, %mul3A_2096 : vector<128x200xf32>
    %slice3A_2098 = vector.extract_strided_slice %transpose3A_789 {offsets = [5, 0], sizes = [1, 200], strides = [1, 1]} : vector<16x200xf32> to vector<1x200xf32>
    %mul3A_2099 = vector.broadcast %slice3A_2098 : vector<1x200xf32> to vector<128x200xf32>
    %mul3A_2100 = arith.mulf %mul3A_2099, %transpose3A_1281 : vector<128x200xf32>
    %add3A_2101 = arith.addf %add3A_2097, %mul3A_2100 : vector<128x200xf32>
    %slice3A_2102 = vector.extract_strided_slice %transpose3A_825 {offsets = [5, 0], sizes = [1, 200], strides = [1, 1]} : vector<16x200xf32> to vector<1x200xf32>
    %mul3A_2103 = vector.broadcast %slice3A_2102 : vector<1x200xf32> to vector<128x200xf32>
    %mul3A_2104 = arith.mulf %mul3A_2103, %transpose3A_1287 : vector<128x200xf32>
    %add3A_2105 = arith.addf %add3A_2101, %mul3A_2104 : vector<128x200xf32>
    %slice3A_2106 = vector.extract_strided_slice %transpose3A_861 {offsets = [5, 0], sizes = [1, 200], strides = [1, 1]} : vector<16x200xf32> to vector<1x200xf32>
    %mul3A_2107 = vector.broadcast %slice3A_2106 : vector<1x200xf32> to vector<128x200xf32>
    %mul3A_2108 = arith.mulf %mul3A_2107, %transpose3A_1293 : vector<128x200xf32>
    %add3A_2109 = arith.addf %add3A_2105, %mul3A_2108 : vector<128x200xf32>
    %slice3A_2110 = vector.extract_strided_slice %transpose3A_897 {offsets = [5, 0], sizes = [1, 200], strides = [1, 1]} : vector<16x200xf32> to vector<1x200xf32>
    %mul3A_2111 = vector.broadcast %slice3A_2110 : vector<1x200xf32> to vector<128x200xf32>
    %mul3A_2112 = arith.mulf %mul3A_2111, %transpose3A_1299 : vector<128x200xf32>
    %add3A_2113 = arith.addf %add3A_2109, %mul3A_2112 : vector<128x200xf32>
    %slice3A_2114 = vector.extract_strided_slice %transpose3A_933 {offsets = [5, 0], sizes = [1, 200], strides = [1, 1]} : vector<16x200xf32> to vector<1x200xf32>
    %mul3A_2115 = vector.broadcast %slice3A_2114 : vector<1x200xf32> to vector<128x200xf32>
    %mul3A_2116 = arith.mulf %mul3A_2115, %transpose3A_1305 : vector<128x200xf32>
    %add3A_2117 = arith.addf %add3A_2113, %mul3A_2116 : vector<128x200xf32>
    %slice3A_2118 = vector.extract_strided_slice %transpose3A_969 {offsets = [5, 0], sizes = [1, 200], strides = [1, 1]} : vector<16x200xf32> to vector<1x200xf32>
    %mul3A_2119 = vector.broadcast %slice3A_2118 : vector<1x200xf32> to vector<128x200xf32>
    %mul3A_2120 = arith.mulf %mul3A_2119, %transpose3A_1311 : vector<128x200xf32>
    %add3A_2121 = arith.addf %add3A_2117, %mul3A_2120 : vector<128x200xf32>
    %slice3A_2122 = vector.extract_strided_slice %transpose3A_1005 {offsets = [5, 0], sizes = [1, 200], strides = [1, 1]} : vector<16x200xf32> to vector<1x200xf32>
    %mul3A_2123 = vector.broadcast %slice3A_2122 : vector<1x200xf32> to vector<128x200xf32>
    %mul3A_2124 = arith.mulf %mul3A_2123, %transpose3A_1317 : vector<128x200xf32>
    %add3A_2125 = arith.addf %add3A_2121, %mul3A_2124 : vector<128x200xf32>
    %slice3A_2126 = vector.extract_strided_slice %transpose3A_1041 {offsets = [5, 0], sizes = [1, 200], strides = [1, 1]} : vector<16x200xf32> to vector<1x200xf32>
    %mul3A_2127 = vector.broadcast %slice3A_2126 : vector<1x200xf32> to vector<128x200xf32>
    %mul3A_2128 = arith.mulf %mul3A_2127, %transpose3A_1323 : vector<128x200xf32>
    %add3A_2129 = arith.addf %add3A_2125, %mul3A_2128 : vector<128x200xf32>
    %slice3A_2130 = vector.extract_strided_slice %transpose3A_1077 {offsets = [5, 0], sizes = [1, 200], strides = [1, 1]} : vector<16x200xf32> to vector<1x200xf32>
    %mul3A_2131 = vector.broadcast %slice3A_2130 : vector<1x200xf32> to vector<128x200xf32>
    %mul3A_2132 = arith.mulf %mul3A_2131, %transpose3A_1329 : vector<128x200xf32>
    %add3A_2133 = arith.addf %add3A_2129, %mul3A_2132 : vector<128x200xf32>
    %slice3A_2134 = vector.extract_strided_slice %transpose3A_1113 {offsets = [5, 0], sizes = [1, 200], strides = [1, 1]} : vector<16x200xf32> to vector<1x200xf32>
    %mul3A_2135 = vector.broadcast %slice3A_2134 : vector<1x200xf32> to vector<128x200xf32>
    %mul3A_2136 = arith.mulf %mul3A_2135, %transpose3A_1335 : vector<128x200xf32>
    %add3A_2137 = arith.addf %add3A_2133, %mul3A_2136 : vector<128x200xf32>
    %slice3A_2138 = vector.extract_strided_slice %transpose3A_1149 {offsets = [5, 0], sizes = [1, 200], strides = [1, 1]} : vector<16x200xf32> to vector<1x200xf32>
    %mul3A_2139 = vector.broadcast %slice3A_2138 : vector<1x200xf32> to vector<128x200xf32>
    %mul3A_2140 = arith.mulf %mul3A_2139, %transpose3A_1341 : vector<128x200xf32>
    %add3A_2141 = arith.addf %add3A_2137, %mul3A_2140 : vector<128x200xf32>
    %get3A_2142 = arith.constant 5 : index
    %get3A_2143 = arith.constant 0 : index
    %get3A_2144 = arith.constant 0 : index
    %get3A_2145 = vector.load %arg6[%get3A_2142, %get3A_2143, %get3A_2144] : memref<15x128x128xf32, #tpu.memory_space<vmem>>, vector<1x128x128xf32>
    %get3A_2146 = vector.shape_cast %get3A_2145 : vector<1x128x128xf32> to vector<128x128xf32>
    %dot_general3A_2147 = arith.constant dense<0.000000e+00> : vector<128x200xf32>
    %dot_general3A_2148 = tpu.matmul %get3A_2146, %add3A_2141, %dot_general3A_2147 {dimension_numbers = #tpu.dot_dimension_numbers<[0], [0], [1], [1], [0, 1, 1, 1], [], []>, transpose_lhs_hint = false} : vector<128x128xf32>, vector<128x200xf32>, vector<128x200xf32> -> vector<128x200xf32>
    %add3A_2149 = arith.addf %add3A_2014, %dot_general3A_2148 : vector<128x200xf32>
    %slice3A_2150 = vector.extract_strided_slice %transpose3A {offsets = [6, 0], sizes = [1, 200], strides = [1, 1]} : vector<16x200xf32> to vector<1x200xf32>
    %mul3A_2151 = vector.broadcast %slice3A_2150 : vector<1x200xf32> to vector<128x200xf32>
    %mul3A_2152 = arith.mulf %mul3A_2151, %transpose3A_1155 : vector<128x200xf32>
    %slice3A_2153 = vector.extract_strided_slice %transpose3A_69 {offsets = [6, 0], sizes = [1, 200], strides = [1, 1]} : vector<16x200xf32> to vector<1x200xf32>
    %mul3A_2154 = vector.broadcast %slice3A_2153 : vector<1x200xf32> to vector<128x200xf32>
    %mul3A_2155 = arith.mulf %mul3A_2154, %transpose3A_1161 : vector<128x200xf32>
    %add3A_2156 = arith.addf %mul3A_2152, %mul3A_2155 : vector<128x200xf32>
    %slice3A_2157 = vector.extract_strided_slice %transpose3A_105 {offsets = [6, 0], sizes = [1, 200], strides = [1, 1]} : vector<16x200xf32> to vector<1x200xf32>
    %mul3A_2158 = vector.broadcast %slice3A_2157 : vector<1x200xf32> to vector<128x200xf32>
    %mul3A_2159 = arith.mulf %mul3A_2158, %transpose3A_1167 : vector<128x200xf32>
    %add3A_2160 = arith.addf %add3A_2156, %mul3A_2159 : vector<128x200xf32>
    %slice3A_2161 = vector.extract_strided_slice %transpose3A_141 {offsets = [6, 0], sizes = [1, 200], strides = [1, 1]} : vector<16x200xf32> to vector<1x200xf32>
    %mul3A_2162 = vector.broadcast %slice3A_2161 : vector<1x200xf32> to vector<128x200xf32>
    %mul3A_2163 = arith.mulf %mul3A_2162, %transpose3A_1173 : vector<128x200xf32>
    %add3A_2164 = arith.addf %add3A_2160, %mul3A_2163 : vector<128x200xf32>
    %slice3A_2165 = vector.extract_strided_slice %transpose3A_177 {offsets = [6, 0], sizes = [1, 200], strides = [1, 1]} : vector<16x200xf32> to vector<1x200xf32>
    %mul3A_2166 = vector.broadcast %slice3A_2165 : vector<1x200xf32> to vector<128x200xf32>
    %mul3A_2167 = arith.mulf %mul3A_2166, %transpose3A_1179 : vector<128x200xf32>
    %add3A_2168 = arith.addf %add3A_2164, %mul3A_2167 : vector<128x200xf32>
    %slice3A_2169 = vector.extract_strided_slice %transpose3A_213 {offsets = [6, 0], sizes = [1, 200], strides = [1, 1]} : vector<16x200xf32> to vector<1x200xf32>
    %mul3A_2170 = vector.broadcast %slice3A_2169 : vector<1x200xf32> to vector<128x200xf32>
    %mul3A_2171 = arith.mulf %mul3A_2170, %transpose3A_1185 : vector<128x200xf32>
    %add3A_2172 = arith.addf %add3A_2168, %mul3A_2171 : vector<128x200xf32>
    %slice3A_2173 = vector.extract_strided_slice %transpose3A_249 {offsets = [6, 0], sizes = [1, 200], strides = [1, 1]} : vector<16x200xf32> to vector<1x200xf32>
    %mul3A_2174 = vector.broadcast %slice3A_2173 : vector<1x200xf32> to vector<128x200xf32>
    %mul3A_2175 = arith.mulf %mul3A_2174, %transpose3A_1191 : vector<128x200xf32>
    %add3A_2176 = arith.addf %add3A_2172, %mul3A_2175 : vector<128x200xf32>
    %slice3A_2177 = vector.extract_strided_slice %transpose3A_285 {offsets = [6, 0], sizes = [1, 200], strides = [1, 1]} : vector<16x200xf32> to vector<1x200xf32>
    %mul3A_2178 = vector.broadcast %slice3A_2177 : vector<1x200xf32> to vector<128x200xf32>
    %mul3A_2179 = arith.mulf %mul3A_2178, %transpose3A_1197 : vector<128x200xf32>
    %add3A_2180 = arith.addf %add3A_2176, %mul3A_2179 : vector<128x200xf32>
    %slice3A_2181 = vector.extract_strided_slice %transpose3A_321 {offsets = [6, 0], sizes = [1, 200], strides = [1, 1]} : vector<16x200xf32> to vector<1x200xf32>
    %mul3A_2182 = vector.broadcast %slice3A_2181 : vector<1x200xf32> to vector<128x200xf32>
    %mul3A_2183 = arith.mulf %mul3A_2182, %transpose3A_1203 : vector<128x200xf32>
    %add3A_2184 = arith.addf %add3A_2180, %mul3A_2183 : vector<128x200xf32>
    %slice3A_2185 = vector.extract_strided_slice %transpose3A_357 {offsets = [6, 0], sizes = [1, 200], strides = [1, 1]} : vector<16x200xf32> to vector<1x200xf32>
    %mul3A_2186 = vector.broadcast %slice3A_2185 : vector<1x200xf32> to vector<128x200xf32>
    %mul3A_2187 = arith.mulf %mul3A_2186, %transpose3A_1209 : vector<128x200xf32>
    %add3A_2188 = arith.addf %add3A_2184, %mul3A_2187 : vector<128x200xf32>
    %slice3A_2189 = vector.extract_strided_slice %transpose3A_393 {offsets = [6, 0], sizes = [1, 200], strides = [1, 1]} : vector<16x200xf32> to vector<1x200xf32>
    %mul3A_2190 = vector.broadcast %slice3A_2189 : vector<1x200xf32> to vector<128x200xf32>
    %mul3A_2191 = arith.mulf %mul3A_2190, %transpose3A_1215 : vector<128x200xf32>
    %add3A_2192 = arith.addf %add3A_2188, %mul3A_2191 : vector<128x200xf32>
    %slice3A_2193 = vector.extract_strided_slice %transpose3A_429 {offsets = [6, 0], sizes = [1, 200], strides = [1, 1]} : vector<16x200xf32> to vector<1x200xf32>
    %mul3A_2194 = vector.broadcast %slice3A_2193 : vector<1x200xf32> to vector<128x200xf32>
    %mul3A_2195 = arith.mulf %mul3A_2194, %transpose3A_1221 : vector<128x200xf32>
    %add3A_2196 = arith.addf %add3A_2192, %mul3A_2195 : vector<128x200xf32>
    %slice3A_2197 = vector.extract_strided_slice %transpose3A_465 {offsets = [6, 0], sizes = [1, 200], strides = [1, 1]} : vector<16x200xf32> to vector<1x200xf32>
    %mul3A_2198 = vector.broadcast %slice3A_2197 : vector<1x200xf32> to vector<128x200xf32>
    %mul3A_2199 = arith.mulf %mul3A_2198, %transpose3A_1227 : vector<128x200xf32>
    %add3A_2200 = arith.addf %add3A_2196, %mul3A_2199 : vector<128x200xf32>
    %slice3A_2201 = vector.extract_strided_slice %transpose3A_501 {offsets = [6, 0], sizes = [1, 200], strides = [1, 1]} : vector<16x200xf32> to vector<1x200xf32>
    %mul3A_2202 = vector.broadcast %slice3A_2201 : vector<1x200xf32> to vector<128x200xf32>
    %mul3A_2203 = arith.mulf %mul3A_2202, %transpose3A_1233 : vector<128x200xf32>
    %add3A_2204 = arith.addf %add3A_2200, %mul3A_2203 : vector<128x200xf32>
    %slice3A_2205 = vector.extract_strided_slice %transpose3A_537 {offsets = [6, 0], sizes = [1, 200], strides = [1, 1]} : vector<16x200xf32> to vector<1x200xf32>
    %mul3A_2206 = vector.broadcast %slice3A_2205 : vector<1x200xf32> to vector<128x200xf32>
    %mul3A_2207 = arith.mulf %mul3A_2206, %transpose3A_1239 : vector<128x200xf32>
    %add3A_2208 = arith.addf %add3A_2204, %mul3A_2207 : vector<128x200xf32>
    %slice3A_2209 = vector.extract_strided_slice %transpose3A_573 {offsets = [6, 0], sizes = [1, 200], strides = [1, 1]} : vector<16x200xf32> to vector<1x200xf32>
    %mul3A_2210 = vector.broadcast %slice3A_2209 : vector<1x200xf32> to vector<128x200xf32>
    %mul3A_2211 = arith.mulf %mul3A_2210, %transpose3A_1245 : vector<128x200xf32>
    %add3A_2212 = arith.addf %add3A_2208, %mul3A_2211 : vector<128x200xf32>
    %slice3A_2213 = vector.extract_strided_slice %transpose3A_609 {offsets = [6, 0], sizes = [1, 200], strides = [1, 1]} : vector<16x200xf32> to vector<1x200xf32>
    %mul3A_2214 = vector.broadcast %slice3A_2213 : vector<1x200xf32> to vector<128x200xf32>
    %mul3A_2215 = arith.mulf %mul3A_2214, %transpose3A_1251 : vector<128x200xf32>
    %add3A_2216 = arith.addf %add3A_2212, %mul3A_2215 : vector<128x200xf32>
    %slice3A_2217 = vector.extract_strided_slice %transpose3A_645 {offsets = [6, 0], sizes = [1, 200], strides = [1, 1]} : vector<16x200xf32> to vector<1x200xf32>
    %mul3A_2218 = vector.broadcast %slice3A_2217 : vector<1x200xf32> to vector<128x200xf32>
    %mul3A_2219 = arith.mulf %mul3A_2218, %transpose3A_1257 : vector<128x200xf32>
    %add3A_2220 = arith.addf %add3A_2216, %mul3A_2219 : vector<128x200xf32>
    %slice3A_2221 = vector.extract_strided_slice %transpose3A_681 {offsets = [6, 0], sizes = [1, 200], strides = [1, 1]} : vector<16x200xf32> to vector<1x200xf32>
    %mul3A_2222 = vector.broadcast %slice3A_2221 : vector<1x200xf32> to vector<128x200xf32>
    %mul3A_2223 = arith.mulf %mul3A_2222, %transpose3A_1263 : vector<128x200xf32>
    %add3A_2224 = arith.addf %add3A_2220, %mul3A_2223 : vector<128x200xf32>
    %slice3A_2225 = vector.extract_strided_slice %transpose3A_717 {offsets = [6, 0], sizes = [1, 200], strides = [1, 1]} : vector<16x200xf32> to vector<1x200xf32>
    %mul3A_2226 = vector.broadcast %slice3A_2225 : vector<1x200xf32> to vector<128x200xf32>
    %mul3A_2227 = arith.mulf %mul3A_2226, %transpose3A_1269 : vector<128x200xf32>
    %add3A_2228 = arith.addf %add3A_2224, %mul3A_2227 : vector<128x200xf32>
    %slice3A_2229 = vector.extract_strided_slice %transpose3A_753 {offsets = [6, 0], sizes = [1, 200], strides = [1, 1]} : vector<16x200xf32> to vector<1x200xf32>
    %mul3A_2230 = vector.broadcast %slice3A_2229 : vector<1x200xf32> to vector<128x200xf32>
    %mul3A_2231 = arith.mulf %mul3A_2230, %transpose3A_1275 : vector<128x200xf32>
    %add3A_2232 = arith.addf %add3A_2228, %mul3A_2231 : vector<128x200xf32>
    %slice3A_2233 = vector.extract_strided_slice %transpose3A_789 {offsets = [6, 0], sizes = [1, 200], strides = [1, 1]} : vector<16x200xf32> to vector<1x200xf32>
    %mul3A_2234 = vector.broadcast %slice3A_2233 : vector<1x200xf32> to vector<128x200xf32>
    %mul3A_2235 = arith.mulf %mul3A_2234, %transpose3A_1281 : vector<128x200xf32>
    %add3A_2236 = arith.addf %add3A_2232, %mul3A_2235 : vector<128x200xf32>
    %slice3A_2237 = vector.extract_strided_slice %transpose3A_825 {offsets = [6, 0], sizes = [1, 200], strides = [1, 1]} : vector<16x200xf32> to vector<1x200xf32>
    %mul3A_2238 = vector.broadcast %slice3A_2237 : vector<1x200xf32> to vector<128x200xf32>
    %mul3A_2239 = arith.mulf %mul3A_2238, %transpose3A_1287 : vector<128x200xf32>
    %add3A_2240 = arith.addf %add3A_2236, %mul3A_2239 : vector<128x200xf32>
    %slice3A_2241 = vector.extract_strided_slice %transpose3A_861 {offsets = [6, 0], sizes = [1, 200], strides = [1, 1]} : vector<16x200xf32> to vector<1x200xf32>
    %mul3A_2242 = vector.broadcast %slice3A_2241 : vector<1x200xf32> to vector<128x200xf32>
    %mul3A_2243 = arith.mulf %mul3A_2242, %transpose3A_1293 : vector<128x200xf32>
    %add3A_2244 = arith.addf %add3A_2240, %mul3A_2243 : vector<128x200xf32>
    %slice3A_2245 = vector.extract_strided_slice %transpose3A_897 {offsets = [6, 0], sizes = [1, 200], strides = [1, 1]} : vector<16x200xf32> to vector<1x200xf32>
    %mul3A_2246 = vector.broadcast %slice3A_2245 : vector<1x200xf32> to vector<128x200xf32>
    %mul3A_2247 = arith.mulf %mul3A_2246, %transpose3A_1299 : vector<128x200xf32>
    %add3A_2248 = arith.addf %add3A_2244, %mul3A_2247 : vector<128x200xf32>
    %slice3A_2249 = vector.extract_strided_slice %transpose3A_933 {offsets = [6, 0], sizes = [1, 200], strides = [1, 1]} : vector<16x200xf32> to vector<1x200xf32>
    %mul3A_2250 = vector.broadcast %slice3A_2249 : vector<1x200xf32> to vector<128x200xf32>
    %mul3A_2251 = arith.mulf %mul3A_2250, %transpose3A_1305 : vector<128x200xf32>
    %add3A_2252 = arith.addf %add3A_2248, %mul3A_2251 : vector<128x200xf32>
    %slice3A_2253 = vector.extract_strided_slice %transpose3A_969 {offsets = [6, 0], sizes = [1, 200], strides = [1, 1]} : vector<16x200xf32> to vector<1x200xf32>
    %mul3A_2254 = vector.broadcast %slice3A_2253 : vector<1x200xf32> to vector<128x200xf32>
    %mul3A_2255 = arith.mulf %mul3A_2254, %transpose3A_1311 : vector<128x200xf32>
    %add3A_2256 = arith.addf %add3A_2252, %mul3A_2255 : vector<128x200xf32>
    %slice3A_2257 = vector.extract_strided_slice %transpose3A_1005 {offsets = [6, 0], sizes = [1, 200], strides = [1, 1]} : vector<16x200xf32> to vector<1x200xf32>
    %mul3A_2258 = vector.broadcast %slice3A_2257 : vector<1x200xf32> to vector<128x200xf32>
    %mul3A_2259 = arith.mulf %mul3A_2258, %transpose3A_1317 : vector<128x200xf32>
    %add3A_2260 = arith.addf %add3A_2256, %mul3A_2259 : vector<128x200xf32>
    %slice3A_2261 = vector.extract_strided_slice %transpose3A_1041 {offsets = [6, 0], sizes = [1, 200], strides = [1, 1]} : vector<16x200xf32> to vector<1x200xf32>
    %mul3A_2262 = vector.broadcast %slice3A_2261 : vector<1x200xf32> to vector<128x200xf32>
    %mul3A_2263 = arith.mulf %mul3A_2262, %transpose3A_1323 : vector<128x200xf32>
    %add3A_2264 = arith.addf %add3A_2260, %mul3A_2263 : vector<128x200xf32>
    %slice3A_2265 = vector.extract_strided_slice %transpose3A_1077 {offsets = [6, 0], sizes = [1, 200], strides = [1, 1]} : vector<16x200xf32> to vector<1x200xf32>
    %mul3A_2266 = vector.broadcast %slice3A_2265 : vector<1x200xf32> to vector<128x200xf32>
    %mul3A_2267 = arith.mulf %mul3A_2266, %transpose3A_1329 : vector<128x200xf32>
    %add3A_2268 = arith.addf %add3A_2264, %mul3A_2267 : vector<128x200xf32>
    %slice3A_2269 = vector.extract_strided_slice %transpose3A_1113 {offsets = [6, 0], sizes = [1, 200], strides = [1, 1]} : vector<16x200xf32> to vector<1x200xf32>
    %mul3A_2270 = vector.broadcast %slice3A_2269 : vector<1x200xf32> to vector<128x200xf32>
    %mul3A_2271 = arith.mulf %mul3A_2270, %transpose3A_1335 : vector<128x200xf32>
    %add3A_2272 = arith.addf %add3A_2268, %mul3A_2271 : vector<128x200xf32>
    %slice3A_2273 = vector.extract_strided_slice %transpose3A_1149 {offsets = [6, 0], sizes = [1, 200], strides = [1, 1]} : vector<16x200xf32> to vector<1x200xf32>
    %mul3A_2274 = vector.broadcast %slice3A_2273 : vector<1x200xf32> to vector<128x200xf32>
    %mul3A_2275 = arith.mulf %mul3A_2274, %transpose3A_1341 : vector<128x200xf32>
    %add3A_2276 = arith.addf %add3A_2272, %mul3A_2275 : vector<128x200xf32>
    %get3A_2277 = arith.constant 6 : index
    %get3A_2278 = arith.constant 0 : index
    %get3A_2279 = arith.constant 0 : index
    %get3A_2280 = vector.load %arg6[%get3A_2277, %get3A_2278, %get3A_2279] : memref<15x128x128xf32, #tpu.memory_space<vmem>>, vector<1x128x128xf32>
    %get3A_2281 = vector.shape_cast %get3A_2280 : vector<1x128x128xf32> to vector<128x128xf32>
    %dot_general3A_2282 = arith.constant dense<0.000000e+00> : vector<128x200xf32>
    %dot_general3A_2283 = tpu.matmul %get3A_2281, %add3A_2276, %dot_general3A_2282 {dimension_numbers = #tpu.dot_dimension_numbers<[0], [0], [1], [1], [0, 1, 1, 1], [], []>, transpose_lhs_hint = false} : vector<128x128xf32>, vector<128x200xf32>, vector<128x200xf32> -> vector<128x200xf32>
    %add3A_2284 = arith.addf %add3A_2149, %dot_general3A_2283 : vector<128x200xf32>
    %slice3A_2285 = vector.extract_strided_slice %transpose3A {offsets = [7, 0], sizes = [1, 200], strides = [1, 1]} : vector<16x200xf32> to vector<1x200xf32>
    %mul3A_2286 = vector.broadcast %slice3A_2285 : vector<1x200xf32> to vector<128x200xf32>
    %mul3A_2287 = arith.mulf %mul3A_2286, %transpose3A_1155 : vector<128x200xf32>
    %slice3A_2288 = vector.extract_strided_slice %transpose3A_69 {offsets = [7, 0], sizes = [1, 200], strides = [1, 1]} : vector<16x200xf32> to vector<1x200xf32>
    %mul3A_2289 = vector.broadcast %slice3A_2288 : vector<1x200xf32> to vector<128x200xf32>
    %mul3A_2290 = arith.mulf %mul3A_2289, %transpose3A_1161 : vector<128x200xf32>
    %add3A_2291 = arith.addf %mul3A_2287, %mul3A_2290 : vector<128x200xf32>
    %slice3A_2292 = vector.extract_strided_slice %transpose3A_105 {offsets = [7, 0], sizes = [1, 200], strides = [1, 1]} : vector<16x200xf32> to vector<1x200xf32>
    %mul3A_2293 = vector.broadcast %slice3A_2292 : vector<1x200xf32> to vector<128x200xf32>
    %mul3A_2294 = arith.mulf %mul3A_2293, %transpose3A_1167 : vector<128x200xf32>
    %add3A_2295 = arith.addf %add3A_2291, %mul3A_2294 : vector<128x200xf32>
    %slice3A_2296 = vector.extract_strided_slice %transpose3A_141 {offsets = [7, 0], sizes = [1, 200], strides = [1, 1]} : vector<16x200xf32> to vector<1x200xf32>
    %mul3A_2297 = vector.broadcast %slice3A_2296 : vector<1x200xf32> to vector<128x200xf32>
    %mul3A_2298 = arith.mulf %mul3A_2297, %transpose3A_1173 : vector<128x200xf32>
    %add3A_2299 = arith.addf %add3A_2295, %mul3A_2298 : vector<128x200xf32>
    %slice3A_2300 = vector.extract_strided_slice %transpose3A_177 {offsets = [7, 0], sizes = [1, 200], strides = [1, 1]} : vector<16x200xf32> to vector<1x200xf32>
    %mul3A_2301 = vector.broadcast %slice3A_2300 : vector<1x200xf32> to vector<128x200xf32>
    %mul3A_2302 = arith.mulf %mul3A_2301, %transpose3A_1179 : vector<128x200xf32>
    %add3A_2303 = arith.addf %add3A_2299, %mul3A_2302 : vector<128x200xf32>
    %slice3A_2304 = vector.extract_strided_slice %transpose3A_213 {offsets = [7, 0], sizes = [1, 200], strides = [1, 1]} : vector<16x200xf32> to vector<1x200xf32>
    %mul3A_2305 = vector.broadcast %slice3A_2304 : vector<1x200xf32> to vector<128x200xf32>
    %mul3A_2306 = arith.mulf %mul3A_2305, %transpose3A_1185 : vector<128x200xf32>
    %add3A_2307 = arith.addf %add3A_2303, %mul3A_2306 : vector<128x200xf32>
    %slice3A_2308 = vector.extract_strided_slice %transpose3A_249 {offsets = [7, 0], sizes = [1, 200], strides = [1, 1]} : vector<16x200xf32> to vector<1x200xf32>
    %mul3A_2309 = vector.broadcast %slice3A_2308 : vector<1x200xf32> to vector<128x200xf32>
    %mul3A_2310 = arith.mulf %mul3A_2309, %transpose3A_1191 : vector<128x200xf32>
    %add3A_2311 = arith.addf %add3A_2307, %mul3A_2310 : vector<128x200xf32>
    %slice3A_2312 = vector.extract_strided_slice %transpose3A_285 {offsets = [7, 0], sizes = [1, 200], strides = [1, 1]} : vector<16x200xf32> to vector<1x200xf32>
    %mul3A_2313 = vector.broadcast %slice3A_2312 : vector<1x200xf32> to vector<128x200xf32>
    %mul3A_2314 = arith.mulf %mul3A_2313, %transpose3A_1197 : vector<128x200xf32>
    %add3A_2315 = arith.addf %add3A_2311, %mul3A_2314 : vector<128x200xf32>
    %slice3A_2316 = vector.extract_strided_slice %transpose3A_321 {offsets = [7, 0], sizes = [1, 200], strides = [1, 1]} : vector<16x200xf32> to vector<1x200xf32>
    %mul3A_2317 = vector.broadcast %slice3A_2316 : vector<1x200xf32> to vector<128x200xf32>
    %mul3A_2318 = arith.mulf %mul3A_2317, %transpose3A_1203 : vector<128x200xf32>
    %add3A_2319 = arith.addf %add3A_2315, %mul3A_2318 : vector<128x200xf32>
    %slice3A_2320 = vector.extract_strided_slice %transpose3A_357 {offsets = [7, 0], sizes = [1, 200], strides = [1, 1]} : vector<16x200xf32> to vector<1x200xf32>
    %mul3A_2321 = vector.broadcast %slice3A_2320 : vector<1x200xf32> to vector<128x200xf32>
    %mul3A_2322 = arith.mulf %mul3A_2321, %transpose3A_1209 : vector<128x200xf32>
    %add3A_2323 = arith.addf %add3A_2319, %mul3A_2322 : vector<128x200xf32>
    %slice3A_2324 = vector.extract_strided_slice %transpose3A_393 {offsets = [7, 0], sizes = [1, 200], strides = [1, 1]} : vector<16x200xf32> to vector<1x200xf32>
    %mul3A_2325 = vector.broadcast %slice3A_2324 : vector<1x200xf32> to vector<128x200xf32>
    %mul3A_2326 = arith.mulf %mul3A_2325, %transpose3A_1215 : vector<128x200xf32>
    %add3A_2327 = arith.addf %add3A_2323, %mul3A_2326 : vector<128x200xf32>
    %slice3A_2328 = vector.extract_strided_slice %transpose3A_429 {offsets = [7, 0], sizes = [1, 200], strides = [1, 1]} : vector<16x200xf32> to vector<1x200xf32>
    %mul3A_2329 = vector.broadcast %slice3A_2328 : vector<1x200xf32> to vector<128x200xf32>
    %mul3A_2330 = arith.mulf %mul3A_2329, %transpose3A_1221 : vector<128x200xf32>
    %add3A_2331 = arith.addf %add3A_2327, %mul3A_2330 : vector<128x200xf32>
    %slice3A_2332 = vector.extract_strided_slice %transpose3A_465 {offsets = [7, 0], sizes = [1, 200], strides = [1, 1]} : vector<16x200xf32> to vector<1x200xf32>
    %mul3A_2333 = vector.broadcast %slice3A_2332 : vector<1x200xf32> to vector<128x200xf32>
    %mul3A_2334 = arith.mulf %mul3A_2333, %transpose3A_1227 : vector<128x200xf32>
    %add3A_2335 = arith.addf %add3A_2331, %mul3A_2334 : vector<128x200xf32>
    %slice3A_2336 = vector.extract_strided_slice %transpose3A_501 {offsets = [7, 0], sizes = [1, 200], strides = [1, 1]} : vector<16x200xf32> to vector<1x200xf32>
    %mul3A_2337 = vector.broadcast %slice3A_2336 : vector<1x200xf32> to vector<128x200xf32>
    %mul3A_2338 = arith.mulf %mul3A_2337, %transpose3A_1233 : vector<128x200xf32>
    %add3A_2339 = arith.addf %add3A_2335, %mul3A_2338 : vector<128x200xf32>
    %slice3A_2340 = vector.extract_strided_slice %transpose3A_537 {offsets = [7, 0], sizes = [1, 200], strides = [1, 1]} : vector<16x200xf32> to vector<1x200xf32>
    %mul3A_2341 = vector.broadcast %slice3A_2340 : vector<1x200xf32> to vector<128x200xf32>
    %mul3A_2342 = arith.mulf %mul3A_2341, %transpose3A_1239 : vector<128x200xf32>
    %add3A_2343 = arith.addf %add3A_2339, %mul3A_2342 : vector<128x200xf32>
    %slice3A_2344 = vector.extract_strided_slice %transpose3A_573 {offsets = [7, 0], sizes = [1, 200], strides = [1, 1]} : vector<16x200xf32> to vector<1x200xf32>
    %mul3A_2345 = vector.broadcast %slice3A_2344 : vector<1x200xf32> to vector<128x200xf32>
    %mul3A_2346 = arith.mulf %mul3A_2345, %transpose3A_1245 : vector<128x200xf32>
    %add3A_2347 = arith.addf %add3A_2343, %mul3A_2346 : vector<128x200xf32>
    %slice3A_2348 = vector.extract_strided_slice %transpose3A_609 {offsets = [7, 0], sizes = [1, 200], strides = [1, 1]} : vector<16x200xf32> to vector<1x200xf32>
    %mul3A_2349 = vector.broadcast %slice3A_2348 : vector<1x200xf32> to vector<128x200xf32>
    %mul3A_2350 = arith.mulf %mul3A_2349, %transpose3A_1251 : vector<128x200xf32>
    %add3A_2351 = arith.addf %add3A_2347, %mul3A_2350 : vector<128x200xf32>
    %slice3A_2352 = vector.extract_strided_slice %transpose3A_645 {offsets = [7, 0], sizes = [1, 200], strides = [1, 1]} : vector<16x200xf32> to vector<1x200xf32>
    %mul3A_2353 = vector.broadcast %slice3A_2352 : vector<1x200xf32> to vector<128x200xf32>
    %mul3A_2354 = arith.mulf %mul3A_2353, %transpose3A_1257 : vector<128x200xf32>
    %add3A_2355 = arith.addf %add3A_2351, %mul3A_2354 : vector<128x200xf32>
    %slice3A_2356 = vector.extract_strided_slice %transpose3A_681 {offsets = [7, 0], sizes = [1, 200], strides = [1, 1]} : vector<16x200xf32> to vector<1x200xf32>
    %mul3A_2357 = vector.broadcast %slice3A_2356 : vector<1x200xf32> to vector<128x200xf32>
    %mul3A_2358 = arith.mulf %mul3A_2357, %transpose3A_1263 : vector<128x200xf32>
    %add3A_2359 = arith.addf %add3A_2355, %mul3A_2358 : vector<128x200xf32>
    %slice3A_2360 = vector.extract_strided_slice %transpose3A_717 {offsets = [7, 0], sizes = [1, 200], strides = [1, 1]} : vector<16x200xf32> to vector<1x200xf32>
    %mul3A_2361 = vector.broadcast %slice3A_2360 : vector<1x200xf32> to vector<128x200xf32>
    %mul3A_2362 = arith.mulf %mul3A_2361, %transpose3A_1269 : vector<128x200xf32>
    %add3A_2363 = arith.addf %add3A_2359, %mul3A_2362 : vector<128x200xf32>
    %slice3A_2364 = vector.extract_strided_slice %transpose3A_753 {offsets = [7, 0], sizes = [1, 200], strides = [1, 1]} : vector<16x200xf32> to vector<1x200xf32>
    %mul3A_2365 = vector.broadcast %slice3A_2364 : vector<1x200xf32> to vector<128x200xf32>
    %mul3A_2366 = arith.mulf %mul3A_2365, %transpose3A_1275 : vector<128x200xf32>
    %add3A_2367 = arith.addf %add3A_2363, %mul3A_2366 : vector<128x200xf32>
    %slice3A_2368 = vector.extract_strided_slice %transpose3A_789 {offsets = [7, 0], sizes = [1, 200], strides = [1, 1]} : vector<16x200xf32> to vector<1x200xf32>
    %mul3A_2369 = vector.broadcast %slice3A_2368 : vector<1x200xf32> to vector<128x200xf32>
    %mul3A_2370 = arith.mulf %mul3A_2369, %transpose3A_1281 : vector<128x200xf32>
    %add3A_2371 = arith.addf %add3A_2367, %mul3A_2370 : vector<128x200xf32>
    %slice3A_2372 = vector.extract_strided_slice %transpose3A_825 {offsets = [7, 0], sizes = [1, 200], strides = [1, 1]} : vector<16x200xf32> to vector<1x200xf32>
    %mul3A_2373 = vector.broadcast %slice3A_2372 : vector<1x200xf32> to vector<128x200xf32>
    %mul3A_2374 = arith.mulf %mul3A_2373, %transpose3A_1287 : vector<128x200xf32>
    %add3A_2375 = arith.addf %add3A_2371, %mul3A_2374 : vector<128x200xf32>
    %slice3A_2376 = vector.extract_strided_slice %transpose3A_861 {offsets = [7, 0], sizes = [1, 200], strides = [1, 1]} : vector<16x200xf32> to vector<1x200xf32>
    %mul3A_2377 = vector.broadcast %slice3A_2376 : vector<1x200xf32> to vector<128x200xf32>
    %mul3A_2378 = arith.mulf %mul3A_2377, %transpose3A_1293 : vector<128x200xf32>
    %add3A_2379 = arith.addf %add3A_2375, %mul3A_2378 : vector<128x200xf32>
    %slice3A_2380 = vector.extract_strided_slice %transpose3A_897 {offsets = [7, 0], sizes = [1, 200], strides = [1, 1]} : vector<16x200xf32> to vector<1x200xf32>
    %mul3A_2381 = vector.broadcast %slice3A_2380 : vector<1x200xf32> to vector<128x200xf32>
    %mul3A_2382 = arith.mulf %mul3A_2381, %transpose3A_1299 : vector<128x200xf32>
    %add3A_2383 = arith.addf %add3A_2379, %mul3A_2382 : vector<128x200xf32>
    %slice3A_2384 = vector.extract_strided_slice %transpose3A_933 {offsets = [7, 0], sizes = [1, 200], strides = [1, 1]} : vector<16x200xf32> to vector<1x200xf32>
    %mul3A_2385 = vector.broadcast %slice3A_2384 : vector<1x200xf32> to vector<128x200xf32>
    %mul3A_2386 = arith.mulf %mul3A_2385, %transpose3A_1305 : vector<128x200xf32>
    %add3A_2387 = arith.addf %add3A_2383, %mul3A_2386 : vector<128x200xf32>
    %slice3A_2388 = vector.extract_strided_slice %transpose3A_969 {offsets = [7, 0], sizes = [1, 200], strides = [1, 1]} : vector<16x200xf32> to vector<1x200xf32>
    %mul3A_2389 = vector.broadcast %slice3A_2388 : vector<1x200xf32> to vector<128x200xf32>
    %mul3A_2390 = arith.mulf %mul3A_2389, %transpose3A_1311 : vector<128x200xf32>
    %add3A_2391 = arith.addf %add3A_2387, %mul3A_2390 : vector<128x200xf32>
    %slice3A_2392 = vector.extract_strided_slice %transpose3A_1005 {offsets = [7, 0], sizes = [1, 200], strides = [1, 1]} : vector<16x200xf32> to vector<1x200xf32>
    %mul3A_2393 = vector.broadcast %slice3A_2392 : vector<1x200xf32> to vector<128x200xf32>
    %mul3A_2394 = arith.mulf %mul3A_2393, %transpose3A_1317 : vector<128x200xf32>
    %add3A_2395 = arith.addf %add3A_2391, %mul3A_2394 : vector<128x200xf32>
    %slice3A_2396 = vector.extract_strided_slice %transpose3A_1041 {offsets = [7, 0], sizes = [1, 200], strides = [1, 1]} : vector<16x200xf32> to vector<1x200xf32>
    %mul3A_2397 = vector.broadcast %slice3A_2396 : vector<1x200xf32> to vector<128x200xf32>
    %mul3A_2398 = arith.mulf %mul3A_2397, %transpose3A_1323 : vector<128x200xf32>
    %add3A_2399 = arith.addf %add3A_2395, %mul3A_2398 : vector<128x200xf32>
    %slice3A_2400 = vector.extract_strided_slice %transpose3A_1077 {offsets = [7, 0], sizes = [1, 200], strides = [1, 1]} : vector<16x200xf32> to vector<1x200xf32>
    %mul3A_2401 = vector.broadcast %slice3A_2400 : vector<1x200xf32> to vector<128x200xf32>
    %mul3A_2402 = arith.mulf %mul3A_2401, %transpose3A_1329 : vector<128x200xf32>
    %add3A_2403 = arith.addf %add3A_2399, %mul3A_2402 : vector<128x200xf32>
    %slice3A_2404 = vector.extract_strided_slice %transpose3A_1113 {offsets = [7, 0], sizes = [1, 200], strides = [1, 1]} : vector<16x200xf32> to vector<1x200xf32>
    %mul3A_2405 = vector.broadcast %slice3A_2404 : vector<1x200xf32> to vector<128x200xf32>
    %mul3A_2406 = arith.mulf %mul3A_2405, %transpose3A_1335 : vector<128x200xf32>
    %add3A_2407 = arith.addf %add3A_2403, %mul3A_2406 : vector<128x200xf32>
    %slice3A_2408 = vector.extract_strided_slice %transpose3A_1149 {offsets = [7, 0], sizes = [1, 200], strides = [1, 1]} : vector<16x200xf32> to vector<1x200xf32>
    %mul3A_2409 = vector.broadcast %slice3A_2408 : vector<1x200xf32> to vector<128x200xf32>
    %mul3A_2410 = arith.mulf %mul3A_2409, %transpose3A_1341 : vector<128x200xf32>
    %add3A_2411 = arith.addf %add3A_2407, %mul3A_2410 : vector<128x200xf32>
    %get3A_2412 = arith.constant 7 : index
    %get3A_2413 = arith.constant 0 : index
    %get3A_2414 = arith.constant 0 : index
    %get3A_2415 = vector.load %arg6[%get3A_2412, %get3A_2413, %get3A_2414] : memref<15x128x128xf32, #tpu.memory_space<vmem>>, vector<1x128x128xf32>
    %get3A_2416 = vector.shape_cast %get3A_2415 : vector<1x128x128xf32> to vector<128x128xf32>
    %dot_general3A_2417 = arith.constant dense<0.000000e+00> : vector<128x200xf32>
    %dot_general3A_2418 = tpu.matmul %get3A_2416, %add3A_2411, %dot_general3A_2417 {dimension_numbers = #tpu.dot_dimension_numbers<[0], [0], [1], [1], [0, 1, 1, 1], [], []>, transpose_lhs_hint = false} : vector<128x128xf32>, vector<128x200xf32>, vector<128x200xf32> -> vector<128x200xf32>
    %add3A_2419 = arith.addf %add3A_2284, %dot_general3A_2418 : vector<128x200xf32>
    %slice3A_2420 = vector.extract_strided_slice %transpose3A {offsets = [8, 0], sizes = [1, 200], strides = [1, 1]} : vector<16x200xf32> to vector<1x200xf32>
    %mul3A_2421 = vector.broadcast %slice3A_2420 : vector<1x200xf32> to vector<128x200xf32>
    %mul3A_2422 = arith.mulf %mul3A_2421, %transpose3A_1155 : vector<128x200xf32>
    %slice3A_2423 = vector.extract_strided_slice %transpose3A_69 {offsets = [8, 0], sizes = [1, 200], strides = [1, 1]} : vector<16x200xf32> to vector<1x200xf32>
    %mul3A_2424 = vector.broadcast %slice3A_2423 : vector<1x200xf32> to vector<128x200xf32>
    %mul3A_2425 = arith.mulf %mul3A_2424, %transpose3A_1161 : vector<128x200xf32>
    %add3A_2426 = arith.addf %mul3A_2422, %mul3A_2425 : vector<128x200xf32>
    %slice3A_2427 = vector.extract_strided_slice %transpose3A_105 {offsets = [8, 0], sizes = [1, 200], strides = [1, 1]} : vector<16x200xf32> to vector<1x200xf32>
    %mul3A_2428 = vector.broadcast %slice3A_2427 : vector<1x200xf32> to vector<128x200xf32>
    %mul3A_2429 = arith.mulf %mul3A_2428, %transpose3A_1167 : vector<128x200xf32>
    %add3A_2430 = arith.addf %add3A_2426, %mul3A_2429 : vector<128x200xf32>
    %slice3A_2431 = vector.extract_strided_slice %transpose3A_141 {offsets = [8, 0], sizes = [1, 200], strides = [1, 1]} : vector<16x200xf32> to vector<1x200xf32>
    %mul3A_2432 = vector.broadcast %slice3A_2431 : vector<1x200xf32> to vector<128x200xf32>
    %mul3A_2433 = arith.mulf %mul3A_2432, %transpose3A_1173 : vector<128x200xf32>
    %add3A_2434 = arith.addf %add3A_2430, %mul3A_2433 : vector<128x200xf32>
    %slice3A_2435 = vector.extract_strided_slice %transpose3A_177 {offsets = [8, 0], sizes = [1, 200], strides = [1, 1]} : vector<16x200xf32> to vector<1x200xf32>
    %mul3A_2436 = vector.broadcast %slice3A_2435 : vector<1x200xf32> to vector<128x200xf32>
    %mul3A_2437 = arith.mulf %mul3A_2436, %transpose3A_1179 : vector<128x200xf32>
    %add3A_2438 = arith.addf %add3A_2434, %mul3A_2437 : vector<128x200xf32>
    %slice3A_2439 = vector.extract_strided_slice %transpose3A_213 {offsets = [8, 0], sizes = [1, 200], strides = [1, 1]} : vector<16x200xf32> to vector<1x200xf32>
    %mul3A_2440 = vector.broadcast %slice3A_2439 : vector<1x200xf32> to vector<128x200xf32>
    %mul3A_2441 = arith.mulf %mul3A_2440, %transpose3A_1185 : vector<128x200xf32>
    %add3A_2442 = arith.addf %add3A_2438, %mul3A_2441 : vector<128x200xf32>
    %slice3A_2443 = vector.extract_strided_slice %transpose3A_249 {offsets = [8, 0], sizes = [1, 200], strides = [1, 1]} : vector<16x200xf32> to vector<1x200xf32>
    %mul3A_2444 = vector.broadcast %slice3A_2443 : vector<1x200xf32> to vector<128x200xf32>
    %mul3A_2445 = arith.mulf %mul3A_2444, %transpose3A_1191 : vector<128x200xf32>
    %add3A_2446 = arith.addf %add3A_2442, %mul3A_2445 : vector<128x200xf32>
    %slice3A_2447 = vector.extract_strided_slice %transpose3A_285 {offsets = [8, 0], sizes = [1, 200], strides = [1, 1]} : vector<16x200xf32> to vector<1x200xf32>
    %mul3A_2448 = vector.broadcast %slice3A_2447 : vector<1x200xf32> to vector<128x200xf32>
    %mul3A_2449 = arith.mulf %mul3A_2448, %transpose3A_1197 : vector<128x200xf32>
    %add3A_2450 = arith.addf %add3A_2446, %mul3A_2449 : vector<128x200xf32>
    %slice3A_2451 = vector.extract_strided_slice %transpose3A_321 {offsets = [8, 0], sizes = [1, 200], strides = [1, 1]} : vector<16x200xf32> to vector<1x200xf32>
    %mul3A_2452 = vector.broadcast %slice3A_2451 : vector<1x200xf32> to vector<128x200xf32>
    %mul3A_2453 = arith.mulf %mul3A_2452, %transpose3A_1203 : vector<128x200xf32>
    %add3A_2454 = arith.addf %add3A_2450, %mul3A_2453 : vector<128x200xf32>
    %slice3A_2455 = vector.extract_strided_slice %transpose3A_357 {offsets = [8, 0], sizes = [1, 200], strides = [1, 1]} : vector<16x200xf32> to vector<1x200xf32>
    %mul3A_2456 = vector.broadcast %slice3A_2455 : vector<1x200xf32> to vector<128x200xf32>
    %mul3A_2457 = arith.mulf %mul3A_2456, %transpose3A_1209 : vector<128x200xf32>
    %add3A_2458 = arith.addf %add3A_2454, %mul3A_2457 : vector<128x200xf32>
    %slice3A_2459 = vector.extract_strided_slice %transpose3A_393 {offsets = [8, 0], sizes = [1, 200], strides = [1, 1]} : vector<16x200xf32> to vector<1x200xf32>
    %mul3A_2460 = vector.broadcast %slice3A_2459 : vector<1x200xf32> to vector<128x200xf32>
    %mul3A_2461 = arith.mulf %mul3A_2460, %transpose3A_1215 : vector<128x200xf32>
    %add3A_2462 = arith.addf %add3A_2458, %mul3A_2461 : vector<128x200xf32>
    %slice3A_2463 = vector.extract_strided_slice %transpose3A_429 {offsets = [8, 0], sizes = [1, 200], strides = [1, 1]} : vector<16x200xf32> to vector<1x200xf32>
    %mul3A_2464 = vector.broadcast %slice3A_2463 : vector<1x200xf32> to vector<128x200xf32>
    %mul3A_2465 = arith.mulf %mul3A_2464, %transpose3A_1221 : vector<128x200xf32>
    %add3A_2466 = arith.addf %add3A_2462, %mul3A_2465 : vector<128x200xf32>
    %slice3A_2467 = vector.extract_strided_slice %transpose3A_465 {offsets = [8, 0], sizes = [1, 200], strides = [1, 1]} : vector<16x200xf32> to vector<1x200xf32>
    %mul3A_2468 = vector.broadcast %slice3A_2467 : vector<1x200xf32> to vector<128x200xf32>
    %mul3A_2469 = arith.mulf %mul3A_2468, %transpose3A_1227 : vector<128x200xf32>
    %add3A_2470 = arith.addf %add3A_2466, %mul3A_2469 : vector<128x200xf32>
    %slice3A_2471 = vector.extract_strided_slice %transpose3A_501 {offsets = [8, 0], sizes = [1, 200], strides = [1, 1]} : vector<16x200xf32> to vector<1x200xf32>
    %mul3A_2472 = vector.broadcast %slice3A_2471 : vector<1x200xf32> to vector<128x200xf32>
    %mul3A_2473 = arith.mulf %mul3A_2472, %transpose3A_1233 : vector<128x200xf32>
    %add3A_2474 = arith.addf %add3A_2470, %mul3A_2473 : vector<128x200xf32>
    %slice3A_2475 = vector.extract_strided_slice %transpose3A_537 {offsets = [8, 0], sizes = [1, 200], strides = [1, 1]} : vector<16x200xf32> to vector<1x200xf32>
    %mul3A_2476 = vector.broadcast %slice3A_2475 : vector<1x200xf32> to vector<128x200xf32>
    %mul3A_2477 = arith.mulf %mul3A_2476, %transpose3A_1239 : vector<128x200xf32>
    %add3A_2478 = arith.addf %add3A_2474, %mul3A_2477 : vector<128x200xf32>
    %slice3A_2479 = vector.extract_strided_slice %transpose3A_573 {offsets = [8, 0], sizes = [1, 200], strides = [1, 1]} : vector<16x200xf32> to vector<1x200xf32>
    %mul3A_2480 = vector.broadcast %slice3A_2479 : vector<1x200xf32> to vector<128x200xf32>
    %mul3A_2481 = arith.mulf %mul3A_2480, %transpose3A_1245 : vector<128x200xf32>
    %add3A_2482 = arith.addf %add3A_2478, %mul3A_2481 : vector<128x200xf32>
    %slice3A_2483 = vector.extract_strided_slice %transpose3A_609 {offsets = [8, 0], sizes = [1, 200], strides = [1, 1]} : vector<16x200xf32> to vector<1x200xf32>
    %mul3A_2484 = vector.broadcast %slice3A_2483 : vector<1x200xf32> to vector<128x200xf32>
    %mul3A_2485 = arith.mulf %mul3A_2484, %transpose3A_1251 : vector<128x200xf32>
    %add3A_2486 = arith.addf %add3A_2482, %mul3A_2485 : vector<128x200xf32>
    %slice3A_2487 = vector.extract_strided_slice %transpose3A_645 {offsets = [8, 0], sizes = [1, 200], strides = [1, 1]} : vector<16x200xf32> to vector<1x200xf32>
    %mul3A_2488 = vector.broadcast %slice3A_2487 : vector<1x200xf32> to vector<128x200xf32>
    %mul3A_2489 = arith.mulf %mul3A_2488, %transpose3A_1257 : vector<128x200xf32>
    %add3A_2490 = arith.addf %add3A_2486, %mul3A_2489 : vector<128x200xf32>
    %slice3A_2491 = vector.extract_strided_slice %transpose3A_681 {offsets = [8, 0], sizes = [1, 200], strides = [1, 1]} : vector<16x200xf32> to vector<1x200xf32>
    %mul3A_2492 = vector.broadcast %slice3A_2491 : vector<1x200xf32> to vector<128x200xf32>
    %mul3A_2493 = arith.mulf %mul3A_2492, %transpose3A_1263 : vector<128x200xf32>
    %add3A_2494 = arith.addf %add3A_2490, %mul3A_2493 : vector<128x200xf32>
    %slice3A_2495 = vector.extract_strided_slice %transpose3A_717 {offsets = [8, 0], sizes = [1, 200], strides = [1, 1]} : vector<16x200xf32> to vector<1x200xf32>
    %mul3A_2496 = vector.broadcast %slice3A_2495 : vector<1x200xf32> to vector<128x200xf32>
    %mul3A_2497 = arith.mulf %mul3A_2496, %transpose3A_1269 : vector<128x200xf32>
    %add3A_2498 = arith.addf %add3A_2494, %mul3A_2497 : vector<128x200xf32>
    %slice3A_2499 = vector.extract_strided_slice %transpose3A_753 {offsets = [8, 0], sizes = [1, 200], strides = [1, 1]} : vector<16x200xf32> to vector<1x200xf32>
    %mul3A_2500 = vector.broadcast %slice3A_2499 : vector<1x200xf32> to vector<128x200xf32>
    %mul3A_2501 = arith.mulf %mul3A_2500, %transpose3A_1275 : vector<128x200xf32>
    %add3A_2502 = arith.addf %add3A_2498, %mul3A_2501 : vector<128x200xf32>
    %slice3A_2503 = vector.extract_strided_slice %transpose3A_789 {offsets = [8, 0], sizes = [1, 200], strides = [1, 1]} : vector<16x200xf32> to vector<1x200xf32>
    %mul3A_2504 = vector.broadcast %slice3A_2503 : vector<1x200xf32> to vector<128x200xf32>
    %mul3A_2505 = arith.mulf %mul3A_2504, %transpose3A_1281 : vector<128x200xf32>
    %add3A_2506 = arith.addf %add3A_2502, %mul3A_2505 : vector<128x200xf32>
    %slice3A_2507 = vector.extract_strided_slice %transpose3A_825 {offsets = [8, 0], sizes = [1, 200], strides = [1, 1]} : vector<16x200xf32> to vector<1x200xf32>
    %mul3A_2508 = vector.broadcast %slice3A_2507 : vector<1x200xf32> to vector<128x200xf32>
    %mul3A_2509 = arith.mulf %mul3A_2508, %transpose3A_1287 : vector<128x200xf32>
    %add3A_2510 = arith.addf %add3A_2506, %mul3A_2509 : vector<128x200xf32>
    %slice3A_2511 = vector.extract_strided_slice %transpose3A_861 {offsets = [8, 0], sizes = [1, 200], strides = [1, 1]} : vector<16x200xf32> to vector<1x200xf32>
    %mul3A_2512 = vector.broadcast %slice3A_2511 : vector<1x200xf32> to vector<128x200xf32>
    %mul3A_2513 = arith.mulf %mul3A_2512, %transpose3A_1293 : vector<128x200xf32>
    %add3A_2514 = arith.addf %add3A_2510, %mul3A_2513 : vector<128x200xf32>
    %slice3A_2515 = vector.extract_strided_slice %transpose3A_897 {offsets = [8, 0], sizes = [1, 200], strides = [1, 1]} : vector<16x200xf32> to vector<1x200xf32>
    %mul3A_2516 = vector.broadcast %slice3A_2515 : vector<1x200xf32> to vector<128x200xf32>
    %mul3A_2517 = arith.mulf %mul3A_2516, %transpose3A_1299 : vector<128x200xf32>
    %add3A_2518 = arith.addf %add3A_2514, %mul3A_2517 : vector<128x200xf32>
    %slice3A_2519 = vector.extract_strided_slice %transpose3A_933 {offsets = [8, 0], sizes = [1, 200], strides = [1, 1]} : vector<16x200xf32> to vector<1x200xf32>
    %mul3A_2520 = vector.broadcast %slice3A_2519 : vector<1x200xf32> to vector<128x200xf32>
    %mul3A_2521 = arith.mulf %mul3A_2520, %transpose3A_1305 : vector<128x200xf32>
    %add3A_2522 = arith.addf %add3A_2518, %mul3A_2521 : vector<128x200xf32>
    %slice3A_2523 = vector.extract_strided_slice %transpose3A_969 {offsets = [8, 0], sizes = [1, 200], strides = [1, 1]} : vector<16x200xf32> to vector<1x200xf32>
    %mul3A_2524 = vector.broadcast %slice3A_2523 : vector<1x200xf32> to vector<128x200xf32>
    %mul3A_2525 = arith.mulf %mul3A_2524, %transpose3A_1311 : vector<128x200xf32>
    %add3A_2526 = arith.addf %add3A_2522, %mul3A_2525 : vector<128x200xf32>
    %slice3A_2527 = vector.extract_strided_slice %transpose3A_1005 {offsets = [8, 0], sizes = [1, 200], strides = [1, 1]} : vector<16x200xf32> to vector<1x200xf32>
    %mul3A_2528 = vector.broadcast %slice3A_2527 : vector<1x200xf32> to vector<128x200xf32>
    %mul3A_2529 = arith.mulf %mul3A_2528, %transpose3A_1317 : vector<128x200xf32>
    %add3A_2530 = arith.addf %add3A_2526, %mul3A_2529 : vector<128x200xf32>
    %slice3A_2531 = vector.extract_strided_slice %transpose3A_1041 {offsets = [8, 0], sizes = [1, 200], strides = [1, 1]} : vector<16x200xf32> to vector<1x200xf32>
    %mul3A_2532 = vector.broadcast %slice3A_2531 : vector<1x200xf32> to vector<128x200xf32>
    %mul3A_2533 = arith.mulf %mul3A_2532, %transpose3A_1323 : vector<128x200xf32>
    %add3A_2534 = arith.addf %add3A_2530, %mul3A_2533 : vector<128x200xf32>
    %slice3A_2535 = vector.extract_strided_slice %transpose3A_1077 {offsets = [8, 0], sizes = [1, 200], strides = [1, 1]} : vector<16x200xf32> to vector<1x200xf32>
    %mul3A_2536 = vector.broadcast %slice3A_2535 : vector<1x200xf32> to vector<128x200xf32>
    %mul3A_2537 = arith.mulf %mul3A_2536, %transpose3A_1329 : vector<128x200xf32>
    %add3A_2538 = arith.addf %add3A_2534, %mul3A_2537 : vector<128x200xf32>
    %slice3A_2539 = vector.extract_strided_slice %transpose3A_1113 {offsets = [8, 0], sizes = [1, 200], strides = [1, 1]} : vector<16x200xf32> to vector<1x200xf32>
    %mul3A_2540 = vector.broadcast %slice3A_2539 : vector<1x200xf32> to vector<128x200xf32>
    %mul3A_2541 = arith.mulf %mul3A_2540, %transpose3A_1335 : vector<128x200xf32>
    %add3A_2542 = arith.addf %add3A_2538, %mul3A_2541 : vector<128x200xf32>
    %slice3A_2543 = vector.extract_strided_slice %transpose3A_1149 {offsets = [8, 0], sizes = [1, 200], strides = [1, 1]} : vector<16x200xf32> to vector<1x200xf32>
    %mul3A_2544 = vector.broadcast %slice3A_2543 : vector<1x200xf32> to vector<128x200xf32>
    %mul3A_2545 = arith.mulf %mul3A_2544, %transpose3A_1341 : vector<128x200xf32>
    %add3A_2546 = arith.addf %add3A_2542, %mul3A_2545 : vector<128x200xf32>
    %get3A_2547 = arith.constant 8 : index
    %get3A_2548 = arith.constant 0 : index
    %get3A_2549 = arith.constant 0 : index
    %get3A_2550 = vector.load %arg6[%get3A_2547, %get3A_2548, %get3A_2549] : memref<15x128x128xf32, #tpu.memory_space<vmem>>, vector<1x128x128xf32>
    %get3A_2551 = vector.shape_cast %get3A_2550 : vector<1x128x128xf32> to vector<128x128xf32>
    %dot_general3A_2552 = arith.constant dense<0.000000e+00> : vector<128x200xf32>
    %dot_general3A_2553 = tpu.matmul %get3A_2551, %add3A_2546, %dot_general3A_2552 {dimension_numbers = #tpu.dot_dimension_numbers<[0], [0], [1], [1], [0, 1, 1, 1], [], []>, transpose_lhs_hint = false} : vector<128x128xf32>, vector<128x200xf32>, vector<128x200xf32> -> vector<128x200xf32>
    %add3A_2554 = arith.addf %add3A_2419, %dot_general3A_2553 : vector<128x200xf32>
    %slice3A_2555 = vector.extract_strided_slice %transpose3A {offsets = [9, 0], sizes = [1, 200], strides = [1, 1]} : vector<16x200xf32> to vector<1x200xf32>
    %mul3A_2556 = vector.broadcast %slice3A_2555 : vector<1x200xf32> to vector<128x200xf32>
    %mul3A_2557 = arith.mulf %mul3A_2556, %transpose3A_1155 : vector<128x200xf32>
    %slice3A_2558 = vector.extract_strided_slice %transpose3A_69 {offsets = [9, 0], sizes = [1, 200], strides = [1, 1]} : vector<16x200xf32> to vector<1x200xf32>
    %mul3A_2559 = vector.broadcast %slice3A_2558 : vector<1x200xf32> to vector<128x200xf32>
    %mul3A_2560 = arith.mulf %mul3A_2559, %transpose3A_1161 : vector<128x200xf32>
    %add3A_2561 = arith.addf %mul3A_2557, %mul3A_2560 : vector<128x200xf32>
    %slice3A_2562 = vector.extract_strided_slice %transpose3A_105 {offsets = [9, 0], sizes = [1, 200], strides = [1, 1]} : vector<16x200xf32> to vector<1x200xf32>
    %mul3A_2563 = vector.broadcast %slice3A_2562 : vector<1x200xf32> to vector<128x200xf32>
    %mul3A_2564 = arith.mulf %mul3A_2563, %transpose3A_1167 : vector<128x200xf32>
    %add3A_2565 = arith.addf %add3A_2561, %mul3A_2564 : vector<128x200xf32>
    %slice3A_2566 = vector.extract_strided_slice %transpose3A_141 {offsets = [9, 0], sizes = [1, 200], strides = [1, 1]} : vector<16x200xf32> to vector<1x200xf32>
    %mul3A_2567 = vector.broadcast %slice3A_2566 : vector<1x200xf32> to vector<128x200xf32>
    %mul3A_2568 = arith.mulf %mul3A_2567, %transpose3A_1173 : vector<128x200xf32>
    %add3A_2569 = arith.addf %add3A_2565, %mul3A_2568 : vector<128x200xf32>
    %slice3A_2570 = vector.extract_strided_slice %transpose3A_177 {offsets = [9, 0], sizes = [1, 200], strides = [1, 1]} : vector<16x200xf32> to vector<1x200xf32>
    %mul3A_2571 = vector.broadcast %slice3A_2570 : vector<1x200xf32> to vector<128x200xf32>
    %mul3A_2572 = arith.mulf %mul3A_2571, %transpose3A_1179 : vector<128x200xf32>
    %add3A_2573 = arith.addf %add3A_2569, %mul3A_2572 : vector<128x200xf32>
    %slice3A_2574 = vector.extract_strided_slice %transpose3A_213 {offsets = [9, 0], sizes = [1, 200], strides = [1, 1]} : vector<16x200xf32> to vector<1x200xf32>
    %mul3A_2575 = vector.broadcast %slice3A_2574 : vector<1x200xf32> to vector<128x200xf32>
    %mul3A_2576 = arith.mulf %mul3A_2575, %transpose3A_1185 : vector<128x200xf32>
    %add3A_2577 = arith.addf %add3A_2573, %mul3A_2576 : vector<128x200xf32>
    %slice3A_2578 = vector.extract_strided_slice %transpose3A_249 {offsets = [9, 0], sizes = [1, 200], strides = [1, 1]} : vector<16x200xf32> to vector<1x200xf32>
    %mul3A_2579 = vector.broadcast %slice3A_2578 : vector<1x200xf32> to vector<128x200xf32>
    %mul3A_2580 = arith.mulf %mul3A_2579, %transpose3A_1191 : vector<128x200xf32>
    %add3A_2581 = arith.addf %add3A_2577, %mul3A_2580 : vector<128x200xf32>
    %slice3A_2582 = vector.extract_strided_slice %transpose3A_285 {offsets = [9, 0], sizes = [1, 200], strides = [1, 1]} : vector<16x200xf32> to vector<1x200xf32>
    %mul3A_2583 = vector.broadcast %slice3A_2582 : vector<1x200xf32> to vector<128x200xf32>
    %mul3A_2584 = arith.mulf %mul3A_2583, %transpose3A_1197 : vector<128x200xf32>
    %add3A_2585 = arith.addf %add3A_2581, %mul3A_2584 : vector<128x200xf32>
    %slice3A_2586 = vector.extract_strided_slice %transpose3A_321 {offsets = [9, 0], sizes = [1, 200], strides = [1, 1]} : vector<16x200xf32> to vector<1x200xf32>
    %mul3A_2587 = vector.broadcast %slice3A_2586 : vector<1x200xf32> to vector<128x200xf32>
    %mul3A_2588 = arith.mulf %mul3A_2587, %transpose3A_1203 : vector<128x200xf32>
    %add3A_2589 = arith.addf %add3A_2585, %mul3A_2588 : vector<128x200xf32>
    %slice3A_2590 = vector.extract_strided_slice %transpose3A_357 {offsets = [9, 0], sizes = [1, 200], strides = [1, 1]} : vector<16x200xf32> to vector<1x200xf32>
    %mul3A_2591 = vector.broadcast %slice3A_2590 : vector<1x200xf32> to vector<128x200xf32>
    %mul3A_2592 = arith.mulf %mul3A_2591, %transpose3A_1209 : vector<128x200xf32>
    %add3A_2593 = arith.addf %add3A_2589, %mul3A_2592 : vector<128x200xf32>
    %slice3A_2594 = vector.extract_strided_slice %transpose3A_393 {offsets = [9, 0], sizes = [1, 200], strides = [1, 1]} : vector<16x200xf32> to vector<1x200xf32>
    %mul3A_2595 = vector.broadcast %slice3A_2594 : vector<1x200xf32> to vector<128x200xf32>
    %mul3A_2596 = arith.mulf %mul3A_2595, %transpose3A_1215 : vector<128x200xf32>
    %add3A_2597 = arith.addf %add3A_2593, %mul3A_2596 : vector<128x200xf32>
    %slice3A_2598 = vector.extract_strided_slice %transpose3A_429 {offsets = [9, 0], sizes = [1, 200], strides = [1, 1]} : vector<16x200xf32> to vector<1x200xf32>
    %mul3A_2599 = vector.broadcast %slice3A_2598 : vector<1x200xf32> to vector<128x200xf32>
    %mul3A_2600 = arith.mulf %mul3A_2599, %transpose3A_1221 : vector<128x200xf32>
    %add3A_2601 = arith.addf %add3A_2597, %mul3A_2600 : vector<128x200xf32>
    %slice3A_2602 = vector.extract_strided_slice %transpose3A_465 {offsets = [9, 0], sizes = [1, 200], strides = [1, 1]} : vector<16x200xf32> to vector<1x200xf32>
    %mul3A_2603 = vector.broadcast %slice3A_2602 : vector<1x200xf32> to vector<128x200xf32>
    %mul3A_2604 = arith.mulf %mul3A_2603, %transpose3A_1227 : vector<128x200xf32>
    %add3A_2605 = arith.addf %add3A_2601, %mul3A_2604 : vector<128x200xf32>
    %slice3A_2606 = vector.extract_strided_slice %transpose3A_501 {offsets = [9, 0], sizes = [1, 200], strides = [1, 1]} : vector<16x200xf32> to vector<1x200xf32>
    %mul3A_2607 = vector.broadcast %slice3A_2606 : vector<1x200xf32> to vector<128x200xf32>
    %mul3A_2608 = arith.mulf %mul3A_2607, %transpose3A_1233 : vector<128x200xf32>
    %add3A_2609 = arith.addf %add3A_2605, %mul3A_2608 : vector<128x200xf32>
    %slice3A_2610 = vector.extract_strided_slice %transpose3A_537 {offsets = [9, 0], sizes = [1, 200], strides = [1, 1]} : vector<16x200xf32> to vector<1x200xf32>
    %mul3A_2611 = vector.broadcast %slice3A_2610 : vector<1x200xf32> to vector<128x200xf32>
    %mul3A_2612 = arith.mulf %mul3A_2611, %transpose3A_1239 : vector<128x200xf32>
    %add3A_2613 = arith.addf %add3A_2609, %mul3A_2612 : vector<128x200xf32>
    %slice3A_2614 = vector.extract_strided_slice %transpose3A_573 {offsets = [9, 0], sizes = [1, 200], strides = [1, 1]} : vector<16x200xf32> to vector<1x200xf32>
    %mul3A_2615 = vector.broadcast %slice3A_2614 : vector<1x200xf32> to vector<128x200xf32>
    %mul3A_2616 = arith.mulf %mul3A_2615, %transpose3A_1245 : vector<128x200xf32>
    %add3A_2617 = arith.addf %add3A_2613, %mul3A_2616 : vector<128x200xf32>
    %slice3A_2618 = vector.extract_strided_slice %transpose3A_609 {offsets = [9, 0], sizes = [1, 200], strides = [1, 1]} : vector<16x200xf32> to vector<1x200xf32>
    %mul3A_2619 = vector.broadcast %slice3A_2618 : vector<1x200xf32> to vector<128x200xf32>
    %mul3A_2620 = arith.mulf %mul3A_2619, %transpose3A_1251 : vector<128x200xf32>
    %add3A_2621 = arith.addf %add3A_2617, %mul3A_2620 : vector<128x200xf32>
    %slice3A_2622 = vector.extract_strided_slice %transpose3A_645 {offsets = [9, 0], sizes = [1, 200], strides = [1, 1]} : vector<16x200xf32> to vector<1x200xf32>
    %mul3A_2623 = vector.broadcast %slice3A_2622 : vector<1x200xf32> to vector<128x200xf32>
    %mul3A_2624 = arith.mulf %mul3A_2623, %transpose3A_1257 : vector<128x200xf32>
    %add3A_2625 = arith.addf %add3A_2621, %mul3A_2624 : vector<128x200xf32>
    %slice3A_2626 = vector.extract_strided_slice %transpose3A_681 {offsets = [9, 0], sizes = [1, 200], strides = [1, 1]} : vector<16x200xf32> to vector<1x200xf32>
    %mul3A_2627 = vector.broadcast %slice3A_2626 : vector<1x200xf32> to vector<128x200xf32>
    %mul3A_2628 = arith.mulf %mul3A_2627, %transpose3A_1263 : vector<128x200xf32>
    %add3A_2629 = arith.addf %add3A_2625, %mul3A_2628 : vector<128x200xf32>
    %slice3A_2630 = vector.extract_strided_slice %transpose3A_717 {offsets = [9, 0], sizes = [1, 200], strides = [1, 1]} : vector<16x200xf32> to vector<1x200xf32>
    %mul3A_2631 = vector.broadcast %slice3A_2630 : vector<1x200xf32> to vector<128x200xf32>
    %mul3A_2632 = arith.mulf %mul3A_2631, %transpose3A_1269 : vector<128x200xf32>
    %add3A_2633 = arith.addf %add3A_2629, %mul3A_2632 : vector<128x200xf32>
    %slice3A_2634 = vector.extract_strided_slice %transpose3A_753 {offsets = [9, 0], sizes = [1, 200], strides = [1, 1]} : vector<16x200xf32> to vector<1x200xf32>
    %mul3A_2635 = vector.broadcast %slice3A_2634 : vector<1x200xf32> to vector<128x200xf32>
    %mul3A_2636 = arith.mulf %mul3A_2635, %transpose3A_1275 : vector<128x200xf32>
    %add3A_2637 = arith.addf %add3A_2633, %mul3A_2636 : vector<128x200xf32>
    %slice3A_2638 = vector.extract_strided_slice %transpose3A_789 {offsets = [9, 0], sizes = [1, 200], strides = [1, 1]} : vector<16x200xf32> to vector<1x200xf32>
    %mul3A_2639 = vector.broadcast %slice3A_2638 : vector<1x200xf32> to vector<128x200xf32>
    %mul3A_2640 = arith.mulf %mul3A_2639, %transpose3A_1281 : vector<128x200xf32>
    %add3A_2641 = arith.addf %add3A_2637, %mul3A_2640 : vector<128x200xf32>
    %slice3A_2642 = vector.extract_strided_slice %transpose3A_825 {offsets = [9, 0], sizes = [1, 200], strides = [1, 1]} : vector<16x200xf32> to vector<1x200xf32>
    %mul3A_2643 = vector.broadcast %slice3A_2642 : vector<1x200xf32> to vector<128x200xf32>
    %mul3A_2644 = arith.mulf %mul3A_2643, %transpose3A_1287 : vector<128x200xf32>
    %add3A_2645 = arith.addf %add3A_2641, %mul3A_2644 : vector<128x200xf32>
    %slice3A_2646 = vector.extract_strided_slice %transpose3A_861 {offsets = [9, 0], sizes = [1, 200], strides = [1, 1]} : vector<16x200xf32> to vector<1x200xf32>
    %mul3A_2647 = vector.broadcast %slice3A_2646 : vector<1x200xf32> to vector<128x200xf32>
    %mul3A_2648 = arith.mulf %mul3A_2647, %transpose3A_1293 : vector<128x200xf32>
    %add3A_2649 = arith.addf %add3A_2645, %mul3A_2648 : vector<128x200xf32>
    %slice3A_2650 = vector.extract_strided_slice %transpose3A_897 {offsets = [9, 0], sizes = [1, 200], strides = [1, 1]} : vector<16x200xf32> to vector<1x200xf32>
    %mul3A_2651 = vector.broadcast %slice3A_2650 : vector<1x200xf32> to vector<128x200xf32>
    %mul3A_2652 = arith.mulf %mul3A_2651, %transpose3A_1299 : vector<128x200xf32>
    %add3A_2653 = arith.addf %add3A_2649, %mul3A_2652 : vector<128x200xf32>
    %slice3A_2654 = vector.extract_strided_slice %transpose3A_933 {offsets = [9, 0], sizes = [1, 200], strides = [1, 1]} : vector<16x200xf32> to vector<1x200xf32>
    %mul3A_2655 = vector.broadcast %slice3A_2654 : vector<1x200xf32> to vector<128x200xf32>
    %mul3A_2656 = arith.mulf %mul3A_2655, %transpose3A_1305 : vector<128x200xf32>
    %add3A_2657 = arith.addf %add3A_2653, %mul3A_2656 : vector<128x200xf32>
    %slice3A_2658 = vector.extract_strided_slice %transpose3A_969 {offsets = [9, 0], sizes = [1, 200], strides = [1, 1]} : vector<16x200xf32> to vector<1x200xf32>
    %mul3A_2659 = vector.broadcast %slice3A_2658 : vector<1x200xf32> to vector<128x200xf32>
    %mul3A_2660 = arith.mulf %mul3A_2659, %transpose3A_1311 : vector<128x200xf32>
    %add3A_2661 = arith.addf %add3A_2657, %mul3A_2660 : vector<128x200xf32>
    %slice3A_2662 = vector.extract_strided_slice %transpose3A_1005 {offsets = [9, 0], sizes = [1, 200], strides = [1, 1]} : vector<16x200xf32> to vector<1x200xf32>
    %mul3A_2663 = vector.broadcast %slice3A_2662 : vector<1x200xf32> to vector<128x200xf32>
    %mul3A_2664 = arith.mulf %mul3A_2663, %transpose3A_1317 : vector<128x200xf32>
    %add3A_2665 = arith.addf %add3A_2661, %mul3A_2664 : vector<128x200xf32>
    %slice3A_2666 = vector.extract_strided_slice %transpose3A_1041 {offsets = [9, 0], sizes = [1, 200], strides = [1, 1]} : vector<16x200xf32> to vector<1x200xf32>
    %mul3A_2667 = vector.broadcast %slice3A_2666 : vector<1x200xf32> to vector<128x200xf32>
    %mul3A_2668 = arith.mulf %mul3A_2667, %transpose3A_1323 : vector<128x200xf32>
    %add3A_2669 = arith.addf %add3A_2665, %mul3A_2668 : vector<128x200xf32>
    %slice3A_2670 = vector.extract_strided_slice %transpose3A_1077 {offsets = [9, 0], sizes = [1, 200], strides = [1, 1]} : vector<16x200xf32> to vector<1x200xf32>
    %mul3A_2671 = vector.broadcast %slice3A_2670 : vector<1x200xf32> to vector<128x200xf32>
    %mul3A_2672 = arith.mulf %mul3A_2671, %transpose3A_1329 : vector<128x200xf32>
    %add3A_2673 = arith.addf %add3A_2669, %mul3A_2672 : vector<128x200xf32>
    %slice3A_2674 = vector.extract_strided_slice %transpose3A_1113 {offsets = [9, 0], sizes = [1, 200], strides = [1, 1]} : vector<16x200xf32> to vector<1x200xf32>
    %mul3A_2675 = vector.broadcast %slice3A_2674 : vector<1x200xf32> to vector<128x200xf32>
    %mul3A_2676 = arith.mulf %mul3A_2675, %transpose3A_1335 : vector<128x200xf32>
    %add3A_2677 = arith.addf %add3A_2673, %mul3A_2676 : vector<128x200xf32>
    %slice3A_2678 = vector.extract_strided_slice %transpose3A_1149 {offsets = [9, 0], sizes = [1, 200], strides = [1, 1]} : vector<16x200xf32> to vector<1x200xf32>
    %mul3A_2679 = vector.broadcast %slice3A_2678 : vector<1x200xf32> to vector<128x200xf32>
    %mul3A_2680 = arith.mulf %mul3A_2679, %transpose3A_1341 : vector<128x200xf32>
    %add3A_2681 = arith.addf %add3A_2677, %mul3A_2680 : vector<128x200xf32>
    %get3A_2682 = arith.constant 9 : index
    %get3A_2683 = arith.constant 0 : index
    %get3A_2684 = arith.constant 0 : index
    %get3A_2685 = vector.load %arg6[%get3A_2682, %get3A_2683, %get3A_2684] : memref<15x128x128xf32, #tpu.memory_space<vmem>>, vector<1x128x128xf32>
    %get3A_2686 = vector.shape_cast %get3A_2685 : vector<1x128x128xf32> to vector<128x128xf32>
    %dot_general3A_2687 = arith.constant dense<0.000000e+00> : vector<128x200xf32>
    %dot_general3A_2688 = tpu.matmul %get3A_2686, %add3A_2681, %dot_general3A_2687 {dimension_numbers = #tpu.dot_dimension_numbers<[0], [0], [1], [1], [0, 1, 1, 1], [], []>, transpose_lhs_hint = false} : vector<128x128xf32>, vector<128x200xf32>, vector<128x200xf32> -> vector<128x200xf32>
    %add3A_2689 = arith.addf %add3A_2554, %dot_general3A_2688 : vector<128x200xf32>
    %slice3A_2690 = vector.extract_strided_slice %transpose3A {offsets = [10, 0], sizes = [1, 200], strides = [1, 1]} : vector<16x200xf32> to vector<1x200xf32>
    %mul3A_2691 = vector.broadcast %slice3A_2690 : vector<1x200xf32> to vector<128x200xf32>
    %mul3A_2692 = arith.mulf %mul3A_2691, %transpose3A_1155 : vector<128x200xf32>
    %slice3A_2693 = vector.extract_strided_slice %transpose3A_69 {offsets = [10, 0], sizes = [1, 200], strides = [1, 1]} : vector<16x200xf32> to vector<1x200xf32>
    %mul3A_2694 = vector.broadcast %slice3A_2693 : vector<1x200xf32> to vector<128x200xf32>
    %mul3A_2695 = arith.mulf %mul3A_2694, %transpose3A_1161 : vector<128x200xf32>
    %add3A_2696 = arith.addf %mul3A_2692, %mul3A_2695 : vector<128x200xf32>
    %slice3A_2697 = vector.extract_strided_slice %transpose3A_105 {offsets = [10, 0], sizes = [1, 200], strides = [1, 1]} : vector<16x200xf32> to vector<1x200xf32>
    %mul3A_2698 = vector.broadcast %slice3A_2697 : vector<1x200xf32> to vector<128x200xf32>
    %mul3A_2699 = arith.mulf %mul3A_2698, %transpose3A_1167 : vector<128x200xf32>
    %add3A_2700 = arith.addf %add3A_2696, %mul3A_2699 : vector<128x200xf32>
    %slice3A_2701 = vector.extract_strided_slice %transpose3A_141 {offsets = [10, 0], sizes = [1, 200], strides = [1, 1]} : vector<16x200xf32> to vector<1x200xf32>
    %mul3A_2702 = vector.broadcast %slice3A_2701 : vector<1x200xf32> to vector<128x200xf32>
    %mul3A_2703 = arith.mulf %mul3A_2702, %transpose3A_1173 : vector<128x200xf32>
    %add3A_2704 = arith.addf %add3A_2700, %mul3A_2703 : vector<128x200xf32>
    %slice3A_2705 = vector.extract_strided_slice %transpose3A_177 {offsets = [10, 0], sizes = [1, 200], strides = [1, 1]} : vector<16x200xf32> to vector<1x200xf32>
    %mul3A_2706 = vector.broadcast %slice3A_2705 : vector<1x200xf32> to vector<128x200xf32>
    %mul3A_2707 = arith.mulf %mul3A_2706, %transpose3A_1179 : vector<128x200xf32>
    %add3A_2708 = arith.addf %add3A_2704, %mul3A_2707 : vector<128x200xf32>
    %slice3A_2709 = vector.extract_strided_slice %transpose3A_213 {offsets = [10, 0], sizes = [1, 200], strides = [1, 1]} : vector<16x200xf32> to vector<1x200xf32>
    %mul3A_2710 = vector.broadcast %slice3A_2709 : vector<1x200xf32> to vector<128x200xf32>
    %mul3A_2711 = arith.mulf %mul3A_2710, %transpose3A_1185 : vector<128x200xf32>
    %add3A_2712 = arith.addf %add3A_2708, %mul3A_2711 : vector<128x200xf32>
    %slice3A_2713 = vector.extract_strided_slice %transpose3A_249 {offsets = [10, 0], sizes = [1, 200], strides = [1, 1]} : vector<16x200xf32> to vector<1x200xf32>
    %mul3A_2714 = vector.broadcast %slice3A_2713 : vector<1x200xf32> to vector<128x200xf32>
    %mul3A_2715 = arith.mulf %mul3A_2714, %transpose3A_1191 : vector<128x200xf32>
    %add3A_2716 = arith.addf %add3A_2712, %mul3A_2715 : vector<128x200xf32>
    %slice3A_2717 = vector.extract_strided_slice %transpose3A_285 {offsets = [10, 0], sizes = [1, 200], strides = [1, 1]} : vector<16x200xf32> to vector<1x200xf32>
    %mul3A_2718 = vector.broadcast %slice3A_2717 : vector<1x200xf32> to vector<128x200xf32>
    %mul3A_2719 = arith.mulf %mul3A_2718, %transpose3A_1197 : vector<128x200xf32>
    %add3A_2720 = arith.addf %add3A_2716, %mul3A_2719 : vector<128x200xf32>
    %slice3A_2721 = vector.extract_strided_slice %transpose3A_321 {offsets = [10, 0], sizes = [1, 200], strides = [1, 1]} : vector<16x200xf32> to vector<1x200xf32>
    %mul3A_2722 = vector.broadcast %slice3A_2721 : vector<1x200xf32> to vector<128x200xf32>
    %mul3A_2723 = arith.mulf %mul3A_2722, %transpose3A_1203 : vector<128x200xf32>
    %add3A_2724 = arith.addf %add3A_2720, %mul3A_2723 : vector<128x200xf32>
    %slice3A_2725 = vector.extract_strided_slice %transpose3A_357 {offsets = [10, 0], sizes = [1, 200], strides = [1, 1]} : vector<16x200xf32> to vector<1x200xf32>
    %mul3A_2726 = vector.broadcast %slice3A_2725 : vector<1x200xf32> to vector<128x200xf32>
    %mul3A_2727 = arith.mulf %mul3A_2726, %transpose3A_1209 : vector<128x200xf32>
    %add3A_2728 = arith.addf %add3A_2724, %mul3A_2727 : vector<128x200xf32>
    %slice3A_2729 = vector.extract_strided_slice %transpose3A_393 {offsets = [10, 0], sizes = [1, 200], strides = [1, 1]} : vector<16x200xf32> to vector<1x200xf32>
    %mul3A_2730 = vector.broadcast %slice3A_2729 : vector<1x200xf32> to vector<128x200xf32>
    %mul3A_2731 = arith.mulf %mul3A_2730, %transpose3A_1215 : vector<128x200xf32>
    %add3A_2732 = arith.addf %add3A_2728, %mul3A_2731 : vector<128x200xf32>
    %slice3A_2733 = vector.extract_strided_slice %transpose3A_429 {offsets = [10, 0], sizes = [1, 200], strides = [1, 1]} : vector<16x200xf32> to vector<1x200xf32>
    %mul3A_2734 = vector.broadcast %slice3A_2733 : vector<1x200xf32> to vector<128x200xf32>
    %mul3A_2735 = arith.mulf %mul3A_2734, %transpose3A_1221 : vector<128x200xf32>
    %add3A_2736 = arith.addf %add3A_2732, %mul3A_2735 : vector<128x200xf32>
    %slice3A_2737 = vector.extract_strided_slice %transpose3A_465 {offsets = [10, 0], sizes = [1, 200], strides = [1, 1]} : vector<16x200xf32> to vector<1x200xf32>
    %mul3A_2738 = vector.broadcast %slice3A_2737 : vector<1x200xf32> to vector<128x200xf32>
    %mul3A_2739 = arith.mulf %mul3A_2738, %transpose3A_1227 : vector<128x200xf32>
    %add3A_2740 = arith.addf %add3A_2736, %mul3A_2739 : vector<128x200xf32>
    %slice3A_2741 = vector.extract_strided_slice %transpose3A_501 {offsets = [10, 0], sizes = [1, 200], strides = [1, 1]} : vector<16x200xf32> to vector<1x200xf32>
    %mul3A_2742 = vector.broadcast %slice3A_2741 : vector<1x200xf32> to vector<128x200xf32>
    %mul3A_2743 = arith.mulf %mul3A_2742, %transpose3A_1233 : vector<128x200xf32>
    %add3A_2744 = arith.addf %add3A_2740, %mul3A_2743 : vector<128x200xf32>
    %slice3A_2745 = vector.extract_strided_slice %transpose3A_537 {offsets = [10, 0], sizes = [1, 200], strides = [1, 1]} : vector<16x200xf32> to vector<1x200xf32>
    %mul3A_2746 = vector.broadcast %slice3A_2745 : vector<1x200xf32> to vector<128x200xf32>
    %mul3A_2747 = arith.mulf %mul3A_2746, %transpose3A_1239 : vector<128x200xf32>
    %add3A_2748 = arith.addf %add3A_2744, %mul3A_2747 : vector<128x200xf32>
    %slice3A_2749 = vector.extract_strided_slice %transpose3A_573 {offsets = [10, 0], sizes = [1, 200], strides = [1, 1]} : vector<16x200xf32> to vector<1x200xf32>
    %mul3A_2750 = vector.broadcast %slice3A_2749 : vector<1x200xf32> to vector<128x200xf32>
    %mul3A_2751 = arith.mulf %mul3A_2750, %transpose3A_1245 : vector<128x200xf32>
    %add3A_2752 = arith.addf %add3A_2748, %mul3A_2751 : vector<128x200xf32>
    %slice3A_2753 = vector.extract_strided_slice %transpose3A_609 {offsets = [10, 0], sizes = [1, 200], strides = [1, 1]} : vector<16x200xf32> to vector<1x200xf32>
    %mul3A_2754 = vector.broadcast %slice3A_2753 : vector<1x200xf32> to vector<128x200xf32>
    %mul3A_2755 = arith.mulf %mul3A_2754, %transpose3A_1251 : vector<128x200xf32>
    %add3A_2756 = arith.addf %add3A_2752, %mul3A_2755 : vector<128x200xf32>
    %slice3A_2757 = vector.extract_strided_slice %transpose3A_645 {offsets = [10, 0], sizes = [1, 200], strides = [1, 1]} : vector<16x200xf32> to vector<1x200xf32>
    %mul3A_2758 = vector.broadcast %slice3A_2757 : vector<1x200xf32> to vector<128x200xf32>
    %mul3A_2759 = arith.mulf %mul3A_2758, %transpose3A_1257 : vector<128x200xf32>
    %add3A_2760 = arith.addf %add3A_2756, %mul3A_2759 : vector<128x200xf32>
    %slice3A_2761 = vector.extract_strided_slice %transpose3A_681 {offsets = [10, 0], sizes = [1, 200], strides = [1, 1]} : vector<16x200xf32> to vector<1x200xf32>
    %mul3A_2762 = vector.broadcast %slice3A_2761 : vector<1x200xf32> to vector<128x200xf32>
    %mul3A_2763 = arith.mulf %mul3A_2762, %transpose3A_1263 : vector<128x200xf32>
    %add3A_2764 = arith.addf %add3A_2760, %mul3A_2763 : vector<128x200xf32>
    %slice3A_2765 = vector.extract_strided_slice %transpose3A_717 {offsets = [10, 0], sizes = [1, 200], strides = [1, 1]} : vector<16x200xf32> to vector<1x200xf32>
    %mul3A_2766 = vector.broadcast %slice3A_2765 : vector<1x200xf32> to vector<128x200xf32>
    %mul3A_2767 = arith.mulf %mul3A_2766, %transpose3A_1269 : vector<128x200xf32>
    %add3A_2768 = arith.addf %add3A_2764, %mul3A_2767 : vector<128x200xf32>
    %slice3A_2769 = vector.extract_strided_slice %transpose3A_753 {offsets = [10, 0], sizes = [1, 200], strides = [1, 1]} : vector<16x200xf32> to vector<1x200xf32>
    %mul3A_2770 = vector.broadcast %slice3A_2769 : vector<1x200xf32> to vector<128x200xf32>
    %mul3A_2771 = arith.mulf %mul3A_2770, %transpose3A_1275 : vector<128x200xf32>
    %add3A_2772 = arith.addf %add3A_2768, %mul3A_2771 : vector<128x200xf32>
    %slice3A_2773 = vector.extract_strided_slice %transpose3A_789 {offsets = [10, 0], sizes = [1, 200], strides = [1, 1]} : vector<16x200xf32> to vector<1x200xf32>
    %mul3A_2774 = vector.broadcast %slice3A_2773 : vector<1x200xf32> to vector<128x200xf32>
    %mul3A_2775 = arith.mulf %mul3A_2774, %transpose3A_1281 : vector<128x200xf32>
    %add3A_2776 = arith.addf %add3A_2772, %mul3A_2775 : vector<128x200xf32>
    %slice3A_2777 = vector.extract_strided_slice %transpose3A_825 {offsets = [10, 0], sizes = [1, 200], strides = [1, 1]} : vector<16x200xf32> to vector<1x200xf32>
    %mul3A_2778 = vector.broadcast %slice3A_2777 : vector<1x200xf32> to vector<128x200xf32>
    %mul3A_2779 = arith.mulf %mul3A_2778, %transpose3A_1287 : vector<128x200xf32>
    %add3A_2780 = arith.addf %add3A_2776, %mul3A_2779 : vector<128x200xf32>
    %slice3A_2781 = vector.extract_strided_slice %transpose3A_861 {offsets = [10, 0], sizes = [1, 200], strides = [1, 1]} : vector<16x200xf32> to vector<1x200xf32>
    %mul3A_2782 = vector.broadcast %slice3A_2781 : vector<1x200xf32> to vector<128x200xf32>
    %mul3A_2783 = arith.mulf %mul3A_2782, %transpose3A_1293 : vector<128x200xf32>
    %add3A_2784 = arith.addf %add3A_2780, %mul3A_2783 : vector<128x200xf32>
    %slice3A_2785 = vector.extract_strided_slice %transpose3A_897 {offsets = [10, 0], sizes = [1, 200], strides = [1, 1]} : vector<16x200xf32> to vector<1x200xf32>
    %mul3A_2786 = vector.broadcast %slice3A_2785 : vector<1x200xf32> to vector<128x200xf32>
    %mul3A_2787 = arith.mulf %mul3A_2786, %transpose3A_1299 : vector<128x200xf32>
    %add3A_2788 = arith.addf %add3A_2784, %mul3A_2787 : vector<128x200xf32>
    %slice3A_2789 = vector.extract_strided_slice %transpose3A_933 {offsets = [10, 0], sizes = [1, 200], strides = [1, 1]} : vector<16x200xf32> to vector<1x200xf32>
    %mul3A_2790 = vector.broadcast %slice3A_2789 : vector<1x200xf32> to vector<128x200xf32>
    %mul3A_2791 = arith.mulf %mul3A_2790, %transpose3A_1305 : vector<128x200xf32>
    %add3A_2792 = arith.addf %add3A_2788, %mul3A_2791 : vector<128x200xf32>
    %slice3A_2793 = vector.extract_strided_slice %transpose3A_969 {offsets = [10, 0], sizes = [1, 200], strides = [1, 1]} : vector<16x200xf32> to vector<1x200xf32>
    %mul3A_2794 = vector.broadcast %slice3A_2793 : vector<1x200xf32> to vector<128x200xf32>
    %mul3A_2795 = arith.mulf %mul3A_2794, %transpose3A_1311 : vector<128x200xf32>
    %add3A_2796 = arith.addf %add3A_2792, %mul3A_2795 : vector<128x200xf32>
    %slice3A_2797 = vector.extract_strided_slice %transpose3A_1005 {offsets = [10, 0], sizes = [1, 200], strides = [1, 1]} : vector<16x200xf32> to vector<1x200xf32>
    %mul3A_2798 = vector.broadcast %slice3A_2797 : vector<1x200xf32> to vector<128x200xf32>
    %mul3A_2799 = arith.mulf %mul3A_2798, %transpose3A_1317 : vector<128x200xf32>
    %add3A_2800 = arith.addf %add3A_2796, %mul3A_2799 : vector<128x200xf32>
    %slice3A_2801 = vector.extract_strided_slice %transpose3A_1041 {offsets = [10, 0], sizes = [1, 200], strides = [1, 1]} : vector<16x200xf32> to vector<1x200xf32>
    %mul3A_2802 = vector.broadcast %slice3A_2801 : vector<1x200xf32> to vector<128x200xf32>
    %mul3A_2803 = arith.mulf %mul3A_2802, %transpose3A_1323 : vector<128x200xf32>
    %add3A_2804 = arith.addf %add3A_2800, %mul3A_2803 : vector<128x200xf32>
    %slice3A_2805 = vector.extract_strided_slice %transpose3A_1077 {offsets = [10, 0], sizes = [1, 200], strides = [1, 1]} : vector<16x200xf32> to vector<1x200xf32>
    %mul3A_2806 = vector.broadcast %slice3A_2805 : vector<1x200xf32> to vector<128x200xf32>
    %mul3A_2807 = arith.mulf %mul3A_2806, %transpose3A_1329 : vector<128x200xf32>
    %add3A_2808 = arith.addf %add3A_2804, %mul3A_2807 : vector<128x200xf32>
    %slice3A_2809 = vector.extract_strided_slice %transpose3A_1113 {offsets = [10, 0], sizes = [1, 200], strides = [1, 1]} : vector<16x200xf32> to vector<1x200xf32>
    %mul3A_2810 = vector.broadcast %slice3A_2809 : vector<1x200xf32> to vector<128x200xf32>
    %mul3A_2811 = arith.mulf %mul3A_2810, %transpose3A_1335 : vector<128x200xf32>
    %add3A_2812 = arith.addf %add3A_2808, %mul3A_2811 : vector<128x200xf32>
    %slice3A_2813 = vector.extract_strided_slice %transpose3A_1149 {offsets = [10, 0], sizes = [1, 200], strides = [1, 1]} : vector<16x200xf32> to vector<1x200xf32>
    %mul3A_2814 = vector.broadcast %slice3A_2813 : vector<1x200xf32> to vector<128x200xf32>
    %mul3A_2815 = arith.mulf %mul3A_2814, %transpose3A_1341 : vector<128x200xf32>
    %add3A_2816 = arith.addf %add3A_2812, %mul3A_2815 : vector<128x200xf32>
    %get3A_2817 = arith.constant 10 : index
    %get3A_2818 = arith.constant 0 : index
    %get3A_2819 = arith.constant 0 : index
    %get3A_2820 = vector.load %arg6[%get3A_2817, %get3A_2818, %get3A_2819] : memref<15x128x128xf32, #tpu.memory_space<vmem>>, vector<1x128x128xf32>
    %get3A_2821 = vector.shape_cast %get3A_2820 : vector<1x128x128xf32> to vector<128x128xf32>
    %dot_general3A_2822 = arith.constant dense<0.000000e+00> : vector<128x200xf32>
    %dot_general3A_2823 = tpu.matmul %get3A_2821, %add3A_2816, %dot_general3A_2822 {dimension_numbers = #tpu.dot_dimension_numbers<[0], [0], [1], [1], [0, 1, 1, 1], [], []>, transpose_lhs_hint = false} : vector<128x128xf32>, vector<128x200xf32>, vector<128x200xf32> -> vector<128x200xf32>
    %add3A_2824 = arith.addf %add3A_2689, %dot_general3A_2823 : vector<128x200xf32>
    %slice3A_2825 = vector.extract_strided_slice %transpose3A {offsets = [11, 0], sizes = [1, 200], strides = [1, 1]} : vector<16x200xf32> to vector<1x200xf32>
    %mul3A_2826 = vector.broadcast %slice3A_2825 : vector<1x200xf32> to vector<128x200xf32>
    %mul3A_2827 = arith.mulf %mul3A_2826, %transpose3A_1155 : vector<128x200xf32>
    %slice3A_2828 = vector.extract_strided_slice %transpose3A_69 {offsets = [11, 0], sizes = [1, 200], strides = [1, 1]} : vector<16x200xf32> to vector<1x200xf32>
    %mul3A_2829 = vector.broadcast %slice3A_2828 : vector<1x200xf32> to vector<128x200xf32>
    %mul3A_2830 = arith.mulf %mul3A_2829, %transpose3A_1161 : vector<128x200xf32>
    %add3A_2831 = arith.addf %mul3A_2827, %mul3A_2830 : vector<128x200xf32>
    %slice3A_2832 = vector.extract_strided_slice %transpose3A_105 {offsets = [11, 0], sizes = [1, 200], strides = [1, 1]} : vector<16x200xf32> to vector<1x200xf32>
    %mul3A_2833 = vector.broadcast %slice3A_2832 : vector<1x200xf32> to vector<128x200xf32>
    %mul3A_2834 = arith.mulf %mul3A_2833, %transpose3A_1167 : vector<128x200xf32>
    %add3A_2835 = arith.addf %add3A_2831, %mul3A_2834 : vector<128x200xf32>
    %slice3A_2836 = vector.extract_strided_slice %transpose3A_141 {offsets = [11, 0], sizes = [1, 200], strides = [1, 1]} : vector<16x200xf32> to vector<1x200xf32>
    %mul3A_2837 = vector.broadcast %slice3A_2836 : vector<1x200xf32> to vector<128x200xf32>
    %mul3A_2838 = arith.mulf %mul3A_2837, %transpose3A_1173 : vector<128x200xf32>
    %add3A_2839 = arith.addf %add3A_2835, %mul3A_2838 : vector<128x200xf32>
    %slice3A_2840 = vector.extract_strided_slice %transpose3A_177 {offsets = [11, 0], sizes = [1, 200], strides = [1, 1]} : vector<16x200xf32> to vector<1x200xf32>
    %mul3A_2841 = vector.broadcast %slice3A_2840 : vector<1x200xf32> to vector<128x200xf32>
    %mul3A_2842 = arith.mulf %mul3A_2841, %transpose3A_1179 : vector<128x200xf32>
    %add3A_2843 = arith.addf %add3A_2839, %mul3A_2842 : vector<128x200xf32>
    %slice3A_2844 = vector.extract_strided_slice %transpose3A_213 {offsets = [11, 0], sizes = [1, 200], strides = [1, 1]} : vector<16x200xf32> to vector<1x200xf32>
    %mul3A_2845 = vector.broadcast %slice3A_2844 : vector<1x200xf32> to vector<128x200xf32>
    %mul3A_2846 = arith.mulf %mul3A_2845, %transpose3A_1185 : vector<128x200xf32>
    %add3A_2847 = arith.addf %add3A_2843, %mul3A_2846 : vector<128x200xf32>
    %slice3A_2848 = vector.extract_strided_slice %transpose3A_249 {offsets = [11, 0], sizes = [1, 200], strides = [1, 1]} : vector<16x200xf32> to vector<1x200xf32>
    %mul3A_2849 = vector.broadcast %slice3A_2848 : vector<1x200xf32> to vector<128x200xf32>
    %mul3A_2850 = arith.mulf %mul3A_2849, %transpose3A_1191 : vector<128x200xf32>
    %add3A_2851 = arith.addf %add3A_2847, %mul3A_2850 : vector<128x200xf32>
    %slice3A_2852 = vector.extract_strided_slice %transpose3A_285 {offsets = [11, 0], sizes = [1, 200], strides = [1, 1]} : vector<16x200xf32> to vector<1x200xf32>
    %mul3A_2853 = vector.broadcast %slice3A_2852 : vector<1x200xf32> to vector<128x200xf32>
    %mul3A_2854 = arith.mulf %mul3A_2853, %transpose3A_1197 : vector<128x200xf32>
    %add3A_2855 = arith.addf %add3A_2851, %mul3A_2854 : vector<128x200xf32>
    %slice3A_2856 = vector.extract_strided_slice %transpose3A_321 {offsets = [11, 0], sizes = [1, 200], strides = [1, 1]} : vector<16x200xf32> to vector<1x200xf32>
    %mul3A_2857 = vector.broadcast %slice3A_2856 : vector<1x200xf32> to vector<128x200xf32>
    %mul3A_2858 = arith.mulf %mul3A_2857, %transpose3A_1203 : vector<128x200xf32>
    %add3A_2859 = arith.addf %add3A_2855, %mul3A_2858 : vector<128x200xf32>
    %slice3A_2860 = vector.extract_strided_slice %transpose3A_357 {offsets = [11, 0], sizes = [1, 200], strides = [1, 1]} : vector<16x200xf32> to vector<1x200xf32>
    %mul3A_2861 = vector.broadcast %slice3A_2860 : vector<1x200xf32> to vector<128x200xf32>
    %mul3A_2862 = arith.mulf %mul3A_2861, %transpose3A_1209 : vector<128x200xf32>
    %add3A_2863 = arith.addf %add3A_2859, %mul3A_2862 : vector<128x200xf32>
    %slice3A_2864 = vector.extract_strided_slice %transpose3A_393 {offsets = [11, 0], sizes = [1, 200], strides = [1, 1]} : vector<16x200xf32> to vector<1x200xf32>
    %mul3A_2865 = vector.broadcast %slice3A_2864 : vector<1x200xf32> to vector<128x200xf32>
    %mul3A_2866 = arith.mulf %mul3A_2865, %transpose3A_1215 : vector<128x200xf32>
    %add3A_2867 = arith.addf %add3A_2863, %mul3A_2866 : vector<128x200xf32>
    %slice3A_2868 = vector.extract_strided_slice %transpose3A_429 {offsets = [11, 0], sizes = [1, 200], strides = [1, 1]} : vector<16x200xf32> to vector<1x200xf32>
    %mul3A_2869 = vector.broadcast %slice3A_2868 : vector<1x200xf32> to vector<128x200xf32>
    %mul3A_2870 = arith.mulf %mul3A_2869, %transpose3A_1221 : vector<128x200xf32>
    %add3A_2871 = arith.addf %add3A_2867, %mul3A_2870 : vector<128x200xf32>
    %slice3A_2872 = vector.extract_strided_slice %transpose3A_465 {offsets = [11, 0], sizes = [1, 200], strides = [1, 1]} : vector<16x200xf32> to vector<1x200xf32>
    %mul3A_2873 = vector.broadcast %slice3A_2872 : vector<1x200xf32> to vector<128x200xf32>
    %mul3A_2874 = arith.mulf %mul3A_2873, %transpose3A_1227 : vector<128x200xf32>
    %add3A_2875 = arith.addf %add3A_2871, %mul3A_2874 : vector<128x200xf32>
    %slice3A_2876 = vector.extract_strided_slice %transpose3A_501 {offsets = [11, 0], sizes = [1, 200], strides = [1, 1]} : vector<16x200xf32> to vector<1x200xf32>
    %mul3A_2877 = vector.broadcast %slice3A_2876 : vector<1x200xf32> to vector<128x200xf32>
    %mul3A_2878 = arith.mulf %mul3A_2877, %transpose3A_1233 : vector<128x200xf32>
    %add3A_2879 = arith.addf %add3A_2875, %mul3A_2878 : vector<128x200xf32>
    %slice3A_2880 = vector.extract_strided_slice %transpose3A_537 {offsets = [11, 0], sizes = [1, 200], strides = [1, 1]} : vector<16x200xf32> to vector<1x200xf32>
    %mul3A_2881 = vector.broadcast %slice3A_2880 : vector<1x200xf32> to vector<128x200xf32>
    %mul3A_2882 = arith.mulf %mul3A_2881, %transpose3A_1239 : vector<128x200xf32>
    %add3A_2883 = arith.addf %add3A_2879, %mul3A_2882 : vector<128x200xf32>
    %slice3A_2884 = vector.extract_strided_slice %transpose3A_573 {offsets = [11, 0], sizes = [1, 200], strides = [1, 1]} : vector<16x200xf32> to vector<1x200xf32>
    %mul3A_2885 = vector.broadcast %slice3A_2884 : vector<1x200xf32> to vector<128x200xf32>
    %mul3A_2886 = arith.mulf %mul3A_2885, %transpose3A_1245 : vector<128x200xf32>
    %add3A_2887 = arith.addf %add3A_2883, %mul3A_2886 : vector<128x200xf32>
    %slice3A_2888 = vector.extract_strided_slice %transpose3A_609 {offsets = [11, 0], sizes = [1, 200], strides = [1, 1]} : vector<16x200xf32> to vector<1x200xf32>
    %mul3A_2889 = vector.broadcast %slice3A_2888 : vector<1x200xf32> to vector<128x200xf32>
    %mul3A_2890 = arith.mulf %mul3A_2889, %transpose3A_1251 : vector<128x200xf32>
    %add3A_2891 = arith.addf %add3A_2887, %mul3A_2890 : vector<128x200xf32>
    %slice3A_2892 = vector.extract_strided_slice %transpose3A_645 {offsets = [11, 0], sizes = [1, 200], strides = [1, 1]} : vector<16x200xf32> to vector<1x200xf32>
    %mul3A_2893 = vector.broadcast %slice3A_2892 : vector<1x200xf32> to vector<128x200xf32>
    %mul3A_2894 = arith.mulf %mul3A_2893, %transpose3A_1257 : vector<128x200xf32>
    %add3A_2895 = arith.addf %add3A_2891, %mul3A_2894 : vector<128x200xf32>
    %slice3A_2896 = vector.extract_strided_slice %transpose3A_681 {offsets = [11, 0], sizes = [1, 200], strides = [1, 1]} : vector<16x200xf32> to vector<1x200xf32>
    %mul3A_2897 = vector.broadcast %slice3A_2896 : vector<1x200xf32> to vector<128x200xf32>
    %mul3A_2898 = arith.mulf %mul3A_2897, %transpose3A_1263 : vector<128x200xf32>
    %add3A_2899 = arith.addf %add3A_2895, %mul3A_2898 : vector<128x200xf32>
    %slice3A_2900 = vector.extract_strided_slice %transpose3A_717 {offsets = [11, 0], sizes = [1, 200], strides = [1, 1]} : vector<16x200xf32> to vector<1x200xf32>
    %mul3A_2901 = vector.broadcast %slice3A_2900 : vector<1x200xf32> to vector<128x200xf32>
    %mul3A_2902 = arith.mulf %mul3A_2901, %transpose3A_1269 : vector<128x200xf32>
    %add3A_2903 = arith.addf %add3A_2899, %mul3A_2902 : vector<128x200xf32>
    %slice3A_2904 = vector.extract_strided_slice %transpose3A_753 {offsets = [11, 0], sizes = [1, 200], strides = [1, 1]} : vector<16x200xf32> to vector<1x200xf32>
    %mul3A_2905 = vector.broadcast %slice3A_2904 : vector<1x200xf32> to vector<128x200xf32>
    %mul3A_2906 = arith.mulf %mul3A_2905, %transpose3A_1275 : vector<128x200xf32>
    %add3A_2907 = arith.addf %add3A_2903, %mul3A_2906 : vector<128x200xf32>
    %slice3A_2908 = vector.extract_strided_slice %transpose3A_789 {offsets = [11, 0], sizes = [1, 200], strides = [1, 1]} : vector<16x200xf32> to vector<1x200xf32>
    %mul3A_2909 = vector.broadcast %slice3A_2908 : vector<1x200xf32> to vector<128x200xf32>
    %mul3A_2910 = arith.mulf %mul3A_2909, %transpose3A_1281 : vector<128x200xf32>
    %add3A_2911 = arith.addf %add3A_2907, %mul3A_2910 : vector<128x200xf32>
    %slice3A_2912 = vector.extract_strided_slice %transpose3A_825 {offsets = [11, 0], sizes = [1, 200], strides = [1, 1]} : vector<16x200xf32> to vector<1x200xf32>
    %mul3A_2913 = vector.broadcast %slice3A_2912 : vector<1x200xf32> to vector<128x200xf32>
    %mul3A_2914 = arith.mulf %mul3A_2913, %transpose3A_1287 : vector<128x200xf32>
    %add3A_2915 = arith.addf %add3A_2911, %mul3A_2914 : vector<128x200xf32>
    %slice3A_2916 = vector.extract_strided_slice %transpose3A_861 {offsets = [11, 0], sizes = [1, 200], strides = [1, 1]} : vector<16x200xf32> to vector<1x200xf32>
    %mul3A_2917 = vector.broadcast %slice3A_2916 : vector<1x200xf32> to vector<128x200xf32>
    %mul3A_2918 = arith.mulf %mul3A_2917, %transpose3A_1293 : vector<128x200xf32>
    %add3A_2919 = arith.addf %add3A_2915, %mul3A_2918 : vector<128x200xf32>
    %slice3A_2920 = vector.extract_strided_slice %transpose3A_897 {offsets = [11, 0], sizes = [1, 200], strides = [1, 1]} : vector<16x200xf32> to vector<1x200xf32>
    %mul3A_2921 = vector.broadcast %slice3A_2920 : vector<1x200xf32> to vector<128x200xf32>
    %mul3A_2922 = arith.mulf %mul3A_2921, %transpose3A_1299 : vector<128x200xf32>
    %add3A_2923 = arith.addf %add3A_2919, %mul3A_2922 : vector<128x200xf32>
    %slice3A_2924 = vector.extract_strided_slice %transpose3A_933 {offsets = [11, 0], sizes = [1, 200], strides = [1, 1]} : vector<16x200xf32> to vector<1x200xf32>
    %mul3A_2925 = vector.broadcast %slice3A_2924 : vector<1x200xf32> to vector<128x200xf32>
    %mul3A_2926 = arith.mulf %mul3A_2925, %transpose3A_1305 : vector<128x200xf32>
    %add3A_2927 = arith.addf %add3A_2923, %mul3A_2926 : vector<128x200xf32>
    %slice3A_2928 = vector.extract_strided_slice %transpose3A_969 {offsets = [11, 0], sizes = [1, 200], strides = [1, 1]} : vector<16x200xf32> to vector<1x200xf32>
    %mul3A_2929 = vector.broadcast %slice3A_2928 : vector<1x200xf32> to vector<128x200xf32>
    %mul3A_2930 = arith.mulf %mul3A_2929, %transpose3A_1311 : vector<128x200xf32>
    %add3A_2931 = arith.addf %add3A_2927, %mul3A_2930 : vector<128x200xf32>
    %slice3A_2932 = vector.extract_strided_slice %transpose3A_1005 {offsets = [11, 0], sizes = [1, 200], strides = [1, 1]} : vector<16x200xf32> to vector<1x200xf32>
    %mul3A_2933 = vector.broadcast %slice3A_2932 : vector<1x200xf32> to vector<128x200xf32>
    %mul3A_2934 = arith.mulf %mul3A_2933, %transpose3A_1317 : vector<128x200xf32>
    %add3A_2935 = arith.addf %add3A_2931, %mul3A_2934 : vector<128x200xf32>
    %slice3A_2936 = vector.extract_strided_slice %transpose3A_1041 {offsets = [11, 0], sizes = [1, 200], strides = [1, 1]} : vector<16x200xf32> to vector<1x200xf32>
    %mul3A_2937 = vector.broadcast %slice3A_2936 : vector<1x200xf32> to vector<128x200xf32>
    %mul3A_2938 = arith.mulf %mul3A_2937, %transpose3A_1323 : vector<128x200xf32>
    %add3A_2939 = arith.addf %add3A_2935, %mul3A_2938 : vector<128x200xf32>
    %slice3A_2940 = vector.extract_strided_slice %transpose3A_1077 {offsets = [11, 0], sizes = [1, 200], strides = [1, 1]} : vector<16x200xf32> to vector<1x200xf32>
    %mul3A_2941 = vector.broadcast %slice3A_2940 : vector<1x200xf32> to vector<128x200xf32>
    %mul3A_2942 = arith.mulf %mul3A_2941, %transpose3A_1329 : vector<128x200xf32>
    %add3A_2943 = arith.addf %add3A_2939, %mul3A_2942 : vector<128x200xf32>
    %slice3A_2944 = vector.extract_strided_slice %transpose3A_1113 {offsets = [11, 0], sizes = [1, 200], strides = [1, 1]} : vector<16x200xf32> to vector<1x200xf32>
    %mul3A_2945 = vector.broadcast %slice3A_2944 : vector<1x200xf32> to vector<128x200xf32>
    %mul3A_2946 = arith.mulf %mul3A_2945, %transpose3A_1335 : vector<128x200xf32>
    %add3A_2947 = arith.addf %add3A_2943, %mul3A_2946 : vector<128x200xf32>
    %slice3A_2948 = vector.extract_strided_slice %transpose3A_1149 {offsets = [11, 0], sizes = [1, 200], strides = [1, 1]} : vector<16x200xf32> to vector<1x200xf32>
    %mul3A_2949 = vector.broadcast %slice3A_2948 : vector<1x200xf32> to vector<128x200xf32>
    %mul3A_2950 = arith.mulf %mul3A_2949, %transpose3A_1341 : vector<128x200xf32>
    %add3A_2951 = arith.addf %add3A_2947, %mul3A_2950 : vector<128x200xf32>
    %get3A_2952 = arith.constant 11 : index
    %get3A_2953 = arith.constant 0 : index
    %get3A_2954 = arith.constant 0 : index
    %get3A_2955 = vector.load %arg6[%get3A_2952, %get3A_2953, %get3A_2954] : memref<15x128x128xf32, #tpu.memory_space<vmem>>, vector<1x128x128xf32>
    %get3A_2956 = vector.shape_cast %get3A_2955 : vector<1x128x128xf32> to vector<128x128xf32>
    %dot_general3A_2957 = arith.constant dense<0.000000e+00> : vector<128x200xf32>
    %dot_general3A_2958 = tpu.matmul %get3A_2956, %add3A_2951, %dot_general3A_2957 {dimension_numbers = #tpu.dot_dimension_numbers<[0], [0], [1], [1], [0, 1, 1, 1], [], []>, transpose_lhs_hint = false} : vector<128x128xf32>, vector<128x200xf32>, vector<128x200xf32> -> vector<128x200xf32>
    %add3A_2959 = arith.addf %add3A_2824, %dot_general3A_2958 : vector<128x200xf32>
    %slice3A_2960 = vector.extract_strided_slice %transpose3A {offsets = [12, 0], sizes = [1, 200], strides = [1, 1]} : vector<16x200xf32> to vector<1x200xf32>
    %mul3A_2961 = vector.broadcast %slice3A_2960 : vector<1x200xf32> to vector<128x200xf32>
    %mul3A_2962 = arith.mulf %mul3A_2961, %transpose3A_1155 : vector<128x200xf32>
    %slice3A_2963 = vector.extract_strided_slice %transpose3A_69 {offsets = [12, 0], sizes = [1, 200], strides = [1, 1]} : vector<16x200xf32> to vector<1x200xf32>
    %mul3A_2964 = vector.broadcast %slice3A_2963 : vector<1x200xf32> to vector<128x200xf32>
    %mul3A_2965 = arith.mulf %mul3A_2964, %transpose3A_1161 : vector<128x200xf32>
    %add3A_2966 = arith.addf %mul3A_2962, %mul3A_2965 : vector<128x200xf32>
    %slice3A_2967 = vector.extract_strided_slice %transpose3A_105 {offsets = [12, 0], sizes = [1, 200], strides = [1, 1]} : vector<16x200xf32> to vector<1x200xf32>
    %mul3A_2968 = vector.broadcast %slice3A_2967 : vector<1x200xf32> to vector<128x200xf32>
    %mul3A_2969 = arith.mulf %mul3A_2968, %transpose3A_1167 : vector<128x200xf32>
    %add3A_2970 = arith.addf %add3A_2966, %mul3A_2969 : vector<128x200xf32>
    %slice3A_2971 = vector.extract_strided_slice %transpose3A_141 {offsets = [12, 0], sizes = [1, 200], strides = [1, 1]} : vector<16x200xf32> to vector<1x200xf32>
    %mul3A_2972 = vector.broadcast %slice3A_2971 : vector<1x200xf32> to vector<128x200xf32>
    %mul3A_2973 = arith.mulf %mul3A_2972, %transpose3A_1173 : vector<128x200xf32>
    %add3A_2974 = arith.addf %add3A_2970, %mul3A_2973 : vector<128x200xf32>
    %slice3A_2975 = vector.extract_strided_slice %transpose3A_177 {offsets = [12, 0], sizes = [1, 200], strides = [1, 1]} : vector<16x200xf32> to vector<1x200xf32>
    %mul3A_2976 = vector.broadcast %slice3A_2975 : vector<1x200xf32> to vector<128x200xf32>
    %mul3A_2977 = arith.mulf %mul3A_2976, %transpose3A_1179 : vector<128x200xf32>
    %add3A_2978 = arith.addf %add3A_2974, %mul3A_2977 : vector<128x200xf32>
    %slice3A_2979 = vector.extract_strided_slice %transpose3A_213 {offsets = [12, 0], sizes = [1, 200], strides = [1, 1]} : vector<16x200xf32> to vector<1x200xf32>
    %mul3A_2980 = vector.broadcast %slice3A_2979 : vector<1x200xf32> to vector<128x200xf32>
    %mul3A_2981 = arith.mulf %mul3A_2980, %transpose3A_1185 : vector<128x200xf32>
    %add3A_2982 = arith.addf %add3A_2978, %mul3A_2981 : vector<128x200xf32>
    %slice3A_2983 = vector.extract_strided_slice %transpose3A_249 {offsets = [12, 0], sizes = [1, 200], strides = [1, 1]} : vector<16x200xf32> to vector<1x200xf32>
    %mul3A_2984 = vector.broadcast %slice3A_2983 : vector<1x200xf32> to vector<128x200xf32>
    %mul3A_2985 = arith.mulf %mul3A_2984, %transpose3A_1191 : vector<128x200xf32>
    %add3A_2986 = arith.addf %add3A_2982, %mul3A_2985 : vector<128x200xf32>
    %slice3A_2987 = vector.extract_strided_slice %transpose3A_285 {offsets = [12, 0], sizes = [1, 200], strides = [1, 1]} : vector<16x200xf32> to vector<1x200xf32>
    %mul3A_2988 = vector.broadcast %slice3A_2987 : vector<1x200xf32> to vector<128x200xf32>
    %mul3A_2989 = arith.mulf %mul3A_2988, %transpose3A_1197 : vector<128x200xf32>
    %add3A_2990 = arith.addf %add3A_2986, %mul3A_2989 : vector<128x200xf32>
    %slice3A_2991 = vector.extract_strided_slice %transpose3A_321 {offsets = [12, 0], sizes = [1, 200], strides = [1, 1]} : vector<16x200xf32> to vector<1x200xf32>
    %mul3A_2992 = vector.broadcast %slice3A_2991 : vector<1x200xf32> to vector<128x200xf32>
    %mul3A_2993 = arith.mulf %mul3A_2992, %transpose3A_1203 : vector<128x200xf32>
    %add3A_2994 = arith.addf %add3A_2990, %mul3A_2993 : vector<128x200xf32>
    %slice3A_2995 = vector.extract_strided_slice %transpose3A_357 {offsets = [12, 0], sizes = [1, 200], strides = [1, 1]} : vector<16x200xf32> to vector<1x200xf32>
    %mul3A_2996 = vector.broadcast %slice3A_2995 : vector<1x200xf32> to vector<128x200xf32>
    %mul3A_2997 = arith.mulf %mul3A_2996, %transpose3A_1209 : vector<128x200xf32>
    %add3A_2998 = arith.addf %add3A_2994, %mul3A_2997 : vector<128x200xf32>
    %slice3A_2999 = vector.extract_strided_slice %transpose3A_393 {offsets = [12, 0], sizes = [1, 200], strides = [1, 1]} : vector<16x200xf32> to vector<1x200xf32>
    %mul3A_3000 = vector.broadcast %slice3A_2999 : vector<1x200xf32> to vector<128x200xf32>
    %mul3A_3001 = arith.mulf %mul3A_3000, %transpose3A_1215 : vector<128x200xf32>
    %add3A_3002 = arith.addf %add3A_2998, %mul3A_3001 : vector<128x200xf32>
    %slice3A_3003 = vector.extract_strided_slice %transpose3A_429 {offsets = [12, 0], sizes = [1, 200], strides = [1, 1]} : vector<16x200xf32> to vector<1x200xf32>
    %mul3A_3004 = vector.broadcast %slice3A_3003 : vector<1x200xf32> to vector<128x200xf32>
    %mul3A_3005 = arith.mulf %mul3A_3004, %transpose3A_1221 : vector<128x200xf32>
    %add3A_3006 = arith.addf %add3A_3002, %mul3A_3005 : vector<128x200xf32>
    %slice3A_3007 = vector.extract_strided_slice %transpose3A_465 {offsets = [12, 0], sizes = [1, 200], strides = [1, 1]} : vector<16x200xf32> to vector<1x200xf32>
    %mul3A_3008 = vector.broadcast %slice3A_3007 : vector<1x200xf32> to vector<128x200xf32>
    %mul3A_3009 = arith.mulf %mul3A_3008, %transpose3A_1227 : vector<128x200xf32>
    %add3A_3010 = arith.addf %add3A_3006, %mul3A_3009 : vector<128x200xf32>
    %slice3A_3011 = vector.extract_strided_slice %transpose3A_501 {offsets = [12, 0], sizes = [1, 200], strides = [1, 1]} : vector<16x200xf32> to vector<1x200xf32>
    %mul3A_3012 = vector.broadcast %slice3A_3011 : vector<1x200xf32> to vector<128x200xf32>
    %mul3A_3013 = arith.mulf %mul3A_3012, %transpose3A_1233 : vector<128x200xf32>
    %add3A_3014 = arith.addf %add3A_3010, %mul3A_3013 : vector<128x200xf32>
    %slice3A_3015 = vector.extract_strided_slice %transpose3A_537 {offsets = [12, 0], sizes = [1, 200], strides = [1, 1]} : vector<16x200xf32> to vector<1x200xf32>
    %mul3A_3016 = vector.broadcast %slice3A_3015 : vector<1x200xf32> to vector<128x200xf32>
    %mul3A_3017 = arith.mulf %mul3A_3016, %transpose3A_1239 : vector<128x200xf32>
    %add3A_3018 = arith.addf %add3A_3014, %mul3A_3017 : vector<128x200xf32>
    %slice3A_3019 = vector.extract_strided_slice %transpose3A_573 {offsets = [12, 0], sizes = [1, 200], strides = [1, 1]} : vector<16x200xf32> to vector<1x200xf32>
    %mul3A_3020 = vector.broadcast %slice3A_3019 : vector<1x200xf32> to vector<128x200xf32>
    %mul3A_3021 = arith.mulf %mul3A_3020, %transpose3A_1245 : vector<128x200xf32>
    %add3A_3022 = arith.addf %add3A_3018, %mul3A_3021 : vector<128x200xf32>
    %slice3A_3023 = vector.extract_strided_slice %transpose3A_609 {offsets = [12, 0], sizes = [1, 200], strides = [1, 1]} : vector<16x200xf32> to vector<1x200xf32>
    %mul3A_3024 = vector.broadcast %slice3A_3023 : vector<1x200xf32> to vector<128x200xf32>
    %mul3A_3025 = arith.mulf %mul3A_3024, %transpose3A_1251 : vector<128x200xf32>
    %add3A_3026 = arith.addf %add3A_3022, %mul3A_3025 : vector<128x200xf32>
    %slice3A_3027 = vector.extract_strided_slice %transpose3A_645 {offsets = [12, 0], sizes = [1, 200], strides = [1, 1]} : vector<16x200xf32> to vector<1x200xf32>
    %mul3A_3028 = vector.broadcast %slice3A_3027 : vector<1x200xf32> to vector<128x200xf32>
    %mul3A_3029 = arith.mulf %mul3A_3028, %transpose3A_1257 : vector<128x200xf32>
    %add3A_3030 = arith.addf %add3A_3026, %mul3A_3029 : vector<128x200xf32>
    %slice3A_3031 = vector.extract_strided_slice %transpose3A_681 {offsets = [12, 0], sizes = [1, 200], strides = [1, 1]} : vector<16x200xf32> to vector<1x200xf32>
    %mul3A_3032 = vector.broadcast %slice3A_3031 : vector<1x200xf32> to vector<128x200xf32>
    %mul3A_3033 = arith.mulf %mul3A_3032, %transpose3A_1263 : vector<128x200xf32>
    %add3A_3034 = arith.addf %add3A_3030, %mul3A_3033 : vector<128x200xf32>
    %slice3A_3035 = vector.extract_strided_slice %transpose3A_717 {offsets = [12, 0], sizes = [1, 200], strides = [1, 1]} : vector<16x200xf32> to vector<1x200xf32>
    %mul3A_3036 = vector.broadcast %slice3A_3035 : vector<1x200xf32> to vector<128x200xf32>
    %mul3A_3037 = arith.mulf %mul3A_3036, %transpose3A_1269 : vector<128x200xf32>
    %add3A_3038 = arith.addf %add3A_3034, %mul3A_3037 : vector<128x200xf32>
    %slice3A_3039 = vector.extract_strided_slice %transpose3A_753 {offsets = [12, 0], sizes = [1, 200], strides = [1, 1]} : vector<16x200xf32> to vector<1x200xf32>
    %mul3A_3040 = vector.broadcast %slice3A_3039 : vector<1x200xf32> to vector<128x200xf32>
    %mul3A_3041 = arith.mulf %mul3A_3040, %transpose3A_1275 : vector<128x200xf32>
    %add3A_3042 = arith.addf %add3A_3038, %mul3A_3041 : vector<128x200xf32>
    %slice3A_3043 = vector.extract_strided_slice %transpose3A_789 {offsets = [12, 0], sizes = [1, 200], strides = [1, 1]} : vector<16x200xf32> to vector<1x200xf32>
    %mul3A_3044 = vector.broadcast %slice3A_3043 : vector<1x200xf32> to vector<128x200xf32>
    %mul3A_3045 = arith.mulf %mul3A_3044, %transpose3A_1281 : vector<128x200xf32>
    %add3A_3046 = arith.addf %add3A_3042, %mul3A_3045 : vector<128x200xf32>
    %slice3A_3047 = vector.extract_strided_slice %transpose3A_825 {offsets = [12, 0], sizes = [1, 200], strides = [1, 1]} : vector<16x200xf32> to vector<1x200xf32>
    %mul3A_3048 = vector.broadcast %slice3A_3047 : vector<1x200xf32> to vector<128x200xf32>
    %mul3A_3049 = arith.mulf %mul3A_3048, %transpose3A_1287 : vector<128x200xf32>
    %add3A_3050 = arith.addf %add3A_3046, %mul3A_3049 : vector<128x200xf32>
    %slice3A_3051 = vector.extract_strided_slice %transpose3A_861 {offsets = [12, 0], sizes = [1, 200], strides = [1, 1]} : vector<16x200xf32> to vector<1x200xf32>
    %mul3A_3052 = vector.broadcast %slice3A_3051 : vector<1x200xf32> to vector<128x200xf32>
    %mul3A_3053 = arith.mulf %mul3A_3052, %transpose3A_1293 : vector<128x200xf32>
    %add3A_3054 = arith.addf %add3A_3050, %mul3A_3053 : vector<128x200xf32>
    %slice3A_3055 = vector.extract_strided_slice %transpose3A_897 {offsets = [12, 0], sizes = [1, 200], strides = [1, 1]} : vector<16x200xf32> to vector<1x200xf32>
    %mul3A_3056 = vector.broadcast %slice3A_3055 : vector<1x200xf32> to vector<128x200xf32>
    %mul3A_3057 = arith.mulf %mul3A_3056, %transpose3A_1299 : vector<128x200xf32>
    %add3A_3058 = arith.addf %add3A_3054, %mul3A_3057 : vector<128x200xf32>
    %slice3A_3059 = vector.extract_strided_slice %transpose3A_933 {offsets = [12, 0], sizes = [1, 200], strides = [1, 1]} : vector<16x200xf32> to vector<1x200xf32>
    %mul3A_3060 = vector.broadcast %slice3A_3059 : vector<1x200xf32> to vector<128x200xf32>
    %mul3A_3061 = arith.mulf %mul3A_3060, %transpose3A_1305 : vector<128x200xf32>
    %add3A_3062 = arith.addf %add3A_3058, %mul3A_3061 : vector<128x200xf32>
    %slice3A_3063 = vector.extract_strided_slice %transpose3A_969 {offsets = [12, 0], sizes = [1, 200], strides = [1, 1]} : vector<16x200xf32> to vector<1x200xf32>
    %mul3A_3064 = vector.broadcast %slice3A_3063 : vector<1x200xf32> to vector<128x200xf32>
    %mul3A_3065 = arith.mulf %mul3A_3064, %transpose3A_1311 : vector<128x200xf32>
    %add3A_3066 = arith.addf %add3A_3062, %mul3A_3065 : vector<128x200xf32>
    %slice3A_3067 = vector.extract_strided_slice %transpose3A_1005 {offsets = [12, 0], sizes = [1, 200], strides = [1, 1]} : vector<16x200xf32> to vector<1x200xf32>
    %mul3A_3068 = vector.broadcast %slice3A_3067 : vector<1x200xf32> to vector<128x200xf32>
    %mul3A_3069 = arith.mulf %mul3A_3068, %transpose3A_1317 : vector<128x200xf32>
    %add3A_3070 = arith.addf %add3A_3066, %mul3A_3069 : vector<128x200xf32>
    %slice3A_3071 = vector.extract_strided_slice %transpose3A_1041 {offsets = [12, 0], sizes = [1, 200], strides = [1, 1]} : vector<16x200xf32> to vector<1x200xf32>
    %mul3A_3072 = vector.broadcast %slice3A_3071 : vector<1x200xf32> to vector<128x200xf32>
    %mul3A_3073 = arith.mulf %mul3A_3072, %transpose3A_1323 : vector<128x200xf32>
    %add3A_3074 = arith.addf %add3A_3070, %mul3A_3073 : vector<128x200xf32>
    %slice3A_3075 = vector.extract_strided_slice %transpose3A_1077 {offsets = [12, 0], sizes = [1, 200], strides = [1, 1]} : vector<16x200xf32> to vector<1x200xf32>
    %mul3A_3076 = vector.broadcast %slice3A_3075 : vector<1x200xf32> to vector<128x200xf32>
    %mul3A_3077 = arith.mulf %mul3A_3076, %transpose3A_1329 : vector<128x200xf32>
    %add3A_3078 = arith.addf %add3A_3074, %mul3A_3077 : vector<128x200xf32>
    %slice3A_3079 = vector.extract_strided_slice %transpose3A_1113 {offsets = [12, 0], sizes = [1, 200], strides = [1, 1]} : vector<16x200xf32> to vector<1x200xf32>
    %mul3A_3080 = vector.broadcast %slice3A_3079 : vector<1x200xf32> to vector<128x200xf32>
    %mul3A_3081 = arith.mulf %mul3A_3080, %transpose3A_1335 : vector<128x200xf32>
    %add3A_3082 = arith.addf %add3A_3078, %mul3A_3081 : vector<128x200xf32>
    %slice3A_3083 = vector.extract_strided_slice %transpose3A_1149 {offsets = [12, 0], sizes = [1, 200], strides = [1, 1]} : vector<16x200xf32> to vector<1x200xf32>
    %mul3A_3084 = vector.broadcast %slice3A_3083 : vector<1x200xf32> to vector<128x200xf32>
    %mul3A_3085 = arith.mulf %mul3A_3084, %transpose3A_1341 : vector<128x200xf32>
    %add3A_3086 = arith.addf %add3A_3082, %mul3A_3085 : vector<128x200xf32>
    %get3A_3087 = arith.constant 12 : index
    %get3A_3088 = arith.constant 0 : index
    %get3A_3089 = arith.constant 0 : index
    %get3A_3090 = vector.load %arg6[%get3A_3087, %get3A_3088, %get3A_3089] : memref<15x128x128xf32, #tpu.memory_space<vmem>>, vector<1x128x128xf32>
    %get3A_3091 = vector.shape_cast %get3A_3090 : vector<1x128x128xf32> to vector<128x128xf32>
    %dot_general3A_3092 = arith.constant dense<0.000000e+00> : vector<128x200xf32>
    %dot_general3A_3093 = tpu.matmul %get3A_3091, %add3A_3086, %dot_general3A_3092 {dimension_numbers = #tpu.dot_dimension_numbers<[0], [0], [1], [1], [0, 1, 1, 1], [], []>, transpose_lhs_hint = false} : vector<128x128xf32>, vector<128x200xf32>, vector<128x200xf32> -> vector<128x200xf32>
    %add3A_3094 = arith.addf %add3A_2959, %dot_general3A_3093 : vector<128x200xf32>
    %slice3A_3095 = vector.extract_strided_slice %transpose3A {offsets = [13, 0], sizes = [1, 200], strides = [1, 1]} : vector<16x200xf32> to vector<1x200xf32>
    %mul3A_3096 = vector.broadcast %slice3A_3095 : vector<1x200xf32> to vector<128x200xf32>
    %mul3A_3097 = arith.mulf %mul3A_3096, %transpose3A_1155 : vector<128x200xf32>
    %slice3A_3098 = vector.extract_strided_slice %transpose3A_69 {offsets = [13, 0], sizes = [1, 200], strides = [1, 1]} : vector<16x200xf32> to vector<1x200xf32>
    %mul3A_3099 = vector.broadcast %slice3A_3098 : vector<1x200xf32> to vector<128x200xf32>
    %mul3A_3100 = arith.mulf %mul3A_3099, %transpose3A_1161 : vector<128x200xf32>
    %add3A_3101 = arith.addf %mul3A_3097, %mul3A_3100 : vector<128x200xf32>
    %slice3A_3102 = vector.extract_strided_slice %transpose3A_105 {offsets = [13, 0], sizes = [1, 200], strides = [1, 1]} : vector<16x200xf32> to vector<1x200xf32>
    %mul3A_3103 = vector.broadcast %slice3A_3102 : vector<1x200xf32> to vector<128x200xf32>
    %mul3A_3104 = arith.mulf %mul3A_3103, %transpose3A_1167 : vector<128x200xf32>
    %add3A_3105 = arith.addf %add3A_3101, %mul3A_3104 : vector<128x200xf32>
    %slice3A_3106 = vector.extract_strided_slice %transpose3A_141 {offsets = [13, 0], sizes = [1, 200], strides = [1, 1]} : vector<16x200xf32> to vector<1x200xf32>
    %mul3A_3107 = vector.broadcast %slice3A_3106 : vector<1x200xf32> to vector<128x200xf32>
    %mul3A_3108 = arith.mulf %mul3A_3107, %transpose3A_1173 : vector<128x200xf32>
    %add3A_3109 = arith.addf %add3A_3105, %mul3A_3108 : vector<128x200xf32>
    %slice3A_3110 = vector.extract_strided_slice %transpose3A_177 {offsets = [13, 0], sizes = [1, 200], strides = [1, 1]} : vector<16x200xf32> to vector<1x200xf32>
    %mul3A_3111 = vector.broadcast %slice3A_3110 : vector<1x200xf32> to vector<128x200xf32>
    %mul3A_3112 = arith.mulf %mul3A_3111, %transpose3A_1179 : vector<128x200xf32>
    %add3A_3113 = arith.addf %add3A_3109, %mul3A_3112 : vector<128x200xf32>
    %slice3A_3114 = vector.extract_strided_slice %transpose3A_213 {offsets = [13, 0], sizes = [1, 200], strides = [1, 1]} : vector<16x200xf32> to vector<1x200xf32>
    %mul3A_3115 = vector.broadcast %slice3A_3114 : vector<1x200xf32> to vector<128x200xf32>
    %mul3A_3116 = arith.mulf %mul3A_3115, %transpose3A_1185 : vector<128x200xf32>
    %add3A_3117 = arith.addf %add3A_3113, %mul3A_3116 : vector<128x200xf32>
    %slice3A_3118 = vector.extract_strided_slice %transpose3A_249 {offsets = [13, 0], sizes = [1, 200], strides = [1, 1]} : vector<16x200xf32> to vector<1x200xf32>
    %mul3A_3119 = vector.broadcast %slice3A_3118 : vector<1x200xf32> to vector<128x200xf32>
    %mul3A_3120 = arith.mulf %mul3A_3119, %transpose3A_1191 : vector<128x200xf32>
    %add3A_3121 = arith.addf %add3A_3117, %mul3A_3120 : vector<128x200xf32>
    %slice3A_3122 = vector.extract_strided_slice %transpose3A_285 {offsets = [13, 0], sizes = [1, 200], strides = [1, 1]} : vector<16x200xf32> to vector<1x200xf32>
    %mul3A_3123 = vector.broadcast %slice3A_3122 : vector<1x200xf32> to vector<128x200xf32>
    %mul3A_3124 = arith.mulf %mul3A_3123, %transpose3A_1197 : vector<128x200xf32>
    %add3A_3125 = arith.addf %add3A_3121, %mul3A_3124 : vector<128x200xf32>
    %slice3A_3126 = vector.extract_strided_slice %transpose3A_321 {offsets = [13, 0], sizes = [1, 200], strides = [1, 1]} : vector<16x200xf32> to vector<1x200xf32>
    %mul3A_3127 = vector.broadcast %slice3A_3126 : vector<1x200xf32> to vector<128x200xf32>
    %mul3A_3128 = arith.mulf %mul3A_3127, %transpose3A_1203 : vector<128x200xf32>
    %add3A_3129 = arith.addf %add3A_3125, %mul3A_3128 : vector<128x200xf32>
    %slice3A_3130 = vector.extract_strided_slice %transpose3A_357 {offsets = [13, 0], sizes = [1, 200], strides = [1, 1]} : vector<16x200xf32> to vector<1x200xf32>
    %mul3A_3131 = vector.broadcast %slice3A_3130 : vector<1x200xf32> to vector<128x200xf32>
    %mul3A_3132 = arith.mulf %mul3A_3131, %transpose3A_1209 : vector<128x200xf32>
    %add3A_3133 = arith.addf %add3A_3129, %mul3A_3132 : vector<128x200xf32>
    %slice3A_3134 = vector.extract_strided_slice %transpose3A_393 {offsets = [13, 0], sizes = [1, 200], strides = [1, 1]} : vector<16x200xf32> to vector<1x200xf32>
    %mul3A_3135 = vector.broadcast %slice3A_3134 : vector<1x200xf32> to vector<128x200xf32>
    %mul3A_3136 = arith.mulf %mul3A_3135, %transpose3A_1215 : vector<128x200xf32>
    %add3A_3137 = arith.addf %add3A_3133, %mul3A_3136 : vector<128x200xf32>
    %slice3A_3138 = vector.extract_strided_slice %transpose3A_429 {offsets = [13, 0], sizes = [1, 200], strides = [1, 1]} : vector<16x200xf32> to vector<1x200xf32>
    %mul3A_3139 = vector.broadcast %slice3A_3138 : vector<1x200xf32> to vector<128x200xf32>
    %mul3A_3140 = arith.mulf %mul3A_3139, %transpose3A_1221 : vector<128x200xf32>
    %add3A_3141 = arith.addf %add3A_3137, %mul3A_3140 : vector<128x200xf32>
    %slice3A_3142 = vector.extract_strided_slice %transpose3A_465 {offsets = [13, 0], sizes = [1, 200], strides = [1, 1]} : vector<16x200xf32> to vector<1x200xf32>
    %mul3A_3143 = vector.broadcast %slice3A_3142 : vector<1x200xf32> to vector<128x200xf32>
    %mul3A_3144 = arith.mulf %mul3A_3143, %transpose3A_1227 : vector<128x200xf32>
    %add3A_3145 = arith.addf %add3A_3141, %mul3A_3144 : vector<128x200xf32>
    %slice3A_3146 = vector.extract_strided_slice %transpose3A_501 {offsets = [13, 0], sizes = [1, 200], strides = [1, 1]} : vector<16x200xf32> to vector<1x200xf32>
    %mul3A_3147 = vector.broadcast %slice3A_3146 : vector<1x200xf32> to vector<128x200xf32>
    %mul3A_3148 = arith.mulf %mul3A_3147, %transpose3A_1233 : vector<128x200xf32>
    %add3A_3149 = arith.addf %add3A_3145, %mul3A_3148 : vector<128x200xf32>
    %slice3A_3150 = vector.extract_strided_slice %transpose3A_537 {offsets = [13, 0], sizes = [1, 200], strides = [1, 1]} : vector<16x200xf32> to vector<1x200xf32>
    %mul3A_3151 = vector.broadcast %slice3A_3150 : vector<1x200xf32> to vector<128x200xf32>
    %mul3A_3152 = arith.mulf %mul3A_3151, %transpose3A_1239 : vector<128x200xf32>
    %add3A_3153 = arith.addf %add3A_3149, %mul3A_3152 : vector<128x200xf32>
    %slice3A_3154 = vector.extract_strided_slice %transpose3A_573 {offsets = [13, 0], sizes = [1, 200], strides = [1, 1]} : vector<16x200xf32> to vector<1x200xf32>
    %mul3A_3155 = vector.broadcast %slice3A_3154 : vector<1x200xf32> to vector<128x200xf32>
    %mul3A_3156 = arith.mulf %mul3A_3155, %transpose3A_1245 : vector<128x200xf32>
    %add3A_3157 = arith.addf %add3A_3153, %mul3A_3156 : vector<128x200xf32>
    %slice3A_3158 = vector.extract_strided_slice %transpose3A_609 {offsets = [13, 0], sizes = [1, 200], strides = [1, 1]} : vector<16x200xf32> to vector<1x200xf32>
    %mul3A_3159 = vector.broadcast %slice3A_3158 : vector<1x200xf32> to vector<128x200xf32>
    %mul3A_3160 = arith.mulf %mul3A_3159, %transpose3A_1251 : vector<128x200xf32>
    %add3A_3161 = arith.addf %add3A_3157, %mul3A_3160 : vector<128x200xf32>
    %slice3A_3162 = vector.extract_strided_slice %transpose3A_645 {offsets = [13, 0], sizes = [1, 200], strides = [1, 1]} : vector<16x200xf32> to vector<1x200xf32>
    %mul3A_3163 = vector.broadcast %slice3A_3162 : vector<1x200xf32> to vector<128x200xf32>
    %mul3A_3164 = arith.mulf %mul3A_3163, %transpose3A_1257 : vector<128x200xf32>
    %add3A_3165 = arith.addf %add3A_3161, %mul3A_3164 : vector<128x200xf32>
    %slice3A_3166 = vector.extract_strided_slice %transpose3A_681 {offsets = [13, 0], sizes = [1, 200], strides = [1, 1]} : vector<16x200xf32> to vector<1x200xf32>
    %mul3A_3167 = vector.broadcast %slice3A_3166 : vector<1x200xf32> to vector<128x200xf32>
    %mul3A_3168 = arith.mulf %mul3A_3167, %transpose3A_1263 : vector<128x200xf32>
    %add3A_3169 = arith.addf %add3A_3165, %mul3A_3168 : vector<128x200xf32>
    %slice3A_3170 = vector.extract_strided_slice %transpose3A_717 {offsets = [13, 0], sizes = [1, 200], strides = [1, 1]} : vector<16x200xf32> to vector<1x200xf32>
    %mul3A_3171 = vector.broadcast %slice3A_3170 : vector<1x200xf32> to vector<128x200xf32>
    %mul3A_3172 = arith.mulf %mul3A_3171, %transpose3A_1269 : vector<128x200xf32>
    %add3A_3173 = arith.addf %add3A_3169, %mul3A_3172 : vector<128x200xf32>
    %slice3A_3174 = vector.extract_strided_slice %transpose3A_753 {offsets = [13, 0], sizes = [1, 200], strides = [1, 1]} : vector<16x200xf32> to vector<1x200xf32>
    %mul3A_3175 = vector.broadcast %slice3A_3174 : vector<1x200xf32> to vector<128x200xf32>
    %mul3A_3176 = arith.mulf %mul3A_3175, %transpose3A_1275 : vector<128x200xf32>
    %add3A_3177 = arith.addf %add3A_3173, %mul3A_3176 : vector<128x200xf32>
    %slice3A_3178 = vector.extract_strided_slice %transpose3A_789 {offsets = [13, 0], sizes = [1, 200], strides = [1, 1]} : vector<16x200xf32> to vector<1x200xf32>
    %mul3A_3179 = vector.broadcast %slice3A_3178 : vector<1x200xf32> to vector<128x200xf32>
    %mul3A_3180 = arith.mulf %mul3A_3179, %transpose3A_1281 : vector<128x200xf32>
    %add3A_3181 = arith.addf %add3A_3177, %mul3A_3180 : vector<128x200xf32>
    %slice3A_3182 = vector.extract_strided_slice %transpose3A_825 {offsets = [13, 0], sizes = [1, 200], strides = [1, 1]} : vector<16x200xf32> to vector<1x200xf32>
    %mul3A_3183 = vector.broadcast %slice3A_3182 : vector<1x200xf32> to vector<128x200xf32>
    %mul3A_3184 = arith.mulf %mul3A_3183, %transpose3A_1287 : vector<128x200xf32>
    %add3A_3185 = arith.addf %add3A_3181, %mul3A_3184 : vector<128x200xf32>
    %slice3A_3186 = vector.extract_strided_slice %transpose3A_861 {offsets = [13, 0], sizes = [1, 200], strides = [1, 1]} : vector<16x200xf32> to vector<1x200xf32>
    %mul3A_3187 = vector.broadcast %slice3A_3186 : vector<1x200xf32> to vector<128x200xf32>
    %mul3A_3188 = arith.mulf %mul3A_3187, %transpose3A_1293 : vector<128x200xf32>
    %add3A_3189 = arith.addf %add3A_3185, %mul3A_3188 : vector<128x200xf32>
    %slice3A_3190 = vector.extract_strided_slice %transpose3A_897 {offsets = [13, 0], sizes = [1, 200], strides = [1, 1]} : vector<16x200xf32> to vector<1x200xf32>
    %mul3A_3191 = vector.broadcast %slice3A_3190 : vector<1x200xf32> to vector<128x200xf32>
    %mul3A_3192 = arith.mulf %mul3A_3191, %transpose3A_1299 : vector<128x200xf32>
    %add3A_3193 = arith.addf %add3A_3189, %mul3A_3192 : vector<128x200xf32>
    %slice3A_3194 = vector.extract_strided_slice %transpose3A_933 {offsets = [13, 0], sizes = [1, 200], strides = [1, 1]} : vector<16x200xf32> to vector<1x200xf32>
    %mul3A_3195 = vector.broadcast %slice3A_3194 : vector<1x200xf32> to vector<128x200xf32>
    %mul3A_3196 = arith.mulf %mul3A_3195, %transpose3A_1305 : vector<128x200xf32>
    %add3A_3197 = arith.addf %add3A_3193, %mul3A_3196 : vector<128x200xf32>
    %slice3A_3198 = vector.extract_strided_slice %transpose3A_969 {offsets = [13, 0], sizes = [1, 200], strides = [1, 1]} : vector<16x200xf32> to vector<1x200xf32>
    %mul3A_3199 = vector.broadcast %slice3A_3198 : vector<1x200xf32> to vector<128x200xf32>
    %mul3A_3200 = arith.mulf %mul3A_3199, %transpose3A_1311 : vector<128x200xf32>
    %add3A_3201 = arith.addf %add3A_3197, %mul3A_3200 : vector<128x200xf32>
    %slice3A_3202 = vector.extract_strided_slice %transpose3A_1005 {offsets = [13, 0], sizes = [1, 200], strides = [1, 1]} : vector<16x200xf32> to vector<1x200xf32>
    %mul3A_3203 = vector.broadcast %slice3A_3202 : vector<1x200xf32> to vector<128x200xf32>
    %mul3A_3204 = arith.mulf %mul3A_3203, %transpose3A_1317 : vector<128x200xf32>
    %add3A_3205 = arith.addf %add3A_3201, %mul3A_3204 : vector<128x200xf32>
    %slice3A_3206 = vector.extract_strided_slice %transpose3A_1041 {offsets = [13, 0], sizes = [1, 200], strides = [1, 1]} : vector<16x200xf32> to vector<1x200xf32>
    %mul3A_3207 = vector.broadcast %slice3A_3206 : vector<1x200xf32> to vector<128x200xf32>
    %mul3A_3208 = arith.mulf %mul3A_3207, %transpose3A_1323 : vector<128x200xf32>
    %add3A_3209 = arith.addf %add3A_3205, %mul3A_3208 : vector<128x200xf32>
    %slice3A_3210 = vector.extract_strided_slice %transpose3A_1077 {offsets = [13, 0], sizes = [1, 200], strides = [1, 1]} : vector<16x200xf32> to vector<1x200xf32>
    %mul3A_3211 = vector.broadcast %slice3A_3210 : vector<1x200xf32> to vector<128x200xf32>
    %mul3A_3212 = arith.mulf %mul3A_3211, %transpose3A_1329 : vector<128x200xf32>
    %add3A_3213 = arith.addf %add3A_3209, %mul3A_3212 : vector<128x200xf32>
    %slice3A_3214 = vector.extract_strided_slice %transpose3A_1113 {offsets = [13, 0], sizes = [1, 200], strides = [1, 1]} : vector<16x200xf32> to vector<1x200xf32>
    %mul3A_3215 = vector.broadcast %slice3A_3214 : vector<1x200xf32> to vector<128x200xf32>
    %mul3A_3216 = arith.mulf %mul3A_3215, %transpose3A_1335 : vector<128x200xf32>
    %add3A_3217 = arith.addf %add3A_3213, %mul3A_3216 : vector<128x200xf32>
    %slice3A_3218 = vector.extract_strided_slice %transpose3A_1149 {offsets = [13, 0], sizes = [1, 200], strides = [1, 1]} : vector<16x200xf32> to vector<1x200xf32>
    %mul3A_3219 = vector.broadcast %slice3A_3218 : vector<1x200xf32> to vector<128x200xf32>
    %mul3A_3220 = arith.mulf %mul3A_3219, %transpose3A_1341 : vector<128x200xf32>
    %add3A_3221 = arith.addf %add3A_3217, %mul3A_3220 : vector<128x200xf32>
    %get3A_3222 = arith.constant 13 : index
    %get3A_3223 = arith.constant 0 : index
    %get3A_3224 = arith.constant 0 : index
    %get3A_3225 = vector.load %arg6[%get3A_3222, %get3A_3223, %get3A_3224] : memref<15x128x128xf32, #tpu.memory_space<vmem>>, vector<1x128x128xf32>
    %get3A_3226 = vector.shape_cast %get3A_3225 : vector<1x128x128xf32> to vector<128x128xf32>
    %dot_general3A_3227 = arith.constant dense<0.000000e+00> : vector<128x200xf32>
    %dot_general3A_3228 = tpu.matmul %get3A_3226, %add3A_3221, %dot_general3A_3227 {dimension_numbers = #tpu.dot_dimension_numbers<[0], [0], [1], [1], [0, 1, 1, 1], [], []>, transpose_lhs_hint = false} : vector<128x128xf32>, vector<128x200xf32>, vector<128x200xf32> -> vector<128x200xf32>
    %add3A_3229 = arith.addf %add3A_3094, %dot_general3A_3228 : vector<128x200xf32>
    %slice3A_3230 = vector.extract_strided_slice %transpose3A {offsets = [14, 0], sizes = [1, 200], strides = [1, 1]} : vector<16x200xf32> to vector<1x200xf32>
    %mul3A_3231 = vector.broadcast %slice3A_3230 : vector<1x200xf32> to vector<128x200xf32>
    %mul3A_3232 = arith.mulf %mul3A_3231, %transpose3A_1155 : vector<128x200xf32>
    %slice3A_3233 = vector.extract_strided_slice %transpose3A_69 {offsets = [14, 0], sizes = [1, 200], strides = [1, 1]} : vector<16x200xf32> to vector<1x200xf32>
    %mul3A_3234 = vector.broadcast %slice3A_3233 : vector<1x200xf32> to vector<128x200xf32>
    %mul3A_3235 = arith.mulf %mul3A_3234, %transpose3A_1161 : vector<128x200xf32>
    %add3A_3236 = arith.addf %mul3A_3232, %mul3A_3235 : vector<128x200xf32>
    %slice3A_3237 = vector.extract_strided_slice %transpose3A_105 {offsets = [14, 0], sizes = [1, 200], strides = [1, 1]} : vector<16x200xf32> to vector<1x200xf32>
    %mul3A_3238 = vector.broadcast %slice3A_3237 : vector<1x200xf32> to vector<128x200xf32>
    %mul3A_3239 = arith.mulf %mul3A_3238, %transpose3A_1167 : vector<128x200xf32>
    %add3A_3240 = arith.addf %add3A_3236, %mul3A_3239 : vector<128x200xf32>
    %slice3A_3241 = vector.extract_strided_slice %transpose3A_141 {offsets = [14, 0], sizes = [1, 200], strides = [1, 1]} : vector<16x200xf32> to vector<1x200xf32>
    %mul3A_3242 = vector.broadcast %slice3A_3241 : vector<1x200xf32> to vector<128x200xf32>
    %mul3A_3243 = arith.mulf %mul3A_3242, %transpose3A_1173 : vector<128x200xf32>
    %add3A_3244 = arith.addf %add3A_3240, %mul3A_3243 : vector<128x200xf32>
    %slice3A_3245 = vector.extract_strided_slice %transpose3A_177 {offsets = [14, 0], sizes = [1, 200], strides = [1, 1]} : vector<16x200xf32> to vector<1x200xf32>
    %mul3A_3246 = vector.broadcast %slice3A_3245 : vector<1x200xf32> to vector<128x200xf32>
    %mul3A_3247 = arith.mulf %mul3A_3246, %transpose3A_1179 : vector<128x200xf32>
    %add3A_3248 = arith.addf %add3A_3244, %mul3A_3247 : vector<128x200xf32>
    %slice3A_3249 = vector.extract_strided_slice %transpose3A_213 {offsets = [14, 0], sizes = [1, 200], strides = [1, 1]} : vector<16x200xf32> to vector<1x200xf32>
    %mul3A_3250 = vector.broadcast %slice3A_3249 : vector<1x200xf32> to vector<128x200xf32>
    %mul3A_3251 = arith.mulf %mul3A_3250, %transpose3A_1185 : vector<128x200xf32>
    %add3A_3252 = arith.addf %add3A_3248, %mul3A_3251 : vector<128x200xf32>
    %slice3A_3253 = vector.extract_strided_slice %transpose3A_249 {offsets = [14, 0], sizes = [1, 200], strides = [1, 1]} : vector<16x200xf32> to vector<1x200xf32>
    %mul3A_3254 = vector.broadcast %slice3A_3253 : vector<1x200xf32> to vector<128x200xf32>
    %mul3A_3255 = arith.mulf %mul3A_3254, %transpose3A_1191 : vector<128x200xf32>
    %add3A_3256 = arith.addf %add3A_3252, %mul3A_3255 : vector<128x200xf32>
    %slice3A_3257 = vector.extract_strided_slice %transpose3A_285 {offsets = [14, 0], sizes = [1, 200], strides = [1, 1]} : vector<16x200xf32> to vector<1x200xf32>
    %mul3A_3258 = vector.broadcast %slice3A_3257 : vector<1x200xf32> to vector<128x200xf32>
    %mul3A_3259 = arith.mulf %mul3A_3258, %transpose3A_1197 : vector<128x200xf32>
    %add3A_3260 = arith.addf %add3A_3256, %mul3A_3259 : vector<128x200xf32>
    %slice3A_3261 = vector.extract_strided_slice %transpose3A_321 {offsets = [14, 0], sizes = [1, 200], strides = [1, 1]} : vector<16x200xf32> to vector<1x200xf32>
    %mul3A_3262 = vector.broadcast %slice3A_3261 : vector<1x200xf32> to vector<128x200xf32>
    %mul3A_3263 = arith.mulf %mul3A_3262, %transpose3A_1203 : vector<128x200xf32>
    %add3A_3264 = arith.addf %add3A_3260, %mul3A_3263 : vector<128x200xf32>
    %slice3A_3265 = vector.extract_strided_slice %transpose3A_357 {offsets = [14, 0], sizes = [1, 200], strides = [1, 1]} : vector<16x200xf32> to vector<1x200xf32>
    %mul3A_3266 = vector.broadcast %slice3A_3265 : vector<1x200xf32> to vector<128x200xf32>
    %mul3A_3267 = arith.mulf %mul3A_3266, %transpose3A_1209 : vector<128x200xf32>
    %add3A_3268 = arith.addf %add3A_3264, %mul3A_3267 : vector<128x200xf32>
    %slice3A_3269 = vector.extract_strided_slice %transpose3A_393 {offsets = [14, 0], sizes = [1, 200], strides = [1, 1]} : vector<16x200xf32> to vector<1x200xf32>
    %mul3A_3270 = vector.broadcast %slice3A_3269 : vector<1x200xf32> to vector<128x200xf32>
    %mul3A_3271 = arith.mulf %mul3A_3270, %transpose3A_1215 : vector<128x200xf32>
    %add3A_3272 = arith.addf %add3A_3268, %mul3A_3271 : vector<128x200xf32>
    %slice3A_3273 = vector.extract_strided_slice %transpose3A_429 {offsets = [14, 0], sizes = [1, 200], strides = [1, 1]} : vector<16x200xf32> to vector<1x200xf32>
    %mul3A_3274 = vector.broadcast %slice3A_3273 : vector<1x200xf32> to vector<128x200xf32>
    %mul3A_3275 = arith.mulf %mul3A_3274, %transpose3A_1221 : vector<128x200xf32>
    %add3A_3276 = arith.addf %add3A_3272, %mul3A_3275 : vector<128x200xf32>
    %slice3A_3277 = vector.extract_strided_slice %transpose3A_465 {offsets = [14, 0], sizes = [1, 200], strides = [1, 1]} : vector<16x200xf32> to vector<1x200xf32>
    %mul3A_3278 = vector.broadcast %slice3A_3277 : vector<1x200xf32> to vector<128x200xf32>
    %mul3A_3279 = arith.mulf %mul3A_3278, %transpose3A_1227 : vector<128x200xf32>
    %add3A_3280 = arith.addf %add3A_3276, %mul3A_3279 : vector<128x200xf32>
    %slice3A_3281 = vector.extract_strided_slice %transpose3A_501 {offsets = [14, 0], sizes = [1, 200], strides = [1, 1]} : vector<16x200xf32> to vector<1x200xf32>
    %mul3A_3282 = vector.broadcast %slice3A_3281 : vector<1x200xf32> to vector<128x200xf32>
    %mul3A_3283 = arith.mulf %mul3A_3282, %transpose3A_1233 : vector<128x200xf32>
    %add3A_3284 = arith.addf %add3A_3280, %mul3A_3283 : vector<128x200xf32>
    %slice3A_3285 = vector.extract_strided_slice %transpose3A_537 {offsets = [14, 0], sizes = [1, 200], strides = [1, 1]} : vector<16x200xf32> to vector<1x200xf32>
    %mul3A_3286 = vector.broadcast %slice3A_3285 : vector<1x200xf32> to vector<128x200xf32>
    %mul3A_3287 = arith.mulf %mul3A_3286, %transpose3A_1239 : vector<128x200xf32>
    %add3A_3288 = arith.addf %add3A_3284, %mul3A_3287 : vector<128x200xf32>
    %slice3A_3289 = vector.extract_strided_slice %transpose3A_573 {offsets = [14, 0], sizes = [1, 200], strides = [1, 1]} : vector<16x200xf32> to vector<1x200xf32>
    %mul3A_3290 = vector.broadcast %slice3A_3289 : vector<1x200xf32> to vector<128x200xf32>
    %mul3A_3291 = arith.mulf %mul3A_3290, %transpose3A_1245 : vector<128x200xf32>
    %add3A_3292 = arith.addf %add3A_3288, %mul3A_3291 : vector<128x200xf32>
    %slice3A_3293 = vector.extract_strided_slice %transpose3A_609 {offsets = [14, 0], sizes = [1, 200], strides = [1, 1]} : vector<16x200xf32> to vector<1x200xf32>
    %mul3A_3294 = vector.broadcast %slice3A_3293 : vector<1x200xf32> to vector<128x200xf32>
    %mul3A_3295 = arith.mulf %mul3A_3294, %transpose3A_1251 : vector<128x200xf32>
    %add3A_3296 = arith.addf %add3A_3292, %mul3A_3295 : vector<128x200xf32>
    %slice3A_3297 = vector.extract_strided_slice %transpose3A_645 {offsets = [14, 0], sizes = [1, 200], strides = [1, 1]} : vector<16x200xf32> to vector<1x200xf32>
    %mul3A_3298 = vector.broadcast %slice3A_3297 : vector<1x200xf32> to vector<128x200xf32>
    %mul3A_3299 = arith.mulf %mul3A_3298, %transpose3A_1257 : vector<128x200xf32>
    %add3A_3300 = arith.addf %add3A_3296, %mul3A_3299 : vector<128x200xf32>
    %slice3A_3301 = vector.extract_strided_slice %transpose3A_681 {offsets = [14, 0], sizes = [1, 200], strides = [1, 1]} : vector<16x200xf32> to vector<1x200xf32>
    %mul3A_3302 = vector.broadcast %slice3A_3301 : vector<1x200xf32> to vector<128x200xf32>
    %mul3A_3303 = arith.mulf %mul3A_3302, %transpose3A_1263 : vector<128x200xf32>
    %add3A_3304 = arith.addf %add3A_3300, %mul3A_3303 : vector<128x200xf32>
    %slice3A_3305 = vector.extract_strided_slice %transpose3A_717 {offsets = [14, 0], sizes = [1, 200], strides = [1, 1]} : vector<16x200xf32> to vector<1x200xf32>
    %mul3A_3306 = vector.broadcast %slice3A_3305 : vector<1x200xf32> to vector<128x200xf32>
    %mul3A_3307 = arith.mulf %mul3A_3306, %transpose3A_1269 : vector<128x200xf32>
    %add3A_3308 = arith.addf %add3A_3304, %mul3A_3307 : vector<128x200xf32>
    %slice3A_3309 = vector.extract_strided_slice %transpose3A_753 {offsets = [14, 0], sizes = [1, 200], strides = [1, 1]} : vector<16x200xf32> to vector<1x200xf32>
    %mul3A_3310 = vector.broadcast %slice3A_3309 : vector<1x200xf32> to vector<128x200xf32>
    %mul3A_3311 = arith.mulf %mul3A_3310, %transpose3A_1275 : vector<128x200xf32>
    %add3A_3312 = arith.addf %add3A_3308, %mul3A_3311 : vector<128x200xf32>
    %slice3A_3313 = vector.extract_strided_slice %transpose3A_789 {offsets = [14, 0], sizes = [1, 200], strides = [1, 1]} : vector<16x200xf32> to vector<1x200xf32>
    %mul3A_3314 = vector.broadcast %slice3A_3313 : vector<1x200xf32> to vector<128x200xf32>
    %mul3A_3315 = arith.mulf %mul3A_3314, %transpose3A_1281 : vector<128x200xf32>
    %add3A_3316 = arith.addf %add3A_3312, %mul3A_3315 : vector<128x200xf32>
    %slice3A_3317 = vector.extract_strided_slice %transpose3A_825 {offsets = [14, 0], sizes = [1, 200], strides = [1, 1]} : vector<16x200xf32> to vector<1x200xf32>
    %mul3A_3318 = vector.broadcast %slice3A_3317 : vector<1x200xf32> to vector<128x200xf32>
    %mul3A_3319 = arith.mulf %mul3A_3318, %transpose3A_1287 : vector<128x200xf32>
    %add3A_3320 = arith.addf %add3A_3316, %mul3A_3319 : vector<128x200xf32>
    %slice3A_3321 = vector.extract_strided_slice %transpose3A_861 {offsets = [14, 0], sizes = [1, 200], strides = [1, 1]} : vector<16x200xf32> to vector<1x200xf32>
    %mul3A_3322 = vector.broadcast %slice3A_3321 : vector<1x200xf32> to vector<128x200xf32>
    %mul3A_3323 = arith.mulf %mul3A_3322, %transpose3A_1293 : vector<128x200xf32>
    %add3A_3324 = arith.addf %add3A_3320, %mul3A_3323 : vector<128x200xf32>
    %slice3A_3325 = vector.extract_strided_slice %transpose3A_897 {offsets = [14, 0], sizes = [1, 200], strides = [1, 1]} : vector<16x200xf32> to vector<1x200xf32>
    %mul3A_3326 = vector.broadcast %slice3A_3325 : vector<1x200xf32> to vector<128x200xf32>
    %mul3A_3327 = arith.mulf %mul3A_3326, %transpose3A_1299 : vector<128x200xf32>
    %add3A_3328 = arith.addf %add3A_3324, %mul3A_3327 : vector<128x200xf32>
    %slice3A_3329 = vector.extract_strided_slice %transpose3A_933 {offsets = [14, 0], sizes = [1, 200], strides = [1, 1]} : vector<16x200xf32> to vector<1x200xf32>
    %mul3A_3330 = vector.broadcast %slice3A_3329 : vector<1x200xf32> to vector<128x200xf32>
    %mul3A_3331 = arith.mulf %mul3A_3330, %transpose3A_1305 : vector<128x200xf32>
    %add3A_3332 = arith.addf %add3A_3328, %mul3A_3331 : vector<128x200xf32>
    %slice3A_3333 = vector.extract_strided_slice %transpose3A_969 {offsets = [14, 0], sizes = [1, 200], strides = [1, 1]} : vector<16x200xf32> to vector<1x200xf32>
    %mul3A_3334 = vector.broadcast %slice3A_3333 : vector<1x200xf32> to vector<128x200xf32>
    %mul3A_3335 = arith.mulf %mul3A_3334, %transpose3A_1311 : vector<128x200xf32>
    %add3A_3336 = arith.addf %add3A_3332, %mul3A_3335 : vector<128x200xf32>
    %slice3A_3337 = vector.extract_strided_slice %transpose3A_1005 {offsets = [14, 0], sizes = [1, 200], strides = [1, 1]} : vector<16x200xf32> to vector<1x200xf32>
    %mul3A_3338 = vector.broadcast %slice3A_3337 : vector<1x200xf32> to vector<128x200xf32>
    %mul3A_3339 = arith.mulf %mul3A_3338, %transpose3A_1317 : vector<128x200xf32>
    %add3A_3340 = arith.addf %add3A_3336, %mul3A_3339 : vector<128x200xf32>
    %slice3A_3341 = vector.extract_strided_slice %transpose3A_1041 {offsets = [14, 0], sizes = [1, 200], strides = [1, 1]} : vector<16x200xf32> to vector<1x200xf32>
    %mul3A_3342 = vector.broadcast %slice3A_3341 : vector<1x200xf32> to vector<128x200xf32>
    %mul3A_3343 = arith.mulf %mul3A_3342, %transpose3A_1323 : vector<128x200xf32>
    %add3A_3344 = arith.addf %add3A_3340, %mul3A_3343 : vector<128x200xf32>
    %slice3A_3345 = vector.extract_strided_slice %transpose3A_1077 {offsets = [14, 0], sizes = [1, 200], strides = [1, 1]} : vector<16x200xf32> to vector<1x200xf32>
    %mul3A_3346 = vector.broadcast %slice3A_3345 : vector<1x200xf32> to vector<128x200xf32>
    %mul3A_3347 = arith.mulf %mul3A_3346, %transpose3A_1329 : vector<128x200xf32>
    %add3A_3348 = arith.addf %add3A_3344, %mul3A_3347 : vector<128x200xf32>
    %slice3A_3349 = vector.extract_strided_slice %transpose3A_1113 {offsets = [14, 0], sizes = [1, 200], strides = [1, 1]} : vector<16x200xf32> to vector<1x200xf32>
    %mul3A_3350 = vector.broadcast %slice3A_3349 : vector<1x200xf32> to vector<128x200xf32>
    %mul3A_3351 = arith.mulf %mul3A_3350, %transpose3A_1335 : vector<128x200xf32>
    %add3A_3352 = arith.addf %add3A_3348, %mul3A_3351 : vector<128x200xf32>
    %slice3A_3353 = vector.extract_strided_slice %transpose3A_1149 {offsets = [14, 0], sizes = [1, 200], strides = [1, 1]} : vector<16x200xf32> to vector<1x200xf32>
    %mul3A_3354 = vector.broadcast %slice3A_3353 : vector<1x200xf32> to vector<128x200xf32>
    %mul3A_3355 = arith.mulf %mul3A_3354, %transpose3A_1341 : vector<128x200xf32>
    %add3A_3356 = arith.addf %add3A_3352, %mul3A_3355 : vector<128x200xf32>
    %get3A_3357 = arith.constant 14 : index
    %get3A_3358 = arith.constant 0 : index
    %get3A_3359 = arith.constant 0 : index
    %get3A_3360 = vector.load %arg6[%get3A_3357, %get3A_3358, %get3A_3359] : memref<15x128x128xf32, #tpu.memory_space<vmem>>, vector<1x128x128xf32>
    %get3A_3361 = vector.shape_cast %get3A_3360 : vector<1x128x128xf32> to vector<128x128xf32>
    %dot_general3A_3362 = arith.constant dense<0.000000e+00> : vector<128x200xf32>
    %dot_general3A_3363 = tpu.matmul %get3A_3361, %add3A_3356, %dot_general3A_3362 {dimension_numbers = #tpu.dot_dimension_numbers<[0], [0], [1], [1], [0, 1, 1, 1], [], []>, transpose_lhs_hint = false} : vector<128x128xf32>, vector<128x200xf32>, vector<128x200xf32> -> vector<128x200xf32>
    %add3A_3364 = arith.addf %add3A_3229, %dot_general3A_3363 : vector<128x200xf32>
    %max3A_3365 = arith.constant 0.000000e+00 : f32
    %max3A_3366 = vector.broadcast %max3A_3365 : f32 to vector<128x200xf32>
    %max3A_3367 = arith.maximumf %add3A_3364, %max3A_3366 : vector<128x200xf32>
    %slice3A_3368 = vector.extract_strided_slice %get3A_1 {offsets = [0, 2], sizes = [200, 1], strides = [1, 1]} : vector<200x128xf32> to vector<200x1xf32>
    %transpose3A_3369 = tpu.transpose %slice3A_3368, [1, 0] : vector<200x1xf32> -> vector<1x200xf32>
    %get3A_3370 = arith.constant 0 : index
    %get3A_3371 = arith.constant 0 : index
    %get3A_3372 = vector.load %arg7[%get3A_3370, %get3A_3371] : memref<32x1xf32, #tpu.memory_space<vmem>>, vector<32x1xf32>
    %mul3A_3373 = vector.broadcast %get3A_3372 : vector<32x1xf32> to vector<32x200xf32>
    %mul3A_3374 = vector.broadcast %transpose3A_3369 : vector<1x200xf32> to vector<32x200xf32>
    %mul3A_3375 = arith.mulf %mul3A_3373, %mul3A_3374 : vector<32x200xf32>
    %max3A_3376 = arith.constant 0.000000e+00 : f32
    %max3A_3377 = vector.broadcast %max3A_3376 : f32 to vector<32x200xf32>
    %max3A_3378 = arith.maximumf %mul3A_3375, %max3A_3377 : vector<32x200xf32>
    %get3A_3379 = arith.constant 0 : index
    %get3A_3380 = arith.constant 0 : index
    %get3A_3381 = vector.load %arg8[%get3A_3379, %get3A_3380] : memref<32x128xf32, #tpu.memory_space<vmem>>, vector<32x128xf32>
    %dot_general3A_3382 = arith.constant dense<0.000000e+00> : vector<128x200xf32>
    %dot_general3A_3383 = tpu.matmul %get3A_3381, %max3A_3378, %dot_general3A_3382 {dimension_numbers = #tpu.dot_dimension_numbers<[0], [0], [1], [1], [0, 1, 1, 1], [], []>, transpose_lhs_hint = false} : vector<32x128xf32>, vector<32x200xf32>, vector<128x200xf32> -> vector<128x200xf32>
    %neg3A = arith.constant 0.000000e+00 : f32
    %neg3A_3384 = vector.broadcast %neg3A : f32 to vector<128x200xf32>
    %neg3A_3385 = arith.subf %neg3A_3384, %dot_general3A_3383 : vector<128x200xf32>
    %exp3A = math.exp %neg3A_3385 : vector<128x200xf32>
    %add3A_3386 = arith.constant 1.000000e+00 : f32
    %add3A_3387 = vector.broadcast %add3A_3386 : f32 to vector<128x200xf32>
    %add3A_3388 = arith.addf %add3A_3387, %exp3A : vector<128x200xf32>
    %div3A_3389 = arith.constant 1.000000e+00 : f32
    %div3A_3390 = vector.broadcast %div3A_3389 : f32 to vector<128x200xf32>
    %div3A_3391 = arith.divf %div3A_3390, %add3A_3388 : vector<128x200xf32>
    %mul3A_3392 = arith.mulf %max3A_3367, %div3A_3391 : vector<128x200xf32>
    %transpose3A_3393 = tpu.transpose %mul3A_3392, [1, 0] : vector<128x200xf32> -> vector<200x128xf32>
    %swap3A = arith.constant 0 : index
    %swap3A_3394 = arith.constant 0 : index
    %swap3A_3395 = vector.load %arg10[%swap3A, %swap3A_3394] : memref<200x128xf32, #tpu.memory_space<vmem>>, vector<200x128xf32>
    tpu.vector_store %arg10[%swap3A, %swap3A_3394], %transpose3A_3393 {strides = array<i32>} : memref<200x128xf32, #tpu.memory_space<vmem>>, vector<200x128xf32>,
    %get3A_3396 = arith.constant 0 : index
    %get3A_3397 = arith.constant 0 : index
    %get3A_3398 = vector.load %arg9[%get3A_3396, %get3A_3397] : memref<128x32xf32, #tpu.memory_space<vmem>>, vector<128x32xf32>
    %dot_general3A_3399 = arith.constant dense<0.000000e+00> : vector<200x32xf32>
    %dot_general3A_3400 = tpu.matmul %transpose3A_3393, %get3A_3398, %dot_general3A_3399 {dimension_numbers = #tpu.dot_dimension_numbers<[1], [0], [0], [1], [0, 0, 1, 1], [], []>, transpose_lhs_hint = false} : vector<200x128xf32>, vector<128x32xf32>, vector<200x32xf32> -> vector<200x32xf32>
    %swap3A_3401 = arith.constant 0 : index
    %swap3A_3402 = arith.constant 0 : index
    %swap3A_3403 = vector.load %arg11[%swap3A_3401, %swap3A_3402] : memref<200x32xf32, #tpu.memory_space<vmem>>, vector<200x32xf32>
    tpu.vector_store %arg11[%swap3A_3401, %swap3A_3402], %dot_general3A_3400 {strides = array<i32>} : memref<200x32xf32, #tpu.memory_space<vmem>>, vector<200x32xf32>,
    %eq3A = arith.constant 0 : i32
    %eq3A_3404 = arith.cmpi eq, %arg0, %eq3A : i32
    %convert_element_type3A = arith.extui %eq3A_3404 : i1 to i32
    %cond3A = arith.constant 0 : i32
    %cond3A_3405 = arith.cmpi ne, %convert_element_type3A, %cond3A : i32
    scf.if %cond3A_3405 {
      %broadcast_in_dim3A_3429 = arith.constant 0.000000e+00 : f32
      %broadcast_in_dim3A_3430 = vector.broadcast %broadcast_in_dim3A_3429 : f32 to vector<128x128xf32>
      %swap3A_3431 = arith.constant 0 : index
      %swap3A_3432 = arith.constant 0 : index
      %swap3A_3433 = vector.load %arg12[%swap3A_3431, %swap3A_3432] : memref<128x128xf32, #tpu.memory_space<vmem>>, vector<128x128xf32>
      tpu.vector_store %arg12[%swap3A_3431, %swap3A_3432], %broadcast_in_dim3A_3430 {strides = array<i32>} : memref<128x128xf32, #tpu.memory_space<vmem>>, vector<128x128xf32>,
    } else {
    }
    %iota3A = tpu.iota {dimensions = array<i32: 1>} : vector<1x200xi32>
    %mul3A_3406 = arith.constant 200 : i32
    %mul3A_3407 = arith.muli %arg0, %mul3A_3406 : i32
    %add3A_3408 = vector.broadcast %mul3A_3407 : i32 to vector<1x200xi32>
    %add3A_3409 = arith.addi %iota3A, %add3A_3408 : vector<1x200xi32>
    %lt3A = arith.constant 10000 : i32
    %lt3A_3410 = vector.broadcast %lt3A : i32 to vector<1x200xi32>
    %lt3A_3411 = arith.cmpi slt, %add3A_3409, %lt3A_3410 : vector<1x200xi32>
    %jit3A = arith.constant 0.000000e+00 : f32
    %broadcast_in_dim3A_3412 = vector.shape_cast %lt3A_3411 : vector<1x200xi1> to vector<1x200xi1>
    %broadcast_in_dim3A_3413 = vector.broadcast %broadcast_in_dim3A_3412 : vector<1x200xi1> to vector<128x200xi1>
    %broadcast_in_dim3A_3414 = vector.broadcast %jit3A : f32 to vector<128x200xf32>
    %select_n3A = arith.select %broadcast_in_dim3A_3413, %mul3A_3392, %broadcast_in_dim3A_3414 : vector<128x200xi1>, vector<128x200xf32>
    %get3A_3415 = arith.constant 0 : index
    %get3A_3416 = arith.constant 0 : index
    %get3A_3417 = vector.load %arg12[%get3A_3415, %get3A_3416] : memref<128x128xf32, #tpu.memory_space<vmem>>, vector<128x128xf32>
    %dot_general3A_3418 = arith.constant dense<0.000000e+00> : vector<128x128xf32>
    %dot_general3A_3419 = tpu.matmul %select_n3A, %select_n3A, %dot_general3A_3418 {dimension_numbers = #tpu.dot_dimension_numbers<[1], [1], [0], [0], [0, 0, 1, 0], [], []>, transpose_lhs_hint = false} : vector<128x200xf32>, vector<128x200xf32>, vector<128x128xf32> -> vector<128x128xf32>
    %add3A_3420 = arith.addf %get3A_3417, %dot_general3A_3419 : vector<128x128xf32>
    %swap3A_3421 = arith.constant 0 : index
    %swap3A_3422 = arith.constant 0 : index
    %swap3A_3423 = vector.load %arg12[%swap3A_3421, %swap3A_3422] : memref<128x128xf32, #tpu.memory_space<vmem>>, vector<128x128xf32>
    tpu.vector_store %arg12[%swap3A_3421, %swap3A_3422], %add3A_3420 {strides = array<i32>} : memref<128x128xf32, #tpu.memory_space<vmem>>, vector<128x128xf32>,
    %eq3A_3424 = arith.constant 49 : i32
    %eq3A_3425 = arith.cmpi eq, %arg0, %eq3A_3424 : i32
    %convert_element_type3A_3426 = arith.extui %eq3A_3425 : i1 to i32
    %cond3A_3427 = arith.constant 0 : i32
    %cond3A_3428 = arith.cmpi ne, %convert_element_type3A_3426, %cond3A_3427 : i32
    scf.if %cond3A_3428 {
      %get3A_3429 = arith.constant 0 : index
      %get3A_3430 = arith.constant 0 : index
      %get3A_3431 = vector.load %arg12[%get3A_3429, %get3A_3430] : memref<128x128xf32, #tpu.memory_space<vmem>>, vector<128x128xf32>
      %div3A_3432 = arith.constant 1.000000e+04 : f32
      %div3A_3433 = vector.broadcast %div3A_3432 : f32 to vector<128x128xf32>
      %div3A_3434 = arith.divf %get3A_3431, %div3A_3433 : vector<128x128xf32>
      %swap3A_3435 = arith.constant 0 : index
      %swap3A_3436 = arith.constant 0 : index
      %swap3A_3437 = vector.load %arg12[%swap3A_3435, %swap3A_3436] : memref<128x128xf32, #tpu.memory_space<vmem>>, vector<128x128xf32>
      tpu.vector_store %arg12[%swap3A_3435, %swap3A_3436], %div3A_3434 {strides = array<i32>} : memref<128x128xf32, #tpu.memory_space<vmem>>, vector<128x128xf32>,
    } else {
    }
    return
  }
  func.func @transform_0(%arg0: i32) -> (i32, i32, i32) {
    %c0_i32 = arith.constant 0 : i32
    %c0_i32_0 = arith.constant 0 : i32
    %c0_i32_1 = arith.constant 0 : i32
    return %c0_i32, %arg0, %c0_i32_0 : i32, i32, i32
  }
  func.func @transform_1(%arg0: i32) -> (i32, i32, i32) {
    %c0_i32 = arith.constant 0 : i32
    %c0_i32_0 = arith.constant 0 : i32
    %c0_i32_1 = arith.constant 0 : i32
    return %c0_i32, %arg0, %c0_i32_0 : i32, i32, i32
  }
  func.func @transform_2(%arg0: i32) -> (i32, i32) {
    %c0_i32 = arith.constant 0 : i32
    %c0_i32_0 = arith.constant 0 : i32
    return %arg0, %c0_i32 : i32, i32
  }
  func.func @transform_3(%arg0: i32) -> (i32, i32) {
    %c0_i32 = arith.constant 0 : i32
    %c0_i32_0 = arith.constant 0 : i32
    %c0_i32_1 = arith.constant 0 : i32
    return %c0_i32, %c0_i32_0 : i32, i32
  }
  func.func @transform_4(%arg0: i32) -> (i32, i32) {
    %c0_i32 = arith.constant 0 : i32
    %c0_i32_0 = arith.constant 0 : i32
    %c0_i32_1 = arith.constant 0 : i32
    return %c0_i32, %c0_i32_0 : i32, i32
  }
  func.func @transform_5(%arg0: i32) -> (i32, i32, i32) {
    %c0_i32 = arith.constant 0 : i32
    %c0_i32_0 = arith.constant 0 : i32
    %c0_i32_1 = arith.constant 0 : i32
    %c0_i32_2 = arith.constant 0 : i32
    return %c0_i32, %c0_i32_0, %c0_i32_1 : i32, i32, i32
  }
  func.func @transform_6(%arg0: i32) -> (i32, i32) {
    %c0_i32 = arith.constant 0 : i32
    %c0_i32_0 = arith.constant 0 : i32
    %c0_i32_1 = arith.constant 0 : i32
    return %c0_i32, %c0_i32_0 : i32, i32
  }
  func.func @transform_7(%arg0: i32) -> (i32, i32) {
    %c0_i32 = arith.constant 0 : i32
    %c0_i32_0 = arith.constant 0 : i32
    %c0_i32_1 = arith.constant 0 : i32
    return %c0_i32, %c0_i32_0 : i32, i32
  }
  func.func @transform_8(%arg0: i32) -> (i32, i32) {
    %c0_i32 = arith.constant 0 : i32
    %c0_i32_0 = arith.constant 0 : i32
    %c0_i32_1 = arith.constant 0 : i32
    return %c0_i32, %c0_i32_0 : i32, i32
  }
  func.func @transform_9(%arg0: i32) -> (i32, i32) {
    %c0_i32 = arith.constant 0 : i32
    %c0_i32_0 = arith.constant 0 : i32
    return %arg0, %c0_i32 : i32, i32
  }
  func.func @transform_10(%arg0: i32) -> (i32, i32) {
    %c0_i32 = arith.constant 0 : i32
    %c0_i32_0 = arith.constant 0 : i32
    return %arg0, %c0_i32 : i32, i32
  }
  func.func @transform_11(%arg0: i32) -> (i32, i32) {
    %c0_i32 = arith.constant 0 : i32
    %c0_i32_0 = arith.constant 0 : i32
    %c0_i32_1 = arith.constant 0 : i32
    return %c0_i32, %c0_i32_0 : i32, i32
  }
}

module attributes {stable_mosaic.version = 14 : i64} {
  func.func @_att_body(%arg0: i32, %arg1: memref<200x128xf32, #tpu.memory_space<vmem>>, %arg2: memref<200x32xf32, #tpu.memory_space<vmem>>, %arg3: memref<128x128xf32, #tpu.memory_space<vmem>>, %arg4: memref<32x200x128xf32, #tpu.memory_space<vmem>>, %arg5: memref<128x32xf32, #tpu.memory_space<vmem>>, %arg6: memref<128x128xf32, #tpu.memory_space<vmem>>, %arg7: memref<128x128xf32, #tpu.memory_space<vmem>>, %arg8: memref<128x128xf32, #tpu.memory_space<vmem>>, %arg9: memref<200x128xf32, #tpu.memory_space<vmem>>, %arg10: memref<4x200x128xf32, #tpu.memory_space<vmem>>, %arg11: memref<4x128xf32, #tpu.memory_space<vmem>>) attributes {dimension_semantics = [#tpu.dimension_semantics<arbitrary>], iteration_bounds = array<i64: 50>, scalar_prefetch = 0 : i64, scratch_operands = 0 : i64, tpu.core_type = #tpu.core_type<tc>, window_params = [{transform_indices = @transform_0, window_bounds = array<i64: 200, 128>}, {transform_indices = @transform_1, window_bounds = array<i64: 200, 32>}, {pipeline_mode = #tpu.pipeline_mode<synchronous>, transform_indices = @transform_2, window_bounds = array<i64: 128, 128>}, {transform_indices = @transform_3, window_bounds = array<i64: 32, 200, 128>}, {pipeline_mode = #tpu.pipeline_mode<synchronous>, transform_indices = @transform_4, window_bounds = array<i64: 128, 32>}, {pipeline_mode = #tpu.pipeline_mode<synchronous>, transform_indices = @transform_5, window_bounds = array<i64: 128, 128>}, {pipeline_mode = #tpu.pipeline_mode<synchronous>, transform_indices = @transform_6, window_bounds = array<i64: 128, 128>}, {pipeline_mode = #tpu.pipeline_mode<synchronous>, transform_indices = @transform_7, window_bounds = array<i64: 128, 128>}, {transform_indices = @transform_8, window_bounds = array<i64: 200, 128>}, {transform_indices = @transform_9, window_bounds = array<i64: 4, 200, 128>}, {pipeline_mode = #tpu.pipeline_mode<synchronous>, transform_indices = @transform_10, window_bounds = array<i64: 4, 128>}]} {
    %get3A = arith.constant 0 : index
    %get3A_0 = arith.constant 0 : index
    %get3A_1 = vector.load %arg1[%get3A, %get3A_0] : memref<200x128xf32, #tpu.memory_space<vmem>>, vector<200x128xf32>
    %get3A_2 = arith.constant 0 : index
    %get3A_3 = arith.constant 0 : index
    %get3A_4 = vector.load %arg2[%get3A_2, %get3A_3] : memref<200x32xf32, #tpu.memory_space<vmem>>, vector<200x32xf32>
    %get3A_5 = arith.constant 0 : index
    %get3A_6 = arith.constant 0 : index
    %get3A_7 = vector.load %arg3[%get3A_5, %get3A_6] : memref<128x128xf32, #tpu.memory_space<vmem>>, vector<128x128xf32>
    %reduce_max3A = arith.constant dense<0xFF800000> : vector<128xf32>
    %reduce_max3A_8 = vector.multi_reduction <maximumf>, %get3A_7, %reduce_max3A [1] : vector<128x128xf32> to vector<128xf32>
    %broadcast_in_dim3A = vector.shape_cast %reduce_max3A_8 : vector<128xf32> to vector<128x1xf32>
    %sub3A = vector.broadcast %broadcast_in_dim3A : vector<128x1xf32> to vector<128x128xf32>
    %sub3A_9 = arith.subf %get3A_7, %sub3A : vector<128x128xf32>
    %exp3A = math.exp %sub3A_9 : vector<128x128xf32>
    %reduce_sum3A = arith.constant dense<0.000000e+00> : vector<128xf32>
    %reduce_sum3A_10 = vector.multi_reduction <add>, %exp3A, %reduce_sum3A [1] : vector<128x128xf32> to vector<128xf32>
    %broadcast_in_dim3A_11 = vector.shape_cast %reduce_sum3A_10 : vector<128xf32> to vector<128x1xf32>
    %div3A = vector.broadcast %broadcast_in_dim3A_11 : vector<128x1xf32> to vector<128x128xf32>
    %div3A_12 = arith.divf %exp3A, %div3A : vector<128x128xf32>
    %dot_general3A = arith.constant dense<0.000000e+00> : vector<200x128xf32>
    %dot_general3A_13 = tpu.matmul %get3A_1, %div3A_12, %dot_general3A {dimension_numbers = #tpu.dot_dimension_numbers<[1], [0], [0], [1], [0, 0, 1, 1], [], []>, transpose_lhs_hint = false} : vector<200x128xf32>, vector<128x128xf32>, vector<200x128xf32> -> vector<200x128xf32>
    %add3A = arith.addf %dot_general3A_13, %get3A_1 : vector<200x128xf32>
    %get3A_14 = arith.constant 0 : index
    %get3A_15 = arith.constant 0 : index
    %get3A_16 = arith.constant 0 : index
    %get3A_17 = vector.load %arg4[%get3A_14, %get3A_15, %get3A_16] : memref<32x200x128xf32, #tpu.memory_space<vmem>>, vector<1x200x128xf32>
    %get3A_18 = vector.shape_cast %get3A_17 : vector<1x200x128xf32> to vector<200x128xf32>
    %get3A_19 = arith.constant 0 : index
    %get3A_20 = arith.constant 0 : index
    %get3A_21 = vector.load %arg5[%get3A_19, %get3A_20] : memref<128x32xf32, #tpu.memory_space<vmem>>, vector<128x32xf32>
    %dot_general3A_22 = arith.constant dense<0.000000e+00> : vector<200x32xf32>
    %dot_general3A_23 = tpu.matmul %get3A_18, %get3A_21, %dot_general3A_22 {dimension_numbers = #tpu.dot_dimension_numbers<[1], [0], [0], [1], [0, 0, 1, 1], [], []>, transpose_lhs_hint = false} : vector<200x128xf32>, vector<128x32xf32>, vector<200x32xf32> -> vector<200x32xf32>
    %mul3A = arith.mulf %get3A_4, %dot_general3A_23 : vector<200x32xf32>
    %reduce_sum3A_24 = arith.constant dense<0.000000e+00> : vector<200xf32>
    %reduce_sum3A_25 = vector.multi_reduction <add>, %mul3A, %reduce_sum3A_24 [1] : vector<200x32xf32> to vector<200xf32>
    %broadcast_in_dim3A_26 = vector.shape_cast %reduce_sum3A_25 : vector<200xf32> to vector<200x1xf32>
    %get3A_27 = arith.constant 1 : index
    %get3A_28 = arith.constant 0 : index
    %get3A_29 = arith.constant 0 : index
    %get3A_30 = vector.load %arg4[%get3A_27, %get3A_28, %get3A_29] : memref<32x200x128xf32, #tpu.memory_space<vmem>>, vector<1x200x128xf32>
    %get3A_31 = vector.shape_cast %get3A_30 : vector<1x200x128xf32> to vector<200x128xf32>
    %get3A_32 = arith.constant 0 : index
    %get3A_33 = arith.constant 0 : index
    %get3A_34 = vector.load %arg5[%get3A_32, %get3A_33] : memref<128x32xf32, #tpu.memory_space<vmem>>, vector<128x32xf32>
    %dot_general3A_35 = arith.constant dense<0.000000e+00> : vector<200x32xf32>
    %dot_general3A_36 = tpu.matmul %get3A_31, %get3A_34, %dot_general3A_35 {dimension_numbers = #tpu.dot_dimension_numbers<[1], [0], [0], [1], [0, 0, 1, 1], [], []>, transpose_lhs_hint = false} : vector<200x128xf32>, vector<128x32xf32>, vector<200x32xf32> -> vector<200x32xf32>
    %mul3A_37 = arith.mulf %get3A_4, %dot_general3A_36 : vector<200x32xf32>
    %reduce_sum3A_38 = arith.constant dense<0.000000e+00> : vector<200xf32>
    %reduce_sum3A_39 = vector.multi_reduction <add>, %mul3A_37, %reduce_sum3A_38 [1] : vector<200x32xf32> to vector<200xf32>
    %broadcast_in_dim3A_40 = vector.shape_cast %reduce_sum3A_39 : vector<200xf32> to vector<200x1xf32>
    %get3A_41 = arith.constant 2 : index
    %get3A_42 = arith.constant 0 : index
    %get3A_43 = arith.constant 0 : index
    %get3A_44 = vector.load %arg4[%get3A_41, %get3A_42, %get3A_43] : memref<32x200x128xf32, #tpu.memory_space<vmem>>, vector<1x200x128xf32>
    %get3A_45 = vector.shape_cast %get3A_44 : vector<1x200x128xf32> to vector<200x128xf32>
    %get3A_46 = arith.constant 0 : index
    %get3A_47 = arith.constant 0 : index
    %get3A_48 = vector.load %arg5[%get3A_46, %get3A_47] : memref<128x32xf32, #tpu.memory_space<vmem>>, vector<128x32xf32>
    %dot_general3A_49 = arith.constant dense<0.000000e+00> : vector<200x32xf32>
    %dot_general3A_50 = tpu.matmul %get3A_45, %get3A_48, %dot_general3A_49 {dimension_numbers = #tpu.dot_dimension_numbers<[1], [0], [0], [1], [0, 0, 1, 1], [], []>, transpose_lhs_hint = false} : vector<200x128xf32>, vector<128x32xf32>, vector<200x32xf32> -> vector<200x32xf32>
    %mul3A_51 = arith.mulf %get3A_4, %dot_general3A_50 : vector<200x32xf32>
    %reduce_sum3A_52 = arith.constant dense<0.000000e+00> : vector<200xf32>
    %reduce_sum3A_53 = vector.multi_reduction <add>, %mul3A_51, %reduce_sum3A_52 [1] : vector<200x32xf32> to vector<200xf32>
    %broadcast_in_dim3A_54 = vector.shape_cast %reduce_sum3A_53 : vector<200xf32> to vector<200x1xf32>
    %get3A_55 = arith.constant 3 : index
    %get3A_56 = arith.constant 0 : index
    %get3A_57 = arith.constant 0 : index
    %get3A_58 = vector.load %arg4[%get3A_55, %get3A_56, %get3A_57] : memref<32x200x128xf32, #tpu.memory_space<vmem>>, vector<1x200x128xf32>
    %get3A_59 = vector.shape_cast %get3A_58 : vector<1x200x128xf32> to vector<200x128xf32>
    %get3A_60 = arith.constant 0 : index
    %get3A_61 = arith.constant 0 : index
    %get3A_62 = vector.load %arg5[%get3A_60, %get3A_61] : memref<128x32xf32, #tpu.memory_space<vmem>>, vector<128x32xf32>
    %dot_general3A_63 = arith.constant dense<0.000000e+00> : vector<200x32xf32>
    %dot_general3A_64 = tpu.matmul %get3A_59, %get3A_62, %dot_general3A_63 {dimension_numbers = #tpu.dot_dimension_numbers<[1], [0], [0], [1], [0, 0, 1, 1], [], []>, transpose_lhs_hint = false} : vector<200x128xf32>, vector<128x32xf32>, vector<200x32xf32> -> vector<200x32xf32>
    %mul3A_65 = arith.mulf %get3A_4, %dot_general3A_64 : vector<200x32xf32>
    %reduce_sum3A_66 = arith.constant dense<0.000000e+00> : vector<200xf32>
    %reduce_sum3A_67 = vector.multi_reduction <add>, %mul3A_65, %reduce_sum3A_66 [1] : vector<200x32xf32> to vector<200xf32>
    %broadcast_in_dim3A_68 = vector.shape_cast %reduce_sum3A_67 : vector<200xf32> to vector<200x1xf32>
    %get3A_69 = arith.constant 4 : index
    %get3A_70 = arith.constant 0 : index
    %get3A_71 = arith.constant 0 : index
    %get3A_72 = vector.load %arg4[%get3A_69, %get3A_70, %get3A_71] : memref<32x200x128xf32, #tpu.memory_space<vmem>>, vector<1x200x128xf32>
    %get3A_73 = vector.shape_cast %get3A_72 : vector<1x200x128xf32> to vector<200x128xf32>
    %get3A_74 = arith.constant 0 : index
    %get3A_75 = arith.constant 0 : index
    %get3A_76 = vector.load %arg5[%get3A_74, %get3A_75] : memref<128x32xf32, #tpu.memory_space<vmem>>, vector<128x32xf32>
    %dot_general3A_77 = arith.constant dense<0.000000e+00> : vector<200x32xf32>
    %dot_general3A_78 = tpu.matmul %get3A_73, %get3A_76, %dot_general3A_77 {dimension_numbers = #tpu.dot_dimension_numbers<[1], [0], [0], [1], [0, 0, 1, 1], [], []>, transpose_lhs_hint = false} : vector<200x128xf32>, vector<128x32xf32>, vector<200x32xf32> -> vector<200x32xf32>
    %mul3A_79 = arith.mulf %get3A_4, %dot_general3A_78 : vector<200x32xf32>
    %reduce_sum3A_80 = arith.constant dense<0.000000e+00> : vector<200xf32>
    %reduce_sum3A_81 = vector.multi_reduction <add>, %mul3A_79, %reduce_sum3A_80 [1] : vector<200x32xf32> to vector<200xf32>
    %broadcast_in_dim3A_82 = vector.shape_cast %reduce_sum3A_81 : vector<200xf32> to vector<200x1xf32>
    %get3A_83 = arith.constant 5 : index
    %get3A_84 = arith.constant 0 : index
    %get3A_85 = arith.constant 0 : index
    %get3A_86 = vector.load %arg4[%get3A_83, %get3A_84, %get3A_85] : memref<32x200x128xf32, #tpu.memory_space<vmem>>, vector<1x200x128xf32>
    %get3A_87 = vector.shape_cast %get3A_86 : vector<1x200x128xf32> to vector<200x128xf32>
    %get3A_88 = arith.constant 0 : index
    %get3A_89 = arith.constant 0 : index
    %get3A_90 = vector.load %arg5[%get3A_88, %get3A_89] : memref<128x32xf32, #tpu.memory_space<vmem>>, vector<128x32xf32>
    %dot_general3A_91 = arith.constant dense<0.000000e+00> : vector<200x32xf32>
    %dot_general3A_92 = tpu.matmul %get3A_87, %get3A_90, %dot_general3A_91 {dimension_numbers = #tpu.dot_dimension_numbers<[1], [0], [0], [1], [0, 0, 1, 1], [], []>, transpose_lhs_hint = false} : vector<200x128xf32>, vector<128x32xf32>, vector<200x32xf32> -> vector<200x32xf32>
    %mul3A_93 = arith.mulf %get3A_4, %dot_general3A_92 : vector<200x32xf32>
    %reduce_sum3A_94 = arith.constant dense<0.000000e+00> : vector<200xf32>
    %reduce_sum3A_95 = vector.multi_reduction <add>, %mul3A_93, %reduce_sum3A_94 [1] : vector<200x32xf32> to vector<200xf32>
    %broadcast_in_dim3A_96 = vector.shape_cast %reduce_sum3A_95 : vector<200xf32> to vector<200x1xf32>
    %get3A_97 = arith.constant 6 : index
    %get3A_98 = arith.constant 0 : index
    %get3A_99 = arith.constant 0 : index
    %get3A_100 = vector.load %arg4[%get3A_97, %get3A_98, %get3A_99] : memref<32x200x128xf32, #tpu.memory_space<vmem>>, vector<1x200x128xf32>
    %get3A_101 = vector.shape_cast %get3A_100 : vector<1x200x128xf32> to vector<200x128xf32>
    %get3A_102 = arith.constant 0 : index
    %get3A_103 = arith.constant 0 : index
    %get3A_104 = vector.load %arg5[%get3A_102, %get3A_103] : memref<128x32xf32, #tpu.memory_space<vmem>>, vector<128x32xf32>
    %dot_general3A_105 = arith.constant dense<0.000000e+00> : vector<200x32xf32>
    %dot_general3A_106 = tpu.matmul %get3A_101, %get3A_104, %dot_general3A_105 {dimension_numbers = #tpu.dot_dimension_numbers<[1], [0], [0], [1], [0, 0, 1, 1], [], []>, transpose_lhs_hint = false} : vector<200x128xf32>, vector<128x32xf32>, vector<200x32xf32> -> vector<200x32xf32>
    %mul3A_107 = arith.mulf %get3A_4, %dot_general3A_106 : vector<200x32xf32>
    %reduce_sum3A_108 = arith.constant dense<0.000000e+00> : vector<200xf32>
    %reduce_sum3A_109 = vector.multi_reduction <add>, %mul3A_107, %reduce_sum3A_108 [1] : vector<200x32xf32> to vector<200xf32>
    %broadcast_in_dim3A_110 = vector.shape_cast %reduce_sum3A_109 : vector<200xf32> to vector<200x1xf32>
    %get3A_111 = arith.constant 7 : index
    %get3A_112 = arith.constant 0 : index
    %get3A_113 = arith.constant 0 : index
    %get3A_114 = vector.load %arg4[%get3A_111, %get3A_112, %get3A_113] : memref<32x200x128xf32, #tpu.memory_space<vmem>>, vector<1x200x128xf32>
    %get3A_115 = vector.shape_cast %get3A_114 : vector<1x200x128xf32> to vector<200x128xf32>
    %get3A_116 = arith.constant 0 : index
    %get3A_117 = arith.constant 0 : index
    %get3A_118 = vector.load %arg5[%get3A_116, %get3A_117] : memref<128x32xf32, #tpu.memory_space<vmem>>, vector<128x32xf32>
    %dot_general3A_119 = arith.constant dense<0.000000e+00> : vector<200x32xf32>
    %dot_general3A_120 = tpu.matmul %get3A_115, %get3A_118, %dot_general3A_119 {dimension_numbers = #tpu.dot_dimension_numbers<[1], [0], [0], [1], [0, 0, 1, 1], [], []>, transpose_lhs_hint = false} : vector<200x128xf32>, vector<128x32xf32>, vector<200x32xf32> -> vector<200x32xf32>
    %mul3A_121 = arith.mulf %get3A_4, %dot_general3A_120 : vector<200x32xf32>
    %reduce_sum3A_122 = arith.constant dense<0.000000e+00> : vector<200xf32>
    %reduce_sum3A_123 = vector.multi_reduction <add>, %mul3A_121, %reduce_sum3A_122 [1] : vector<200x32xf32> to vector<200xf32>
    %broadcast_in_dim3A_124 = vector.shape_cast %reduce_sum3A_123 : vector<200xf32> to vector<200x1xf32>
    %get3A_125 = arith.constant 8 : index
    %get3A_126 = arith.constant 0 : index
    %get3A_127 = arith.constant 0 : index
    %get3A_128 = vector.load %arg4[%get3A_125, %get3A_126, %get3A_127] : memref<32x200x128xf32, #tpu.memory_space<vmem>>, vector<1x200x128xf32>
    %get3A_129 = vector.shape_cast %get3A_128 : vector<1x200x128xf32> to vector<200x128xf32>
    %get3A_130 = arith.constant 0 : index
    %get3A_131 = arith.constant 0 : index
    %get3A_132 = vector.load %arg5[%get3A_130, %get3A_131] : memref<128x32xf32, #tpu.memory_space<vmem>>, vector<128x32xf32>
    %dot_general3A_133 = arith.constant dense<0.000000e+00> : vector<200x32xf32>
    %dot_general3A_134 = tpu.matmul %get3A_129, %get3A_132, %dot_general3A_133 {dimension_numbers = #tpu.dot_dimension_numbers<[1], [0], [0], [1], [0, 0, 1, 1], [], []>, transpose_lhs_hint = false} : vector<200x128xf32>, vector<128x32xf32>, vector<200x32xf32> -> vector<200x32xf32>
    %mul3A_135 = arith.mulf %get3A_4, %dot_general3A_134 : vector<200x32xf32>
    %reduce_sum3A_136 = arith.constant dense<0.000000e+00> : vector<200xf32>
    %reduce_sum3A_137 = vector.multi_reduction <add>, %mul3A_135, %reduce_sum3A_136 [1] : vector<200x32xf32> to vector<200xf32>
    %broadcast_in_dim3A_138 = vector.shape_cast %reduce_sum3A_137 : vector<200xf32> to vector<200x1xf32>
    %get3A_139 = arith.constant 9 : index
    %get3A_140 = arith.constant 0 : index
    %get3A_141 = arith.constant 0 : index
    %get3A_142 = vector.load %arg4[%get3A_139, %get3A_140, %get3A_141] : memref<32x200x128xf32, #tpu.memory_space<vmem>>, vector<1x200x128xf32>
    %get3A_143 = vector.shape_cast %get3A_142 : vector<1x200x128xf32> to vector<200x128xf32>
    %get3A_144 = arith.constant 0 : index
    %get3A_145 = arith.constant 0 : index
    %get3A_146 = vector.load %arg5[%get3A_144, %get3A_145] : memref<128x32xf32, #tpu.memory_space<vmem>>, vector<128x32xf32>
    %dot_general3A_147 = arith.constant dense<0.000000e+00> : vector<200x32xf32>
    %dot_general3A_148 = tpu.matmul %get3A_143, %get3A_146, %dot_general3A_147 {dimension_numbers = #tpu.dot_dimension_numbers<[1], [0], [0], [1], [0, 0, 1, 1], [], []>, transpose_lhs_hint = false} : vector<200x128xf32>, vector<128x32xf32>, vector<200x32xf32> -> vector<200x32xf32>
    %mul3A_149 = arith.mulf %get3A_4, %dot_general3A_148 : vector<200x32xf32>
    %reduce_sum3A_150 = arith.constant dense<0.000000e+00> : vector<200xf32>
    %reduce_sum3A_151 = vector.multi_reduction <add>, %mul3A_149, %reduce_sum3A_150 [1] : vector<200x32xf32> to vector<200xf32>
    %broadcast_in_dim3A_152 = vector.shape_cast %reduce_sum3A_151 : vector<200xf32> to vector<200x1xf32>
    %get3A_153 = arith.constant 10 : index
    %get3A_154 = arith.constant 0 : index
    %get3A_155 = arith.constant 0 : index
    %get3A_156 = vector.load %arg4[%get3A_153, %get3A_154, %get3A_155] : memref<32x200x128xf32, #tpu.memory_space<vmem>>, vector<1x200x128xf32>
    %get3A_157 = vector.shape_cast %get3A_156 : vector<1x200x128xf32> to vector<200x128xf32>
    %get3A_158 = arith.constant 0 : index
    %get3A_159 = arith.constant 0 : index
    %get3A_160 = vector.load %arg5[%get3A_158, %get3A_159] : memref<128x32xf32, #tpu.memory_space<vmem>>, vector<128x32xf32>
    %dot_general3A_161 = arith.constant dense<0.000000e+00> : vector<200x32xf32>
    %dot_general3A_162 = tpu.matmul %get3A_157, %get3A_160, %dot_general3A_161 {dimension_numbers = #tpu.dot_dimension_numbers<[1], [0], [0], [1], [0, 0, 1, 1], [], []>, transpose_lhs_hint = false} : vector<200x128xf32>, vector<128x32xf32>, vector<200x32xf32> -> vector<200x32xf32>
    %mul3A_163 = arith.mulf %get3A_4, %dot_general3A_162 : vector<200x32xf32>
    %reduce_sum3A_164 = arith.constant dense<0.000000e+00> : vector<200xf32>
    %reduce_sum3A_165 = vector.multi_reduction <add>, %mul3A_163, %reduce_sum3A_164 [1] : vector<200x32xf32> to vector<200xf32>
    %broadcast_in_dim3A_166 = vector.shape_cast %reduce_sum3A_165 : vector<200xf32> to vector<200x1xf32>
    %get3A_167 = arith.constant 11 : index
    %get3A_168 = arith.constant 0 : index
    %get3A_169 = arith.constant 0 : index
    %get3A_170 = vector.load %arg4[%get3A_167, %get3A_168, %get3A_169] : memref<32x200x128xf32, #tpu.memory_space<vmem>>, vector<1x200x128xf32>
    %get3A_171 = vector.shape_cast %get3A_170 : vector<1x200x128xf32> to vector<200x128xf32>
    %get3A_172 = arith.constant 0 : index
    %get3A_173 = arith.constant 0 : index
    %get3A_174 = vector.load %arg5[%get3A_172, %get3A_173] : memref<128x32xf32, #tpu.memory_space<vmem>>, vector<128x32xf32>
    %dot_general3A_175 = arith.constant dense<0.000000e+00> : vector<200x32xf32>
    %dot_general3A_176 = tpu.matmul %get3A_171, %get3A_174, %dot_general3A_175 {dimension_numbers = #tpu.dot_dimension_numbers<[1], [0], [0], [1], [0, 0, 1, 1], [], []>, transpose_lhs_hint = false} : vector<200x128xf32>, vector<128x32xf32>, vector<200x32xf32> -> vector<200x32xf32>
    %mul3A_177 = arith.mulf %get3A_4, %dot_general3A_176 : vector<200x32xf32>
    %reduce_sum3A_178 = arith.constant dense<0.000000e+00> : vector<200xf32>
    %reduce_sum3A_179 = vector.multi_reduction <add>, %mul3A_177, %reduce_sum3A_178 [1] : vector<200x32xf32> to vector<200xf32>
    %broadcast_in_dim3A_180 = vector.shape_cast %reduce_sum3A_179 : vector<200xf32> to vector<200x1xf32>
    %get3A_181 = arith.constant 12 : index
    %get3A_182 = arith.constant 0 : index
    %get3A_183 = arith.constant 0 : index
    %get3A_184 = vector.load %arg4[%get3A_181, %get3A_182, %get3A_183] : memref<32x200x128xf32, #tpu.memory_space<vmem>>, vector<1x200x128xf32>
    %get3A_185 = vector.shape_cast %get3A_184 : vector<1x200x128xf32> to vector<200x128xf32>
    %get3A_186 = arith.constant 0 : index
    %get3A_187 = arith.constant 0 : index
    %get3A_188 = vector.load %arg5[%get3A_186, %get3A_187] : memref<128x32xf32, #tpu.memory_space<vmem>>, vector<128x32xf32>
    %dot_general3A_189 = arith.constant dense<0.000000e+00> : vector<200x32xf32>
    %dot_general3A_190 = tpu.matmul %get3A_185, %get3A_188, %dot_general3A_189 {dimension_numbers = #tpu.dot_dimension_numbers<[1], [0], [0], [1], [0, 0, 1, 1], [], []>, transpose_lhs_hint = false} : vector<200x128xf32>, vector<128x32xf32>, vector<200x32xf32> -> vector<200x32xf32>
    %mul3A_191 = arith.mulf %get3A_4, %dot_general3A_190 : vector<200x32xf32>
    %reduce_sum3A_192 = arith.constant dense<0.000000e+00> : vector<200xf32>
    %reduce_sum3A_193 = vector.multi_reduction <add>, %mul3A_191, %reduce_sum3A_192 [1] : vector<200x32xf32> to vector<200xf32>
    %broadcast_in_dim3A_194 = vector.shape_cast %reduce_sum3A_193 : vector<200xf32> to vector<200x1xf32>
    %get3A_195 = arith.constant 13 : index
    %get3A_196 = arith.constant 0 : index
    %get3A_197 = arith.constant 0 : index
    %get3A_198 = vector.load %arg4[%get3A_195, %get3A_196, %get3A_197] : memref<32x200x128xf32, #tpu.memory_space<vmem>>, vector<1x200x128xf32>
    %get3A_199 = vector.shape_cast %get3A_198 : vector<1x200x128xf32> to vector<200x128xf32>
    %get3A_200 = arith.constant 0 : index
    %get3A_201 = arith.constant 0 : index
    %get3A_202 = vector.load %arg5[%get3A_200, %get3A_201] : memref<128x32xf32, #tpu.memory_space<vmem>>, vector<128x32xf32>
    %dot_general3A_203 = arith.constant dense<0.000000e+00> : vector<200x32xf32>
    %dot_general3A_204 = tpu.matmul %get3A_199, %get3A_202, %dot_general3A_203 {dimension_numbers = #tpu.dot_dimension_numbers<[1], [0], [0], [1], [0, 0, 1, 1], [], []>, transpose_lhs_hint = false} : vector<200x128xf32>, vector<128x32xf32>, vector<200x32xf32> -> vector<200x32xf32>
    %mul3A_205 = arith.mulf %get3A_4, %dot_general3A_204 : vector<200x32xf32>
    %reduce_sum3A_206 = arith.constant dense<0.000000e+00> : vector<200xf32>
    %reduce_sum3A_207 = vector.multi_reduction <add>, %mul3A_205, %reduce_sum3A_206 [1] : vector<200x32xf32> to vector<200xf32>
    %broadcast_in_dim3A_208 = vector.shape_cast %reduce_sum3A_207 : vector<200xf32> to vector<200x1xf32>
    %get3A_209 = arith.constant 14 : index
    %get3A_210 = arith.constant 0 : index
    %get3A_211 = arith.constant 0 : index
    %get3A_212 = vector.load %arg4[%get3A_209, %get3A_210, %get3A_211] : memref<32x200x128xf32, #tpu.memory_space<vmem>>, vector<1x200x128xf32>
    %get3A_213 = vector.shape_cast %get3A_212 : vector<1x200x128xf32> to vector<200x128xf32>
    %get3A_214 = arith.constant 0 : index
    %get3A_215 = arith.constant 0 : index
    %get3A_216 = vector.load %arg5[%get3A_214, %get3A_215] : memref<128x32xf32, #tpu.memory_space<vmem>>, vector<128x32xf32>
    %dot_general3A_217 = arith.constant dense<0.000000e+00> : vector<200x32xf32>
    %dot_general3A_218 = tpu.matmul %get3A_213, %get3A_216, %dot_general3A_217 {dimension_numbers = #tpu.dot_dimension_numbers<[1], [0], [0], [1], [0, 0, 1, 1], [], []>, transpose_lhs_hint = false} : vector<200x128xf32>, vector<128x32xf32>, vector<200x32xf32> -> vector<200x32xf32>
    %mul3A_219 = arith.mulf %get3A_4, %dot_general3A_218 : vector<200x32xf32>
    %reduce_sum3A_220 = arith.constant dense<0.000000e+00> : vector<200xf32>
    %reduce_sum3A_221 = vector.multi_reduction <add>, %mul3A_219, %reduce_sum3A_220 [1] : vector<200x32xf32> to vector<200xf32>
    %broadcast_in_dim3A_222 = vector.shape_cast %reduce_sum3A_221 : vector<200xf32> to vector<200x1xf32>
    %get3A_223 = arith.constant 15 : index
    %get3A_224 = arith.constant 0 : index
    %get3A_225 = arith.constant 0 : index
    %get3A_226 = vector.load %arg4[%get3A_223, %get3A_224, %get3A_225] : memref<32x200x128xf32, #tpu.memory_space<vmem>>, vector<1x200x128xf32>
    %get3A_227 = vector.shape_cast %get3A_226 : vector<1x200x128xf32> to vector<200x128xf32>
    %get3A_228 = arith.constant 0 : index
    %get3A_229 = arith.constant 0 : index
    %get3A_230 = vector.load %arg5[%get3A_228, %get3A_229] : memref<128x32xf32, #tpu.memory_space<vmem>>, vector<128x32xf32>
    %dot_general3A_231 = arith.constant dense<0.000000e+00> : vector<200x32xf32>
    %dot_general3A_232 = tpu.matmul %get3A_227, %get3A_230, %dot_general3A_231 {dimension_numbers = #tpu.dot_dimension_numbers<[1], [0], [0], [1], [0, 0, 1, 1], [], []>, transpose_lhs_hint = false} : vector<200x128xf32>, vector<128x32xf32>, vector<200x32xf32> -> vector<200x32xf32>
    %mul3A_233 = arith.mulf %get3A_4, %dot_general3A_232 : vector<200x32xf32>
    %reduce_sum3A_234 = arith.constant dense<0.000000e+00> : vector<200xf32>
    %reduce_sum3A_235 = vector.multi_reduction <add>, %mul3A_233, %reduce_sum3A_234 [1] : vector<200x32xf32> to vector<200xf32>
    %broadcast_in_dim3A_236 = vector.shape_cast %reduce_sum3A_235 : vector<200xf32> to vector<200x1xf32>
    %get3A_237 = arith.constant 16 : index
    %get3A_238 = arith.constant 0 : index
    %get3A_239 = arith.constant 0 : index
    %get3A_240 = vector.load %arg4[%get3A_237, %get3A_238, %get3A_239] : memref<32x200x128xf32, #tpu.memory_space<vmem>>, vector<1x200x128xf32>
    %get3A_241 = vector.shape_cast %get3A_240 : vector<1x200x128xf32> to vector<200x128xf32>
    %get3A_242 = arith.constant 0 : index
    %get3A_243 = arith.constant 0 : index
    %get3A_244 = vector.load %arg5[%get3A_242, %get3A_243] : memref<128x32xf32, #tpu.memory_space<vmem>>, vector<128x32xf32>
    %dot_general3A_245 = arith.constant dense<0.000000e+00> : vector<200x32xf32>
    %dot_general3A_246 = tpu.matmul %get3A_241, %get3A_244, %dot_general3A_245 {dimension_numbers = #tpu.dot_dimension_numbers<[1], [0], [0], [1], [0, 0, 1, 1], [], []>, transpose_lhs_hint = false} : vector<200x128xf32>, vector<128x32xf32>, vector<200x32xf32> -> vector<200x32xf32>
    %mul3A_247 = arith.mulf %get3A_4, %dot_general3A_246 : vector<200x32xf32>
    %reduce_sum3A_248 = arith.constant dense<0.000000e+00> : vector<200xf32>
    %reduce_sum3A_249 = vector.multi_reduction <add>, %mul3A_247, %reduce_sum3A_248 [1] : vector<200x32xf32> to vector<200xf32>
    %broadcast_in_dim3A_250 = vector.shape_cast %reduce_sum3A_249 : vector<200xf32> to vector<200x1xf32>
    %get3A_251 = arith.constant 17 : index
    %get3A_252 = arith.constant 0 : index
    %get3A_253 = arith.constant 0 : index
    %get3A_254 = vector.load %arg4[%get3A_251, %get3A_252, %get3A_253] : memref<32x200x128xf32, #tpu.memory_space<vmem>>, vector<1x200x128xf32>
    %get3A_255 = vector.shape_cast %get3A_254 : vector<1x200x128xf32> to vector<200x128xf32>
    %get3A_256 = arith.constant 0 : index
    %get3A_257 = arith.constant 0 : index
    %get3A_258 = vector.load %arg5[%get3A_256, %get3A_257] : memref<128x32xf32, #tpu.memory_space<vmem>>, vector<128x32xf32>
    %dot_general3A_259 = arith.constant dense<0.000000e+00> : vector<200x32xf32>
    %dot_general3A_260 = tpu.matmul %get3A_255, %get3A_258, %dot_general3A_259 {dimension_numbers = #tpu.dot_dimension_numbers<[1], [0], [0], [1], [0, 0, 1, 1], [], []>, transpose_lhs_hint = false} : vector<200x128xf32>, vector<128x32xf32>, vector<200x32xf32> -> vector<200x32xf32>
    %mul3A_261 = arith.mulf %get3A_4, %dot_general3A_260 : vector<200x32xf32>
    %reduce_sum3A_262 = arith.constant dense<0.000000e+00> : vector<200xf32>
    %reduce_sum3A_263 = vector.multi_reduction <add>, %mul3A_261, %reduce_sum3A_262 [1] : vector<200x32xf32> to vector<200xf32>
    %broadcast_in_dim3A_264 = vector.shape_cast %reduce_sum3A_263 : vector<200xf32> to vector<200x1xf32>
    %get3A_265 = arith.constant 18 : index
    %get3A_266 = arith.constant 0 : index
    %get3A_267 = arith.constant 0 : index
    %get3A_268 = vector.load %arg4[%get3A_265, %get3A_266, %get3A_267] : memref<32x200x128xf32, #tpu.memory_space<vmem>>, vector<1x200x128xf32>
    %get3A_269 = vector.shape_cast %get3A_268 : vector<1x200x128xf32> to vector<200x128xf32>
    %get3A_270 = arith.constant 0 : index
    %get3A_271 = arith.constant 0 : index
    %get3A_272 = vector.load %arg5[%get3A_270, %get3A_271] : memref<128x32xf32, #tpu.memory_space<vmem>>, vector<128x32xf32>
    %dot_general3A_273 = arith.constant dense<0.000000e+00> : vector<200x32xf32>
    %dot_general3A_274 = tpu.matmul %get3A_269, %get3A_272, %dot_general3A_273 {dimension_numbers = #tpu.dot_dimension_numbers<[1], [0], [0], [1], [0, 0, 1, 1], [], []>, transpose_lhs_hint = false} : vector<200x128xf32>, vector<128x32xf32>, vector<200x32xf32> -> vector<200x32xf32>
    %mul3A_275 = arith.mulf %get3A_4, %dot_general3A_274 : vector<200x32xf32>
    %reduce_sum3A_276 = arith.constant dense<0.000000e+00> : vector<200xf32>
    %reduce_sum3A_277 = vector.multi_reduction <add>, %mul3A_275, %reduce_sum3A_276 [1] : vector<200x32xf32> to vector<200xf32>
    %broadcast_in_dim3A_278 = vector.shape_cast %reduce_sum3A_277 : vector<200xf32> to vector<200x1xf32>
    %get3A_279 = arith.constant 19 : index
    %get3A_280 = arith.constant 0 : index
    %get3A_281 = arith.constant 0 : index
    %get3A_282 = vector.load %arg4[%get3A_279, %get3A_280, %get3A_281] : memref<32x200x128xf32, #tpu.memory_space<vmem>>, vector<1x200x128xf32>
    %get3A_283 = vector.shape_cast %get3A_282 : vector<1x200x128xf32> to vector<200x128xf32>
    %get3A_284 = arith.constant 0 : index
    %get3A_285 = arith.constant 0 : index
    %get3A_286 = vector.load %arg5[%get3A_284, %get3A_285] : memref<128x32xf32, #tpu.memory_space<vmem>>, vector<128x32xf32>
    %dot_general3A_287 = arith.constant dense<0.000000e+00> : vector<200x32xf32>
    %dot_general3A_288 = tpu.matmul %get3A_283, %get3A_286, %dot_general3A_287 {dimension_numbers = #tpu.dot_dimension_numbers<[1], [0], [0], [1], [0, 0, 1, 1], [], []>, transpose_lhs_hint = false} : vector<200x128xf32>, vector<128x32xf32>, vector<200x32xf32> -> vector<200x32xf32>
    %mul3A_289 = arith.mulf %get3A_4, %dot_general3A_288 : vector<200x32xf32>
    %reduce_sum3A_290 = arith.constant dense<0.000000e+00> : vector<200xf32>
    %reduce_sum3A_291 = vector.multi_reduction <add>, %mul3A_289, %reduce_sum3A_290 [1] : vector<200x32xf32> to vector<200xf32>
    %broadcast_in_dim3A_292 = vector.shape_cast %reduce_sum3A_291 : vector<200xf32> to vector<200x1xf32>
    %get3A_293 = arith.constant 20 : index
    %get3A_294 = arith.constant 0 : index
    %get3A_295 = arith.constant 0 : index
    %get3A_296 = vector.load %arg4[%get3A_293, %get3A_294, %get3A_295] : memref<32x200x128xf32, #tpu.memory_space<vmem>>, vector<1x200x128xf32>
    %get3A_297 = vector.shape_cast %get3A_296 : vector<1x200x128xf32> to vector<200x128xf32>
    %get3A_298 = arith.constant 0 : index
    %get3A_299 = arith.constant 0 : index
    %get3A_300 = vector.load %arg5[%get3A_298, %get3A_299] : memref<128x32xf32, #tpu.memory_space<vmem>>, vector<128x32xf32>
    %dot_general3A_301 = arith.constant dense<0.000000e+00> : vector<200x32xf32>
    %dot_general3A_302 = tpu.matmul %get3A_297, %get3A_300, %dot_general3A_301 {dimension_numbers = #tpu.dot_dimension_numbers<[1], [0], [0], [1], [0, 0, 1, 1], [], []>, transpose_lhs_hint = false} : vector<200x128xf32>, vector<128x32xf32>, vector<200x32xf32> -> vector<200x32xf32>
    %mul3A_303 = arith.mulf %get3A_4, %dot_general3A_302 : vector<200x32xf32>
    %reduce_sum3A_304 = arith.constant dense<0.000000e+00> : vector<200xf32>
    %reduce_sum3A_305 = vector.multi_reduction <add>, %mul3A_303, %reduce_sum3A_304 [1] : vector<200x32xf32> to vector<200xf32>
    %broadcast_in_dim3A_306 = vector.shape_cast %reduce_sum3A_305 : vector<200xf32> to vector<200x1xf32>
    %get3A_307 = arith.constant 21 : index
    %get3A_308 = arith.constant 0 : index
    %get3A_309 = arith.constant 0 : index
    %get3A_310 = vector.load %arg4[%get3A_307, %get3A_308, %get3A_309] : memref<32x200x128xf32, #tpu.memory_space<vmem>>, vector<1x200x128xf32>
    %get3A_311 = vector.shape_cast %get3A_310 : vector<1x200x128xf32> to vector<200x128xf32>
    %get3A_312 = arith.constant 0 : index
    %get3A_313 = arith.constant 0 : index
    %get3A_314 = vector.load %arg5[%get3A_312, %get3A_313] : memref<128x32xf32, #tpu.memory_space<vmem>>, vector<128x32xf32>
    %dot_general3A_315 = arith.constant dense<0.000000e+00> : vector<200x32xf32>
    %dot_general3A_316 = tpu.matmul %get3A_311, %get3A_314, %dot_general3A_315 {dimension_numbers = #tpu.dot_dimension_numbers<[1], [0], [0], [1], [0, 0, 1, 1], [], []>, transpose_lhs_hint = false} : vector<200x128xf32>, vector<128x32xf32>, vector<200x32xf32> -> vector<200x32xf32>
    %mul3A_317 = arith.mulf %get3A_4, %dot_general3A_316 : vector<200x32xf32>
    %reduce_sum3A_318 = arith.constant dense<0.000000e+00> : vector<200xf32>
    %reduce_sum3A_319 = vector.multi_reduction <add>, %mul3A_317, %reduce_sum3A_318 [1] : vector<200x32xf32> to vector<200xf32>
    %broadcast_in_dim3A_320 = vector.shape_cast %reduce_sum3A_319 : vector<200xf32> to vector<200x1xf32>
    %get3A_321 = arith.constant 22 : index
    %get3A_322 = arith.constant 0 : index
    %get3A_323 = arith.constant 0 : index
    %get3A_324 = vector.load %arg4[%get3A_321, %get3A_322, %get3A_323] : memref<32x200x128xf32, #tpu.memory_space<vmem>>, vector<1x200x128xf32>
    %get3A_325 = vector.shape_cast %get3A_324 : vector<1x200x128xf32> to vector<200x128xf32>
    %get3A_326 = arith.constant 0 : index
    %get3A_327 = arith.constant 0 : index
    %get3A_328 = vector.load %arg5[%get3A_326, %get3A_327] : memref<128x32xf32, #tpu.memory_space<vmem>>, vector<128x32xf32>
    %dot_general3A_329 = arith.constant dense<0.000000e+00> : vector<200x32xf32>
    %dot_general3A_330 = tpu.matmul %get3A_325, %get3A_328, %dot_general3A_329 {dimension_numbers = #tpu.dot_dimension_numbers<[1], [0], [0], [1], [0, 0, 1, 1], [], []>, transpose_lhs_hint = false} : vector<200x128xf32>, vector<128x32xf32>, vector<200x32xf32> -> vector<200x32xf32>
    %mul3A_331 = arith.mulf %get3A_4, %dot_general3A_330 : vector<200x32xf32>
    %reduce_sum3A_332 = arith.constant dense<0.000000e+00> : vector<200xf32>
    %reduce_sum3A_333 = vector.multi_reduction <add>, %mul3A_331, %reduce_sum3A_332 [1] : vector<200x32xf32> to vector<200xf32>
    %broadcast_in_dim3A_334 = vector.shape_cast %reduce_sum3A_333 : vector<200xf32> to vector<200x1xf32>
    %get3A_335 = arith.constant 23 : index
    %get3A_336 = arith.constant 0 : index
    %get3A_337 = arith.constant 0 : index
    %get3A_338 = vector.load %arg4[%get3A_335, %get3A_336, %get3A_337] : memref<32x200x128xf32, #tpu.memory_space<vmem>>, vector<1x200x128xf32>
    %get3A_339 = vector.shape_cast %get3A_338 : vector<1x200x128xf32> to vector<200x128xf32>
    %get3A_340 = arith.constant 0 : index
    %get3A_341 = arith.constant 0 : index
    %get3A_342 = vector.load %arg5[%get3A_340, %get3A_341] : memref<128x32xf32, #tpu.memory_space<vmem>>, vector<128x32xf32>
    %dot_general3A_343 = arith.constant dense<0.000000e+00> : vector<200x32xf32>
    %dot_general3A_344 = tpu.matmul %get3A_339, %get3A_342, %dot_general3A_343 {dimension_numbers = #tpu.dot_dimension_numbers<[1], [0], [0], [1], [0, 0, 1, 1], [], []>, transpose_lhs_hint = false} : vector<200x128xf32>, vector<128x32xf32>, vector<200x32xf32> -> vector<200x32xf32>
    %mul3A_345 = arith.mulf %get3A_4, %dot_general3A_344 : vector<200x32xf32>
    %reduce_sum3A_346 = arith.constant dense<0.000000e+00> : vector<200xf32>
    %reduce_sum3A_347 = vector.multi_reduction <add>, %mul3A_345, %reduce_sum3A_346 [1] : vector<200x32xf32> to vector<200xf32>
    %broadcast_in_dim3A_348 = vector.shape_cast %reduce_sum3A_347 : vector<200xf32> to vector<200x1xf32>
    %get3A_349 = arith.constant 24 : index
    %get3A_350 = arith.constant 0 : index
    %get3A_351 = arith.constant 0 : index
    %get3A_352 = vector.load %arg4[%get3A_349, %get3A_350, %get3A_351] : memref<32x200x128xf32, #tpu.memory_space<vmem>>, vector<1x200x128xf32>
    %get3A_353 = vector.shape_cast %get3A_352 : vector<1x200x128xf32> to vector<200x128xf32>
    %get3A_354 = arith.constant 0 : index
    %get3A_355 = arith.constant 0 : index
    %get3A_356 = vector.load %arg5[%get3A_354, %get3A_355] : memref<128x32xf32, #tpu.memory_space<vmem>>, vector<128x32xf32>
    %dot_general3A_357 = arith.constant dense<0.000000e+00> : vector<200x32xf32>
    %dot_general3A_358 = tpu.matmul %get3A_353, %get3A_356, %dot_general3A_357 {dimension_numbers = #tpu.dot_dimension_numbers<[1], [0], [0], [1], [0, 0, 1, 1], [], []>, transpose_lhs_hint = false} : vector<200x128xf32>, vector<128x32xf32>, vector<200x32xf32> -> vector<200x32xf32>
    %mul3A_359 = arith.mulf %get3A_4, %dot_general3A_358 : vector<200x32xf32>
    %reduce_sum3A_360 = arith.constant dense<0.000000e+00> : vector<200xf32>
    %reduce_sum3A_361 = vector.multi_reduction <add>, %mul3A_359, %reduce_sum3A_360 [1] : vector<200x32xf32> to vector<200xf32>
    %broadcast_in_dim3A_362 = vector.shape_cast %reduce_sum3A_361 : vector<200xf32> to vector<200x1xf32>
    %get3A_363 = arith.constant 25 : index
    %get3A_364 = arith.constant 0 : index
    %get3A_365 = arith.constant 0 : index
    %get3A_366 = vector.load %arg4[%get3A_363, %get3A_364, %get3A_365] : memref<32x200x128xf32, #tpu.memory_space<vmem>>, vector<1x200x128xf32>
    %get3A_367 = vector.shape_cast %get3A_366 : vector<1x200x128xf32> to vector<200x128xf32>
    %get3A_368 = arith.constant 0 : index
    %get3A_369 = arith.constant 0 : index
    %get3A_370 = vector.load %arg5[%get3A_368, %get3A_369] : memref<128x32xf32, #tpu.memory_space<vmem>>, vector<128x32xf32>
    %dot_general3A_371 = arith.constant dense<0.000000e+00> : vector<200x32xf32>
    %dot_general3A_372 = tpu.matmul %get3A_367, %get3A_370, %dot_general3A_371 {dimension_numbers = #tpu.dot_dimension_numbers<[1], [0], [0], [1], [0, 0, 1, 1], [], []>, transpose_lhs_hint = false} : vector<200x128xf32>, vector<128x32xf32>, vector<200x32xf32> -> vector<200x32xf32>
    %mul3A_373 = arith.mulf %get3A_4, %dot_general3A_372 : vector<200x32xf32>
    %reduce_sum3A_374 = arith.constant dense<0.000000e+00> : vector<200xf32>
    %reduce_sum3A_375 = vector.multi_reduction <add>, %mul3A_373, %reduce_sum3A_374 [1] : vector<200x32xf32> to vector<200xf32>
    %broadcast_in_dim3A_376 = vector.shape_cast %reduce_sum3A_375 : vector<200xf32> to vector<200x1xf32>
    %get3A_377 = arith.constant 26 : index
    %get3A_378 = arith.constant 0 : index
    %get3A_379 = arith.constant 0 : index
    %get3A_380 = vector.load %arg4[%get3A_377, %get3A_378, %get3A_379] : memref<32x200x128xf32, #tpu.memory_space<vmem>>, vector<1x200x128xf32>
    %get3A_381 = vector.shape_cast %get3A_380 : vector<1x200x128xf32> to vector<200x128xf32>
    %get3A_382 = arith.constant 0 : index
    %get3A_383 = arith.constant 0 : index
    %get3A_384 = vector.load %arg5[%get3A_382, %get3A_383] : memref<128x32xf32, #tpu.memory_space<vmem>>, vector<128x32xf32>
    %dot_general3A_385 = arith.constant dense<0.000000e+00> : vector<200x32xf32>
    %dot_general3A_386 = tpu.matmul %get3A_381, %get3A_384, %dot_general3A_385 {dimension_numbers = #tpu.dot_dimension_numbers<[1], [0], [0], [1], [0, 0, 1, 1], [], []>, transpose_lhs_hint = false} : vector<200x128xf32>, vector<128x32xf32>, vector<200x32xf32> -> vector<200x32xf32>
    %mul3A_387 = arith.mulf %get3A_4, %dot_general3A_386 : vector<200x32xf32>
    %reduce_sum3A_388 = arith.constant dense<0.000000e+00> : vector<200xf32>
    %reduce_sum3A_389 = vector.multi_reduction <add>, %mul3A_387, %reduce_sum3A_388 [1] : vector<200x32xf32> to vector<200xf32>
    %broadcast_in_dim3A_390 = vector.shape_cast %reduce_sum3A_389 : vector<200xf32> to vector<200x1xf32>
    %get3A_391 = arith.constant 27 : index
    %get3A_392 = arith.constant 0 : index
    %get3A_393 = arith.constant 0 : index
    %get3A_394 = vector.load %arg4[%get3A_391, %get3A_392, %get3A_393] : memref<32x200x128xf32, #tpu.memory_space<vmem>>, vector<1x200x128xf32>
    %get3A_395 = vector.shape_cast %get3A_394 : vector<1x200x128xf32> to vector<200x128xf32>
    %get3A_396 = arith.constant 0 : index
    %get3A_397 = arith.constant 0 : index
    %get3A_398 = vector.load %arg5[%get3A_396, %get3A_397] : memref<128x32xf32, #tpu.memory_space<vmem>>, vector<128x32xf32>
    %dot_general3A_399 = arith.constant dense<0.000000e+00> : vector<200x32xf32>
    %dot_general3A_400 = tpu.matmul %get3A_395, %get3A_398, %dot_general3A_399 {dimension_numbers = #tpu.dot_dimension_numbers<[1], [0], [0], [1], [0, 0, 1, 1], [], []>, transpose_lhs_hint = false} : vector<200x128xf32>, vector<128x32xf32>, vector<200x32xf32> -> vector<200x32xf32>
    %mul3A_401 = arith.mulf %get3A_4, %dot_general3A_400 : vector<200x32xf32>
    %reduce_sum3A_402 = arith.constant dense<0.000000e+00> : vector<200xf32>
    %reduce_sum3A_403 = vector.multi_reduction <add>, %mul3A_401, %reduce_sum3A_402 [1] : vector<200x32xf32> to vector<200xf32>
    %broadcast_in_dim3A_404 = vector.shape_cast %reduce_sum3A_403 : vector<200xf32> to vector<200x1xf32>
    %get3A_405 = arith.constant 28 : index
    %get3A_406 = arith.constant 0 : index
    %get3A_407 = arith.constant 0 : index
    %get3A_408 = vector.load %arg4[%get3A_405, %get3A_406, %get3A_407] : memref<32x200x128xf32, #tpu.memory_space<vmem>>, vector<1x200x128xf32>
    %get3A_409 = vector.shape_cast %get3A_408 : vector<1x200x128xf32> to vector<200x128xf32>
    %get3A_410 = arith.constant 0 : index
    %get3A_411 = arith.constant 0 : index
    %get3A_412 = vector.load %arg5[%get3A_410, %get3A_411] : memref<128x32xf32, #tpu.memory_space<vmem>>, vector<128x32xf32>
    %dot_general3A_413 = arith.constant dense<0.000000e+00> : vector<200x32xf32>
    %dot_general3A_414 = tpu.matmul %get3A_409, %get3A_412, %dot_general3A_413 {dimension_numbers = #tpu.dot_dimension_numbers<[1], [0], [0], [1], [0, 0, 1, 1], [], []>, transpose_lhs_hint = false} : vector<200x128xf32>, vector<128x32xf32>, vector<200x32xf32> -> vector<200x32xf32>
    %mul3A_415 = arith.mulf %get3A_4, %dot_general3A_414 : vector<200x32xf32>
    %reduce_sum3A_416 = arith.constant dense<0.000000e+00> : vector<200xf32>
    %reduce_sum3A_417 = vector.multi_reduction <add>, %mul3A_415, %reduce_sum3A_416 [1] : vector<200x32xf32> to vector<200xf32>
    %broadcast_in_dim3A_418 = vector.shape_cast %reduce_sum3A_417 : vector<200xf32> to vector<200x1xf32>
    %get3A_419 = arith.constant 29 : index
    %get3A_420 = arith.constant 0 : index
    %get3A_421 = arith.constant 0 : index
    %get3A_422 = vector.load %arg4[%get3A_419, %get3A_420, %get3A_421] : memref<32x200x128xf32, #tpu.memory_space<vmem>>, vector<1x200x128xf32>
    %get3A_423 = vector.shape_cast %get3A_422 : vector<1x200x128xf32> to vector<200x128xf32>
    %get3A_424 = arith.constant 0 : index
    %get3A_425 = arith.constant 0 : index
    %get3A_426 = vector.load %arg5[%get3A_424, %get3A_425] : memref<128x32xf32, #tpu.memory_space<vmem>>, vector<128x32xf32>
    %dot_general3A_427 = arith.constant dense<0.000000e+00> : vector<200x32xf32>
    %dot_general3A_428 = tpu.matmul %get3A_423, %get3A_426, %dot_general3A_427 {dimension_numbers = #tpu.dot_dimension_numbers<[1], [0], [0], [1], [0, 0, 1, 1], [], []>, transpose_lhs_hint = false} : vector<200x128xf32>, vector<128x32xf32>, vector<200x32xf32> -> vector<200x32xf32>
    %mul3A_429 = arith.mulf %get3A_4, %dot_general3A_428 : vector<200x32xf32>
    %reduce_sum3A_430 = arith.constant dense<0.000000e+00> : vector<200xf32>
    %reduce_sum3A_431 = vector.multi_reduction <add>, %mul3A_429, %reduce_sum3A_430 [1] : vector<200x32xf32> to vector<200xf32>
    %broadcast_in_dim3A_432 = vector.shape_cast %reduce_sum3A_431 : vector<200xf32> to vector<200x1xf32>
    %get3A_433 = arith.constant 30 : index
    %get3A_434 = arith.constant 0 : index
    %get3A_435 = arith.constant 0 : index
    %get3A_436 = vector.load %arg4[%get3A_433, %get3A_434, %get3A_435] : memref<32x200x128xf32, #tpu.memory_space<vmem>>, vector<1x200x128xf32>
    %get3A_437 = vector.shape_cast %get3A_436 : vector<1x200x128xf32> to vector<200x128xf32>
    %get3A_438 = arith.constant 0 : index
    %get3A_439 = arith.constant 0 : index
    %get3A_440 = vector.load %arg5[%get3A_438, %get3A_439] : memref<128x32xf32, #tpu.memory_space<vmem>>, vector<128x32xf32>
    %dot_general3A_441 = arith.constant dense<0.000000e+00> : vector<200x32xf32>
    %dot_general3A_442 = tpu.matmul %get3A_437, %get3A_440, %dot_general3A_441 {dimension_numbers = #tpu.dot_dimension_numbers<[1], [0], [0], [1], [0, 0, 1, 1], [], []>, transpose_lhs_hint = false} : vector<200x128xf32>, vector<128x32xf32>, vector<200x32xf32> -> vector<200x32xf32>
    %mul3A_443 = arith.mulf %get3A_4, %dot_general3A_442 : vector<200x32xf32>
    %reduce_sum3A_444 = arith.constant dense<0.000000e+00> : vector<200xf32>
    %reduce_sum3A_445 = vector.multi_reduction <add>, %mul3A_443, %reduce_sum3A_444 [1] : vector<200x32xf32> to vector<200xf32>
    %broadcast_in_dim3A_446 = vector.shape_cast %reduce_sum3A_445 : vector<200xf32> to vector<200x1xf32>
    %get3A_447 = arith.constant 31 : index
    %get3A_448 = arith.constant 0 : index
    %get3A_449 = arith.constant 0 : index
    %get3A_450 = vector.load %arg4[%get3A_447, %get3A_448, %get3A_449] : memref<32x200x128xf32, #tpu.memory_space<vmem>>, vector<1x200x128xf32>
    %get3A_451 = vector.shape_cast %get3A_450 : vector<1x200x128xf32> to vector<200x128xf32>
    %get3A_452 = arith.constant 0 : index
    %get3A_453 = arith.constant 0 : index
    %get3A_454 = vector.load %arg5[%get3A_452, %get3A_453] : memref<128x32xf32, #tpu.memory_space<vmem>>, vector<128x32xf32>
    %dot_general3A_455 = arith.constant dense<0.000000e+00> : vector<200x32xf32>
    %dot_general3A_456 = tpu.matmul %get3A_451, %get3A_454, %dot_general3A_455 {dimension_numbers = #tpu.dot_dimension_numbers<[1], [0], [0], [1], [0, 0, 1, 1], [], []>, transpose_lhs_hint = false} : vector<200x128xf32>, vector<128x32xf32>, vector<200x32xf32> -> vector<200x32xf32>
    %mul3A_457 = arith.mulf %get3A_4, %dot_general3A_456 : vector<200x32xf32>
    %reduce_sum3A_458 = arith.constant dense<0.000000e+00> : vector<200xf32>
    %reduce_sum3A_459 = vector.multi_reduction <add>, %mul3A_457, %reduce_sum3A_458 [1] : vector<200x32xf32> to vector<200xf32>
    %broadcast_in_dim3A_460 = vector.shape_cast %reduce_sum3A_459 : vector<200xf32> to vector<200x1xf32>
    %concatenate3A = tpu.concatenate %broadcast_in_dim3A_26, %broadcast_in_dim3A_40, %broadcast_in_dim3A_54, %broadcast_in_dim3A_68, %broadcast_in_dim3A_82, %broadcast_in_dim3A_96, %broadcast_in_dim3A_110, %broadcast_in_dim3A_124, %broadcast_in_dim3A_138, %broadcast_in_dim3A_152, %broadcast_in_dim3A_166, %broadcast_in_dim3A_180, %broadcast_in_dim3A_194, %broadcast_in_dim3A_208, %broadcast_in_dim3A_222, %broadcast_in_dim3A_236, %broadcast_in_dim3A_250, %broadcast_in_dim3A_264, %broadcast_in_dim3A_278, %broadcast_in_dim3A_292, %broadcast_in_dim3A_306, %broadcast_in_dim3A_320, %broadcast_in_dim3A_334, %broadcast_in_dim3A_348, %broadcast_in_dim3A_362, %broadcast_in_dim3A_376, %broadcast_in_dim3A_390, %broadcast_in_dim3A_404, %broadcast_in_dim3A_418, %broadcast_in_dim3A_432, %broadcast_in_dim3A_446, %broadcast_in_dim3A_460 in 1 : vector<200x1xf32>, vector<200x1xf32>, vector<200x1xf32>, vector<200x1xf32>, vector<200x1xf32>, vector<200x1xf32>, vector<200x1xf32>, vector<200x1xf32>, vector<200x1xf32>, vector<200x1xf32>, vector<200x1xf32>, vector<200x1xf32>, vector<200x1xf32>, vector<200x1xf32>, vector<200x1xf32>, vector<200x1xf32>, vector<200x1xf32>, vector<200x1xf32>, vector<200x1xf32>, vector<200x1xf32>, vector<200x1xf32>, vector<200x1xf32>, vector<200x1xf32>, vector<200x1xf32>, vector<200x1xf32>, vector<200x1xf32>, vector<200x1xf32>, vector<200x1xf32>, vector<200x1xf32>, vector<200x1xf32>, vector<200x1xf32>, vector<200x1xf32> -> vector<200x32xf32>
    %sqrt3A = arith.constant 3.200000e+01 : f32
    %sqrt3A_461 = math.sqrt %sqrt3A : f32
    %div3A_462 = vector.broadcast %sqrt3A_461 : f32 to vector<200x32xf32>
    %div3A_463 = arith.divf %concatenate3A, %div3A_462 : vector<200x32xf32>
    %reduce_max3A_464 = arith.constant dense<0xFF800000> : vector<200xf32>
    %reduce_max3A_465 = vector.multi_reduction <maximumf>, %div3A_463, %reduce_max3A_464 [1] : vector<200x32xf32> to vector<200xf32>
    %broadcast_in_dim3A_466 = vector.shape_cast %reduce_max3A_465 : vector<200xf32> to vector<200x1xf32>
    %sub3A_467 = vector.broadcast %broadcast_in_dim3A_466 : vector<200x1xf32> to vector<200x32xf32>
    %sub3A_468 = arith.subf %div3A_463, %sub3A_467 : vector<200x32xf32>
    %exp3A_469 = math.exp %sub3A_468 : vector<200x32xf32>
    %reduce_sum3A_470 = arith.constant dense<0.000000e+00> : vector<200xf32>
    %reduce_sum3A_471 = vector.multi_reduction <add>, %exp3A_469, %reduce_sum3A_470 [1] : vector<200x32xf32> to vector<200xf32>
    %broadcast_in_dim3A_472 = vector.shape_cast %reduce_sum3A_471 : vector<200xf32> to vector<200x1xf32>
    %div3A_473 = vector.broadcast %broadcast_in_dim3A_472 : vector<200x1xf32> to vector<200x32xf32>
    %div3A_474 = arith.divf %exp3A_469, %div3A_473 : vector<200x32xf32>
    %slice3A = vector.extract_strided_slice %div3A_474 {offsets = [0, 0], sizes = [200, 1], strides = [1, 1]} : vector<200x32xf32> to vector<200x1xf32>
    %get3A_475 = arith.constant 0 : index
    %get3A_476 = arith.constant 0 : index
    %get3A_477 = arith.constant 0 : index
    %get3A_478 = vector.load %arg4[%get3A_475, %get3A_476, %get3A_477] : memref<32x200x128xf32, #tpu.memory_space<vmem>>, vector<1x200x128xf32>
    %get3A_479 = vector.shape_cast %get3A_478 : vector<1x200x128xf32> to vector<200x128xf32>
    %mul3A_480 = vector.broadcast %slice3A : vector<200x1xf32> to vector<200x128xf32>
    %mul3A_481 = arith.mulf %mul3A_480, %get3A_479 : vector<200x128xf32>
    %slice3A_482 = vector.extract_strided_slice %div3A_474 {offsets = [0, 1], sizes = [200, 1], strides = [1, 1]} : vector<200x32xf32> to vector<200x1xf32>
    %get3A_483 = arith.constant 1 : index
    %get3A_484 = arith.constant 0 : index
    %get3A_485 = arith.constant 0 : index
    %get3A_486 = vector.load %arg4[%get3A_483, %get3A_484, %get3A_485] : memref<32x200x128xf32, #tpu.memory_space<vmem>>, vector<1x200x128xf32>
    %get3A_487 = vector.shape_cast %get3A_486 : vector<1x200x128xf32> to vector<200x128xf32>
    %mul3A_488 = vector.broadcast %slice3A_482 : vector<200x1xf32> to vector<200x128xf32>
    %mul3A_489 = arith.mulf %mul3A_488, %get3A_487 : vector<200x128xf32>
    %add3A_490 = arith.addf %mul3A_481, %mul3A_489 : vector<200x128xf32>
    %slice3A_491 = vector.extract_strided_slice %div3A_474 {offsets = [0, 2], sizes = [200, 1], strides = [1, 1]} : vector<200x32xf32> to vector<200x1xf32>
    %get3A_492 = arith.constant 2 : index
    %get3A_493 = arith.constant 0 : index
    %get3A_494 = arith.constant 0 : index
    %get3A_495 = vector.load %arg4[%get3A_492, %get3A_493, %get3A_494] : memref<32x200x128xf32, #tpu.memory_space<vmem>>, vector<1x200x128xf32>
    %get3A_496 = vector.shape_cast %get3A_495 : vector<1x200x128xf32> to vector<200x128xf32>
    %mul3A_497 = vector.broadcast %slice3A_491 : vector<200x1xf32> to vector<200x128xf32>
    %mul3A_498 = arith.mulf %mul3A_497, %get3A_496 : vector<200x128xf32>
    %add3A_499 = arith.addf %add3A_490, %mul3A_498 : vector<200x128xf32>
    %slice3A_500 = vector.extract_strided_slice %div3A_474 {offsets = [0, 3], sizes = [200, 1], strides = [1, 1]} : vector<200x32xf32> to vector<200x1xf32>
    %get3A_501 = arith.constant 3 : index
    %get3A_502 = arith.constant 0 : index
    %get3A_503 = arith.constant 0 : index
    %get3A_504 = vector.load %arg4[%get3A_501, %get3A_502, %get3A_503] : memref<32x200x128xf32, #tpu.memory_space<vmem>>, vector<1x200x128xf32>
    %get3A_505 = vector.shape_cast %get3A_504 : vector<1x200x128xf32> to vector<200x128xf32>
    %mul3A_506 = vector.broadcast %slice3A_500 : vector<200x1xf32> to vector<200x128xf32>
    %mul3A_507 = arith.mulf %mul3A_506, %get3A_505 : vector<200x128xf32>
    %add3A_508 = arith.addf %add3A_499, %mul3A_507 : vector<200x128xf32>
    %slice3A_509 = vector.extract_strided_slice %div3A_474 {offsets = [0, 4], sizes = [200, 1], strides = [1, 1]} : vector<200x32xf32> to vector<200x1xf32>
    %get3A_510 = arith.constant 4 : index
    %get3A_511 = arith.constant 0 : index
    %get3A_512 = arith.constant 0 : index
    %get3A_513 = vector.load %arg4[%get3A_510, %get3A_511, %get3A_512] : memref<32x200x128xf32, #tpu.memory_space<vmem>>, vector<1x200x128xf32>
    %get3A_514 = vector.shape_cast %get3A_513 : vector<1x200x128xf32> to vector<200x128xf32>
    %mul3A_515 = vector.broadcast %slice3A_509 : vector<200x1xf32> to vector<200x128xf32>
    %mul3A_516 = arith.mulf %mul3A_515, %get3A_514 : vector<200x128xf32>
    %add3A_517 = arith.addf %add3A_508, %mul3A_516 : vector<200x128xf32>
    %slice3A_518 = vector.extract_strided_slice %div3A_474 {offsets = [0, 5], sizes = [200, 1], strides = [1, 1]} : vector<200x32xf32> to vector<200x1xf32>
    %get3A_519 = arith.constant 5 : index
    %get3A_520 = arith.constant 0 : index
    %get3A_521 = arith.constant 0 : index
    %get3A_522 = vector.load %arg4[%get3A_519, %get3A_520, %get3A_521] : memref<32x200x128xf32, #tpu.memory_space<vmem>>, vector<1x200x128xf32>
    %get3A_523 = vector.shape_cast %get3A_522 : vector<1x200x128xf32> to vector<200x128xf32>
    %mul3A_524 = vector.broadcast %slice3A_518 : vector<200x1xf32> to vector<200x128xf32>
    %mul3A_525 = arith.mulf %mul3A_524, %get3A_523 : vector<200x128xf32>
    %add3A_526 = arith.addf %add3A_517, %mul3A_525 : vector<200x128xf32>
    %slice3A_527 = vector.extract_strided_slice %div3A_474 {offsets = [0, 6], sizes = [200, 1], strides = [1, 1]} : vector<200x32xf32> to vector<200x1xf32>
    %get3A_528 = arith.constant 6 : index
    %get3A_529 = arith.constant 0 : index
    %get3A_530 = arith.constant 0 : index
    %get3A_531 = vector.load %arg4[%get3A_528, %get3A_529, %get3A_530] : memref<32x200x128xf32, #tpu.memory_space<vmem>>, vector<1x200x128xf32>
    %get3A_532 = vector.shape_cast %get3A_531 : vector<1x200x128xf32> to vector<200x128xf32>
    %mul3A_533 = vector.broadcast %slice3A_527 : vector<200x1xf32> to vector<200x128xf32>
    %mul3A_534 = arith.mulf %mul3A_533, %get3A_532 : vector<200x128xf32>
    %add3A_535 = arith.addf %add3A_526, %mul3A_534 : vector<200x128xf32>
    %slice3A_536 = vector.extract_strided_slice %div3A_474 {offsets = [0, 7], sizes = [200, 1], strides = [1, 1]} : vector<200x32xf32> to vector<200x1xf32>
    %get3A_537 = arith.constant 7 : index
    %get3A_538 = arith.constant 0 : index
    %get3A_539 = arith.constant 0 : index
    %get3A_540 = vector.load %arg4[%get3A_537, %get3A_538, %get3A_539] : memref<32x200x128xf32, #tpu.memory_space<vmem>>, vector<1x200x128xf32>
    %get3A_541 = vector.shape_cast %get3A_540 : vector<1x200x128xf32> to vector<200x128xf32>
    %mul3A_542 = vector.broadcast %slice3A_536 : vector<200x1xf32> to vector<200x128xf32>
    %mul3A_543 = arith.mulf %mul3A_542, %get3A_541 : vector<200x128xf32>
    %add3A_544 = arith.addf %add3A_535, %mul3A_543 : vector<200x128xf32>
    %slice3A_545 = vector.extract_strided_slice %div3A_474 {offsets = [0, 8], sizes = [200, 1], strides = [1, 1]} : vector<200x32xf32> to vector<200x1xf32>
    %get3A_546 = arith.constant 8 : index
    %get3A_547 = arith.constant 0 : index
    %get3A_548 = arith.constant 0 : index
    %get3A_549 = vector.load %arg4[%get3A_546, %get3A_547, %get3A_548] : memref<32x200x128xf32, #tpu.memory_space<vmem>>, vector<1x200x128xf32>
    %get3A_550 = vector.shape_cast %get3A_549 : vector<1x200x128xf32> to vector<200x128xf32>
    %mul3A_551 = vector.broadcast %slice3A_545 : vector<200x1xf32> to vector<200x128xf32>
    %mul3A_552 = arith.mulf %mul3A_551, %get3A_550 : vector<200x128xf32>
    %add3A_553 = arith.addf %add3A_544, %mul3A_552 : vector<200x128xf32>
    %slice3A_554 = vector.extract_strided_slice %div3A_474 {offsets = [0, 9], sizes = [200, 1], strides = [1, 1]} : vector<200x32xf32> to vector<200x1xf32>
    %get3A_555 = arith.constant 9 : index
    %get3A_556 = arith.constant 0 : index
    %get3A_557 = arith.constant 0 : index
    %get3A_558 = vector.load %arg4[%get3A_555, %get3A_556, %get3A_557] : memref<32x200x128xf32, #tpu.memory_space<vmem>>, vector<1x200x128xf32>
    %get3A_559 = vector.shape_cast %get3A_558 : vector<1x200x128xf32> to vector<200x128xf32>
    %mul3A_560 = vector.broadcast %slice3A_554 : vector<200x1xf32> to vector<200x128xf32>
    %mul3A_561 = arith.mulf %mul3A_560, %get3A_559 : vector<200x128xf32>
    %add3A_562 = arith.addf %add3A_553, %mul3A_561 : vector<200x128xf32>
    %slice3A_563 = vector.extract_strided_slice %div3A_474 {offsets = [0, 10], sizes = [200, 1], strides = [1, 1]} : vector<200x32xf32> to vector<200x1xf32>
    %get3A_564 = arith.constant 10 : index
    %get3A_565 = arith.constant 0 : index
    %get3A_566 = arith.constant 0 : index
    %get3A_567 = vector.load %arg4[%get3A_564, %get3A_565, %get3A_566] : memref<32x200x128xf32, #tpu.memory_space<vmem>>, vector<1x200x128xf32>
    %get3A_568 = vector.shape_cast %get3A_567 : vector<1x200x128xf32> to vector<200x128xf32>
    %mul3A_569 = vector.broadcast %slice3A_563 : vector<200x1xf32> to vector<200x128xf32>
    %mul3A_570 = arith.mulf %mul3A_569, %get3A_568 : vector<200x128xf32>
    %add3A_571 = arith.addf %add3A_562, %mul3A_570 : vector<200x128xf32>
    %slice3A_572 = vector.extract_strided_slice %div3A_474 {offsets = [0, 11], sizes = [200, 1], strides = [1, 1]} : vector<200x32xf32> to vector<200x1xf32>
    %get3A_573 = arith.constant 11 : index
    %get3A_574 = arith.constant 0 : index
    %get3A_575 = arith.constant 0 : index
    %get3A_576 = vector.load %arg4[%get3A_573, %get3A_574, %get3A_575] : memref<32x200x128xf32, #tpu.memory_space<vmem>>, vector<1x200x128xf32>
    %get3A_577 = vector.shape_cast %get3A_576 : vector<1x200x128xf32> to vector<200x128xf32>
    %mul3A_578 = vector.broadcast %slice3A_572 : vector<200x1xf32> to vector<200x128xf32>
    %mul3A_579 = arith.mulf %mul3A_578, %get3A_577 : vector<200x128xf32>
    %add3A_580 = arith.addf %add3A_571, %mul3A_579 : vector<200x128xf32>
    %slice3A_581 = vector.extract_strided_slice %div3A_474 {offsets = [0, 12], sizes = [200, 1], strides = [1, 1]} : vector<200x32xf32> to vector<200x1xf32>
    %get3A_582 = arith.constant 12 : index
    %get3A_583 = arith.constant 0 : index
    %get3A_584 = arith.constant 0 : index
    %get3A_585 = vector.load %arg4[%get3A_582, %get3A_583, %get3A_584] : memref<32x200x128xf32, #tpu.memory_space<vmem>>, vector<1x200x128xf32>
    %get3A_586 = vector.shape_cast %get3A_585 : vector<1x200x128xf32> to vector<200x128xf32>
    %mul3A_587 = vector.broadcast %slice3A_581 : vector<200x1xf32> to vector<200x128xf32>
    %mul3A_588 = arith.mulf %mul3A_587, %get3A_586 : vector<200x128xf32>
    %add3A_589 = arith.addf %add3A_580, %mul3A_588 : vector<200x128xf32>
    %slice3A_590 = vector.extract_strided_slice %div3A_474 {offsets = [0, 13], sizes = [200, 1], strides = [1, 1]} : vector<200x32xf32> to vector<200x1xf32>
    %get3A_591 = arith.constant 13 : index
    %get3A_592 = arith.constant 0 : index
    %get3A_593 = arith.constant 0 : index
    %get3A_594 = vector.load %arg4[%get3A_591, %get3A_592, %get3A_593] : memref<32x200x128xf32, #tpu.memory_space<vmem>>, vector<1x200x128xf32>
    %get3A_595 = vector.shape_cast %get3A_594 : vector<1x200x128xf32> to vector<200x128xf32>
    %mul3A_596 = vector.broadcast %slice3A_590 : vector<200x1xf32> to vector<200x128xf32>
    %mul3A_597 = arith.mulf %mul3A_596, %get3A_595 : vector<200x128xf32>
    %add3A_598 = arith.addf %add3A_589, %mul3A_597 : vector<200x128xf32>
    %slice3A_599 = vector.extract_strided_slice %div3A_474 {offsets = [0, 14], sizes = [200, 1], strides = [1, 1]} : vector<200x32xf32> to vector<200x1xf32>
    %get3A_600 = arith.constant 14 : index
    %get3A_601 = arith.constant 0 : index
    %get3A_602 = arith.constant 0 : index
    %get3A_603 = vector.load %arg4[%get3A_600, %get3A_601, %get3A_602] : memref<32x200x128xf32, #tpu.memory_space<vmem>>, vector<1x200x128xf32>
    %get3A_604 = vector.shape_cast %get3A_603 : vector<1x200x128xf32> to vector<200x128xf32>
    %mul3A_605 = vector.broadcast %slice3A_599 : vector<200x1xf32> to vector<200x128xf32>
    %mul3A_606 = arith.mulf %mul3A_605, %get3A_604 : vector<200x128xf32>
    %add3A_607 = arith.addf %add3A_598, %mul3A_606 : vector<200x128xf32>
    %slice3A_608 = vector.extract_strided_slice %div3A_474 {offsets = [0, 15], sizes = [200, 1], strides = [1, 1]} : vector<200x32xf32> to vector<200x1xf32>
    %get3A_609 = arith.constant 15 : index
    %get3A_610 = arith.constant 0 : index
    %get3A_611 = arith.constant 0 : index
    %get3A_612 = vector.load %arg4[%get3A_609, %get3A_610, %get3A_611] : memref<32x200x128xf32, #tpu.memory_space<vmem>>, vector<1x200x128xf32>
    %get3A_613 = vector.shape_cast %get3A_612 : vector<1x200x128xf32> to vector<200x128xf32>
    %mul3A_614 = vector.broadcast %slice3A_608 : vector<200x1xf32> to vector<200x128xf32>
    %mul3A_615 = arith.mulf %mul3A_614, %get3A_613 : vector<200x128xf32>
    %add3A_616 = arith.addf %add3A_607, %mul3A_615 : vector<200x128xf32>
    %slice3A_617 = vector.extract_strided_slice %div3A_474 {offsets = [0, 16], sizes = [200, 1], strides = [1, 1]} : vector<200x32xf32> to vector<200x1xf32>
    %get3A_618 = arith.constant 16 : index
    %get3A_619 = arith.constant 0 : index
    %get3A_620 = arith.constant 0 : index
    %get3A_621 = vector.load %arg4[%get3A_618, %get3A_619, %get3A_620] : memref<32x200x128xf32, #tpu.memory_space<vmem>>, vector<1x200x128xf32>
    %get3A_622 = vector.shape_cast %get3A_621 : vector<1x200x128xf32> to vector<200x128xf32>
    %mul3A_623 = vector.broadcast %slice3A_617 : vector<200x1xf32> to vector<200x128xf32>
    %mul3A_624 = arith.mulf %mul3A_623, %get3A_622 : vector<200x128xf32>
    %add3A_625 = arith.addf %add3A_616, %mul3A_624 : vector<200x128xf32>
    %slice3A_626 = vector.extract_strided_slice %div3A_474 {offsets = [0, 17], sizes = [200, 1], strides = [1, 1]} : vector<200x32xf32> to vector<200x1xf32>
    %get3A_627 = arith.constant 17 : index
    %get3A_628 = arith.constant 0 : index
    %get3A_629 = arith.constant 0 : index
    %get3A_630 = vector.load %arg4[%get3A_627, %get3A_628, %get3A_629] : memref<32x200x128xf32, #tpu.memory_space<vmem>>, vector<1x200x128xf32>
    %get3A_631 = vector.shape_cast %get3A_630 : vector<1x200x128xf32> to vector<200x128xf32>
    %mul3A_632 = vector.broadcast %slice3A_626 : vector<200x1xf32> to vector<200x128xf32>
    %mul3A_633 = arith.mulf %mul3A_632, %get3A_631 : vector<200x128xf32>
    %add3A_634 = arith.addf %add3A_625, %mul3A_633 : vector<200x128xf32>
    %slice3A_635 = vector.extract_strided_slice %div3A_474 {offsets = [0, 18], sizes = [200, 1], strides = [1, 1]} : vector<200x32xf32> to vector<200x1xf32>
    %get3A_636 = arith.constant 18 : index
    %get3A_637 = arith.constant 0 : index
    %get3A_638 = arith.constant 0 : index
    %get3A_639 = vector.load %arg4[%get3A_636, %get3A_637, %get3A_638] : memref<32x200x128xf32, #tpu.memory_space<vmem>>, vector<1x200x128xf32>
    %get3A_640 = vector.shape_cast %get3A_639 : vector<1x200x128xf32> to vector<200x128xf32>
    %mul3A_641 = vector.broadcast %slice3A_635 : vector<200x1xf32> to vector<200x128xf32>
    %mul3A_642 = arith.mulf %mul3A_641, %get3A_640 : vector<200x128xf32>
    %add3A_643 = arith.addf %add3A_634, %mul3A_642 : vector<200x128xf32>
    %slice3A_644 = vector.extract_strided_slice %div3A_474 {offsets = [0, 19], sizes = [200, 1], strides = [1, 1]} : vector<200x32xf32> to vector<200x1xf32>
    %get3A_645 = arith.constant 19 : index
    %get3A_646 = arith.constant 0 : index
    %get3A_647 = arith.constant 0 : index
    %get3A_648 = vector.load %arg4[%get3A_645, %get3A_646, %get3A_647] : memref<32x200x128xf32, #tpu.memory_space<vmem>>, vector<1x200x128xf32>
    %get3A_649 = vector.shape_cast %get3A_648 : vector<1x200x128xf32> to vector<200x128xf32>
    %mul3A_650 = vector.broadcast %slice3A_644 : vector<200x1xf32> to vector<200x128xf32>
    %mul3A_651 = arith.mulf %mul3A_650, %get3A_649 : vector<200x128xf32>
    %add3A_652 = arith.addf %add3A_643, %mul3A_651 : vector<200x128xf32>
    %slice3A_653 = vector.extract_strided_slice %div3A_474 {offsets = [0, 20], sizes = [200, 1], strides = [1, 1]} : vector<200x32xf32> to vector<200x1xf32>
    %get3A_654 = arith.constant 20 : index
    %get3A_655 = arith.constant 0 : index
    %get3A_656 = arith.constant 0 : index
    %get3A_657 = vector.load %arg4[%get3A_654, %get3A_655, %get3A_656] : memref<32x200x128xf32, #tpu.memory_space<vmem>>, vector<1x200x128xf32>
    %get3A_658 = vector.shape_cast %get3A_657 : vector<1x200x128xf32> to vector<200x128xf32>
    %mul3A_659 = vector.broadcast %slice3A_653 : vector<200x1xf32> to vector<200x128xf32>
    %mul3A_660 = arith.mulf %mul3A_659, %get3A_658 : vector<200x128xf32>
    %add3A_661 = arith.addf %add3A_652, %mul3A_660 : vector<200x128xf32>
    %slice3A_662 = vector.extract_strided_slice %div3A_474 {offsets = [0, 21], sizes = [200, 1], strides = [1, 1]} : vector<200x32xf32> to vector<200x1xf32>
    %get3A_663 = arith.constant 21 : index
    %get3A_664 = arith.constant 0 : index
    %get3A_665 = arith.constant 0 : index
    %get3A_666 = vector.load %arg4[%get3A_663, %get3A_664, %get3A_665] : memref<32x200x128xf32, #tpu.memory_space<vmem>>, vector<1x200x128xf32>
    %get3A_667 = vector.shape_cast %get3A_666 : vector<1x200x128xf32> to vector<200x128xf32>
    %mul3A_668 = vector.broadcast %slice3A_662 : vector<200x1xf32> to vector<200x128xf32>
    %mul3A_669 = arith.mulf %mul3A_668, %get3A_667 : vector<200x128xf32>
    %add3A_670 = arith.addf %add3A_661, %mul3A_669 : vector<200x128xf32>
    %slice3A_671 = vector.extract_strided_slice %div3A_474 {offsets = [0, 22], sizes = [200, 1], strides = [1, 1]} : vector<200x32xf32> to vector<200x1xf32>
    %get3A_672 = arith.constant 22 : index
    %get3A_673 = arith.constant 0 : index
    %get3A_674 = arith.constant 0 : index
    %get3A_675 = vector.load %arg4[%get3A_672, %get3A_673, %get3A_674] : memref<32x200x128xf32, #tpu.memory_space<vmem>>, vector<1x200x128xf32>
    %get3A_676 = vector.shape_cast %get3A_675 : vector<1x200x128xf32> to vector<200x128xf32>
    %mul3A_677 = vector.broadcast %slice3A_671 : vector<200x1xf32> to vector<200x128xf32>
    %mul3A_678 = arith.mulf %mul3A_677, %get3A_676 : vector<200x128xf32>
    %add3A_679 = arith.addf %add3A_670, %mul3A_678 : vector<200x128xf32>
    %slice3A_680 = vector.extract_strided_slice %div3A_474 {offsets = [0, 23], sizes = [200, 1], strides = [1, 1]} : vector<200x32xf32> to vector<200x1xf32>
    %get3A_681 = arith.constant 23 : index
    %get3A_682 = arith.constant 0 : index
    %get3A_683 = arith.constant 0 : index
    %get3A_684 = vector.load %arg4[%get3A_681, %get3A_682, %get3A_683] : memref<32x200x128xf32, #tpu.memory_space<vmem>>, vector<1x200x128xf32>
    %get3A_685 = vector.shape_cast %get3A_684 : vector<1x200x128xf32> to vector<200x128xf32>
    %mul3A_686 = vector.broadcast %slice3A_680 : vector<200x1xf32> to vector<200x128xf32>
    %mul3A_687 = arith.mulf %mul3A_686, %get3A_685 : vector<200x128xf32>
    %add3A_688 = arith.addf %add3A_679, %mul3A_687 : vector<200x128xf32>
    %slice3A_689 = vector.extract_strided_slice %div3A_474 {offsets = [0, 24], sizes = [200, 1], strides = [1, 1]} : vector<200x32xf32> to vector<200x1xf32>
    %get3A_690 = arith.constant 24 : index
    %get3A_691 = arith.constant 0 : index
    %get3A_692 = arith.constant 0 : index
    %get3A_693 = vector.load %arg4[%get3A_690, %get3A_691, %get3A_692] : memref<32x200x128xf32, #tpu.memory_space<vmem>>, vector<1x200x128xf32>
    %get3A_694 = vector.shape_cast %get3A_693 : vector<1x200x128xf32> to vector<200x128xf32>
    %mul3A_695 = vector.broadcast %slice3A_689 : vector<200x1xf32> to vector<200x128xf32>
    %mul3A_696 = arith.mulf %mul3A_695, %get3A_694 : vector<200x128xf32>
    %add3A_697 = arith.addf %add3A_688, %mul3A_696 : vector<200x128xf32>
    %slice3A_698 = vector.extract_strided_slice %div3A_474 {offsets = [0, 25], sizes = [200, 1], strides = [1, 1]} : vector<200x32xf32> to vector<200x1xf32>
    %get3A_699 = arith.constant 25 : index
    %get3A_700 = arith.constant 0 : index
    %get3A_701 = arith.constant 0 : index
    %get3A_702 = vector.load %arg4[%get3A_699, %get3A_700, %get3A_701] : memref<32x200x128xf32, #tpu.memory_space<vmem>>, vector<1x200x128xf32>
    %get3A_703 = vector.shape_cast %get3A_702 : vector<1x200x128xf32> to vector<200x128xf32>
    %mul3A_704 = vector.broadcast %slice3A_698 : vector<200x1xf32> to vector<200x128xf32>
    %mul3A_705 = arith.mulf %mul3A_704, %get3A_703 : vector<200x128xf32>
    %add3A_706 = arith.addf %add3A_697, %mul3A_705 : vector<200x128xf32>
    %slice3A_707 = vector.extract_strided_slice %div3A_474 {offsets = [0, 26], sizes = [200, 1], strides = [1, 1]} : vector<200x32xf32> to vector<200x1xf32>
    %get3A_708 = arith.constant 26 : index
    %get3A_709 = arith.constant 0 : index
    %get3A_710 = arith.constant 0 : index
    %get3A_711 = vector.load %arg4[%get3A_708, %get3A_709, %get3A_710] : memref<32x200x128xf32, #tpu.memory_space<vmem>>, vector<1x200x128xf32>
    %get3A_712 = vector.shape_cast %get3A_711 : vector<1x200x128xf32> to vector<200x128xf32>
    %mul3A_713 = vector.broadcast %slice3A_707 : vector<200x1xf32> to vector<200x128xf32>
    %mul3A_714 = arith.mulf %mul3A_713, %get3A_712 : vector<200x128xf32>
    %add3A_715 = arith.addf %add3A_706, %mul3A_714 : vector<200x128xf32>
    %slice3A_716 = vector.extract_strided_slice %div3A_474 {offsets = [0, 27], sizes = [200, 1], strides = [1, 1]} : vector<200x32xf32> to vector<200x1xf32>
    %get3A_717 = arith.constant 27 : index
    %get3A_718 = arith.constant 0 : index
    %get3A_719 = arith.constant 0 : index
    %get3A_720 = vector.load %arg4[%get3A_717, %get3A_718, %get3A_719] : memref<32x200x128xf32, #tpu.memory_space<vmem>>, vector<1x200x128xf32>
    %get3A_721 = vector.shape_cast %get3A_720 : vector<1x200x128xf32> to vector<200x128xf32>
    %mul3A_722 = vector.broadcast %slice3A_716 : vector<200x1xf32> to vector<200x128xf32>
    %mul3A_723 = arith.mulf %mul3A_722, %get3A_721 : vector<200x128xf32>
    %add3A_724 = arith.addf %add3A_715, %mul3A_723 : vector<200x128xf32>
    %slice3A_725 = vector.extract_strided_slice %div3A_474 {offsets = [0, 28], sizes = [200, 1], strides = [1, 1]} : vector<200x32xf32> to vector<200x1xf32>
    %get3A_726 = arith.constant 28 : index
    %get3A_727 = arith.constant 0 : index
    %get3A_728 = arith.constant 0 : index
    %get3A_729 = vector.load %arg4[%get3A_726, %get3A_727, %get3A_728] : memref<32x200x128xf32, #tpu.memory_space<vmem>>, vector<1x200x128xf32>
    %get3A_730 = vector.shape_cast %get3A_729 : vector<1x200x128xf32> to vector<200x128xf32>
    %mul3A_731 = vector.broadcast %slice3A_725 : vector<200x1xf32> to vector<200x128xf32>
    %mul3A_732 = arith.mulf %mul3A_731, %get3A_730 : vector<200x128xf32>
    %add3A_733 = arith.addf %add3A_724, %mul3A_732 : vector<200x128xf32>
    %slice3A_734 = vector.extract_strided_slice %div3A_474 {offsets = [0, 29], sizes = [200, 1], strides = [1, 1]} : vector<200x32xf32> to vector<200x1xf32>
    %get3A_735 = arith.constant 29 : index
    %get3A_736 = arith.constant 0 : index
    %get3A_737 = arith.constant 0 : index
    %get3A_738 = vector.load %arg4[%get3A_735, %get3A_736, %get3A_737] : memref<32x200x128xf32, #tpu.memory_space<vmem>>, vector<1x200x128xf32>
    %get3A_739 = vector.shape_cast %get3A_738 : vector<1x200x128xf32> to vector<200x128xf32>
    %mul3A_740 = vector.broadcast %slice3A_734 : vector<200x1xf32> to vector<200x128xf32>
    %mul3A_741 = arith.mulf %mul3A_740, %get3A_739 : vector<200x128xf32>
    %add3A_742 = arith.addf %add3A_733, %mul3A_741 : vector<200x128xf32>
    %slice3A_743 = vector.extract_strided_slice %div3A_474 {offsets = [0, 30], sizes = [200, 1], strides = [1, 1]} : vector<200x32xf32> to vector<200x1xf32>
    %get3A_744 = arith.constant 30 : index
    %get3A_745 = arith.constant 0 : index
    %get3A_746 = arith.constant 0 : index
    %get3A_747 = vector.load %arg4[%get3A_744, %get3A_745, %get3A_746] : memref<32x200x128xf32, #tpu.memory_space<vmem>>, vector<1x200x128xf32>
    %get3A_748 = vector.shape_cast %get3A_747 : vector<1x200x128xf32> to vector<200x128xf32>
    %mul3A_749 = vector.broadcast %slice3A_743 : vector<200x1xf32> to vector<200x128xf32>
    %mul3A_750 = arith.mulf %mul3A_749, %get3A_748 : vector<200x128xf32>
    %add3A_751 = arith.addf %add3A_742, %mul3A_750 : vector<200x128xf32>
    %slice3A_752 = vector.extract_strided_slice %div3A_474 {offsets = [0, 31], sizes = [200, 1], strides = [1, 1]} : vector<200x32xf32> to vector<200x1xf32>
    %get3A_753 = arith.constant 31 : index
    %get3A_754 = arith.constant 0 : index
    %get3A_755 = arith.constant 0 : index
    %get3A_756 = vector.load %arg4[%get3A_753, %get3A_754, %get3A_755] : memref<32x200x128xf32, #tpu.memory_space<vmem>>, vector<1x200x128xf32>
    %get3A_757 = vector.shape_cast %get3A_756 : vector<1x200x128xf32> to vector<200x128xf32>
    %mul3A_758 = vector.broadcast %slice3A_752 : vector<200x1xf32> to vector<200x128xf32>
    %mul3A_759 = arith.mulf %mul3A_758, %get3A_757 : vector<200x128xf32>
    %add3A_760 = arith.addf %add3A_751, %mul3A_759 : vector<200x128xf32>
    %add3A_761 = arith.addf %add3A_760, %get3A_1 : vector<200x128xf32>
    %get3A_762 = arith.constant 0 : index
    %get3A_763 = arith.constant 0 : index
    %get3A_764 = vector.load %arg6[%get3A_762, %get3A_763] : memref<128x128xf32, #tpu.memory_space<vmem>>, vector<128x128xf32>
    %dot_general3A_765 = arith.constant dense<0.000000e+00> : vector<200x128xf32>
    %dot_general3A_766 = tpu.matmul %get3A_1, %get3A_764, %dot_general3A_765 {dimension_numbers = #tpu.dot_dimension_numbers<[1], [0], [0], [1], [0, 0, 1, 1], [], []>, transpose_lhs_hint = false} : vector<200x128xf32>, vector<128x128xf32>, vector<200x128xf32> -> vector<200x128xf32>
    %neg3A = arith.constant 0.000000e+00 : f32
    %neg3A_767 = vector.broadcast %neg3A : f32 to vector<200x128xf32>
    %neg3A_768 = arith.subf %neg3A_767, %dot_general3A_766 : vector<200x128xf32>
    %exp3A_769 = math.exp %neg3A_768 : vector<200x128xf32>
    %add3A_770 = arith.constant 1.000000e+00 : f32
    %add3A_771 = vector.broadcast %add3A_770 : f32 to vector<200x128xf32>
    %add3A_772 = arith.addf %add3A_771, %exp3A_769 : vector<200x128xf32>
    %div3A_773 = arith.constant 1.000000e+00 : f32
    %div3A_774 = vector.broadcast %div3A_773 : f32 to vector<200x128xf32>
    %div3A_775 = arith.divf %div3A_774, %add3A_772 : vector<200x128xf32>
    %mul3A_776 = arith.mulf %get3A_1, %div3A_775 : vector<200x128xf32>
    %eq3A = arith.constant 0 : i32
    %eq3A_777 = arith.cmpi eq, %arg0, %eq3A : i32
    %convert_element_type3A = arith.extui %eq3A_777 : i1 to i32
    %cond3A = arith.constant 0 : i32
    %cond3A_778 = arith.cmpi ne, %convert_element_type3A, %cond3A : i32
    scf.if %cond3A_778 {
      %broadcast_in_dim3A_904 = arith.constant 0.000000e+00 : f32
      %broadcast_in_dim3A_905 = vector.broadcast %broadcast_in_dim3A_904 : f32 to vector<4x128xf32>
      %swap3A_906 = arith.constant 0 : index
      %swap3A_907 = arith.constant 0 : index
      %swap3A_908 = vector.load %arg11[%swap3A_906, %swap3A_907] : memref<4x128xf32, #tpu.memory_space<vmem>>, vector<4x128xf32>
      tpu.vector_store %arg11[%swap3A_906, %swap3A_907], %broadcast_in_dim3A_905 {strides = array<i32>} : memref<4x128xf32, #tpu.memory_space<vmem>>, vector<4x128xf32>,
    } else {
    }
    %get3A_779 = arith.constant 0 : index
    %get3A_780 = arith.constant 0 : index
    %get3A_781 = vector.load %arg7[%get3A_779, %get3A_780] : memref<128x128xf32, #tpu.memory_space<vmem>>, vector<128x128xf32>
    %dot_general3A_782 = arith.constant dense<0.000000e+00> : vector<200x128xf32>
    %dot_general3A_783 = tpu.matmul %get3A_1, %get3A_781, %dot_general3A_782 {dimension_numbers = #tpu.dot_dimension_numbers<[1], [0], [0], [1], [0, 0, 1, 1], [], []>, transpose_lhs_hint = false} : vector<200x128xf32>, vector<128x128xf32>, vector<200x128xf32> -> vector<200x128xf32>
    %get3A_784 = arith.constant 0 : index
    %get3A_785 = arith.constant 0 : index
    %get3A_786 = vector.load %arg8[%get3A_784, %get3A_785] : memref<128x128xf32, #tpu.memory_space<vmem>>, vector<128x128xf32>
    %dot_general3A_787 = arith.constant dense<0.000000e+00> : vector<200x128xf32>
    %dot_general3A_788 = tpu.matmul %dot_general3A_783, %get3A_786, %dot_general3A_787 {dimension_numbers = #tpu.dot_dimension_numbers<[1], [0], [0], [1], [0, 0, 1, 1], [], []>, transpose_lhs_hint = false} : vector<200x128xf32>, vector<128x128xf32>, vector<200x128xf32> -> vector<200x128xf32>
    %max3A = arith.constant 0.000000e+00 : f32
    %max3A_789 = vector.broadcast %max3A : f32 to vector<200x128xf32>
    %max3A_790 = arith.maximumf %dot_general3A_788, %max3A_789 : vector<200x128xf32>
    %swap3A = arith.constant 0 : index
    %swap3A_791 = arith.constant 0 : index
    %swap3A_792 = arith.constant 0 : index
    %swap3A_793 = vector.load %arg10[%swap3A, %swap3A_791, %swap3A_792] : memref<4x200x128xf32, #tpu.memory_space<vmem>>, vector<1x200x128xf32>
    %swap3A_794 = vector.shape_cast %swap3A_793 : vector<1x200x128xf32> to vector<200x128xf32>
    %swap3A_795 = vector.shape_cast %max3A_790 : vector<200x128xf32> to vector<1x200x128xf32>
    tpu.vector_store %arg10[%swap3A, %swap3A_791, %swap3A_792], %swap3A_795 {strides = array<i32>} : memref<4x200x128xf32, #tpu.memory_space<vmem>>, vector<1x200x128xf32>,
    %get3A_796 = arith.constant 0 : index
    %get3A_797 = arith.constant 0 : index
    %get3A_798 = vector.load %arg11[%get3A_796, %get3A_797] : memref<4x128xf32, #tpu.memory_space<vmem>>, vector<1x128xf32>
    %reduce_sum3A_799 = arith.constant dense<0.000000e+00> : vector<128xf32>
    %reduce_sum3A_800 = vector.multi_reduction <add>, %dot_general3A_783, %reduce_sum3A_799 [0] : vector<200x128xf32> to vector<128xf32>
    %broadcast_in_dim3A_801 = vector.shape_cast %reduce_sum3A_800 : vector<128xf32> to vector<1x128xf32>
    %add3A_802 = arith.addf %get3A_798, %broadcast_in_dim3A_801 : vector<1x128xf32>
    %swap3A_803 = arith.constant 0 : index
    %swap3A_804 = arith.constant 0 : index
    %swap3A_805 = vector.load %arg11[%swap3A_803, %swap3A_804] : memref<4x128xf32, #tpu.memory_space<vmem>>, vector<1x128xf32>
    tpu.vector_store %arg11[%swap3A_803, %swap3A_804], %add3A_802 {strides = array<i32>} : memref<4x128xf32, #tpu.memory_space<vmem>>, vector<1x128xf32>,
    %get3A_806 = arith.constant 0 : index
    %get3A_807 = arith.constant 0 : index
    %get3A_808 = vector.load %arg7[%get3A_806, %get3A_807] : memref<128x128xf32, #tpu.memory_space<vmem>>, vector<128x128xf32>
    %dot_general3A_809 = arith.constant dense<0.000000e+00> : vector<200x128xf32>
    %dot_general3A_810 = tpu.matmul %mul3A_776, %get3A_808, %dot_general3A_809 {dimension_numbers = #tpu.dot_dimension_numbers<[1], [0], [0], [1], [0, 0, 1, 1], [], []>, transpose_lhs_hint = false} : vector<200x128xf32>, vector<128x128xf32>, vector<200x128xf32> -> vector<200x128xf32>
    %get3A_811 = arith.constant 0 : index
    %get3A_812 = arith.constant 0 : index
    %get3A_813 = vector.load %arg8[%get3A_811, %get3A_812] : memref<128x128xf32, #tpu.memory_space<vmem>>, vector<128x128xf32>
    %dot_general3A_814 = arith.constant dense<0.000000e+00> : vector<200x128xf32>
    %dot_general3A_815 = tpu.matmul %dot_general3A_810, %get3A_813, %dot_general3A_814 {dimension_numbers = #tpu.dot_dimension_numbers<[1], [0], [0], [1], [0, 0, 1, 1], [], []>, transpose_lhs_hint = false} : vector<200x128xf32>, vector<128x128xf32>, vector<200x128xf32> -> vector<200x128xf32>
    %max3A_816 = arith.constant 0.000000e+00 : f32
    %max3A_817 = vector.broadcast %max3A_816 : f32 to vector<200x128xf32>
    %max3A_818 = arith.maximumf %dot_general3A_815, %max3A_817 : vector<200x128xf32>
    %swap3A_819 = arith.constant 1 : index
    %swap3A_820 = arith.constant 0 : index
    %swap3A_821 = arith.constant 0 : index
    %swap3A_822 = vector.load %arg10[%swap3A_819, %swap3A_820, %swap3A_821] : memref<4x200x128xf32, #tpu.memory_space<vmem>>, vector<1x200x128xf32>
    %swap3A_823 = vector.shape_cast %swap3A_822 : vector<1x200x128xf32> to vector<200x128xf32>
    %swap3A_824 = vector.shape_cast %max3A_818 : vector<200x128xf32> to vector<1x200x128xf32>
    tpu.vector_store %arg10[%swap3A_819, %swap3A_820, %swap3A_821], %swap3A_824 {strides = array<i32>} : memref<4x200x128xf32, #tpu.memory_space<vmem>>, vector<1x200x128xf32>,
    %get3A_825 = arith.constant 1 : index
    %get3A_826 = arith.constant 0 : index
    %get3A_827 = vector.load %arg11[%get3A_825, %get3A_826] : memref<4x128xf32, #tpu.memory_space<vmem>>, vector<1x128xf32>
    %reduce_sum3A_828 = arith.constant dense<0.000000e+00> : vector<128xf32>
    %reduce_sum3A_829 = vector.multi_reduction <add>, %dot_general3A_810, %reduce_sum3A_828 [0] : vector<200x128xf32> to vector<128xf32>
    %broadcast_in_dim3A_830 = vector.shape_cast %reduce_sum3A_829 : vector<128xf32> to vector<1x128xf32>
    %add3A_831 = arith.addf %get3A_827, %broadcast_in_dim3A_830 : vector<1x128xf32>
    %swap3A_832 = arith.constant 1 : index
    %swap3A_833 = arith.constant 0 : index
    %swap3A_834 = vector.load %arg11[%swap3A_832, %swap3A_833] : memref<4x128xf32, #tpu.memory_space<vmem>>, vector<1x128xf32>
    tpu.vector_store %arg11[%swap3A_832, %swap3A_833], %add3A_831 {strides = array<i32>} : memref<4x128xf32, #tpu.memory_space<vmem>>, vector<1x128xf32>,
    %get3A_835 = arith.constant 0 : index
    %get3A_836 = arith.constant 0 : index
    %get3A_837 = vector.load %arg7[%get3A_835, %get3A_836] : memref<128x128xf32, #tpu.memory_space<vmem>>, vector<128x128xf32>
    %dot_general3A_838 = arith.constant dense<0.000000e+00> : vector<200x128xf32>
    %dot_general3A_839 = tpu.matmul %add3A_761, %get3A_837, %dot_general3A_838 {dimension_numbers = #tpu.dot_dimension_numbers<[1], [0], [0], [1], [0, 0, 1, 1], [], []>, transpose_lhs_hint = false} : vector<200x128xf32>, vector<128x128xf32>, vector<200x128xf32> -> vector<200x128xf32>
    %get3A_840 = arith.constant 0 : index
    %get3A_841 = arith.constant 0 : index
    %get3A_842 = vector.load %arg8[%get3A_840, %get3A_841] : memref<128x128xf32, #tpu.memory_space<vmem>>, vector<128x128xf32>
    %dot_general3A_843 = arith.constant dense<0.000000e+00> : vector<200x128xf32>
    %dot_general3A_844 = tpu.matmul %dot_general3A_839, %get3A_842, %dot_general3A_843 {dimension_numbers = #tpu.dot_dimension_numbers<[1], [0], [0], [1], [0, 0, 1, 1], [], []>, transpose_lhs_hint = false} : vector<200x128xf32>, vector<128x128xf32>, vector<200x128xf32> -> vector<200x128xf32>
    %max3A_845 = arith.constant 0.000000e+00 : f32
    %max3A_846 = vector.broadcast %max3A_845 : f32 to vector<200x128xf32>
    %max3A_847 = arith.maximumf %dot_general3A_844, %max3A_846 : vector<200x128xf32>
    %swap3A_848 = arith.constant 2 : index
    %swap3A_849 = arith.constant 0 : index
    %swap3A_850 = arith.constant 0 : index
    %swap3A_851 = vector.load %arg10[%swap3A_848, %swap3A_849, %swap3A_850] : memref<4x200x128xf32, #tpu.memory_space<vmem>>, vector<1x200x128xf32>
    %swap3A_852 = vector.shape_cast %swap3A_851 : vector<1x200x128xf32> to vector<200x128xf32>
    %swap3A_853 = vector.shape_cast %max3A_847 : vector<200x128xf32> to vector<1x200x128xf32>
    tpu.vector_store %arg10[%swap3A_848, %swap3A_849, %swap3A_850], %swap3A_853 {strides = array<i32>} : memref<4x200x128xf32, #tpu.memory_space<vmem>>, vector<1x200x128xf32>,
    %get3A_854 = arith.constant 2 : index
    %get3A_855 = arith.constant 0 : index
    %get3A_856 = vector.load %arg11[%get3A_854, %get3A_855] : memref<4x128xf32, #tpu.memory_space<vmem>>, vector<1x128xf32>
    %reduce_sum3A_857 = arith.constant dense<0.000000e+00> : vector<128xf32>
    %reduce_sum3A_858 = vector.multi_reduction <add>, %dot_general3A_839, %reduce_sum3A_857 [0] : vector<200x128xf32> to vector<128xf32>
    %broadcast_in_dim3A_859 = vector.shape_cast %reduce_sum3A_858 : vector<128xf32> to vector<1x128xf32>
    %add3A_860 = arith.addf %get3A_856, %broadcast_in_dim3A_859 : vector<1x128xf32>
    %swap3A_861 = arith.constant 2 : index
    %swap3A_862 = arith.constant 0 : index
    %swap3A_863 = vector.load %arg11[%swap3A_861, %swap3A_862] : memref<4x128xf32, #tpu.memory_space<vmem>>, vector<1x128xf32>
    tpu.vector_store %arg11[%swap3A_861, %swap3A_862], %add3A_860 {strides = array<i32>} : memref<4x128xf32, #tpu.memory_space<vmem>>, vector<1x128xf32>,
    %get3A_864 = arith.constant 0 : index
    %get3A_865 = arith.constant 0 : index
    %get3A_866 = vector.load %arg7[%get3A_864, %get3A_865] : memref<128x128xf32, #tpu.memory_space<vmem>>, vector<128x128xf32>
    %dot_general3A_867 = arith.constant dense<0.000000e+00> : vector<200x128xf32>
    %dot_general3A_868 = tpu.matmul %add3A, %get3A_866, %dot_general3A_867 {dimension_numbers = #tpu.dot_dimension_numbers<[1], [0], [0], [1], [0, 0, 1, 1], [], []>, transpose_lhs_hint = false} : vector<200x128xf32>, vector<128x128xf32>, vector<200x128xf32> -> vector<200x128xf32>
    %get3A_869 = arith.constant 0 : index
    %get3A_870 = arith.constant 0 : index
    %get3A_871 = vector.load %arg8[%get3A_869, %get3A_870] : memref<128x128xf32, #tpu.memory_space<vmem>>, vector<128x128xf32>
    %dot_general3A_872 = arith.constant dense<0.000000e+00> : vector<200x128xf32>
    %dot_general3A_873 = tpu.matmul %dot_general3A_868, %get3A_871, %dot_general3A_872 {dimension_numbers = #tpu.dot_dimension_numbers<[1], [0], [0], [1], [0, 0, 1, 1], [], []>, transpose_lhs_hint = false} : vector<200x128xf32>, vector<128x128xf32>, vector<200x128xf32> -> vector<200x128xf32>
    %max3A_874 = arith.constant 0.000000e+00 : f32
    %max3A_875 = vector.broadcast %max3A_874 : f32 to vector<200x128xf32>
    %max3A_876 = arith.maximumf %dot_general3A_873, %max3A_875 : vector<200x128xf32>
    %swap3A_877 = arith.constant 3 : index
    %swap3A_878 = arith.constant 0 : index
    %swap3A_879 = arith.constant 0 : index
    %swap3A_880 = vector.load %arg10[%swap3A_877, %swap3A_878, %swap3A_879] : memref<4x200x128xf32, #tpu.memory_space<vmem>>, vector<1x200x128xf32>
    %swap3A_881 = vector.shape_cast %swap3A_880 : vector<1x200x128xf32> to vector<200x128xf32>
    %swap3A_882 = vector.shape_cast %max3A_876 : vector<200x128xf32> to vector<1x200x128xf32>
    tpu.vector_store %arg10[%swap3A_877, %swap3A_878, %swap3A_879], %swap3A_882 {strides = array<i32>} : memref<4x200x128xf32, #tpu.memory_space<vmem>>, vector<1x200x128xf32>,
    %get3A_883 = arith.constant 3 : index
    %get3A_884 = arith.constant 0 : index
    %get3A_885 = vector.load %arg11[%get3A_883, %get3A_884] : memref<4x128xf32, #tpu.memory_space<vmem>>, vector<1x128xf32>
    %reduce_sum3A_886 = arith.constant dense<0.000000e+00> : vector<128xf32>
    %reduce_sum3A_887 = vector.multi_reduction <add>, %dot_general3A_868, %reduce_sum3A_886 [0] : vector<200x128xf32> to vector<128xf32>
    %broadcast_in_dim3A_888 = vector.shape_cast %reduce_sum3A_887 : vector<128xf32> to vector<1x128xf32>
    %add3A_889 = arith.addf %get3A_885, %broadcast_in_dim3A_888 : vector<1x128xf32>
    %swap3A_890 = arith.constant 3 : index
    %swap3A_891 = arith.constant 0 : index
    %swap3A_892 = vector.load %arg11[%swap3A_890, %swap3A_891] : memref<4x128xf32, #tpu.memory_space<vmem>>, vector<1x128xf32>
    tpu.vector_store %arg11[%swap3A_890, %swap3A_891], %add3A_889 {strides = array<i32>} : memref<4x128xf32, #tpu.memory_space<vmem>>, vector<1x128xf32>,
    %max3A_893 = arith.maximumf %max3A_790, %max3A_818 : vector<200x128xf32>
    %max3A_894 = arith.maximumf %max3A_847, %max3A_876 : vector<200x128xf32>
    %max3A_895 = arith.maximumf %max3A_893, %max3A_894 : vector<200x128xf32>
    %swap3A_896 = arith.constant 0 : index
    %swap3A_897 = arith.constant 0 : index
    %swap3A_898 = vector.load %arg9[%swap3A_896, %swap3A_897] : memref<200x128xf32, #tpu.memory_space<vmem>>, vector<200x128xf32>
    tpu.vector_store %arg9[%swap3A_896, %swap3A_897], %max3A_895 {strides = array<i32>} : memref<200x128xf32, #tpu.memory_space<vmem>>, vector<200x128xf32>,
    %eq3A_899 = arith.constant 49 : i32
    %eq3A_900 = arith.cmpi eq, %arg0, %eq3A_899 : i32
    %convert_element_type3A_901 = arith.extui %eq3A_900 : i1 to i32
    %cond3A_902 = arith.constant 0 : i32
    %cond3A_903 = arith.cmpi ne, %convert_element_type3A_901, %cond3A_902 : i32
    scf.if %cond3A_903 {
      %get3A_904 = arith.constant 0 : index
      %get3A_905 = arith.constant 0 : index
      %get3A_906 = vector.load %arg11[%get3A_904, %get3A_905] : memref<4x128xf32, #tpu.memory_space<vmem>>, vector<4x128xf32>
      %div3A_907 = arith.constant 1.000000e+04 : f32
      %div3A_908 = vector.broadcast %div3A_907 : f32 to vector<4x128xf32>
      %div3A_909 = arith.divf %get3A_906, %div3A_908 : vector<4x128xf32>
      %swap3A_910 = arith.constant 0 : index
      %swap3A_911 = arith.constant 0 : index
      %swap3A_912 = vector.load %arg11[%swap3A_910, %swap3A_911] : memref<4x128xf32, #tpu.memory_space<vmem>>, vector<4x128xf32>
      tpu.vector_store %arg11[%swap3A_910, %swap3A_911], %div3A_909 {strides = array<i32>} : memref<4x128xf32, #tpu.memory_space<vmem>>, vector<4x128xf32>,
    } else {
    }
    return
  }
  func.func @transform_0(%arg0: i32) -> (i32, i32) {
    %c0_i32 = arith.constant 0 : i32
    %c0_i32_0 = arith.constant 0 : i32
    return %arg0, %c0_i32 : i32, i32
  }
  func.func @transform_1(%arg0: i32) -> (i32, i32) {
    %c0_i32 = arith.constant 0 : i32
    %c0_i32_0 = arith.constant 0 : i32
    return %arg0, %c0_i32 : i32, i32
  }
  func.func @transform_2(%arg0: i32) -> (i32, i32) {
    %c0_i32 = arith.constant 0 : i32
    %c0_i32_0 = arith.constant 0 : i32
    %c0_i32_1 = arith.constant 0 : i32
    return %c0_i32, %c0_i32_0 : i32, i32
  }
  func.func @transform_3(%arg0: i32) -> (i32, i32, i32) {
    %c0_i32 = arith.constant 0 : i32
    %c0_i32_0 = arith.constant 0 : i32
    %c0_i32_1 = arith.constant 0 : i32
    return %c0_i32, %arg0, %c0_i32_0 : i32, i32, i32
  }
  func.func @transform_4(%arg0: i32) -> (i32, i32) {
    %c0_i32 = arith.constant 0 : i32
    %c0_i32_0 = arith.constant 0 : i32
    %c0_i32_1 = arith.constant 0 : i32
    return %c0_i32, %c0_i32_0 : i32, i32
  }
  func.func @transform_5(%arg0: i32) -> (i32, i32) {
    %c0_i32 = arith.constant 0 : i32
    %c0_i32_0 = arith.constant 0 : i32
    %c0_i32_1 = arith.constant 0 : i32
    return %c0_i32, %c0_i32_0 : i32, i32
  }
  func.func @transform_6(%arg0: i32) -> (i32, i32) {
    %c0_i32 = arith.constant 0 : i32
    %c0_i32_0 = arith.constant 0 : i32
    %c0_i32_1 = arith.constant 0 : i32
    return %c0_i32, %c0_i32_0 : i32, i32
  }
  func.func @transform_7(%arg0: i32) -> (i32, i32) {
    %c0_i32 = arith.constant 0 : i32
    %c0_i32_0 = arith.constant 0 : i32
    %c0_i32_1 = arith.constant 0 : i32
    return %c0_i32, %c0_i32_0 : i32, i32
  }
  func.func @transform_8(%arg0: i32) -> (i32, i32) {
    %c0_i32 = arith.constant 0 : i32
    %c0_i32_0 = arith.constant 0 : i32
    return %arg0, %c0_i32 : i32, i32
  }
  func.func @transform_9(%arg0: i32) -> (i32, i32, i32) {
    %c0_i32 = arith.constant 0 : i32
    %c0_i32_0 = arith.constant 0 : i32
    %c0_i32_1 = arith.constant 0 : i32
    return %c0_i32, %arg0, %c0_i32_0 : i32, i32, i32
  }
  func.func @transform_10(%arg0: i32) -> (i32, i32) {
    %c0_i32 = arith.constant 0 : i32
    %c0_i32_0 = arith.constant 0 : i32
    %c0_i32_1 = arith.constant 0 : i32
    return %c0_i32, %c0_i32_0 : i32, i32
  }
}

</mosaic_0001>

<sc_bundles>
// kernel: kernel.6.cloned.1.call-start
scs
__scs_entry_jumppad:
0x0: {  	(pc) =	sbr.rel $0x88, $3  }
0x1: {  	(tag) =	ssettag $0x0;
	lr =	simm.s32 $0x1  }
0x2: {  	[smem:$0x3F95] =	sst lr;
	_ =	strace $0xD0000000  }
0x3: {  	_ = 	snop  }
0x4: {  	_ = 	snop  }
0x5: {  	_ = 	snop  }
0x6: {  	_ = 	snop  }
0x7: {  	_ = 	snop  }
__scs_overlays_trampoline_lowered:
0x8: {  	[smem:$0x3FA4] =	sst s0  }
0x9: {  	[smem:$0x3FA5] =	sst s1  }
0xa: {  	[smem:$0x3FA6] =	sst s2  }
0xb: {  	[smem:$0x3FA7] =	sst s3  }
0xc: {  	[smem:$0x3FA8] =	sst s4  }
0xd: {  	[smem:$0x3FA9] =	sst s5  }
0xe: {  	[smem:$0x3FAA] =	sst s6  }
0xf: {  	[smem:$0x3FAB] =	sst s7  }
0x10: {  	[smem:$0x3FAC] =	sst s8  }
0x11: {  	[smem:$0x3FAD] =	sst s9;
	s0 =	simm.s32 @!p0 $0x0  }
0x12: {  	s1 =	sld [smem:$0x3F93];
	s0 =	simm.s32 @p0 $0x1  }
0x13: {  	[smem:$0x3FAE] =	sst s0;
	s0 =	simm.s32 @!p1 $0x0  }
0x14: {  	s2 =	sld [smem:$0x3F92];
	s0 =	simm.s32 @p1 $0x1  }
0x15: {  	[smem:$0x3FAF] =	sst s0;
	s0 =	simm.s32 @!p2 $0x0  }
0x16: {  	s3 =	sld [smem:$0x3FDB];
	s0 =	simm.s32 @p2 $0x1  }
0x17: {  	s4 =	simm.s32 $0x1BF5;
	[smem:$0x3FB1] =	sst s0  }
0x18: {  	s0 =	sld [smem:$0x3F94];
	_ =	swait.ge [sflag:s4], $0x0  }
0x19: {  	s7 =	sld [smem:$0x3F95]  }
0x1a: {  	s8 =	sadd.s32 $0xFFFFE003, lr  }
0x1b: {  	s9 =	sadd.s32 $0xFFFFFEF7, lr;
	s5 =	simm.s32 $0xFFFFFFFF;
	p2 =	slt.u32 s8, $0xFFFFF086  }
0x1c: {  	p1 =	slt.u32 s9, $0xF7A;
	s5 =	simm.s32 @!p2 $0x0  }
0x1d: {  	s5 =	simm.s32 @p1 $0x1;
	p0 =	seq.s32 s7, s2  }
0x1e: {  	s7 =	smul.u32 @!p0 $0xF7A, s2;
	p2 =	seq.s32 @!p0 s5, $0x0  }
0x1f: {  	s9 =	smul.u32 $0xF7A, s1;
	s8 =	simm.s32 @!p0 $0x1BF5;
	p2 =	por !p2, p0  }
0x20: {  	[sflag:s8] =	ssyncset.s32 @!p0 $0xFFFFF086;
	s6 =	sadd.s32 @!p0 s3, s7;
	s7 =	simm.s32 @!p0 $0x108  }
0x21: {  	s3 =	sadd.s32 s3, s9;
	s6 =	sadd.s32 @!p0 $0x88, s6;
	s7 =	simm.s32 @p2 $0x1082  }
0x22: {  	[simem:s7], [sflag:s8] =	dma.local @!p0 [hbm:s6], $0xF7A  }
0x23: {  	s9 =	sor.u32 $0xD0000000, s2;
	s6 =	simm.s32 $0x108;
	_ =	swait.ge @!p0 [sflag:s8], $0x0  }
0x24: {  	s3 =	sadd.s32 $0x88, s3;
	s6 =	simm.s32 @!p1 $0x1082;
	[sflag:s4] =	ssyncset.s32 $0xFFFFF086  }
0x25: {  	[simem:s6], [sflag:s4] =	dma.local [hbm:s3], $0xF7A  }
0x26: {  	[smem:$0x3F95] =	sst s1;
	(tag) =	ssettag s2;
	_ =	strace s9  }
0x27: {  	s1 =	sld [smem:$0x3FA5]  }
0x28: {  	s2 =	sld [smem:$0x3FA6]  }
0x29: {  	s4 =	sld [smem:$0x3FA8]  }
0x2a: {  	p0 =	seq.s32 s5, $0x0;
	s5 =	sld [smem:$0x3FA9]  }
0x2b: {  	s6 =	sld [smem:$0x3FAA]  }
0x2c: {  	s7 =	sld [smem:$0x3FAB]  }
0x2d: {  	s3 =	simm.s32 $0x108;
	s8 =	sld [smem:$0x3FAC]  }
0x2e: {  	s3 =	simm.s32 @!p0 $0x1082;
	s9 =	sld [smem:$0x3FAD]  }
0x2f: {  	lr =	sadd.s32 s0, s3;
	s0 =	sld [smem:$0x3FA4]  }
0x30: {  	s3 =	sld [smem:$0x3FA7]  }
0x31: {  	[smem:$0x3FB0] =	sst s10  }
0x32: {  	s10 =	sld [smem:$0x3FAE];
	_ =	sdelay $0x3  }
0x33: {  	p0 =	seq.s32 s10, $0x1;
	s10 =	sld [smem:$0x3FB0];
	_ =	sdelay $0x3  }
0x34: {  	[smem:$0x3FB0] =	sst s10  }
0x35: {  	s10 =	sld [smem:$0x3FAF];
	_ =	sdelay $0x3  }
0x36: {  	p1 =	seq.s32 s10, $0x1;
	s10 =	sld [smem:$0x3FB0];
	_ =	sdelay $0x3  }
0x37: {  	[smem:$0x3FB0] =	sst s10  }
0x38: {  	s10 =	sld [smem:$0x3FB1]  }
0x39: {  	_ = 	snop;
	(pc) =	sbr.ind lr, $3  }
0x3a: {  	_ = 	snop  }
0x3b: {  	_ = 	snop  }
0x3c: {  	p2 =	seq.s32 s10, $0x1;
	s10 =	sld [smem:$0x3FB0]  }
0x3d: {  	_ =	shalt  }
0x3e: {  	_ =	shalt  }
0x3f: {  	_ =	shalt  }
0x40: {  	_ =	shalt  }
0x41: {  	_ =	shalt  }
0x42: {  	_ =	shalt  }
0x43: {  	_ =	shalt  }
0x44: {  	_ =	shalt  }
0x45: {  	_ =	shalt  }
0x46: {  	_ =	shalt  }
0x47: {  	_ =	shalt  }
0x48: {  	_ =	shalt  }
0x49: {  	_ =	shalt  }
0x4a: {  	_ =	shalt  }
0x4b: {  	_ =	shalt  }
0x4c: {  	_ =	shalt  }
0x4d: {  	_ =	shalt  }
0x4e: {  	_ =	shalt  }
0x4f: {  	_ =	shalt  }
0x50: {  	_ =	shalt  }
0x51: {  	_ =	shalt  }
0x52: {  	_ =	shalt  }
0x53: {  	_ =	shalt  }
0x54: {  	_ =	shalt  }
0x55: {  	_ =	shalt  }
0x56: {  	_ =	shalt  }
0x57: {  	_ =	shalt  }
0x58: {  	_ =	shalt  }
0x59: {  	_ =	shalt  }
0x5a: {  	_ =	shalt  }
0x5b: {  	_ =	shalt  }
0x5c: {  	_ =	shalt  }
0x5d: {  	_ =	shalt  }
0x5e: {  	_ =	shalt  }
0x5f: {  	_ =	shalt  }
0x60: {  	_ =	shalt  }
0x61: {  	_ =	shalt  }
0x62: {  	_ =	shalt  }
0x63: {  	_ =	shalt  }
0x64: {  	_ =	shalt  }
0x65: {  	_ =	shalt  }
0x66: {  	_ =	shalt  }
0x67: {  	_ =	shalt  }
0x68: {  	_ =	shalt  }
0x69: {  	_ =	shalt  }
0x6a: {  	_ =	shalt  }
0x6b: {  	_ =	shalt  }
0x6c: {  	_ =	shalt  }
0x6d: {  	_ =	shalt  }
0x6e: {  	_ =	shalt  }
0x6f: {  	_ =	shalt  }
0x70: {  	_ =	shalt  }
0x71: {  	_ =	shalt  }
0x72: {  	_ =	shalt  }
0x73: {  	_ =	shalt  }
0x74: {  	_ =	shalt  }
0x75: {  	_ =	shalt  }
0x76: {  	_ =	shalt  }
0x77: {  	_ =	shalt  }
0x78: {  	_ =	shalt  }
0x79: {  	_ =	shalt  }
0x7a: {  	_ =	shalt  }
0x7b: {  	_ =	shalt  }
0x7c: {  	_ =	shalt  }
0x7d: {  	_ =	shalt  }
0x7e: {  	_ =	shalt  }
0x7f: {  	_ =	shalt  }
0x80: {  	_ =	shalt  }
0x81: {  	_ =	shalt  }
0x82: {  	_ =	shalt  }
0x83: {  	_ =	shalt  }
0x84: {  	_ =	shalt  }
0x85: {  	_ =	shalt  }
0x86: {  	_ =	shalt  }
0x87: {  	_ =	shalt  }
.Lfunc_end0:
.L_simem_size_0:
called_computation_lowered:
.L_overlay_start_0:
0x88: {  	s2 =	sld [smem:$0x3FD9]  }
0x89: {  	s3 =	sld [smem:$0x3FFE];
	_ =	sdelay $0x1  }
0x8a: {  	s1 =	srdreg.scid  }
0x8b: {  	s0 =	sand.u32 $0x1, s1  }
0x8c: {  	s14 =	sshll.u32 s0, $0xA;
	s2 =	sadd.s32 s3, s2  }
0x8d: {  	s2 =	sadd.s32 s2, s14  }
0x8e: {  	[smem:$0x3FBC] =	sst s2  }
0x8f: {  	_ = 	snop  }
0x90: {  	s2 =	sld [smem:$0x3FD0];
	_ =	sdelay $0x2  }
0x91: {  	s4 =	simm.s32 $0xA;
	s5 =	simm.s32 $0x10;
	s15 =	sld [smem:$0x3FC9]  }
0x92: {  	[smem:s5], [sflag:s4] =	dma.local [hbm:s2], $0x1  }
0x93: {  	_ =	swait.eq [sflag:s4], $0x1  }
0x94: {  	[sflag:s4] =	ssyncset.done $0x0  }
0x95: {  	[sflag:s4] =	ssyncadd.s32 $0xFFFFFFFF  }
0x96: {  	s16 =	sld [smem:$0x12];
	(tm) =	ssettm $0x1  }
0x97: {  	s17 =	sld [smem:$0x3FFB];
	_ =	sdelay $0x3  }
0x98: {  	_ =	strace s17  }
0x99: {  	s4 =	sld [smem:$0x3FFC];
	_ =	sdelay $0x3  }
0x9a: {  	_ =	strace s4  }
0x9b: {  	s4 =	sld [smem:$0x3FFD];
	_ =	sdelay $0x3  }
0x9c: {  	_ =	strace s4  }
0x9d: {  	_ =	strace $0x8FFFFFFF  }
0x9e: {  	s18 =	sld [smem:$0x3FDB];
	_ =	sdelay $0x1  }
0x9f: {  	s19 =	simm.s32 $_scs_section_size  }
0xa0: {  	s6 =	simm.s32 $_size__tile_overlayer_lowered;
	s7 =	simm.s32 $_tile_overlayer_lowered  }
0xa1: {  	s22 =	simm.s32 $0x1BFF;
	s21 =	sshll.u32 s7, $0x1;
	s4 =	sadd.s32 s19, s18  }
0xa2: {  	s8 =	simm.s32 $0x0;
	s20 =	sshll.u32 s6, $0x1;
	s6 =	sadd.s32 s21, s4  }
0xa3: {  	[timem:s8], [sflag:s22] =	dma.local [hbm:s6], s20  }
0xa4: {  	_ =	swait.ge [sflag:s22], s20  }
0xa5: {  	s5 =	ssub.s32 $0x0, s20;
	[sflag:s22] =	ssyncset.done $0x0  }
0xa6: {  	[sflag:s22] =	ssyncadd.s32 s5;
	_ =	sdelay $0x1  }
0xa7: {  	s23 =	simm.s32 $0x1B8B  }
0xa8: {  	_ =	swait.ge [sflag:s23], $0x1  }
0xa9: {  	[sflag:s23] =	ssyncset.done $0x0  }
0xaa: {  	s25 =	simm.s32 $0x1B8E;
	s24 =	sld [smem:$0x3FFE];
	[sflag:s23] =	ssyncadd.s32 $0xFFFFFFFF  }
0xab: {  	s26 =	simm.s32 $execute0_lowered;
	[smem:$0x3FD2] =	sst s25  }
0xac: {  	s6 =	sshll.u32 s26, $0x1;
	_ =	strace $0x80000046;
	[dreg:$0x1] =	wrdreg $0xFFFFFFFF  }
0xad: {  	s28 =	simm.s32 $_size_execute0_lowered;
	s4 =	sadd.s32 s4, s6;
	[dreg:$0x0] =	wrdreg $0x0  }
0xae: {  	s6 =	sshll.u32 s28, $0x1;
	[dreg:$0x2] =	wrdreg s4  }
0xaf: {  	[dreg:$0x3] =	wrdreg s6  }
0xb0: {  	[dreg:$0x4] =	wrdreg $0xC0  }
0xb1: {  	_ =	task [dreg:s8], $0x5FFFF  }
0xb2: {  	[dreg:$0x1] =	wrdreg $0xFFFFFFFF  }
0xb3: {  	[dreg:$0x0] =	wrdreg $0x60  }
0xb4: {  	[dreg:$0x2] =	wrdreg s15  }
0xb5: {  	[dreg:$0x3] =	wrdreg s24  }
0xb6: {  	[dreg:$0x4] =	wrdreg s16  }
0xb7: {  	[dreg:$0x5] =	wrdreg $0x9  }
0xb8: {  	_ =	task.clear_ibuf [dreg:s8], $0x6FFFF;
	_ =	strace $0x90000046  }
0xb9: {  	s29 =	simm.s32 $0x9;
	_ =	strace $0x80000048  }
0xba: {  	_ =	swait.ge [sflag:s29], $0x1  }
0xbb: {  	[sflag:s29] =	ssyncadd.s32 $0xFFFFFFFF  }
0xbc: {  	_ =	strace $0x90000048  }
0xbd: {  	_ =	sfence  }
0xbe: {  	s30 =	sld [smem:$0x0];
	_ =	sdelay $0x2  }
0xbf: {  	s31 =	sshll.u32 s1, $0xD;
	s1 =	sshrl.u32 s1, $0x2  }
0xc0: {  	s3 =	sand.u32 $0x4000, s31;
	s1 =	sadd.s32 s1, s30  }
0xc1: {  	s0 =	sor.u32 s3, s0;
	s1 =	sshll.u32 s1, $0x11  }
0xc2: {  	s0 =	sor.u32 s1, s0  }
0xc3: {  	s0 =	sadd.s32 $0x8F2B, s0  }
0xc4: {  	[sflag:s0] =	ssyncadd.remote.s32 $0x1  }
0xc5: {  	_ =	sfence.sel $0xFFFF  }
0xc6: {  	[dreg:$0x0] =	wrdreg $0xFFFFFFFF;
	(pc) =	sbr.abs _section_cstart, $3  }
0xc7: {  	[dreg:$0x1] =	wrdreg $0xFFFFFFFF  }
0xc8: {  	_ =	task.clear_ibuf [dreg:s8], $0x2FFFF;
	_ =	strace $0x9FFFFFFF  }
0xc9: {  	(tm) =	ssettm $0x7FFFFFFF  }
tec
execute0_lowered:
.L_overlay_start_1:
0x0: {  	(tag) =	ssettag $0x1  }
0x1: {  	s1 =	rddreg [dreg:$0x0]  }
0x2: {  	s5 =	rddreg [dreg:$0x1];
	s0 =	stileid.u32  }
0x3: {  	s2 =	srdreg.scid;
	s8 =	rddreg [dreg:$0x2];
	s3 =	simm.s32 $0x0  }
0x4: {  	s12 =	simm.s32 $0x2880;
	s13 =	simm.s32 $0x1;
	s6 =	smul.u32 $0x4E200, s0  }
0x5: {  	s14 =	simm.s32 $0x2;
	s4 =	sand.u32 $0x1, s2;
	s9 =	smul.u32 $0x4E20, s0  }
0x6: {  	s15 =	simm.s32 $0x0;
	s2 =	rddreg [dreg:$0x3];
	s7 =	smul.u32 $0x27100, s4  }
0x7: {  	[smem:$0x7FF] =	sst s3;
	s10 =	ssub.s32 $0x2, s4;
	s11 =	smul.u32 $0x2710, s4  }
0x8: {  	s4 =	sadd.s32 $0x3000, s5;
	s5 =	sadd.s32 s6, s5;
	s31 =	sshrl.u32 s10, $0x1  }
0x9: {  	_ =	strace $0x80000047;
	s6 =	ssub.s32 s10, s31;
	s7 =	sadd.s32 s7, s5  }
0xa: {  	s9 =	sadd.s32 s11, s9;
	s10 =	simm.s32 $0x50;
	s11 =	simm.s32 $0x80  }
0xb: {  	s5 =	smax.u32 s6, $0x1;
	s6 =	sadd.s32 $0x2A200, s7;
	s9 =	sshrl.u32 s9, $0x3  }
0xc: {  	s7 =	sadd.s32 $0x50C200, s7;
	s8 =	sadd.s32 s9, s8;
	s9 =	simm.s32 $0x3  }
.LBB2_1:
0xd: {  	[tilespmem:s3], [sflag:$0x3] =	stream.linear.gather [hbm4b:s8+s3], $0x50, $0x38;
	[tilespmem:$0x5080] =	vst v63  }
0xe: {  	_ =	swait.ge [sflag:s9], $0x50  }
0xf: {  	[sflag:s9] =	ssyncset.done $0x0  }
0x10: {  	[sflag:s9] =	ssyncadd.s32 $0xFFFFFFB0  }
0x11: {  	[tilespmem:s11], [sflag:$0x1] =	stream.indirect.gather [hbm4b:s1+s10], $0x80, s3, s10, $0xb8;
	[tilespmem:$0x5080] =	vst v63  }
0x12: {  	_ = 	snop  }
0x13: {  	[tilespmem:s12], [sflag:$0x2] =	stream.indirect.gather [hbm4b:s4+s10], $0x80, s3, s10, $0xb8;
	[tilespmem:$0x5080] =	vst v63  }
0x14: {  	_ =	swait.ge [sflag:s13], $0x2800  }
0x15: {  	[sflag:s13] =	ssyncset.done $0x0  }
0x16: {  	[sflag:s13] =	ssyncadd.s32 $0xFFFFD800  }
0x17: {  	_ =	swait.ge [sflag:s14], $0x2800  }
0x18: {  	[sflag:s14] =	ssyncset.done $0x0  }
0x19: {  	s16 =	sadd.s32 $0x0, s6;
	[sflag:s14] =	ssyncadd.s32 $0xFFFFD800  }
0x1a: {  	[hbm4b:s16+s3] =	stream.linear.scatter [tilespmem:s11], [sflag:$0x3], $0x2800, $0x38;
	[tilespmem:$0x5080] =	vst v63  }
0x1b: {  	_ =	swait.ge [sflag:s9], $0x2800  }
0x1c: {  	[sflag:s9] =	ssyncset.done $0x0  }
0x1d: {  	s31 =	sadd.s32 $0x0, s7;
	[sflag:s9] =	ssyncadd.s32 $0xFFFFD800  }
0x1e: {  	[hbm4b:s31+s3] =	stream.linear.scatter [tilespmem:s12], [sflag:$0x3], $0x2800, $0x38;
	[tilespmem:$0x5080] =	vst v63  }
0x1f: {  	_ =	swait.ge [sflag:s9], $0x2800  }
0x20: {  	s17 =	smov.u32 s8;
	s16 =	simm.s32 $0x500;
	[sflag:s9] =	ssyncset.done $0x0  }
.LBB2_2:
0x21: {  	p0 =	sne.s32 s16, $0x26C00;
	[sflag:s9] =	ssyncadd.s32 $0xFFFFD800;
	s17 =	sadd.s32 $0xA, s17  }
0x22: {  	[tilespmem:s3], [sflag:$0x3] =	stream.linear.gather [hbm4b:s17+s3], $0x50, $0x38;
	[tilespmem:$0x5080] =	vst v63  }
0x23: {  	s18 =	smov.u32 s16;
	s16 =	sadd.s32 $0x500, s16;
	_ =	swait.ge [sflag:s9], $0x50  }
0x24: {  	[sflag:s9] =	ssyncset.done $0x0  }
0x25: {  	[sflag:s9] =	ssyncadd.s32 $0xFFFFFFB0  }
0x26: {  	[tilespmem:s11], [sflag:$0x1] =	stream.indirect.gather [hbm4b:s1+s10], $0x80, s3, s10, $0xb8;
	[tilespmem:$0x5080] =	vst v63  }
0x27: {  	_ = 	snop  }
0x28: {  	[tilespmem:s12], [sflag:$0x2] =	stream.indirect.gather [hbm4b:s4+s10], $0x80, s3, s10, $0xb8;
	[tilespmem:$0x5080] =	vst v63  }
0x29: {  	_ =	swait.ge [sflag:s13], $0x2800  }
0x2a: {  	[sflag:s13] =	ssyncset.done $0x0  }
0x2b: {  	[sflag:s13] =	ssyncadd.s32 $0xFFFFD800  }
0x2c: {  	_ =	swait.ge [sflag:s14], $0x2800  }
0x2d: {  	[sflag:s14] =	ssyncset.done $0x0  }
0x2e: {  	s19 =	sadd.s32 s18, s6;
	[sflag:s14] =	ssyncadd.s32 $0xFFFFD800  }
0x2f: {  	[hbm4b:s19+s3] =	stream.linear.scatter [tilespmem:s11], [sflag:$0x3], $0x2800, $0x38;
	[tilespmem:$0x5080] =	vst v63  }
0x30: {  	_ =	swait.ge [sflag:s9], $0x2800  }
.Ltmp0:
0x31: {  	[sflag:s9] =	ssyncset.done $0x0;
	(pc) =	sbr.rel @p0 .LBB2_2-.Ltmp0, $4  }
0x32: {  	s18 =	sadd.s32 s18, s7;
	[sflag:s9] =	ssyncadd.s32 $0xFFFFD800  }
0x33: {  	[hbm4b:s18+s3] =	stream.linear.scatter [tilespmem:s12], [sflag:$0x3], $0x2800, $0x38;
	[tilespmem:$0x5080] =	vst v63  }
0x34: {  	_ =	swait.ge [sflag:s9], $0x2800  }
0x35: {  	[sflag:s9] =	ssyncset.done $0x0  }
0x36: {  	s15 =	sadd.s32 $0x1, s15  }
0x37: {  	p0 =	sne.s32 s15, s5  }
.Ltmp1:
0x38: {  	_ = 	snop;
	(pc) =	sbr.rel @p0 .LBB2_1-.Ltmp1, $2  }
0x39: {  	_ =	sdelay $0x2  }
0x3a: {  	[sflag:s9] =	ssyncadd.s32 $0xFFFFD800  }
0x3b: {  	_ =	sfence.sel $0x180000  }
0x3c: {  	[bflag:$0x0] =	sbarrier.arrive $0xFFFF  }
0x3d: {  	p0 =	sne.s32 s0, $0x0;
	_ =	strace $0x90000047  }
0x3e: {  	s0 =	sadd.s32 @!p0 $0x100000, s2;
	[bflag:$0x2] =	sbarrier.arrive $0xFFFF  }
0x3f: {  	[sflag:s0] =	ssyncadd.tile.s32 @!p0 $0x1;
	_ =	shalt  }
.Lfunc_end2:
_tile_overlayer_lowered:
.L_overlay_start_2:
0x40: {  	(tag) =	ssettag $0x2  }
0x41: {  	s0 =	rddreg [dreg:$0x0];
	s2 =	stileid.u32  }
0x42: {  	s1 =	rddreg [dreg:$0x1];
	p0 =	sne.s32 s2, $0x0  }
0x43: {  	s3 =	rddreg [dreg:$0x2];
	[bflag:$0x3] =	sbarrier.arrive $0xFFFF;
	s2 =	simm.s32 @!p0 $0x1C03  }
0x44: {  	[timem:s3], [sflag:s2] =	dma.local @!p0 [hbm:s0], s1  }
0x45: {  	s0 =	simm.s32 @!p0 $0x3  }
0x46: {  	_ =	swait.ge @!p0 [sflag:s0], s1  }
0x47: {  	s1 =	ssub.s32 @!p0 $0x0, s1;
	[sflag:s0] =	ssyncset.done @!p0 $0x0  }
0x48: {  	[sflag:s0] =	ssyncadd.s32 @!p0 s1  }
0x49: {  	[bflag:$0x3] =	sbarrier.arrive $0xFFFF  }
0x4a: {  	_ =	shalt  }

// kernel: kernel.9.cloned.1.call-start
scs
__scs_entry_jumppad:
0x0: {  	(pc) =	sbr.rel $0x88, $3  }
0x1: {  	(tag) =	ssettag $0x0;
	lr =	simm.s32 $0x1  }
0x2: {  	[smem:$0x3F95] =	sst lr;
	_ =	strace $0xD0000000  }
0x3: {  	_ = 	snop  }
0x4: {  	_ = 	snop  }
0x5: {  	_ = 	snop  }
0x6: {  	_ = 	snop  }
0x7: {  	_ = 	snop  }
__scs_overlays_trampoline_lowered:
0x8: {  	[smem:$0x3FA4] =	sst s0  }
0x9: {  	[smem:$0x3FA5] =	sst s1  }
0xa: {  	[smem:$0x3FA6] =	sst s2  }
0xb: {  	[smem:$0x3FA7] =	sst s3  }
0xc: {  	[smem:$0x3FA8] =	sst s4  }
0xd: {  	[smem:$0x3FA9] =	sst s5  }
0xe: {  	[smem:$0x3FAA] =	sst s6  }
0xf: {  	[smem:$0x3FAB] =	sst s7  }
0x10: {  	[smem:$0x3FAC] =	sst s8  }
0x11: {  	[smem:$0x3FAD] =	sst s9;
	s0 =	simm.s32 @!p0 $0x0  }
0x12: {  	s1 =	sld [smem:$0x3F93];
	s0 =	simm.s32 @p0 $0x1  }
0x13: {  	[smem:$0x3FAE] =	sst s0;
	s0 =	simm.s32 @!p1 $0x0  }
0x14: {  	s2 =	sld [smem:$0x3F92];
	s0 =	simm.s32 @p1 $0x1  }
0x15: {  	[smem:$0x3FAF] =	sst s0;
	s0 =	simm.s32 @!p2 $0x0  }
0x16: {  	s3 =	sld [smem:$0x3FDB];
	s0 =	simm.s32 @p2 $0x1  }
0x17: {  	s4 =	simm.s32 $0x1BF5;
	[smem:$0x3FB1] =	sst s0  }
0x18: {  	s0 =	sld [smem:$0x3F94];
	_ =	swait.ge [sflag:s4], $0x0  }
0x19: {  	s7 =	sld [smem:$0x3F95]  }
0x1a: {  	s8 =	sadd.s32 $0xFFFFE003, lr  }
0x1b: {  	s9 =	sadd.s32 $0xFFFFFEF7, lr;
	s5 =	simm.s32 $0xFFFFFFFF;
	p2 =	slt.u32 s8, $0xFFFFF086  }
0x1c: {  	p1 =	slt.u32 s9, $0xF7A;
	s5 =	simm.s32 @!p2 $0x0  }
0x1d: {  	s5 =	simm.s32 @p1 $0x1;
	p0 =	seq.s32 s7, s2  }
0x1e: {  	s7 =	smul.u32 @!p0 $0xF7A, s2;
	p2 =	seq.s32 @!p0 s5, $0x0  }
0x1f: {  	s9 =	smul.u32 $0xF7A, s1;
	s8 =	simm.s32 @!p0 $0x1BF5;
	p2 =	por !p2, p0  }
0x20: {  	[sflag:s8] =	ssyncset.s32 @!p0 $0xFFFFF086;
	s6 =	sadd.s32 @!p0 s3, s7;
	s7 =	simm.s32 @!p0 $0x108  }
0x21: {  	s3 =	sadd.s32 s3, s9;
	s6 =	sadd.s32 @!p0 $0x88, s6;
	s7 =	simm.s32 @p2 $0x1082  }
0x22: {  	[simem:s7], [sflag:s8] =	dma.local @!p0 [hbm:s6], $0xF7A  }
0x23: {  	s9 =	sor.u32 $0xD0000000, s2;
	s6 =	simm.s32 $0x108;
	_ =	swait.ge @!p0 [sflag:s8], $0x0  }
0x24: {  	s3 =	sadd.s32 $0x88, s3;
	s6 =	simm.s32 @!p1 $0x1082;
	[sflag:s4] =	ssyncset.s32 $0xFFFFF086  }
0x25: {  	[simem:s6], [sflag:s4] =	dma.local [hbm:s3], $0xF7A  }
0x26: {  	[smem:$0x3F95] =	sst s1;
	(tag) =	ssettag s2;
	_ =	strace s9  }
0x27: {  	s1 =	sld [smem:$0x3FA5]  }
0x28: {  	s2 =	sld [smem:$0x3FA6]  }
0x29: {  	s4 =	sld [smem:$0x3FA8]  }
0x2a: {  	p0 =	seq.s32 s5, $0x0;
	s5 =	sld [smem:$0x3FA9]  }
0x2b: {  	s6 =	sld [smem:$0x3FAA]  }
0x2c: {  	s7 =	sld [smem:$0x3FAB]  }
0x2d: {  	s3 =	simm.s32 $0x108;
	s8 =	sld [smem:$0x3FAC]  }
0x2e: {  	s3 =	simm.s32 @!p0 $0x1082;
	s9 =	sld [smem:$0x3FAD]  }
0x2f: {  	lr =	sadd.s32 s0, s3;
	s0 =	sld [smem:$0x3FA4]  }
0x30: {  	s3 =	sld [smem:$0x3FA7]  }
0x31: {  	[smem:$0x3FB0] =	sst s10  }
0x32: {  	s10 =	sld [smem:$0x3FAE];
	_ =	sdelay $0x3  }
0x33: {  	p0 =	seq.s32 s10, $0x1;
	s10 =	sld [smem:$0x3FB0];
	_ =	sdelay $0x3  }
0x34: {  	[smem:$0x3FB0] =	sst s10  }
0x35: {  	s10 =	sld [smem:$0x3FAF];
	_ =	sdelay $0x3  }
0x36: {  	p1 =	seq.s32 s10, $0x1;
	s10 =	sld [smem:$0x3FB0];
	_ =	sdelay $0x3  }
0x37: {  	[smem:$0x3FB0] =	sst s10  }
0x38: {  	s10 =	sld [smem:$0x3FB1]  }
0x39: {  	_ = 	snop;
	(pc) =	sbr.ind lr, $3  }
0x3a: {  	_ = 	snop  }
0x3b: {  	_ = 	snop  }
0x3c: {  	p2 =	seq.s32 s10, $0x1;
	s10 =	sld [smem:$0x3FB0]  }
0x3d: {  	_ =	shalt  }
0x3e: {  	_ =	shalt  }
0x3f: {  	_ =	shalt  }
0x40: {  	_ =	shalt  }
0x41: {  	_ =	shalt  }
0x42: {  	_ =	shalt  }
0x43: {  	_ =	shalt  }
0x44: {  	_ =	shalt  }
0x45: {  	_ =	shalt  }
0x46: {  	_ =	shalt  }
0x47: {  	_ =	shalt  }
0x48: {  	_ =	shalt  }
0x49: {  	_ =	shalt  }
0x4a: {  	_ =	shalt  }
0x4b: {  	_ =	shalt  }
0x4c: {  	_ =	shalt  }
0x4d: {  	_ =	shalt  }
0x4e: {  	_ =	shalt  }
0x4f: {  	_ =	shalt  }
0x50: {  	_ =	shalt  }
0x51: {  	_ =	shalt  }
0x52: {  	_ =	shalt  }
0x53: {  	_ =	shalt  }
0x54: {  	_ =	shalt  }
0x55: {  	_ =	shalt  }
0x56: {  	_ =	shalt  }
0x57: {  	_ =	shalt  }
0x58: {  	_ =	shalt  }
0x59: {  	_ =	shalt  }
0x5a: {  	_ =	shalt  }
0x5b: {  	_ =	shalt  }
0x5c: {  	_ =	shalt  }
0x5d: {  	_ =	shalt  }
0x5e: {  	_ =	shalt  }
0x5f: {  	_ =	shalt  }
0x60: {  	_ =	shalt  }
0x61: {  	_ =	shalt  }
0x62: {  	_ =	shalt  }
0x63: {  	_ =	shalt  }
0x64: {  	_ =	shalt  }
0x65: {  	_ =	shalt  }
0x66: {  	_ =	shalt  }
0x67: {  	_ =	shalt  }
0x68: {  	_ =	shalt  }
0x69: {  	_ =	shalt  }
0x6a: {  	_ =	shalt  }
0x6b: {  	_ =	shalt  }
0x6c: {  	_ =	shalt  }
0x6d: {  	_ =	shalt  }
0x6e: {  	_ =	shalt  }
0x6f: {  	_ =	shalt  }
0x70: {  	_ =	shalt  }
0x71: {  	_ =	shalt  }
0x72: {  	_ =	shalt  }
0x73: {  	_ =	shalt  }
0x74: {  	_ =	shalt  }
0x75: {  	_ =	shalt  }
0x76: {  	_ =	shalt  }
0x77: {  	_ =	shalt  }
0x78: {  	_ =	shalt  }
0x79: {  	_ =	shalt  }
0x7a: {  	_ =	shalt  }
0x7b: {  	_ =	shalt  }
0x7c: {  	_ =	shalt  }
0x7d: {  	_ =	shalt  }
0x7e: {  	_ =	shalt  }
0x7f: {  	_ =	shalt  }
0x80: {  	_ =	shalt  }
0x81: {  	_ =	shalt  }
0x82: {  	_ =	shalt  }
0x83: {  	_ =	shalt  }
0x84: {  	_ =	shalt  }
0x85: {  	_ =	shalt  }
0x86: {  	_ =	shalt  }
0x87: {  	_ =	shalt  }
.Lfunc_end0:
.L_simem_size_0:
called_computation.1_lowered:
.L_overlay_start_0:
0x88: {  	s2 =	sld [smem:$0x3FD9]  }
0x89: {  	s3 =	sld [smem:$0x3FFE];
	_ =	sdelay $0x1  }
0x8a: {  	s1 =	srdreg.scid  }
0x8b: {  	s0 =	sand.u32 $0x1, s1  }
0x8c: {  	s14 =	sshll.u32 s0, $0xA;
	s2 =	sadd.s32 s3, s2  }
0x8d: {  	s2 =	sadd.s32 s2, s14  }
0x8e: {  	[smem:$0x3FBC] =	sst s2  }
0x8f: {  	_ = 	snop  }
0x90: {  	s2 =	sld [smem:$0x3FD0];
	_ =	sdelay $0x2  }
0x91: {  	s15 =	simm.s32 $0xA;
	s4 =	simm.s32 $0x10  }
0x92: {  	[smem:s4], [sflag:s15] =	dma.local [hbm:s2], $0x1  }
0x93: {  	_ =	swait.eq [sflag:s15], $0x1  }
0x94: {  	[sflag:s15] =	ssyncset.done $0x0  }
0x95: {  	[sflag:s15] =	ssyncadd.s32 $0xFFFFFFFF  }
0x96: {  	s16 =	sld [smem:$0x12];
	(tm) =	ssettm $0x1  }
0x97: {  	s17 =	sld [smem:$0x3FFB];
	_ =	sdelay $0x3  }
0x98: {  	_ =	strace s17  }
0x99: {  	s3 =	sld [smem:$0x3FFC];
	_ =	sdelay $0x3  }
0x9a: {  	_ =	strace s3  }
0x9b: {  	s3 =	sld [smem:$0x3FFD];
	_ =	sdelay $0x3  }
0x9c: {  	_ =	strace s3  }
0x9d: {  	_ =	strace $0x8FFFFFFF  }
0x9e: {  	s18 =	sld [smem:$0x3FDB];
	_ =	sdelay $0x1  }
0x9f: {  	s19 =	simm.s32 $_scs_section_size  }
0xa0: {  	s5 =	simm.s32 $_size__tile_overlayer_lowered;
	s6 =	simm.s32 $_tile_overlayer_lowered  }
0xa1: {  	s22 =	simm.s32 $0x1BFF;
	s21 =	sshll.u32 s6, $0x1;
	s3 =	sadd.s32 s19, s18  }
0xa2: {  	s7 =	simm.s32 $0x0;
	s20 =	sshll.u32 s5, $0x1;
	s5 =	sadd.s32 s21, s3  }
0xa3: {  	[timem:s7], [sflag:s22] =	dma.local [hbm:s5], s20  }
0xa4: {  	_ =	swait.ge [sflag:s22], s20  }
0xa5: {  	s4 =	ssub.s32 $0x0, s20;
	[sflag:s22] =	ssyncset.done $0x0  }
0xa6: {  	[sflag:s22] =	ssyncadd.s32 s4;
	_ =	sdelay $0x1  }
0xa7: {  	s23 =	simm.s32 $0x1B8B  }
0xa8: {  	_ =	swait.ge [sflag:s23], $0x1  }
0xa9: {  	[sflag:s23] =	ssyncset.done $0x0  }
0xaa: {  	s25 =	simm.s32 $0x1B8E;
	s24 =	sld [smem:$0x3FFE];
	[sflag:s23] =	ssyncadd.s32 $0xFFFFFFFF  }
0xab: {  	s26 =	simm.s32 $execute0_lowered;
	[smem:$0x3FD2] =	sst s25  }
0xac: {  	s5 =	sshll.u32 s26, $0x1;
	_ =	strace $0x80000049;
	[dreg:$0x1] =	wrdreg $0xFFFFFFFF  }
0xad: {  	s28 =	simm.s32 $_size_execute0_lowered;
	s3 =	sadd.s32 s3, s5;
	[dreg:$0x0] =	wrdreg $0x0  }
0xae: {  	s5 =	sshll.u32 s28, $0x1;
	[dreg:$0x2] =	wrdreg s3  }
0xaf: {  	[dreg:$0x3] =	wrdreg s5  }
0xb0: {  	[dreg:$0x4] =	wrdreg $0xC0  }
0xb1: {  	_ =	task [dreg:s7], $0x5FFFF  }
0xb2: {  	[dreg:$0x1] =	wrdreg $0xFFFFFFFF  }
0xb3: {  	[dreg:$0x0] =	wrdreg $0x60  }
0xb4: {  	[dreg:$0x2] =	wrdreg s24  }
0xb5: {  	[dreg:$0x3] =	wrdreg s16  }
0xb6: {  	[dreg:$0x4] =	wrdreg $0x9  }
0xb7: {  	_ =	task.clear_ibuf [dreg:s7], $0x5FFFF;
	_ =	strace $0x90000049  }
0xb8: {  	s29 =	simm.s32 $0x9;
	_ =	strace $0x8000004B  }
0xb9: {  	_ =	swait.ge [sflag:s29], $0x1  }
0xba: {  	[sflag:s29] =	ssyncadd.s32 $0xFFFFFFFF  }
0xbb: {  	_ =	strace $0x9000004B  }
0xbc: {  	_ =	sfence  }
0xbd: {  	s30 =	sld [smem:$0x0];
	_ =	sdelay $0x2  }
0xbe: {  	s31 =	sshll.u32 s1, $0xD;
	s1 =	sshrl.u32 s1, $0x2  }
0xbf: {  	s3 =	sand.u32 $0x4000, s31;
	s1 =	sadd.s32 s1, s30  }
0xc0: {  	s0 =	sor.u32 s3, s0;
	s1 =	sshll.u32 s1, $0x11  }
0xc1: {  	s0 =	sor.u32 s1, s0  }
0xc2: {  	s0 =	sadd.s32 $0x8F2B, s0  }
0xc3: {  	[sflag:s0] =	ssyncadd.remote.s32 $0x1  }
0xc4: {  	_ =	sfence.sel $0xFFFF  }
0xc5: {  	[dreg:$0x0] =	wrdreg $0xFFFFFFFF;
	(pc) =	sbr.abs _section_cstart, $3  }
0xc6: {  	[dreg:$0x1] =	wrdreg $0xFFFFFFFF  }
0xc7: {  	_ =	task.clear_ibuf [dreg:s7], $0x2FFFF;
	_ =	strace $0x9FFFFFFF  }
0xc8: {  	(tm) =	ssettm $0x7FFFFFFF  }
0xc9: {  	_ =	shalt  }
tec
execute0_lowered:
.L_overlay_start_1:
0x0: {  	(tag) =	ssettag $0x1  }
0x1: {  	s4 =	rddreg [dreg:$0x0]  }
0x2: {  	s0 =	stileid.u32;
	s1 =	srdreg.scid  }
0x3: {  	s6 =	rddreg [dreg:$0x1];
	s5 =	smul.u32 $0x4E200, s0  }
0x4: {  	s2 =	simm.s32 $0x0;
	s3 =	sand.u32 $0x1, s1;
	s8 =	smul.u32 $0x4E20, s0  }
0x5: {  	s11 =	simm.s32 $0x0;
	s1 =	rddreg [dreg:$0x2];
	s7 =	smul.u32 $0x27100, s3  }
0x6: {  	[smem:$0x7FF] =	sst s2;
	s9 =	ssub.s32 $0x2, s3;
	s10 =	smul.u32 $0x2710, s3  }
0x7: {  	s3 =	sadd.s32 $0x3000, s4;
	s4 =	sadd.s32 s5, s4;
	s30 =	sshrl.u32 s9, $0x1  }
0x8: {  	_ =	strace $0x8000004A;
	s5 =	ssub.s32 s9, s30;
	s7 =	sadd.s32 s7, s4  }
0x9: {  	s8 =	sadd.s32 s10, s8;
	s9 =	simm.s32 $0x80;
	s10 =	simm.s32 $0x1  }
0xa: {  	s4 =	smax.u32 s5, $0x1;
	s5 =	sadd.s32 $0x51400, s7;
	s31 =	sshrl.u32 s8, $0x3  }
0xb: {  	s7 =	simm.s32 $0x2;
	s8 =	simm.s32 $0x50;
	s6 =	sadd.s32 s31, s6  }
.LBB2_1:
0xc: {  	s12 =	sadd.s32 $0x0, s6  }
0xd: {  	[tilespmem:s2], [sflag:$0x2] =	stream.linear.gather [hbm4b:s12+s2], $0x50, $0x38;
	[tilespmem:$0x2880] =	vst v63  }
0xe: {  	_ =	swait.ge [sflag:s7], $0x50  }
0xf: {  	[sflag:s7] =	ssyncset.done $0x0  }
0x10: {  	[sflag:s7] =	ssyncadd.s32 $0xFFFFFFB0  }
0x11: {  	[tilespmem:s9], [sflag:$0x1] =	stream.indirect.gather [hbm4b:s3+s8], $0x80, s2, s8, $0xb8;
	[tilespmem:$0x2880] =	vst v63  }
0x12: {  	_ =	swait.ge [sflag:s10], $0x2800  }
0x13: {  	[sflag:s10] =	ssyncset.done $0x0  }
0x14: {  	[sflag:s10] =	ssyncadd.s32 $0xFFFFD800  }
0x15: {  	[hbm4b:s5+s2] =	stream.linear.scatter [tilespmem:s9], [sflag:$0x2], $0x2800, $0x38;
	[tilespmem:$0x2880] =	vst v63  }
0x16: {  	s13 =	simm.s32 $0xA;
	_ =	swait.ge [sflag:s7], $0x2800  }
0x17: {  	s14 =	simm.s32 $0x14;
	s12 =	sadd.s32 $0x500, s5;
	[sflag:s7] =	ssyncset.done $0x0  }
.LBB2_2:
0x18: {  	s15 =	sadd.s32 s13, s6  }
0x19: {  	[sflag:s7] =	ssyncadd.s32 $0xFFFFD800;
	s13 =	smov.u32 s14;
	s16 =	sadd.s32 $0xA, s14  }
0x1a: {  	[tilespmem:s2], [sflag:$0x2] =	stream.linear.gather [hbm4b:s15+s2], $0x50, $0x38;
	[tilespmem:$0x2880] =	vst v63  }
0x1b: {  	p0 =	sne.s32 s14, $0x4D8;
	_ =	swait.ge [sflag:s7], $0x50  }
0x1c: {  	[sflag:s7] =	ssyncset.done $0x0  }
0x1d: {  	[sflag:s7] =	ssyncadd.s32 $0xFFFFFFB0  }
0x1e: {  	[tilespmem:s9], [sflag:$0x1] =	stream.indirect.gather [hbm4b:s3+s8], $0x80, s2, s8, $0xb8;
	[tilespmem:$0x2880] =	vst v63  }
0x1f: {  	_ =	swait.ge [sflag:s10], $0x2800  }
.Ltmp0:
0x20: {  	[sflag:s10] =	ssyncset.done $0x0;
	(pc) =	sbr.rel @p0 .LBB2_2-.Ltmp0, $4  }
0x21: {  	[sflag:s10] =	ssyncadd.s32 $0xFFFFD800  }
0x22: {  	[hbm4b:s12+s2] =	stream.linear.scatter [tilespmem:s9], [sflag:$0x2], $0x2800, $0x38;
	[tilespmem:$0x2880] =	vst v63  }
0x23: {  	_ =	swait.ge [sflag:s7], $0x2800  }
0x24: {  	s14 =	smov.u32 s16;
	s12 =	sadd.s32 $0x500, s12;
	[sflag:s7] =	ssyncset.done $0x0  }
0x25: {  	s13 =	sadd.s32 s13, s6;
	[sflag:s7] =	ssyncadd.s32 $0xFFFFD800  }
0x26: {  	[tilespmem:s2], [sflag:$0x2] =	stream.linear.gather [hbm4b:s13+s2], $0x50, $0x38;
	[tilespmem:$0x2880] =	vst v63  }
0x27: {  	_ =	swait.ge [sflag:s7], $0x50  }
0x28: {  	[sflag:s7] =	ssyncset.done $0x0  }
0x29: {  	[sflag:s7] =	ssyncadd.s32 $0xFFFFFFB0  }
0x2a: {  	[tilespmem:s9], [sflag:$0x1] =	stream.indirect.gather [hbm4b:s3+s8], $0x80, s2, s8, $0xb8;
	[tilespmem:$0x2880] =	vst v63  }
0x2b: {  	s11 =	sadd.s32 $0x1, s11;
	_ =	swait.ge [sflag:s10], $0x2800  }
0x2c: {  	p0 =	sne.s32 s11, s4;
	[sflag:s10] =	ssyncset.done $0x0  }
.Ltmp1:
0x2d: {  	[sflag:s10] =	ssyncadd.s32 $0xFFFFD800;
	(pc) =	sbr.rel @p0 .LBB2_1-.Ltmp1, $4  }
0x2e: {  	[hbm4b:s12+s2] =	stream.linear.scatter [tilespmem:s9], [sflag:$0x2], $0x2800, $0x38;
	[tilespmem:$0x2880] =	vst v63  }
0x2f: {  	_ =	swait.ge [sflag:s7], $0x2800  }
0x30: {  	[sflag:s7] =	ssyncset.done $0x0  }
0x31: {  	[sflag:s7] =	ssyncadd.s32 $0xFFFFD800  }
0x32: {  	_ =	sfence.sel $0x180000  }
0x33: {  	[bflag:$0x0] =	sbarrier.arrive $0xFFFF  }
0x34: {  	p0 =	sne.s32 s0, $0x0;
	_ =	strace $0x9000004A  }
0x35: {  	s0 =	sadd.s32 @!p0 $0x100000, s1;
	[bflag:$0x2] =	sbarrier.arrive $0xFFFF  }
0x36: {  	[sflag:s0] =	ssyncadd.tile.s32 @!p0 $0x1;
	_ =	shalt  }
.Lfunc_end2:
_tile_overlayer_lowered:
.L_overlay_start_2:
0x37: {  	(tag) =	ssettag $0x2  }
0x38: {  	s0 =	rddreg [dreg:$0x0];
	s2 =	stileid.u32  }
0x39: {  	s1 =	rddreg [dreg:$0x1];
	p0 =	sne.s32 s2, $0x0  }
0x3a: {  	s3 =	rddreg [dreg:$0x2];
	[bflag:$0x3] =	sbarrier.arrive $0xFFFF;
	s2 =	simm.s32 @!p0 $0x1C02  }
0x3b: {  	[timem:s3], [sflag:s2] =	dma.local @!p0 [hbm:s0], s1  }
0x3c: {  	s0 =	simm.s32 @!p0 $0x2  }
0x3d: {  	_ =	swait.ge @!p0 [sflag:s0], s1  }
0x3e: {  	s1 =	ssub.s32 @!p0 $0x0, s1;
	[sflag:s0] =	ssyncset.done @!p0 $0x0  }
0x3f: {  	[sflag:s0] =	ssyncadd.s32 @!p0 s1  }
0x40: {  	[bflag:$0x3] =	sbarrier.arrive $0xFFFF  }
0x41: {  	_ =	shalt  }

</sc_bundles>
